<compile_context>
chip_gen: v7x
topology: tpu7x:2x2x1
jax: 0.10.2.dev20260603
libtpu: 0.0.44.dev20260713+nightly
codegen_flags: <defaults>
</compile_context>

<pallas_src>
import functools

import jax
import jax.numpy as jnp
from jax import lax
from jax.experimental import pallas as pl
from jax.experimental.pallas import tpu as pltpu
from jax.experimental.pallas import tpu_sc as plsc

NCP = 1024


G = 16
SUB = 8


def _argmax_row(x, kdim):
    m = jnp.max(x)
    io = (lax.broadcasted_iota(jnp.int32, x.shape, 0) * x.shape[1]
          + lax.broadcasted_iota(jnp.int32, x.shape, 1))
    return jnp.min(jnp.where(x == m, io, kdim))


def _fwd_body(fpos_ref, fprev_ref, fpu_ref, fn_ref, *refs):
    i = pl.program_id(0)
    mrows = refs[:G]
    grows = refs[G:2 * G]
    marg_ref = refs[2 * G]
    out_ref = refs[2 * G + 1]
    kdim = mrows[0].shape[-1]
    marg = marg_ref[0]
    for j in range(G):
        @pl.when(i * G + j < fn_ref[0])
        def _():
            pu = fpu_ref[i * G + j]
            p = mrows[j][...].reshape(SUB, kdim // SUB)
            probs = jnp.where(pu > 0, p, marg)
            x = jnp.log(probs + 1e-12) + grows[j][0]
            out_ref[j, :] = jnp.full((128,), _argmax_row(x, kdim), jnp.int32)


def _bwd_body(cpos_ref, cprev_ref, cn_ref, *refs):
    i = pl.program_id(0)
    mrows = refs[:G]
    colblk_ref = refs[G]
    grows = refs[G + 1:2 * G + 1]
    out_ref = refs[2 * G + 1]
    kdim = mrows[0].shape[-1]
    for j in range(G):
        @pl.when(i * G + j < cn_ref[0])
        def _():
            col = colblk_ref[j]
            bs = jnp.sum(col)
            bwdn = col / (bs + 1e-10)
            comb = mrows[j][...].reshape(SUB, kdim // SUB) * bwdn
            cs = jnp.sum(comb)
            combn = comb / (cs + 1e-10)
            x = jnp.log(combn + 1e-12) + grows[j][0]
            out_ref[j, :] = jnp.full((128,), _argmax_row(x, kdim), jnp.int32)


def _sc_gather_cols(mflat, idx_all, K):
    info = plsc.get_sparse_core_info()
    nc_cores, nsub = info.num_cores, info.num_subcores
    nworkers = nc_cores * nsub
    trip = -(-NCP // nworkers)
    mesh = plsc.VectorSubcoreMesh(core_axis_name="c", subcore_axis_name="s")

    @functools.partial(
        pl.kernel, mesh=mesh,
        out_type=jax.ShapeDtypeStruct((NCP * K,), jnp.float32),
        scratch_types=[
            pltpu.VMEM((K,), jnp.int32),
            pltpu.VMEM((K,), jnp.float32),
            pltpu.SemaphoreType.DMA,
        ],
    )
    def k(mflat_hbm, idx_hbm, out_hbm, idx_v, col_v, sem):
        wid = lax.axis_index("s") * nc_cores + lax.axis_index("c")

        def body(it, carry):
            s = jnp.minimum(wid * trip + it, NCP - 1)
            pltpu.sync_copy(idx_hbm.at[pl.ds(s * K, K)], idx_v)
            pltpu.async_copy(mflat_hbm.at[idx_v], col_v, sem).wait()
            pltpu.sync_copy(col_v, out_hbm.at[pl.ds(s * K, K)])
            return carry

        lax.fori_loop(0, trip, body, 0)

    return k(mflat, idx_all)


def kernel(z_masked, mask_indicator, M, marginal):
    T = z_masked.shape[0]
    K = M.shape[1]
    key = jax.random.key(42)
    kf, kb = jax.random.split(key)
    gf = jax.random.gumbel(kf, (T, 8, K // 8), jnp.float32)
    gb = jax.random.gumbel(kb, (T, 8, K // 8), jnp.float32)

    z = z_masked
    prev_sym = jnp.concatenate([jnp.zeros((1,), z.dtype), z[:-1]])
    prev_unmasked = jnp.concatenate(
        [jnp.array([False]), ~mask_indicator[:-1]])
    next_sym = jnp.concatenate([z[1:], jnp.zeros((1,), z.dtype)])
    next_unmasked = jnp.concatenate(
        [~mask_indicator[1:], jnp.array([False])])
    cond = mask_indicator & prev_unmasked & next_unmasked

    fperm = jnp.argsort(~mask_indicator, stable=True).astype(jnp.int32)
    nf = jnp.sum(mask_indicator.astype(jnp.int32))
    valid_f = jnp.arange(T, dtype=jnp.int32) < nf
    fpos = jnp.where(valid_f, fperm, fperm[0])
    f_pu = prev_unmasked[fpos].astype(jnp.int32)
    f_prev = jnp.where(f_pu > 0, prev_sym[fpos], 0).astype(jnp.int32)
    finv = jnp.argsort(fperm, stable=True).astype(jnp.int32)

    cperm_full = jnp.argsort(~cond, stable=True).astype(jnp.int32)
    nc = jnp.sum(cond.astype(jnp.int32))
    cperm = cperm_full[:NCP]
    valid_c = jnp.arange(NCP, dtype=jnp.int32) < nc
    cpos = jnp.where(valid_c, cperm, cperm[0])
    c_prev = prev_sym[cpos].astype(jnp.int32)
    c_cols = next_sym[cpos].astype(jnp.int32)
    cinv = jnp.argsort(cperm_full, stable=True).astype(jnp.int32)

    mflat = M.reshape(K * K)
    idx_all = (c_cols[:, None]
               + (jnp.arange(K, dtype=jnp.int32) * K)[None, :]).reshape(-1)
    colrows_flat = _sc_gather_cols(mflat, idx_all, K)

    marg3 = marginal.reshape(1, SUB, K // SUB)
    colrows3 = colrows_flat.reshape(NCP, SUB, K // SUB)

    M3 = M.reshape(K, 1, K)

    def _mrow_spec(j):
        return pl.BlockSpec((1, 1, K),
                            lambda i, pos, prev, *_: (prev[i * G + j], 0, 0))

    def _grow_spec(j):
        return pl.BlockSpec((1, SUB, K // SUB),
                            lambda i, pos, prev, *_: (pos[i * G + j], 0, 0))

    fwd_spec = pltpu.PrefetchScalarGridSpec(
        num_scalar_prefetch=4,
        grid=(T // G,),
        in_specs=([_mrow_spec(j) for j in range(G)]
                  + [_grow_spec(j) for j in range(G)]
                  + [pl.BlockSpec((1, SUB, K // SUB), lambda i, *_: (0, 0, 0))]),
        out_specs=pl.BlockSpec((G, 128), lambda i, *_: (i, 0)),
    )
    samp_f3 = pl.pallas_call(
        _fwd_body,
        grid_spec=fwd_spec,
        out_shape=jax.ShapeDtypeStruct((T, 128), jnp.int32),
    )(fpos, f_prev, f_pu, nf.reshape(1), *([M3] * G), *([gf] * G), marg3)
    samp_f = samp_f3[:, 0]

    def _colblk_map(i, pos, prev, cn):
        return (jnp.minimum(i, jnp.maximum(cn[0] - 1, 0) // G), 0, 0)

    bwd_spec = pltpu.PrefetchScalarGridSpec(
        num_scalar_prefetch=3,
        grid=(NCP // G,),
        in_specs=([_mrow_spec(j) for j in range(G)]
                  + [pl.BlockSpec((G, SUB, K // SUB), _colblk_map)]
                  + [_grow_spec(j) for j in range(G)]),
        out_specs=pl.BlockSpec((G, 128), lambda i, *_: (i, 0)),
    )
    samp_b3 = pl.pallas_call(
        _bwd_body,
        grid_spec=bwd_spec,
        out_shape=jax.ShapeDtypeStruct((NCP, 128), jnp.int32),
    )(cpos, c_prev, nc.reshape(1), *([M3] * G), colrows3, *([gb] * G))
    samp_b = samp_b3[:, 0]

    samp_f_full = jnp.take(samp_f, finv)
    samp_b_full = jnp.take(samp_b, jnp.minimum(cinv, NCP - 1))
    z1 = jnp.where(mask_indicator, samp_f_full, z)
    z_smooth = jnp.where(cond, samp_b_full, z1).astype(z.dtype)
    return z_smooth

# --- scband reference (transcript-rebuilt; emitter-appended) ---
"""Pipeline reference for scband-pattern-matrix-80616536145987 (READ-ONLY COPY).

The authoritative reference and input builder live on the scoring server;
editing this copy changes nothing except your own understanding.
"""

import jax, jax.numpy as jnp
import numpy as np

T = 2048
K = 8192

def setup_inputs(seed: int = 0):
    key = jax.random.key(seed)
    k1, k2, k3 = jax.random.split(key, 3)
    z_masked = jax.random.randint(k1, (T,), 0, K, dtype=jnp.int32)
    mask_indicator = jax.random.randint(k2, (T,), 0, 2, dtype=jnp.int32) > 0
    M = jax.random.uniform(k3, (K, K), dtype=jnp.float32) + 1e-3
    M = M / M.sum(axis=1, keepdims=True)
    marginal = jnp.ones((K,), dtype=jnp.float32) / K
    return {"z_masked": z_masked, "mask_indicator": mask_indicator, "M": M, "marginal": marginal}

def reference(z_masked, mask_indicator, M, marginal):
    # Faithful vectorized translation of PatternMatrix.smooth_sequence.
    # Key observation: the torch loops only read z_smooth at neighbor positions
    # that are UNMASKED (mask_indicator False), where z_smooth == z_masked, so
    # both the forward fill and the backward refinement are parallel over t.
    Tn = z_masked.shape[0]
    key = jax.random.key(42)
    kf, kb = jax.random.split(key)
    prev_sym = jnp.concatenate([jnp.zeros((1,), z_masked.dtype), z_masked[:-1]])
    prev_unmasked = jnp.concatenate([jnp.array([False]), ~mask_indicator[:-1]])  # t>0 and not mask[t-1]
    # forward pass: transition row M[prev] if prev unmasked, else marginal
    probs_fwd = jnp.where(prev_unmasked[:, None], jnp.take(M, prev_sym, axis=0), marginal[None, :])
    samp_f = jax.random.categorical(kf, jnp.log(probs_fwd + 1e-12), axis=-1).astype(z_masked.dtype)
    z1 = jnp.where(mask_indicator, samp_f, z_masked)
    # backward pass: only positions with mask[t] and unmasked neighbors on BOTH sides get resampled
    next_sym = jnp.concatenate([z_masked[1:], jnp.zeros((1,), z_masked.dtype)])
    next_unmasked = jnp.concatenate([~mask_indicator[1:], jnp.array([False])])  # t<T-1 and not mask[t+1]
    cond = mask_indicator & prev_unmasked & next_unmasked
    bwd = jnp.take(M, next_sym, axis=1).T  # [T, K] = M[:, next_sym] per position
    bwd = bwd / (bwd.sum(axis=-1, keepdims=True) + 1e-10)
    fwdp = jnp.take(M, prev_sym, axis=0)  # [T, K]
    comb = fwdp * bwd
    comb = comb / (comb.sum(axis=-1, keepdims=True) + 1e-10)
    samp_b = jax.random.categorical(kb, jnp.log(comb + 1e-12), axis=-1).astype(z1.dtype)
    z_smooth = jnp.where(cond, samp_b, z1)
    return z_smooth

if __name__ == "__main__":
    import jax
    _d = setup_inputs()
    print(jax.jit(kernel)(*tuple(_d.values())))

</pallas_src>

<mosaic_0001>
#map = affine_map<(d0, d1) -> (0)>
module attributes {stable_mosaic.version = 14 : i64} {
  func.func @k(%arg0: i32, %arg1: i32, %arg2: memref<67108864xf32, #tpu.memory_space<hbm>>, %arg3: memref<8388608xi32, #tpu.memory_space<hbm>>, %arg4: memref<8388608xf32, #tpu.memory_space<hbm>>, %arg5: memref<8192xi32, #tpu.memory_space<vmem>>, %arg6: memref<8192xf32, #tpu.memory_space<vmem>>, %arg7: memref<!tpu.dma_semaphore, #tpu.memory_space<semaphore_mem>>) attributes {dimension_semantics = [#tpu.dimension_semantics<core_parallel>, #tpu.dimension_semantics<subcore_parallel>], iteration_bounds = array<i64: 2, 16>, scalar_prefetch = 0 : i64, scratch_operands = 3 : i64, tpu.core_type = #tpu.core_type<sc_vector_subcore>, window_params = [{transform_indices = #map}, {transform_indices = #map}, {transform_indices = #map}]} {
    %mul3A = arith.constant 2 : i32
    %mul3A_0 = arith.muli %arg1, %mul3A : i32
    %add3A = arith.addi %mul3A_0, %arg0 : i32
    %scan3A = arith.constant 0 : i32
    %scan3A_1 = arith.constant 0 : i32
    %scan3A_2 = arith.constant 32 : i32
    %scan3A_3 = arith.addi %scan3A_1, %scan3A_2 : i32
    %scan3A_4 = arith.constant 1 : i32
    scf.for %scan3A_6 = %scan3A_1 to %scan3A_3 step %scan3A_4  : i32 {
      %mul3A_7 = arith.constant 32 : i32
      %mul3A_8 = arith.muli %add3A, %mul3A_7 : i32
      %add3A_9 = arith.addi %mul3A_8, %scan3A_6 : i32
      %min3A = arith.constant 1023 : i32
      %min3A_10 = arith.minsi %add3A_9, %min3A : i32
      %mul3A_11 = arith.constant 8192 : i32
      %mul3A_12 = arith.muli %min3A_10, %mul3A_11 : i32
      "tpu.region"() ({
        %run_scoped3A = tpu.sem_alloc : memref<!tpu.dma_semaphore, #tpu.memory_space<semaphore_mem>>
        %dma_start3A_17 = tpu.memref_slice %arg3[%mul3A_12] : memref<8388608xi32, #tpu.memory_space<hbm>> -> memref<8192xi32, #tpu.memory_space<hbm>>
        %dma_start3A_18 = tpu.memref_slice %arg3[%mul3A_12] : memref<8388608xi32, #tpu.memory_space<hbm>> -> memref<8192xi32, #tpu.memory_space<hbm>>
        tpu.enqueue_dma source(%dma_start3A_18 : memref<8192xi32, #tpu.memory_space<hbm>>) target(%arg5 : memref<8192xi32, #tpu.memory_space<vmem>>) target_semaphore(%run_scoped3A : memref<!tpu.dma_semaphore, #tpu.memory_space<semaphore_mem>>)
        %dma_wait3A_19 = tpu.memref_slice %arg3[%mul3A_12] : memref<8388608xi32, #tpu.memory_space<hbm>> -> memref<8192xi32, #tpu.memory_space<hbm>>
        %dma_wait3A_20 = tpu.memref_slice %arg3[%mul3A_12] : memref<8388608xi32, #tpu.memory_space<hbm>> -> memref<8192xi32, #tpu.memory_space<hbm>>
        tpu.wait_dma2 semaphore(%run_scoped3A : memref<!tpu.dma_semaphore, #tpu.memory_space<semaphore_mem>>) src(%dma_wait3A_20 : memref<8192xi32, #tpu.memory_space<hbm>>) dst(%arg5 : memref<8192xi32, #tpu.memory_space<vmem>>)
        tpu.yield
      }) : () -> ()
      %dma_start3A = arith.constant 0 : i32
      %dma_start3A_13 = tpu.memref_slice %arg2[%dma_start3A] : memref<67108864xf32, #tpu.memory_space<hbm>> -> memref<67108864xf32, #tpu.memory_space<hbm>>
      tpu.enqueue_indirect_dma source(%dma_start3A_13 : memref<67108864xf32, #tpu.memory_space<hbm>>) target(%arg6 : memref<8192xf32, #tpu.memory_space<vmem>>) offsets(%arg5 : memref<8192xi32, #tpu.memory_space<vmem>>) semaphore(%arg7 : memref<!tpu.dma_semaphore, #tpu.memory_space<semaphore_mem>>)
      %dma_wait3A = arith.constant 0 : i32
      %dma_wait3A_14 = tpu.memref_slice %arg2[%dma_wait3A] : memref<67108864xf32, #tpu.memory_space<hbm>> -> memref<67108864xf32, #tpu.memory_space<hbm>>
      tpu.wait_indirect_dma semaphore(%arg7 : memref<!tpu.dma_semaphore, #tpu.memory_space<semaphore_mem>>) src(%dma_wait3A_14 : memref<67108864xf32, #tpu.memory_space<hbm>>) dst(%arg6 : memref<8192xf32, #tpu.memory_space<vmem>>)
      %mul3A_15 = arith.constant 8192 : i32
      %mul3A_16 = arith.muli %min3A_10, %mul3A_15 : i32
      "tpu.region"() ({
        %run_scoped3A = tpu.sem_alloc : memref<!tpu.dma_semaphore, #tpu.memory_space<semaphore_mem>>
        %dma_start3A_17 = tpu.memref_slice %arg4[%mul3A_16] : memref<8388608xf32, #tpu.memory_space<hbm>> -> memref<8192xf32, #tpu.memory_space<hbm>>
        %dma_start3A_18 = tpu.memref_slice %arg4[%mul3A_16] : memref<8388608xf32, #tpu.memory_space<hbm>> -> memref<8192xf32, #tpu.memory_space<hbm>>
        tpu.enqueue_dma source(%arg6 : memref<8192xf32, #tpu.memory_space<vmem>>) target(%dma_start3A_18 : memref<8192xf32, #tpu.memory_space<hbm>>) target_semaphore(%run_scoped3A : memref<!tpu.dma_semaphore, #tpu.memory_space<semaphore_mem>>)
        %dma_wait3A_19 = tpu.memref_slice %arg4[%mul3A_16] : memref<8388608xf32, #tpu.memory_space<hbm>> -> memref<8192xf32, #tpu.memory_space<hbm>>
        %dma_wait3A_20 = tpu.memref_slice %arg4[%mul3A_16] : memref<8388608xf32, #tpu.memory_space<hbm>> -> memref<8192xf32, #tpu.memory_space<hbm>>
        tpu.wait_dma2 semaphore(%run_scoped3A : memref<!tpu.dma_semaphore, #tpu.memory_space<semaphore_mem>>) src(%arg6 : memref<8192xf32, #tpu.memory_space<vmem>>) dst(%dma_wait3A_20 : memref<8192xf32, #tpu.memory_space<hbm>>)
        tpu.yield
      }) : () -> ()
    }
    %scan3A_5 = arith.constant 32 : i32
    return
  }
}

module attributes {stable_mosaic.version = 14 : i64} {
  func.func @_fwd_body(%arg0: i32, %arg1: memref<2048xi32, #tpu.memory_space<smem>>, %arg2: memref<2048xi32, #tpu.memory_space<smem>>, %arg3: memref<2048xi32, #tpu.memory_space<smem>>, %arg4: memref<1xi32, #tpu.memory_space<smem>>, %arg5: memref<1x1x8192xf32, #tpu.memory_space<vmem>>, %arg6: memref<1x1x8192xf32, #tpu.memory_space<vmem>>, %arg7: memref<1x1x8192xf32, #tpu.memory_space<vmem>>, %arg8: memref<1x1x8192xf32, #tpu.memory_space<vmem>>, %arg9: memref<1x1x8192xf32, #tpu.memory_space<vmem>>, %arg10: memref<1x1x8192xf32, #tpu.memory_space<vmem>>, %arg11: memref<1x1x8192xf32, #tpu.memory_space<vmem>>, %arg12: memref<1x1x8192xf32, #tpu.memory_space<vmem>>, %arg13: memref<1x1x8192xf32, #tpu.memory_space<vmem>>, %arg14: memref<1x1x8192xf32, #tpu.memory_space<vmem>>, %arg15: memref<1x1x8192xf32, #tpu.memory_space<vmem>>, %arg16: memref<1x1x8192xf32, #tpu.memory_space<vmem>>, %arg17: memref<1x1x8192xf32, #tpu.memory_space<vmem>>, %arg18: memref<1x1x8192xf32, #tpu.memory_space<vmem>>, %arg19: memref<1x1x8192xf32, #tpu.memory_space<vmem>>, %arg20: memref<1x1x8192xf32, #tpu.memory_space<vmem>>, %arg21: memref<1x8x1024xf32, #tpu.memory_space<vmem>>, %arg22: memref<1x8x1024xf32, #tpu.memory_space<vmem>>, %arg23: memref<1x8x1024xf32, #tpu.memory_space<vmem>>, %arg24: memref<1x8x1024xf32, #tpu.memory_space<vmem>>, %arg25: memref<1x8x1024xf32, #tpu.memory_space<vmem>>, %arg26: memref<1x8x1024xf32, #tpu.memory_space<vmem>>, %arg27: memref<1x8x1024xf32, #tpu.memory_space<vmem>>, %arg28: memref<1x8x1024xf32, #tpu.memory_space<vmem>>, %arg29: memref<1x8x1024xf32, #tpu.memory_space<vmem>>, %arg30: memref<1x8x1024xf32, #tpu.memory_space<vmem>>, %arg31: memref<1x8x1024xf32, #tpu.memory_space<vmem>>, %arg32: memref<1x8x1024xf32, #tpu.memory_space<vmem>>, %arg33: memref<1x8x1024xf32, #tpu.memory_space<vmem>>, %arg34: memref<1x8x1024xf32, #tpu.memory_space<vmem>>, %arg35: memref<1x8x1024xf32, #tpu.memory_space<vmem>>, %arg36: memref<1x8x1024xf32, #tpu.memory_space<vmem>>, %arg37: memref<1x8x1024xf32, #tpu.memory_space<vmem>>, %arg38: memref<16x128xi32, #tpu.memory_space<vmem>>) attributes {dimension_semantics = [#tpu.dimension_semantics<arbitrary>], iteration_bounds = array<i64: 128>, scalar_prefetch = 4 : i64, scratch_operands = 0 : i64, tpu.core_type = #tpu.core_type<tc>, window_params = [{transform_indices = @transform_0, window_bounds = array<i64: 1, 1, 8192>}, {transform_indices = @transform_1, window_bounds = array<i64: 1, 1, 8192>}, {transform_indices = @transform_2, window_bounds = array<i64: 1, 1, 8192>}, {transform_indices = @transform_3, window_bounds = array<i64: 1, 1, 8192>}, {transform_indices = @transform_4, window_bounds = array<i64: 1, 1, 8192>}, {transform_indices = @transform_5, window_bounds = array<i64: 1, 1, 8192>}, {transform_indices = @transform_6, window_bounds = array<i64: 1, 1, 8192>}, {transform_indices = @transform_7, window_bounds = array<i64: 1, 1, 8192>}, {transform_indices = @transform_8, window_bounds = array<i64: 1, 1, 8192>}, {transform_indices = @transform_9, window_bounds = array<i64: 1, 1, 8192>}, {transform_indices = @transform_10, window_bounds = array<i64: 1, 1, 8192>}, {transform_indices = @transform_11, window_bounds = array<i64: 1, 1, 8192>}, {transform_indices = @transform_12, window_bounds = array<i64: 1, 1, 8192>}, {transform_indices = @transform_13, window_bounds = array<i64: 1, 1, 8192>}, {transform_indices = @transform_14, window_bounds = array<i64: 1, 1, 8192>}, {transform_indices = @transform_15, window_bounds = array<i64: 1, 1, 8192>}, {transform_indices = @transform_16, window_bounds = array<i64: 1, 8, 1024>}, {transform_indices = @transform_17, window_bounds = array<i64: 1, 8, 1024>}, {transform_indices = @transform_18, window_bounds = array<i64: 1, 8, 1024>}, {transform_indices = @transform_19, window_bounds = array<i64: 1, 8, 1024>}, {transform_indices = @transform_20, window_bounds = array<i64: 1, 8, 1024>}, {transform_indices = @transform_21, window_bounds = array<i64: 1, 8, 1024>}, {transform_indices = @transform_22, window_bounds = array<i64: 1, 8, 1024>}, {transform_indices = @transform_23, window_bounds = array<i64: 1, 8, 1024>}, {transform_indices = @transform_24, window_bounds = array<i64: 1, 8, 1024>}, {transform_indices = @transform_25, window_bounds = array<i64: 1, 8, 1024>}, {transform_indices = @transform_26, window_bounds = array<i64: 1, 8, 1024>}, {transform_indices = @transform_27, window_bounds = array<i64: 1, 8, 1024>}, {transform_indices = @transform_28, window_bounds = array<i64: 1, 8, 1024>}, {transform_indices = @transform_29, window_bounds = array<i64: 1, 8, 1024>}, {transform_indices = @transform_30, window_bounds = array<i64: 1, 8, 1024>}, {transform_indices = @transform_31, window_bounds = array<i64: 1, 8, 1024>}, {pipeline_mode = #tpu.pipeline_mode<synchronous>, transform_indices = @transform_32, window_bounds = array<i64: 1, 8, 1024>}, {transform_indices = @transform_33, window_bounds = array<i64: 16, 128>}]} {
    %get3A = arith.constant 0 : index
    %get3A_0 = arith.constant 0 : index
    %get3A_1 = arith.constant 0 : index
    %get3A_2 = vector.load %arg37[%get3A, %get3A_0, %get3A_1] : memref<1x8x1024xf32, #tpu.memory_space<vmem>>, vector<1x8x1024xf32>
    %get3A_3 = vector.shape_cast %get3A_2 : vector<1x8x1024xf32> to vector<8x1024xf32>
    %mul3A = arith.constant 16 : i32
    %mul3A_4 = arith.muli %arg0, %mul3A : i32
    %add3A = arith.constant 0 : i32
    %add3A_5 = arith.addi %mul3A_4, %add3A : i32
    %get3A_6 = arith.constant 0 : index
    %get3A_7 = memref.load %arg4[%get3A_6] : memref<1xi32, #tpu.memory_space<smem>>
    %lt3A = arith.cmpi slt, %add3A_5, %get3A_7 : i32
    %convert_element_type3A = arith.extui %lt3A : i1 to i32
    %cond3A = arith.constant 0 : i32
    %cond3A_8 = arith.cmpi ne, %convert_element_type3A, %cond3A : i32
    scf.if %cond3A_8 {
      %mul3A_159 = arith.constant 16 : i32
      %mul3A_160 = arith.muli %arg0, %mul3A_159 : i32
      %add3A_161 = arith.constant 0 : i32
      %add3A_162 = arith.addi %mul3A_160, %add3A_161 : i32
      %get3A_163 = arith.index_cast %add3A_162 : i32 to index
      %get3A_164 = memref.load %arg3[%get3A_163] : memref<2048xi32, #tpu.memory_space<smem>>
      %get3A_165 = arith.constant 0 : index
      %get3A_166 = arith.constant 0 : index
      %get3A_167 = arith.constant 0 : index
      %get3A_168 = vector.load %arg5[%get3A_165, %get3A_166, %get3A_167] : memref<1x1x8192xf32, #tpu.memory_space<vmem>>, vector<1x1x8192xf32>
      %reshape3A = vector.shape_cast %get3A_168 : vector<1x1x8192xf32> to vector<8x1024xf32>
      %gt3A = arith.constant 0 : i32
      %gt3A_169 = arith.cmpi sgt, %get3A_164, %gt3A : i32
      %select_n3A = arith.select %gt3A_169, %reshape3A, %get3A_3 : vector<8x1024xf32>
      %add3A_170 = arith.constant 9.99999996E-13 : f32
      %add3A_171 = vector.broadcast %add3A_170 : f32 to vector<8x1024xf32>
      %add3A_172 = arith.addf %select_n3A, %add3A_171 : vector<8x1024xf32>
      %log3A = math.log %add3A_172 : vector<8x1024xf32>
      %get3A_173 = arith.constant 0 : index
      %get3A_174 = arith.constant 0 : index
      %get3A_175 = arith.constant 0 : index
      %get3A_176 = vector.load %arg21[%get3A_173, %get3A_174, %get3A_175] : memref<1x8x1024xf32, #tpu.memory_space<vmem>>, vector<1x8x1024xf32>
      %get3A_177 = vector.shape_cast %get3A_176 : vector<1x8x1024xf32> to vector<8x1024xf32>
      %add3A_178 = arith.addf %log3A, %get3A_177 : vector<8x1024xf32>
      %reduce_max3A = vector.shape_cast %add3A_178 : vector<8x1024xf32> to vector<1x8x1024xf32>
      %reduce_max3A_179 = arith.constant dense<0xFF800000> : vector<1xf32>
      %reduce_max3A_180 = vector.multi_reduction <maximumf>, %reduce_max3A, %reduce_max3A_179 [1, 2] : vector<1x8x1024xf32> to vector<1xf32>
      %reduce_max3A_181 = vector.shape_cast %reduce_max3A_180 : vector<1xf32> to vector<1x1x1xf32>
      %reduce_max3A_182 = vector.extract %reduce_max3A_181[0, 0, 0] : f32 from vector<1x1x1xf32>
      %iota3A = tpu.iota {dimensions = array<i32: 0>} : vector<8x1024xi32>
      %mul3A_183 = arith.constant 1024 : i32
      %mul3A_184 = vector.broadcast %mul3A_183 : i32 to vector<8x1024xi32>
      %mul3A_185 = arith.muli %iota3A, %mul3A_184 : vector<8x1024xi32>
      %iota3A_186 = tpu.iota {dimensions = array<i32: 1>} : vector<8x1024xi32>
      %add3A_187 = arith.addi %mul3A_185, %iota3A_186 : vector<8x1024xi32>
      %eq3A = vector.broadcast %reduce_max3A_182 : f32 to vector<8x1024xf32>
      %eq3A_188 = arith.cmpf oeq, %add3A_178, %eq3A : vector<8x1024xf32>
      %jit3A = arith.constant 8192 : i32
      %broadcast_in_dim3A = vector.broadcast %jit3A : i32 to vector<8x1024xi32>
      %select_n3A_189 = arith.select %eq3A_188, %add3A_187, %broadcast_in_dim3A : vector<8x1024xi1>, vector<8x1024xi32>
      %reduce_min3A = vector.shape_cast %select_n3A_189 : vector<8x1024xi32> to vector<1x8x1024xi32>
      %reduce_min3A_190 = arith.constant dense<2147483647> : vector<1xi32>
      %reduce_min3A_191 = vector.multi_reduction <minsi>, %reduce_min3A, %reduce_min3A_190 [1, 2] : vector<1x8x1024xi32> to vector<1xi32>
      %reduce_min3A_192 = vector.shape_cast %reduce_min3A_191 : vector<1xi32> to vector<1x1x1xi32>
      %reduce_min3A_193 = vector.extract %reduce_min3A_192[0, 0, 0] : i32 from vector<1x1x1xi32>
      %broadcast_in_dim3A_194 = vector.broadcast %reduce_min3A_193 : i32 to vector<128xi32>
      %swap3A = arith.constant 0 : index
      %swap3A_195 = arith.constant 0 : index
      %swap3A_196 = vector.load %arg38[%swap3A, %swap3A_195] : memref<16x128xi32, #tpu.memory_space<vmem>>, vector<1x128xi32>
      %swap3A_197 = vector.shape_cast %swap3A_196 : vector<1x128xi32> to vector<128xi32>
      %swap3A_198 = vector.shape_cast %broadcast_in_dim3A_194 : vector<128xi32> to vector<1x128xi32>
      tpu.vector_store %arg38[%swap3A, %swap3A_195], %swap3A_198 {strides = array<i32>} : memref<16x128xi32, #tpu.memory_space<vmem>>, vector<1x128xi32>,
    } else {
    }
    %mul3A_9 = arith.constant 16 : i32
    %mul3A_10 = arith.muli %arg0, %mul3A_9 : i32
    %add3A_11 = arith.constant 1 : i32
    %add3A_12 = arith.addi %mul3A_10, %add3A_11 : i32
    %get3A_13 = arith.constant 0 : index
    %get3A_14 = memref.load %arg4[%get3A_13] : memref<1xi32, #tpu.memory_space<smem>>
    %lt3A_15 = arith.cmpi slt, %add3A_12, %get3A_14 : i32
    %convert_element_type3A_16 = arith.extui %lt3A_15 : i1 to i32
    %cond3A_17 = arith.constant 0 : i32
    %cond3A_18 = arith.cmpi ne, %convert_element_type3A_16, %cond3A_17 : i32
    scf.if %cond3A_18 {
      %mul3A_159 = arith.constant 16 : i32
      %mul3A_160 = arith.muli %arg0, %mul3A_159 : i32
      %add3A_161 = arith.constant 1 : i32
      %add3A_162 = arith.addi %mul3A_160, %add3A_161 : i32
      %get3A_163 = arith.index_cast %add3A_162 : i32 to index
      %get3A_164 = memref.load %arg3[%get3A_163] : memref<2048xi32, #tpu.memory_space<smem>>
      %get3A_165 = arith.constant 0 : index
      %get3A_166 = arith.constant 0 : index
      %get3A_167 = arith.constant 0 : index
      %get3A_168 = vector.load %arg6[%get3A_165, %get3A_166, %get3A_167] : memref<1x1x8192xf32, #tpu.memory_space<vmem>>, vector<1x1x8192xf32>
      %reshape3A = vector.shape_cast %get3A_168 : vector<1x1x8192xf32> to vector<8x1024xf32>
      %gt3A = arith.constant 0 : i32
      %gt3A_169 = arith.cmpi sgt, %get3A_164, %gt3A : i32
      %select_n3A = arith.select %gt3A_169, %reshape3A, %get3A_3 : vector<8x1024xf32>
      %add3A_170 = arith.constant 9.99999996E-13 : f32
      %add3A_171 = vector.broadcast %add3A_170 : f32 to vector<8x1024xf32>
      %add3A_172 = arith.addf %select_n3A, %add3A_171 : vector<8x1024xf32>
      %log3A = math.log %add3A_172 : vector<8x1024xf32>
      %get3A_173 = arith.constant 0 : index
      %get3A_174 = arith.constant 0 : index
      %get3A_175 = arith.constant 0 : index
      %get3A_176 = vector.load %arg22[%get3A_173, %get3A_174, %get3A_175] : memref<1x8x1024xf32, #tpu.memory_space<vmem>>, vector<1x8x1024xf32>
      %get3A_177 = vector.shape_cast %get3A_176 : vector<1x8x1024xf32> to vector<8x1024xf32>
      %add3A_178 = arith.addf %log3A, %get3A_177 : vector<8x1024xf32>
      %reduce_max3A = vector.shape_cast %add3A_178 : vector<8x1024xf32> to vector<1x8x1024xf32>
      %reduce_max3A_179 = arith.constant dense<0xFF800000> : vector<1xf32>
      %reduce_max3A_180 = vector.multi_reduction <maximumf>, %reduce_max3A, %reduce_max3A_179 [1, 2] : vector<1x8x1024xf32> to vector<1xf32>
      %reduce_max3A_181 = vector.shape_cast %reduce_max3A_180 : vector<1xf32> to vector<1x1x1xf32>
      %reduce_max3A_182 = vector.extract %reduce_max3A_181[0, 0, 0] : f32 from vector<1x1x1xf32>
      %iota3A = tpu.iota {dimensions = array<i32: 0>} : vector<8x1024xi32>
      %mul3A_183 = arith.constant 1024 : i32
      %mul3A_184 = vector.broadcast %mul3A_183 : i32 to vector<8x1024xi32>
      %mul3A_185 = arith.muli %iota3A, %mul3A_184 : vector<8x1024xi32>
      %iota3A_186 = tpu.iota {dimensions = array<i32: 1>} : vector<8x1024xi32>
      %add3A_187 = arith.addi %mul3A_185, %iota3A_186 : vector<8x1024xi32>
      %eq3A = vector.broadcast %reduce_max3A_182 : f32 to vector<8x1024xf32>
      %eq3A_188 = arith.cmpf oeq, %add3A_178, %eq3A : vector<8x1024xf32>
      %jit3A = arith.constant 8192 : i32
      %broadcast_in_dim3A = vector.broadcast %jit3A : i32 to vector<8x1024xi32>
      %select_n3A_189 = arith.select %eq3A_188, %add3A_187, %broadcast_in_dim3A : vector<8x1024xi1>, vector<8x1024xi32>
      %reduce_min3A = vector.shape_cast %select_n3A_189 : vector<8x1024xi32> to vector<1x8x1024xi32>
      %reduce_min3A_190 = arith.constant dense<2147483647> : vector<1xi32>
      %reduce_min3A_191 = vector.multi_reduction <minsi>, %reduce_min3A, %reduce_min3A_190 [1, 2] : vector<1x8x1024xi32> to vector<1xi32>
      %reduce_min3A_192 = vector.shape_cast %reduce_min3A_191 : vector<1xi32> to vector<1x1x1xi32>
      %reduce_min3A_193 = vector.extract %reduce_min3A_192[0, 0, 0] : i32 from vector<1x1x1xi32>
      %broadcast_in_dim3A_194 = vector.broadcast %reduce_min3A_193 : i32 to vector<128xi32>
      %swap3A = arith.constant 1 : index
      %swap3A_195 = arith.constant 0 : index
      %swap3A_196 = vector.load %arg38[%swap3A, %swap3A_195] : memref<16x128xi32, #tpu.memory_space<vmem>>, vector<1x128xi32>
      %swap3A_197 = vector.shape_cast %swap3A_196 : vector<1x128xi32> to vector<128xi32>
      %swap3A_198 = vector.shape_cast %broadcast_in_dim3A_194 : vector<128xi32> to vector<1x128xi32>
      tpu.vector_store %arg38[%swap3A, %swap3A_195], %swap3A_198 {strides = array<i32>} : memref<16x128xi32, #tpu.memory_space<vmem>>, vector<1x128xi32>,
    } else {
    }
    %mul3A_19 = arith.constant 16 : i32
    %mul3A_20 = arith.muli %arg0, %mul3A_19 : i32
    %add3A_21 = arith.constant 2 : i32
    %add3A_22 = arith.addi %mul3A_20, %add3A_21 : i32
    %get3A_23 = arith.constant 0 : index
    %get3A_24 = memref.load %arg4[%get3A_23] : memref<1xi32, #tpu.memory_space<smem>>
    %lt3A_25 = arith.cmpi slt, %add3A_22, %get3A_24 : i32
    %convert_element_type3A_26 = arith.extui %lt3A_25 : i1 to i32
    %cond3A_27 = arith.constant 0 : i32
    %cond3A_28 = arith.cmpi ne, %convert_element_type3A_26, %cond3A_27 : i32
    scf.if %cond3A_28 {
      %mul3A_159 = arith.constant 16 : i32
      %mul3A_160 = arith.muli %arg0, %mul3A_159 : i32
      %add3A_161 = arith.constant 2 : i32
      %add3A_162 = arith.addi %mul3A_160, %add3A_161 : i32
      %get3A_163 = arith.index_cast %add3A_162 : i32 to index
      %get3A_164 = memref.load %arg3[%get3A_163] : memref<2048xi32, #tpu.memory_space<smem>>
      %get3A_165 = arith.constant 0 : index
      %get3A_166 = arith.constant 0 : index
      %get3A_167 = arith.constant 0 : index
      %get3A_168 = vector.load %arg7[%get3A_165, %get3A_166, %get3A_167] : memref<1x1x8192xf32, #tpu.memory_space<vmem>>, vector<1x1x8192xf32>
      %reshape3A = vector.shape_cast %get3A_168 : vector<1x1x8192xf32> to vector<8x1024xf32>
      %gt3A = arith.constant 0 : i32
      %gt3A_169 = arith.cmpi sgt, %get3A_164, %gt3A : i32
      %select_n3A = arith.select %gt3A_169, %reshape3A, %get3A_3 : vector<8x1024xf32>
      %add3A_170 = arith.constant 9.99999996E-13 : f32
      %add3A_171 = vector.broadcast %add3A_170 : f32 to vector<8x1024xf32>
      %add3A_172 = arith.addf %select_n3A, %add3A_171 : vector<8x1024xf32>
      %log3A = math.log %add3A_172 : vector<8x1024xf32>
      %get3A_173 = arith.constant 0 : index
      %get3A_174 = arith.constant 0 : index
      %get3A_175 = arith.constant 0 : index
      %get3A_176 = vector.load %arg23[%get3A_173, %get3A_174, %get3A_175] : memref<1x8x1024xf32, #tpu.memory_space<vmem>>, vector<1x8x1024xf32>
      %get3A_177 = vector.shape_cast %get3A_176 : vector<1x8x1024xf32> to vector<8x1024xf32>
      %add3A_178 = arith.addf %log3A, %get3A_177 : vector<8x1024xf32>
      %reduce_max3A = vector.shape_cast %add3A_178 : vector<8x1024xf32> to vector<1x8x1024xf32>
      %reduce_max3A_179 = arith.constant dense<0xFF800000> : vector<1xf32>
      %reduce_max3A_180 = vector.multi_reduction <maximumf>, %reduce_max3A, %reduce_max3A_179 [1, 2] : vector<1x8x1024xf32> to vector<1xf32>
      %reduce_max3A_181 = vector.shape_cast %reduce_max3A_180 : vector<1xf32> to vector<1x1x1xf32>
      %reduce_max3A_182 = vector.extract %reduce_max3A_181[0, 0, 0] : f32 from vector<1x1x1xf32>
      %iota3A = tpu.iota {dimensions = array<i32: 0>} : vector<8x1024xi32>
      %mul3A_183 = arith.constant 1024 : i32
      %mul3A_184 = vector.broadcast %mul3A_183 : i32 to vector<8x1024xi32>
      %mul3A_185 = arith.muli %iota3A, %mul3A_184 : vector<8x1024xi32>
      %iota3A_186 = tpu.iota {dimensions = array<i32: 1>} : vector<8x1024xi32>
      %add3A_187 = arith.addi %mul3A_185, %iota3A_186 : vector<8x1024xi32>
      %eq3A = vector.broadcast %reduce_max3A_182 : f32 to vector<8x1024xf32>
      %eq3A_188 = arith.cmpf oeq, %add3A_178, %eq3A : vector<8x1024xf32>
      %jit3A = arith.constant 8192 : i32
      %broadcast_in_dim3A = vector.broadcast %jit3A : i32 to vector<8x1024xi32>
      %select_n3A_189 = arith.select %eq3A_188, %add3A_187, %broadcast_in_dim3A : vector<8x1024xi1>, vector<8x1024xi32>
      %reduce_min3A = vector.shape_cast %select_n3A_189 : vector<8x1024xi32> to vector<1x8x1024xi32>
      %reduce_min3A_190 = arith.constant dense<2147483647> : vector<1xi32>
      %reduce_min3A_191 = vector.multi_reduction <minsi>, %reduce_min3A, %reduce_min3A_190 [1, 2] : vector<1x8x1024xi32> to vector<1xi32>
      %reduce_min3A_192 = vector.shape_cast %reduce_min3A_191 : vector<1xi32> to vector<1x1x1xi32>
      %reduce_min3A_193 = vector.extract %reduce_min3A_192[0, 0, 0] : i32 from vector<1x1x1xi32>
      %broadcast_in_dim3A_194 = vector.broadcast %reduce_min3A_193 : i32 to vector<128xi32>
      %swap3A = arith.constant 2 : index
      %swap3A_195 = arith.constant 0 : index
      %swap3A_196 = vector.load %arg38[%swap3A, %swap3A_195] : memref<16x128xi32, #tpu.memory_space<vmem>>, vector<1x128xi32>
      %swap3A_197 = vector.shape_cast %swap3A_196 : vector<1x128xi32> to vector<128xi32>
      %swap3A_198 = vector.shape_cast %broadcast_in_dim3A_194 : vector<128xi32> to vector<1x128xi32>
      tpu.vector_store %arg38[%swap3A, %swap3A_195], %swap3A_198 {strides = array<i32>} : memref<16x128xi32, #tpu.memory_space<vmem>>, vector<1x128xi32>,
    } else {
    }
    %mul3A_29 = arith.constant 16 : i32
    %mul3A_30 = arith.muli %arg0, %mul3A_29 : i32
    %add3A_31 = arith.constant 3 : i32
    %add3A_32 = arith.addi %mul3A_30, %add3A_31 : i32
    %get3A_33 = arith.constant 0 : index
    %get3A_34 = memref.load %arg4[%get3A_33] : memref<1xi32, #tpu.memory_space<smem>>
    %lt3A_35 = arith.cmpi slt, %add3A_32, %get3A_34 : i32
    %convert_element_type3A_36 = arith.extui %lt3A_35 : i1 to i32
    %cond3A_37 = arith.constant 0 : i32
    %cond3A_38 = arith.cmpi ne, %convert_element_type3A_36, %cond3A_37 : i32
    scf.if %cond3A_38 {
      %mul3A_159 = arith.constant 16 : i32
      %mul3A_160 = arith.muli %arg0, %mul3A_159 : i32
      %add3A_161 = arith.constant 3 : i32
      %add3A_162 = arith.addi %mul3A_160, %add3A_161 : i32
      %get3A_163 = arith.index_cast %add3A_162 : i32 to index
      %get3A_164 = memref.load %arg3[%get3A_163] : memref<2048xi32, #tpu.memory_space<smem>>
      %get3A_165 = arith.constant 0 : index
      %get3A_166 = arith.constant 0 : index
      %get3A_167 = arith.constant 0 : index
      %get3A_168 = vector.load %arg8[%get3A_165, %get3A_166, %get3A_167] : memref<1x1x8192xf32, #tpu.memory_space<vmem>>, vector<1x1x8192xf32>
      %reshape3A = vector.shape_cast %get3A_168 : vector<1x1x8192xf32> to vector<8x1024xf32>
      %gt3A = arith.constant 0 : i32
      %gt3A_169 = arith.cmpi sgt, %get3A_164, %gt3A : i32
      %select_n3A = arith.select %gt3A_169, %reshape3A, %get3A_3 : vector<8x1024xf32>
      %add3A_170 = arith.constant 9.99999996E-13 : f32
      %add3A_171 = vector.broadcast %add3A_170 : f32 to vector<8x1024xf32>
      %add3A_172 = arith.addf %select_n3A, %add3A_171 : vector<8x1024xf32>
      %log3A = math.log %add3A_172 : vector<8x1024xf32>
      %get3A_173 = arith.constant 0 : index
      %get3A_174 = arith.constant 0 : index
      %get3A_175 = arith.constant 0 : index
      %get3A_176 = vector.load %arg24[%get3A_173, %get3A_174, %get3A_175] : memref<1x8x1024xf32, #tpu.memory_space<vmem>>, vector<1x8x1024xf32>
      %get3A_177 = vector.shape_cast %get3A_176 : vector<1x8x1024xf32> to vector<8x1024xf32>
      %add3A_178 = arith.addf %log3A, %get3A_177 : vector<8x1024xf32>
      %reduce_max3A = vector.shape_cast %add3A_178 : vector<8x1024xf32> to vector<1x8x1024xf32>
      %reduce_max3A_179 = arith.constant dense<0xFF800000> : vector<1xf32>
      %reduce_max3A_180 = vector.multi_reduction <maximumf>, %reduce_max3A, %reduce_max3A_179 [1, 2] : vector<1x8x1024xf32> to vector<1xf32>
      %reduce_max3A_181 = vector.shape_cast %reduce_max3A_180 : vector<1xf32> to vector<1x1x1xf32>
      %reduce_max3A_182 = vector.extract %reduce_max3A_181[0, 0, 0] : f32 from vector<1x1x1xf32>
      %iota3A = tpu.iota {dimensions = array<i32: 0>} : vector<8x1024xi32>
      %mul3A_183 = arith.constant 1024 : i32
      %mul3A_184 = vector.broadcast %mul3A_183 : i32 to vector<8x1024xi32>
      %mul3A_185 = arith.muli %iota3A, %mul3A_184 : vector<8x1024xi32>
      %iota3A_186 = tpu.iota {dimensions = array<i32: 1>} : vector<8x1024xi32>
      %add3A_187 = arith.addi %mul3A_185, %iota3A_186 : vector<8x1024xi32>
      %eq3A = vector.broadcast %reduce_max3A_182 : f32 to vector<8x1024xf32>
      %eq3A_188 = arith.cmpf oeq, %add3A_178, %eq3A : vector<8x1024xf32>
      %jit3A = arith.constant 8192 : i32
      %broadcast_in_dim3A = vector.broadcast %jit3A : i32 to vector<8x1024xi32>
      %select_n3A_189 = arith.select %eq3A_188, %add3A_187, %broadcast_in_dim3A : vector<8x1024xi1>, vector<8x1024xi32>
      %reduce_min3A = vector.shape_cast %select_n3A_189 : vector<8x1024xi32> to vector<1x8x1024xi32>
      %reduce_min3A_190 = arith.constant dense<2147483647> : vector<1xi32>
      %reduce_min3A_191 = vector.multi_reduction <minsi>, %reduce_min3A, %reduce_min3A_190 [1, 2] : vector<1x8x1024xi32> to vector<1xi32>
      %reduce_min3A_192 = vector.shape_cast %reduce_min3A_191 : vector<1xi32> to vector<1x1x1xi32>
      %reduce_min3A_193 = vector.extract %reduce_min3A_192[0, 0, 0] : i32 from vector<1x1x1xi32>
      %broadcast_in_dim3A_194 = vector.broadcast %reduce_min3A_193 : i32 to vector<128xi32>
      %swap3A = arith.constant 3 : index
      %swap3A_195 = arith.constant 0 : index
      %swap3A_196 = vector.load %arg38[%swap3A, %swap3A_195] : memref<16x128xi32, #tpu.memory_space<vmem>>, vector<1x128xi32>
      %swap3A_197 = vector.shape_cast %swap3A_196 : vector<1x128xi32> to vector<128xi32>
      %swap3A_198 = vector.shape_cast %broadcast_in_dim3A_194 : vector<128xi32> to vector<1x128xi32>
      tpu.vector_store %arg38[%swap3A, %swap3A_195], %swap3A_198 {strides = array<i32>} : memref<16x128xi32, #tpu.memory_space<vmem>>, vector<1x128xi32>,
    } else {
    }
    %mul3A_39 = arith.constant 16 : i32
    %mul3A_40 = arith.muli %arg0, %mul3A_39 : i32
    %add3A_41 = arith.constant 4 : i32
    %add3A_42 = arith.addi %mul3A_40, %add3A_41 : i32
    %get3A_43 = arith.constant 0 : index
    %get3A_44 = memref.load %arg4[%get3A_43] : memref<1xi32, #tpu.memory_space<smem>>
    %lt3A_45 = arith.cmpi slt, %add3A_42, %get3A_44 : i32
    %convert_element_type3A_46 = arith.extui %lt3A_45 : i1 to i32
    %cond3A_47 = arith.constant 0 : i32
    %cond3A_48 = arith.cmpi ne, %convert_element_type3A_46, %cond3A_47 : i32
    scf.if %cond3A_48 {
      %mul3A_159 = arith.constant 16 : i32
      %mul3A_160 = arith.muli %arg0, %mul3A_159 : i32
      %add3A_161 = arith.constant 4 : i32
      %add3A_162 = arith.addi %mul3A_160, %add3A_161 : i32
      %get3A_163 = arith.index_cast %add3A_162 : i32 to index
      %get3A_164 = memref.load %arg3[%get3A_163] : memref<2048xi32, #tpu.memory_space<smem>>
      %get3A_165 = arith.constant 0 : index
      %get3A_166 = arith.constant 0 : index
      %get3A_167 = arith.constant 0 : index
      %get3A_168 = vector.load %arg9[%get3A_165, %get3A_166, %get3A_167] : memref<1x1x8192xf32, #tpu.memory_space<vmem>>, vector<1x1x8192xf32>
      %reshape3A = vector.shape_cast %get3A_168 : vector<1x1x8192xf32> to vector<8x1024xf32>
      %gt3A = arith.constant 0 : i32
      %gt3A_169 = arith.cmpi sgt, %get3A_164, %gt3A : i32
      %select_n3A = arith.select %gt3A_169, %reshape3A, %get3A_3 : vector<8x1024xf32>
      %add3A_170 = arith.constant 9.99999996E-13 : f32
      %add3A_171 = vector.broadcast %add3A_170 : f32 to vector<8x1024xf32>
      %add3A_172 = arith.addf %select_n3A, %add3A_171 : vector<8x1024xf32>
      %log3A = math.log %add3A_172 : vector<8x1024xf32>
      %get3A_173 = arith.constant 0 : index
      %get3A_174 = arith.constant 0 : index
      %get3A_175 = arith.constant 0 : index
      %get3A_176 = vector.load %arg25[%get3A_173, %get3A_174, %get3A_175] : memref<1x8x1024xf32, #tpu.memory_space<vmem>>, vector<1x8x1024xf32>
      %get3A_177 = vector.shape_cast %get3A_176 : vector<1x8x1024xf32> to vector<8x1024xf32>
      %add3A_178 = arith.addf %log3A, %get3A_177 : vector<8x1024xf32>
      %reduce_max3A = vector.shape_cast %add3A_178 : vector<8x1024xf32> to vector<1x8x1024xf32>
      %reduce_max3A_179 = arith.constant dense<0xFF800000> : vector<1xf32>
      %reduce_max3A_180 = vector.multi_reduction <maximumf>, %reduce_max3A, %reduce_max3A_179 [1, 2] : vector<1x8x1024xf32> to vector<1xf32>
      %reduce_max3A_181 = vector.shape_cast %reduce_max3A_180 : vector<1xf32> to vector<1x1x1xf32>
      %reduce_max3A_182 = vector.extract %reduce_max3A_181[0, 0, 0] : f32 from vector<1x1x1xf32>
      %iota3A = tpu.iota {dimensions = array<i32: 0>} : vector<8x1024xi32>
      %mul3A_183 = arith.constant 1024 : i32
      %mul3A_184 = vector.broadcast %mul3A_183 : i32 to vector<8x1024xi32>
      %mul3A_185 = arith.muli %iota3A, %mul3A_184 : vector<8x1024xi32>
      %iota3A_186 = tpu.iota {dimensions = array<i32: 1>} : vector<8x1024xi32>
      %add3A_187 = arith.addi %mul3A_185, %iota3A_186 : vector<8x1024xi32>
      %eq3A = vector.broadcast %reduce_max3A_182 : f32 to vector<8x1024xf32>
      %eq3A_188 = arith.cmpf oeq, %add3A_178, %eq3A : vector<8x1024xf32>
      %jit3A = arith.constant 8192 : i32
      %broadcast_in_dim3A = vector.broadcast %jit3A : i32 to vector<8x1024xi32>
      %select_n3A_189 = arith.select %eq3A_188, %add3A_187, %broadcast_in_dim3A : vector<8x1024xi1>, vector<8x1024xi32>
      %reduce_min3A = vector.shape_cast %select_n3A_189 : vector<8x1024xi32> to vector<1x8x1024xi32>
      %reduce_min3A_190 = arith.constant dense<2147483647> : vector<1xi32>
      %reduce_min3A_191 = vector.multi_reduction <minsi>, %reduce_min3A, %reduce_min3A_190 [1, 2] : vector<1x8x1024xi32> to vector<1xi32>
      %reduce_min3A_192 = vector.shape_cast %reduce_min3A_191 : vector<1xi32> to vector<1x1x1xi32>
      %reduce_min3A_193 = vector.extract %reduce_min3A_192[0, 0, 0] : i32 from vector<1x1x1xi32>
      %broadcast_in_dim3A_194 = vector.broadcast %reduce_min3A_193 : i32 to vector<128xi32>
      %swap3A = arith.constant 4 : index
      %swap3A_195 = arith.constant 0 : index
      %swap3A_196 = vector.load %arg38[%swap3A, %swap3A_195] : memref<16x128xi32, #tpu.memory_space<vmem>>, vector<1x128xi32>
      %swap3A_197 = vector.shape_cast %swap3A_196 : vector<1x128xi32> to vector<128xi32>
      %swap3A_198 = vector.shape_cast %broadcast_in_dim3A_194 : vector<128xi32> to vector<1x128xi32>
      tpu.vector_store %arg38[%swap3A, %swap3A_195], %swap3A_198 {strides = array<i32>} : memref<16x128xi32, #tpu.memory_space<vmem>>, vector<1x128xi32>,
    } else {
    }
    %mul3A_49 = arith.constant 16 : i32
    %mul3A_50 = arith.muli %arg0, %mul3A_49 : i32
    %add3A_51 = arith.constant 5 : i32
    %add3A_52 = arith.addi %mul3A_50, %add3A_51 : i32
    %get3A_53 = arith.constant 0 : index
    %get3A_54 = memref.load %arg4[%get3A_53] : memref<1xi32, #tpu.memory_space<smem>>
    %lt3A_55 = arith.cmpi slt, %add3A_52, %get3A_54 : i32
    %convert_element_type3A_56 = arith.extui %lt3A_55 : i1 to i32
    %cond3A_57 = arith.constant 0 : i32
    %cond3A_58 = arith.cmpi ne, %convert_element_type3A_56, %cond3A_57 : i32
    scf.if %cond3A_58 {
      %mul3A_159 = arith.constant 16 : i32
      %mul3A_160 = arith.muli %arg0, %mul3A_159 : i32
      %add3A_161 = arith.constant 5 : i32
      %add3A_162 = arith.addi %mul3A_160, %add3A_161 : i32
      %get3A_163 = arith.index_cast %add3A_162 : i32 to index
      %get3A_164 = memref.load %arg3[%get3A_163] : memref<2048xi32, #tpu.memory_space<smem>>
      %get3A_165 = arith.constant 0 : index
      %get3A_166 = arith.constant 0 : index
      %get3A_167 = arith.constant 0 : index
      %get3A_168 = vector.load %arg10[%get3A_165, %get3A_166, %get3A_167] : memref<1x1x8192xf32, #tpu.memory_space<vmem>>, vector<1x1x8192xf32>
      %reshape3A = vector.shape_cast %get3A_168 : vector<1x1x8192xf32> to vector<8x1024xf32>
      %gt3A = arith.constant 0 : i32
      %gt3A_169 = arith.cmpi sgt, %get3A_164, %gt3A : i32
      %select_n3A = arith.select %gt3A_169, %reshape3A, %get3A_3 : vector<8x1024xf32>
      %add3A_170 = arith.constant 9.99999996E-13 : f32
      %add3A_171 = vector.broadcast %add3A_170 : f32 to vector<8x1024xf32>
      %add3A_172 = arith.addf %select_n3A, %add3A_171 : vector<8x1024xf32>
      %log3A = math.log %add3A_172 : vector<8x1024xf32>
      %get3A_173 = arith.constant 0 : index
      %get3A_174 = arith.constant 0 : index
      %get3A_175 = arith.constant 0 : index
      %get3A_176 = vector.load %arg26[%get3A_173, %get3A_174, %get3A_175] : memref<1x8x1024xf32, #tpu.memory_space<vmem>>, vector<1x8x1024xf32>
      %get3A_177 = vector.shape_cast %get3A_176 : vector<1x8x1024xf32> to vector<8x1024xf32>
      %add3A_178 = arith.addf %log3A, %get3A_177 : vector<8x1024xf32>
      %reduce_max3A = vector.shape_cast %add3A_178 : vector<8x1024xf32> to vector<1x8x1024xf32>
      %reduce_max3A_179 = arith.constant dense<0xFF800000> : vector<1xf32>
      %reduce_max3A_180 = vector.multi_reduction <maximumf>, %reduce_max3A, %reduce_max3A_179 [1, 2] : vector<1x8x1024xf32> to vector<1xf32>
      %reduce_max3A_181 = vector.shape_cast %reduce_max3A_180 : vector<1xf32> to vector<1x1x1xf32>
      %reduce_max3A_182 = vector.extract %reduce_max3A_181[0, 0, 0] : f32 from vector<1x1x1xf32>
      %iota3A = tpu.iota {dimensions = array<i32: 0>} : vector<8x1024xi32>
      %mul3A_183 = arith.constant 1024 : i32
      %mul3A_184 = vector.broadcast %mul3A_183 : i32 to vector<8x1024xi32>
      %mul3A_185 = arith.muli %iota3A, %mul3A_184 : vector<8x1024xi32>
      %iota3A_186 = tpu.iota {dimensions = array<i32: 1>} : vector<8x1024xi32>
      %add3A_187 = arith.addi %mul3A_185, %iota3A_186 : vector<8x1024xi32>
      %eq3A = vector.broadcast %reduce_max3A_182 : f32 to vector<8x1024xf32>
      %eq3A_188 = arith.cmpf oeq, %add3A_178, %eq3A : vector<8x1024xf32>
      %jit3A = arith.constant 8192 : i32
      %broadcast_in_dim3A = vector.broadcast %jit3A : i32 to vector<8x1024xi32>
      %select_n3A_189 = arith.select %eq3A_188, %add3A_187, %broadcast_in_dim3A : vector<8x1024xi1>, vector<8x1024xi32>
      %reduce_min3A = vector.shape_cast %select_n3A_189 : vector<8x1024xi32> to vector<1x8x1024xi32>
      %reduce_min3A_190 = arith.constant dense<2147483647> : vector<1xi32>
      %reduce_min3A_191 = vector.multi_reduction <minsi>, %reduce_min3A, %reduce_min3A_190 [1, 2] : vector<1x8x1024xi32> to vector<1xi32>
      %reduce_min3A_192 = vector.shape_cast %reduce_min3A_191 : vector<1xi32> to vector<1x1x1xi32>
      %reduce_min3A_193 = vector.extract %reduce_min3A_192[0, 0, 0] : i32 from vector<1x1x1xi32>
      %broadcast_in_dim3A_194 = vector.broadcast %reduce_min3A_193 : i32 to vector<128xi32>
      %swap3A = arith.constant 5 : index
      %swap3A_195 = arith.constant 0 : index
      %swap3A_196 = vector.load %arg38[%swap3A, %swap3A_195] : memref<16x128xi32, #tpu.memory_space<vmem>>, vector<1x128xi32>
      %swap3A_197 = vector.shape_cast %swap3A_196 : vector<1x128xi32> to vector<128xi32>
      %swap3A_198 = vector.shape_cast %broadcast_in_dim3A_194 : vector<128xi32> to vector<1x128xi32>
      tpu.vector_store %arg38[%swap3A, %swap3A_195], %swap3A_198 {strides = array<i32>} : memref<16x128xi32, #tpu.memory_space<vmem>>, vector<1x128xi32>,
    } else {
    }
    %mul3A_59 = arith.constant 16 : i32
    %mul3A_60 = arith.muli %arg0, %mul3A_59 : i32
    %add3A_61 = arith.constant 6 : i32
    %add3A_62 = arith.addi %mul3A_60, %add3A_61 : i32
    %get3A_63 = arith.constant 0 : index
    %get3A_64 = memref.load %arg4[%get3A_63] : memref<1xi32, #tpu.memory_space<smem>>
    %lt3A_65 = arith.cmpi slt, %add3A_62, %get3A_64 : i32
    %convert_element_type3A_66 = arith.extui %lt3A_65 : i1 to i32
    %cond3A_67 = arith.constant 0 : i32
    %cond3A_68 = arith.cmpi ne, %convert_element_type3A_66, %cond3A_67 : i32
    scf.if %cond3A_68 {
      %mul3A_159 = arith.constant 16 : i32
      %mul3A_160 = arith.muli %arg0, %mul3A_159 : i32
      %add3A_161 = arith.constant 6 : i32
      %add3A_162 = arith.addi %mul3A_160, %add3A_161 : i32
      %get3A_163 = arith.index_cast %add3A_162 : i32 to index
      %get3A_164 = memref.load %arg3[%get3A_163] : memref<2048xi32, #tpu.memory_space<smem>>
      %get3A_165 = arith.constant 0 : index
      %get3A_166 = arith.constant 0 : index
      %get3A_167 = arith.constant 0 : index
      %get3A_168 = vector.load %arg11[%get3A_165, %get3A_166, %get3A_167] : memref<1x1x8192xf32, #tpu.memory_space<vmem>>, vector<1x1x8192xf32>
      %reshape3A = vector.shape_cast %get3A_168 : vector<1x1x8192xf32> to vector<8x1024xf32>
      %gt3A = arith.constant 0 : i32
      %gt3A_169 = arith.cmpi sgt, %get3A_164, %gt3A : i32
      %select_n3A = arith.select %gt3A_169, %reshape3A, %get3A_3 : vector<8x1024xf32>
      %add3A_170 = arith.constant 9.99999996E-13 : f32
      %add3A_171 = vector.broadcast %add3A_170 : f32 to vector<8x1024xf32>
      %add3A_172 = arith.addf %select_n3A, %add3A_171 : vector<8x1024xf32>
      %log3A = math.log %add3A_172 : vector<8x1024xf32>
      %get3A_173 = arith.constant 0 : index
      %get3A_174 = arith.constant 0 : index
      %get3A_175 = arith.constant 0 : index
      %get3A_176 = vector.load %arg27[%get3A_173, %get3A_174, %get3A_175] : memref<1x8x1024xf32, #tpu.memory_space<vmem>>, vector<1x8x1024xf32>
      %get3A_177 = vector.shape_cast %get3A_176 : vector<1x8x1024xf32> to vector<8x1024xf32>
      %add3A_178 = arith.addf %log3A, %get3A_177 : vector<8x1024xf32>
      %reduce_max3A = vector.shape_cast %add3A_178 : vector<8x1024xf32> to vector<1x8x1024xf32>
      %reduce_max3A_179 = arith.constant dense<0xFF800000> : vector<1xf32>
      %reduce_max3A_180 = vector.multi_reduction <maximumf>, %reduce_max3A, %reduce_max3A_179 [1, 2] : vector<1x8x1024xf32> to vector<1xf32>
      %reduce_max3A_181 = vector.shape_cast %reduce_max3A_180 : vector<1xf32> to vector<1x1x1xf32>
      %reduce_max3A_182 = vector.extract %reduce_max3A_181[0, 0, 0] : f32 from vector<1x1x1xf32>
      %iota3A = tpu.iota {dimensions = array<i32: 0>} : vector<8x1024xi32>
      %mul3A_183 = arith.constant 1024 : i32
      %mul3A_184 = vector.broadcast %mul3A_183 : i32 to vector<8x1024xi32>
      %mul3A_185 = arith.muli %iota3A, %mul3A_184 : vector<8x1024xi32>
      %iota3A_186 = tpu.iota {dimensions = array<i32: 1>} : vector<8x1024xi32>
      %add3A_187 = arith.addi %mul3A_185, %iota3A_186 : vector<8x1024xi32>
      %eq3A = vector.broadcast %reduce_max3A_182 : f32 to vector<8x1024xf32>
      %eq3A_188 = arith.cmpf oeq, %add3A_178, %eq3A : vector<8x1024xf32>
      %jit3A = arith.constant 8192 : i32
      %broadcast_in_dim3A = vector.broadcast %jit3A : i32 to vector<8x1024xi32>
      %select_n3A_189 = arith.select %eq3A_188, %add3A_187, %broadcast_in_dim3A : vector<8x1024xi1>, vector<8x1024xi32>
      %reduce_min3A = vector.shape_cast %select_n3A_189 : vector<8x1024xi32> to vector<1x8x1024xi32>
      %reduce_min3A_190 = arith.constant dense<2147483647> : vector<1xi32>
      %reduce_min3A_191 = vector.multi_reduction <minsi>, %reduce_min3A, %reduce_min3A_190 [1, 2] : vector<1x8x1024xi32> to vector<1xi32>
      %reduce_min3A_192 = vector.shape_cast %reduce_min3A_191 : vector<1xi32> to vector<1x1x1xi32>
      %reduce_min3A_193 = vector.extract %reduce_min3A_192[0, 0, 0] : i32 from vector<1x1x1xi32>
      %broadcast_in_dim3A_194 = vector.broadcast %reduce_min3A_193 : i32 to vector<128xi32>
      %swap3A = arith.constant 6 : index
      %swap3A_195 = arith.constant 0 : index
      %swap3A_196 = vector.load %arg38[%swap3A, %swap3A_195] : memref<16x128xi32, #tpu.memory_space<vmem>>, vector<1x128xi32>
      %swap3A_197 = vector.shape_cast %swap3A_196 : vector<1x128xi32> to vector<128xi32>
      %swap3A_198 = vector.shape_cast %broadcast_in_dim3A_194 : vector<128xi32> to vector<1x128xi32>
      tpu.vector_store %arg38[%swap3A, %swap3A_195], %swap3A_198 {strides = array<i32>} : memref<16x128xi32, #tpu.memory_space<vmem>>, vector<1x128xi32>,
    } else {
    }
    %mul3A_69 = arith.constant 16 : i32
    %mul3A_70 = arith.muli %arg0, %mul3A_69 : i32
    %add3A_71 = arith.constant 7 : i32
    %add3A_72 = arith.addi %mul3A_70, %add3A_71 : i32
    %get3A_73 = arith.constant 0 : index
    %get3A_74 = memref.load %arg4[%get3A_73] : memref<1xi32, #tpu.memory_space<smem>>
    %lt3A_75 = arith.cmpi slt, %add3A_72, %get3A_74 : i32
    %convert_element_type3A_76 = arith.extui %lt3A_75 : i1 to i32
    %cond3A_77 = arith.constant 0 : i32
    %cond3A_78 = arith.cmpi ne, %convert_element_type3A_76, %cond3A_77 : i32
    scf.if %cond3A_78 {
      %mul3A_159 = arith.constant 16 : i32
      %mul3A_160 = arith.muli %arg0, %mul3A_159 : i32
      %add3A_161 = arith.constant 7 : i32
      %add3A_162 = arith.addi %mul3A_160, %add3A_161 : i32
      %get3A_163 = arith.index_cast %add3A_162 : i32 to index
      %get3A_164 = memref.load %arg3[%get3A_163] : memref<2048xi32, #tpu.memory_space<smem>>
      %get3A_165 = arith.constant 0 : index
      %get3A_166 = arith.constant 0 : index
      %get3A_167 = arith.constant 0 : index
      %get3A_168 = vector.load %arg12[%get3A_165, %get3A_166, %get3A_167] : memref<1x1x8192xf32, #tpu.memory_space<vmem>>, vector<1x1x8192xf32>
      %reshape3A = vector.shape_cast %get3A_168 : vector<1x1x8192xf32> to vector<8x1024xf32>
      %gt3A = arith.constant 0 : i32
      %gt3A_169 = arith.cmpi sgt, %get3A_164, %gt3A : i32
      %select_n3A = arith.select %gt3A_169, %reshape3A, %get3A_3 : vector<8x1024xf32>
      %add3A_170 = arith.constant 9.99999996E-13 : f32
      %add3A_171 = vector.broadcast %add3A_170 : f32 to vector<8x1024xf32>
      %add3A_172 = arith.addf %select_n3A, %add3A_171 : vector<8x1024xf32>
      %log3A = math.log %add3A_172 : vector<8x1024xf32>
      %get3A_173 = arith.constant 0 : index
      %get3A_174 = arith.constant 0 : index
      %get3A_175 = arith.constant 0 : index
      %get3A_176 = vector.load %arg28[%get3A_173, %get3A_174, %get3A_175] : memref<1x8x1024xf32, #tpu.memory_space<vmem>>, vector<1x8x1024xf32>
      %get3A_177 = vector.shape_cast %get3A_176 : vector<1x8x1024xf32> to vector<8x1024xf32>
      %add3A_178 = arith.addf %log3A, %get3A_177 : vector<8x1024xf32>
      %reduce_max3A = vector.shape_cast %add3A_178 : vector<8x1024xf32> to vector<1x8x1024xf32>
      %reduce_max3A_179 = arith.constant dense<0xFF800000> : vector<1xf32>
      %reduce_max3A_180 = vector.multi_reduction <maximumf>, %reduce_max3A, %reduce_max3A_179 [1, 2] : vector<1x8x1024xf32> to vector<1xf32>
      %reduce_max3A_181 = vector.shape_cast %reduce_max3A_180 : vector<1xf32> to vector<1x1x1xf32>
      %reduce_max3A_182 = vector.extract %reduce_max3A_181[0, 0, 0] : f32 from vector<1x1x1xf32>
      %iota3A = tpu.iota {dimensions = array<i32: 0>} : vector<8x1024xi32>
      %mul3A_183 = arith.constant 1024 : i32
      %mul3A_184 = vector.broadcast %mul3A_183 : i32 to vector<8x1024xi32>
      %mul3A_185 = arith.muli %iota3A, %mul3A_184 : vector<8x1024xi32>
      %iota3A_186 = tpu.iota {dimensions = array<i32: 1>} : vector<8x1024xi32>
      %add3A_187 = arith.addi %mul3A_185, %iota3A_186 : vector<8x1024xi32>
      %eq3A = vector.broadcast %reduce_max3A_182 : f32 to vector<8x1024xf32>
      %eq3A_188 = arith.cmpf oeq, %add3A_178, %eq3A : vector<8x1024xf32>
      %jit3A = arith.constant 8192 : i32
      %broadcast_in_dim3A = vector.broadcast %jit3A : i32 to vector<8x1024xi32>
      %select_n3A_189 = arith.select %eq3A_188, %add3A_187, %broadcast_in_dim3A : vector<8x1024xi1>, vector<8x1024xi32>
      %reduce_min3A = vector.shape_cast %select_n3A_189 : vector<8x1024xi32> to vector<1x8x1024xi32>
      %reduce_min3A_190 = arith.constant dense<2147483647> : vector<1xi32>
      %reduce_min3A_191 = vector.multi_reduction <minsi>, %reduce_min3A, %reduce_min3A_190 [1, 2] : vector<1x8x1024xi32> to vector<1xi32>
      %reduce_min3A_192 = vector.shape_cast %reduce_min3A_191 : vector<1xi32> to vector<1x1x1xi32>
      %reduce_min3A_193 = vector.extract %reduce_min3A_192[0, 0, 0] : i32 from vector<1x1x1xi32>
      %broadcast_in_dim3A_194 = vector.broadcast %reduce_min3A_193 : i32 to vector<128xi32>
      %swap3A = arith.constant 7 : index
      %swap3A_195 = arith.constant 0 : index
      %swap3A_196 = vector.load %arg38[%swap3A, %swap3A_195] : memref<16x128xi32, #tpu.memory_space<vmem>>, vector<1x128xi32>
      %swap3A_197 = vector.shape_cast %swap3A_196 : vector<1x128xi32> to vector<128xi32>
      %swap3A_198 = vector.shape_cast %broadcast_in_dim3A_194 : vector<128xi32> to vector<1x128xi32>
      tpu.vector_store %arg38[%swap3A, %swap3A_195], %swap3A_198 {strides = array<i32>} : memref<16x128xi32, #tpu.memory_space<vmem>>, vector<1x128xi32>,
    } else {
    }
    %mul3A_79 = arith.constant 16 : i32
    %mul3A_80 = arith.muli %arg0, %mul3A_79 : i32
    %add3A_81 = arith.constant 8 : i32
    %add3A_82 = arith.addi %mul3A_80, %add3A_81 : i32
    %get3A_83 = arith.constant 0 : index
    %get3A_84 = memref.load %arg4[%get3A_83] : memref<1xi32, #tpu.memory_space<smem>>
    %lt3A_85 = arith.cmpi slt, %add3A_82, %get3A_84 : i32
    %convert_element_type3A_86 = arith.extui %lt3A_85 : i1 to i32
    %cond3A_87 = arith.constant 0 : i32
    %cond3A_88 = arith.cmpi ne, %convert_element_type3A_86, %cond3A_87 : i32
    scf.if %cond3A_88 {
      %mul3A_159 = arith.constant 16 : i32
      %mul3A_160 = arith.muli %arg0, %mul3A_159 : i32
      %add3A_161 = arith.constant 8 : i32
      %add3A_162 = arith.addi %mul3A_160, %add3A_161 : i32
      %get3A_163 = arith.index_cast %add3A_162 : i32 to index
      %get3A_164 = memref.load %arg3[%get3A_163] : memref<2048xi32, #tpu.memory_space<smem>>
      %get3A_165 = arith.constant 0 : index
      %get3A_166 = arith.constant 0 : index
      %get3A_167 = arith.constant 0 : index
      %get3A_168 = vector.load %arg13[%get3A_165, %get3A_166, %get3A_167] : memref<1x1x8192xf32, #tpu.memory_space<vmem>>, vector<1x1x8192xf32>
      %reshape3A = vector.shape_cast %get3A_168 : vector<1x1x8192xf32> to vector<8x1024xf32>
      %gt3A = arith.constant 0 : i32
      %gt3A_169 = arith.cmpi sgt, %get3A_164, %gt3A : i32
      %select_n3A = arith.select %gt3A_169, %reshape3A, %get3A_3 : vector<8x1024xf32>
      %add3A_170 = arith.constant 9.99999996E-13 : f32
      %add3A_171 = vector.broadcast %add3A_170 : f32 to vector<8x1024xf32>
      %add3A_172 = arith.addf %select_n3A, %add3A_171 : vector<8x1024xf32>
      %log3A = math.log %add3A_172 : vector<8x1024xf32>
      %get3A_173 = arith.constant 0 : index
      %get3A_174 = arith.constant 0 : index
      %get3A_175 = arith.constant 0 : index
      %get3A_176 = vector.load %arg29[%get3A_173, %get3A_174, %get3A_175] : memref<1x8x1024xf32, #tpu.memory_space<vmem>>, vector<1x8x1024xf32>
      %get3A_177 = vector.shape_cast %get3A_176 : vector<1x8x1024xf32> to vector<8x1024xf32>
      %add3A_178 = arith.addf %log3A, %get3A_177 : vector<8x1024xf32>
      %reduce_max3A = vector.shape_cast %add3A_178 : vector<8x1024xf32> to vector<1x8x1024xf32>
      %reduce_max3A_179 = arith.constant dense<0xFF800000> : vector<1xf32>
      %reduce_max3A_180 = vector.multi_reduction <maximumf>, %reduce_max3A, %reduce_max3A_179 [1, 2] : vector<1x8x1024xf32> to vector<1xf32>
      %reduce_max3A_181 = vector.shape_cast %reduce_max3A_180 : vector<1xf32> to vector<1x1x1xf32>
      %reduce_max3A_182 = vector.extract %reduce_max3A_181[0, 0, 0] : f32 from vector<1x1x1xf32>
      %iota3A = tpu.iota {dimensions = array<i32: 0>} : vector<8x1024xi32>
      %mul3A_183 = arith.constant 1024 : i32
      %mul3A_184 = vector.broadcast %mul3A_183 : i32 to vector<8x1024xi32>
      %mul3A_185 = arith.muli %iota3A, %mul3A_184 : vector<8x1024xi32>
      %iota3A_186 = tpu.iota {dimensions = array<i32: 1>} : vector<8x1024xi32>
      %add3A_187 = arith.addi %mul3A_185, %iota3A_186 : vector<8x1024xi32>
      %eq3A = vector.broadcast %reduce_max3A_182 : f32 to vector<8x1024xf32>
      %eq3A_188 = arith.cmpf oeq, %add3A_178, %eq3A : vector<8x1024xf32>
      %jit3A = arith.constant 8192 : i32
      %broadcast_in_dim3A = vector.broadcast %jit3A : i32 to vector<8x1024xi32>
      %select_n3A_189 = arith.select %eq3A_188, %add3A_187, %broadcast_in_dim3A : vector<8x1024xi1>, vector<8x1024xi32>
      %reduce_min3A = vector.shape_cast %select_n3A_189 : vector<8x1024xi32> to vector<1x8x1024xi32>
      %reduce_min3A_190 = arith.constant dense<2147483647> : vector<1xi32>
      %reduce_min3A_191 = vector.multi_reduction <minsi>, %reduce_min3A, %reduce_min3A_190 [1, 2] : vector<1x8x1024xi32> to vector<1xi32>
      %reduce_min3A_192 = vector.shape_cast %reduce_min3A_191 : vector<1xi32> to vector<1x1x1xi32>
      %reduce_min3A_193 = vector.extract %reduce_min3A_192[0, 0, 0] : i32 from vector<1x1x1xi32>
      %broadcast_in_dim3A_194 = vector.broadcast %reduce_min3A_193 : i32 to vector<128xi32>
      %swap3A = arith.constant 8 : index
      %swap3A_195 = arith.constant 0 : index
      %swap3A_196 = vector.load %arg38[%swap3A, %swap3A_195] : memref<16x128xi32, #tpu.memory_space<vmem>>, vector<1x128xi32>
      %swap3A_197 = vector.shape_cast %swap3A_196 : vector<1x128xi32> to vector<128xi32>
      %swap3A_198 = vector.shape_cast %broadcast_in_dim3A_194 : vector<128xi32> to vector<1x128xi32>
      tpu.vector_store %arg38[%swap3A, %swap3A_195], %swap3A_198 {strides = array<i32>} : memref<16x128xi32, #tpu.memory_space<vmem>>, vector<1x128xi32>,
    } else {
    }
    %mul3A_89 = arith.constant 16 : i32
    %mul3A_90 = arith.muli %arg0, %mul3A_89 : i32
    %add3A_91 = arith.constant 9 : i32
    %add3A_92 = arith.addi %mul3A_90, %add3A_91 : i32
    %get3A_93 = arith.constant 0 : index
    %get3A_94 = memref.load %arg4[%get3A_93] : memref<1xi32, #tpu.memory_space<smem>>
    %lt3A_95 = arith.cmpi slt, %add3A_92, %get3A_94 : i32
    %convert_element_type3A_96 = arith.extui %lt3A_95 : i1 to i32
    %cond3A_97 = arith.constant 0 : i32
    %cond3A_98 = arith.cmpi ne, %convert_element_type3A_96, %cond3A_97 : i32
    scf.if %cond3A_98 {
      %mul3A_159 = arith.constant 16 : i32
      %mul3A_160 = arith.muli %arg0, %mul3A_159 : i32
      %add3A_161 = arith.constant 9 : i32
      %add3A_162 = arith.addi %mul3A_160, %add3A_161 : i32
      %get3A_163 = arith.index_cast %add3A_162 : i32 to index
      %get3A_164 = memref.load %arg3[%get3A_163] : memref<2048xi32, #tpu.memory_space<smem>>
      %get3A_165 = arith.constant 0 : index
      %get3A_166 = arith.constant 0 : index
      %get3A_167 = arith.constant 0 : index
      %get3A_168 = vector.load %arg14[%get3A_165, %get3A_166, %get3A_167] : memref<1x1x8192xf32, #tpu.memory_space<vmem>>, vector<1x1x8192xf32>
      %reshape3A = vector.shape_cast %get3A_168 : vector<1x1x8192xf32> to vector<8x1024xf32>
      %gt3A = arith.constant 0 : i32
      %gt3A_169 = arith.cmpi sgt, %get3A_164, %gt3A : i32
      %select_n3A = arith.select %gt3A_169, %reshape3A, %get3A_3 : vector<8x1024xf32>
      %add3A_170 = arith.constant 9.99999996E-13 : f32
      %add3A_171 = vector.broadcast %add3A_170 : f32 to vector<8x1024xf32>
      %add3A_172 = arith.addf %select_n3A, %add3A_171 : vector<8x1024xf32>
      %log3A = math.log %add3A_172 : vector<8x1024xf32>
      %get3A_173 = arith.constant 0 : index
      %get3A_174 = arith.constant 0 : index
      %get3A_175 = arith.constant 0 : index
      %get3A_176 = vector.load %arg30[%get3A_173, %get3A_174, %get3A_175] : memref<1x8x1024xf32, #tpu.memory_space<vmem>>, vector<1x8x1024xf32>
      %get3A_177 = vector.shape_cast %get3A_176 : vector<1x8x1024xf32> to vector<8x1024xf32>
      %add3A_178 = arith.addf %log3A, %get3A_177 : vector<8x1024xf32>
      %reduce_max3A = vector.shape_cast %add3A_178 : vector<8x1024xf32> to vector<1x8x1024xf32>
      %reduce_max3A_179 = arith.constant dense<0xFF800000> : vector<1xf32>
      %reduce_max3A_180 = vector.multi_reduction <maximumf>, %reduce_max3A, %reduce_max3A_179 [1, 2] : vector<1x8x1024xf32> to vector<1xf32>
      %reduce_max3A_181 = vector.shape_cast %reduce_max3A_180 : vector<1xf32> to vector<1x1x1xf32>
      %reduce_max3A_182 = vector.extract %reduce_max3A_181[0, 0, 0] : f32 from vector<1x1x1xf32>
      %iota3A = tpu.iota {dimensions = array<i32: 0>} : vector<8x1024xi32>
      %mul3A_183 = arith.constant 1024 : i32
      %mul3A_184 = vector.broadcast %mul3A_183 : i32 to vector<8x1024xi32>
      %mul3A_185 = arith.muli %iota3A, %mul3A_184 : vector<8x1024xi32>
      %iota3A_186 = tpu.iota {dimensions = array<i32: 1>} : vector<8x1024xi32>
      %add3A_187 = arith.addi %mul3A_185, %iota3A_186 : vector<8x1024xi32>
      %eq3A = vector.broadcast %reduce_max3A_182 : f32 to vector<8x1024xf32>
      %eq3A_188 = arith.cmpf oeq, %add3A_178, %eq3A : vector<8x1024xf32>
      %jit3A = arith.constant 8192 : i32
      %broadcast_in_dim3A = vector.broadcast %jit3A : i32 to vector<8x1024xi32>
      %select_n3A_189 = arith.select %eq3A_188, %add3A_187, %broadcast_in_dim3A : vector<8x1024xi1>, vector<8x1024xi32>
      %reduce_min3A = vector.shape_cast %select_n3A_189 : vector<8x1024xi32> to vector<1x8x1024xi32>
      %reduce_min3A_190 = arith.constant dense<2147483647> : vector<1xi32>
      %reduce_min3A_191 = vector.multi_reduction <minsi>, %reduce_min3A, %reduce_min3A_190 [1, 2] : vector<1x8x1024xi32> to vector<1xi32>
      %reduce_min3A_192 = vector.shape_cast %reduce_min3A_191 : vector<1xi32> to vector<1x1x1xi32>
      %reduce_min3A_193 = vector.extract %reduce_min3A_192[0, 0, 0] : i32 from vector<1x1x1xi32>
      %broadcast_in_dim3A_194 = vector.broadcast %reduce_min3A_193 : i32 to vector<128xi32>
      %swap3A = arith.constant 9 : index
      %swap3A_195 = arith.constant 0 : index
      %swap3A_196 = vector.load %arg38[%swap3A, %swap3A_195] : memref<16x128xi32, #tpu.memory_space<vmem>>, vector<1x128xi32>
      %swap3A_197 = vector.shape_cast %swap3A_196 : vector<1x128xi32> to vector<128xi32>
      %swap3A_198 = vector.shape_cast %broadcast_in_dim3A_194 : vector<128xi32> to vector<1x128xi32>
      tpu.vector_store %arg38[%swap3A, %swap3A_195], %swap3A_198 {strides = array<i32>} : memref<16x128xi32, #tpu.memory_space<vmem>>, vector<1x128xi32>,
    } else {
    }
    %mul3A_99 = arith.constant 16 : i32
    %mul3A_100 = arith.muli %arg0, %mul3A_99 : i32
    %add3A_101 = arith.constant 10 : i32
    %add3A_102 = arith.addi %mul3A_100, %add3A_101 : i32
    %get3A_103 = arith.constant 0 : index
    %get3A_104 = memref.load %arg4[%get3A_103] : memref<1xi32, #tpu.memory_space<smem>>
    %lt3A_105 = arith.cmpi slt, %add3A_102, %get3A_104 : i32
    %convert_element_type3A_106 = arith.extui %lt3A_105 : i1 to i32
    %cond3A_107 = arith.constant 0 : i32
    %cond3A_108 = arith.cmpi ne, %convert_element_type3A_106, %cond3A_107 : i32
    scf.if %cond3A_108 {
      %mul3A_159 = arith.constant 16 : i32
      %mul3A_160 = arith.muli %arg0, %mul3A_159 : i32
      %add3A_161 = arith.constant 10 : i32
      %add3A_162 = arith.addi %mul3A_160, %add3A_161 : i32
      %get3A_163 = arith.index_cast %add3A_162 : i32 to index
      %get3A_164 = memref.load %arg3[%get3A_163] : memref<2048xi32, #tpu.memory_space<smem>>
      %get3A_165 = arith.constant 0 : index
      %get3A_166 = arith.constant 0 : index
      %get3A_167 = arith.constant 0 : index
      %get3A_168 = vector.load %arg15[%get3A_165, %get3A_166, %get3A_167] : memref<1x1x8192xf32, #tpu.memory_space<vmem>>, vector<1x1x8192xf32>
      %reshape3A = vector.shape_cast %get3A_168 : vector<1x1x8192xf32> to vector<8x1024xf32>
      %gt3A = arith.constant 0 : i32
      %gt3A_169 = arith.cmpi sgt, %get3A_164, %gt3A : i32
      %select_n3A = arith.select %gt3A_169, %reshape3A, %get3A_3 : vector<8x1024xf32>
      %add3A_170 = arith.constant 9.99999996E-13 : f32
      %add3A_171 = vector.broadcast %add3A_170 : f32 to vector<8x1024xf32>
      %add3A_172 = arith.addf %select_n3A, %add3A_171 : vector<8x1024xf32>
      %log3A = math.log %add3A_172 : vector<8x1024xf32>
      %get3A_173 = arith.constant 0 : index
      %get3A_174 = arith.constant 0 : index
      %get3A_175 = arith.constant 0 : index
      %get3A_176 = vector.load %arg31[%get3A_173, %get3A_174, %get3A_175] : memref<1x8x1024xf32, #tpu.memory_space<vmem>>, vector<1x8x1024xf32>
      %get3A_177 = vector.shape_cast %get3A_176 : vector<1x8x1024xf32> to vector<8x1024xf32>
      %add3A_178 = arith.addf %log3A, %get3A_177 : vector<8x1024xf32>
      %reduce_max3A = vector.shape_cast %add3A_178 : vector<8x1024xf32> to vector<1x8x1024xf32>
      %reduce_max3A_179 = arith.constant dense<0xFF800000> : vector<1xf32>
      %reduce_max3A_180 = vector.multi_reduction <maximumf>, %reduce_max3A, %reduce_max3A_179 [1, 2] : vector<1x8x1024xf32> to vector<1xf32>
      %reduce_max3A_181 = vector.shape_cast %reduce_max3A_180 : vector<1xf32> to vector<1x1x1xf32>
      %reduce_max3A_182 = vector.extract %reduce_max3A_181[0, 0, 0] : f32 from vector<1x1x1xf32>
      %iota3A = tpu.iota {dimensions = array<i32: 0>} : vector<8x1024xi32>
      %mul3A_183 = arith.constant 1024 : i32
      %mul3A_184 = vector.broadcast %mul3A_183 : i32 to vector<8x1024xi32>
      %mul3A_185 = arith.muli %iota3A, %mul3A_184 : vector<8x1024xi32>
      %iota3A_186 = tpu.iota {dimensions = array<i32: 1>} : vector<8x1024xi32>
      %add3A_187 = arith.addi %mul3A_185, %iota3A_186 : vector<8x1024xi32>
      %eq3A = vector.broadcast %reduce_max3A_182 : f32 to vector<8x1024xf32>
      %eq3A_188 = arith.cmpf oeq, %add3A_178, %eq3A : vector<8x1024xf32>
      %jit3A = arith.constant 8192 : i32
      %broadcast_in_dim3A = vector.broadcast %jit3A : i32 to vector<8x1024xi32>
      %select_n3A_189 = arith.select %eq3A_188, %add3A_187, %broadcast_in_dim3A : vector<8x1024xi1>, vector<8x1024xi32>
      %reduce_min3A = vector.shape_cast %select_n3A_189 : vector<8x1024xi32> to vector<1x8x1024xi32>
      %reduce_min3A_190 = arith.constant dense<2147483647> : vector<1xi32>
      %reduce_min3A_191 = vector.multi_reduction <minsi>, %reduce_min3A, %reduce_min3A_190 [1, 2] : vector<1x8x1024xi32> to vector<1xi32>
      %reduce_min3A_192 = vector.shape_cast %reduce_min3A_191 : vector<1xi32> to vector<1x1x1xi32>
      %reduce_min3A_193 = vector.extract %reduce_min3A_192[0, 0, 0] : i32 from vector<1x1x1xi32>
      %broadcast_in_dim3A_194 = vector.broadcast %reduce_min3A_193 : i32 to vector<128xi32>
      %swap3A = arith.constant 10 : index
      %swap3A_195 = arith.constant 0 : index
      %swap3A_196 = vector.load %arg38[%swap3A, %swap3A_195] : memref<16x128xi32, #tpu.memory_space<vmem>>, vector<1x128xi32>
      %swap3A_197 = vector.shape_cast %swap3A_196 : vector<1x128xi32> to vector<128xi32>
      %swap3A_198 = vector.shape_cast %broadcast_in_dim3A_194 : vector<128xi32> to vector<1x128xi32>
      tpu.vector_store %arg38[%swap3A, %swap3A_195], %swap3A_198 {strides = array<i32>} : memref<16x128xi32, #tpu.memory_space<vmem>>, vector<1x128xi32>,
    } else {
    }
    %mul3A_109 = arith.constant 16 : i32
    %mul3A_110 = arith.muli %arg0, %mul3A_109 : i32
    %add3A_111 = arith.constant 11 : i32
    %add3A_112 = arith.addi %mul3A_110, %add3A_111 : i32
    %get3A_113 = arith.constant 0 : index
    %get3A_114 = memref.load %arg4[%get3A_113] : memref<1xi32, #tpu.memory_space<smem>>
    %lt3A_115 = arith.cmpi slt, %add3A_112, %get3A_114 : i32
    %convert_element_type3A_116 = arith.extui %lt3A_115 : i1 to i32
    %cond3A_117 = arith.constant 0 : i32
    %cond3A_118 = arith.cmpi ne, %convert_element_type3A_116, %cond3A_117 : i32
    scf.if %cond3A_118 {
      %mul3A_159 = arith.constant 16 : i32
      %mul3A_160 = arith.muli %arg0, %mul3A_159 : i32
      %add3A_161 = arith.constant 11 : i32
      %add3A_162 = arith.addi %mul3A_160, %add3A_161 : i32
      %get3A_163 = arith.index_cast %add3A_162 : i32 to index
      %get3A_164 = memref.load %arg3[%get3A_163] : memref<2048xi32, #tpu.memory_space<smem>>
      %get3A_165 = arith.constant 0 : index
      %get3A_166 = arith.constant 0 : index
      %get3A_167 = arith.constant 0 : index
      %get3A_168 = vector.load %arg16[%get3A_165, %get3A_166, %get3A_167] : memref<1x1x8192xf32, #tpu.memory_space<vmem>>, vector<1x1x8192xf32>
      %reshape3A = vector.shape_cast %get3A_168 : vector<1x1x8192xf32> to vector<8x1024xf32>
      %gt3A = arith.constant 0 : i32
      %gt3A_169 = arith.cmpi sgt, %get3A_164, %gt3A : i32
      %select_n3A = arith.select %gt3A_169, %reshape3A, %get3A_3 : vector<8x1024xf32>
      %add3A_170 = arith.constant 9.99999996E-13 : f32
      %add3A_171 = vector.broadcast %add3A_170 : f32 to vector<8x1024xf32>
      %add3A_172 = arith.addf %select_n3A, %add3A_171 : vector<8x1024xf32>
      %log3A = math.log %add3A_172 : vector<8x1024xf32>
      %get3A_173 = arith.constant 0 : index
      %get3A_174 = arith.constant 0 : index
      %get3A_175 = arith.constant 0 : index
      %get3A_176 = vector.load %arg32[%get3A_173, %get3A_174, %get3A_175] : memref<1x8x1024xf32, #tpu.memory_space<vmem>>, vector<1x8x1024xf32>
      %get3A_177 = vector.shape_cast %get3A_176 : vector<1x8x1024xf32> to vector<8x1024xf32>
      %add3A_178 = arith.addf %log3A, %get3A_177 : vector<8x1024xf32>
      %reduce_max3A = vector.shape_cast %add3A_178 : vector<8x1024xf32> to vector<1x8x1024xf32>
      %reduce_max3A_179 = arith.constant dense<0xFF800000> : vector<1xf32>
      %reduce_max3A_180 = vector.multi_reduction <maximumf>, %reduce_max3A, %reduce_max3A_179 [1, 2] : vector<1x8x1024xf32> to vector<1xf32>
      %reduce_max3A_181 = vector.shape_cast %reduce_max3A_180 : vector<1xf32> to vector<1x1x1xf32>
      %reduce_max3A_182 = vector.extract %reduce_max3A_181[0, 0, 0] : f32 from vector<1x1x1xf32>
      %iota3A = tpu.iota {dimensions = array<i32: 0>} : vector<8x1024xi32>
      %mul3A_183 = arith.constant 1024 : i32
      %mul3A_184 = vector.broadcast %mul3A_183 : i32 to vector<8x1024xi32>
      %mul3A_185 = arith.muli %iota3A, %mul3A_184 : vector<8x1024xi32>
      %iota3A_186 = tpu.iota {dimensions = array<i32: 1>} : vector<8x1024xi32>
      %add3A_187 = arith.addi %mul3A_185, %iota3A_186 : vector<8x1024xi32>
      %eq3A = vector.broadcast %reduce_max3A_182 : f32 to vector<8x1024xf32>
      %eq3A_188 = arith.cmpf oeq, %add3A_178, %eq3A : vector<8x1024xf32>
      %jit3A = arith.constant 8192 : i32
      %broadcast_in_dim3A = vector.broadcast %jit3A : i32 to vector<8x1024xi32>
      %select_n3A_189 = arith.select %eq3A_188, %add3A_187, %broadcast_in_dim3A : vector<8x1024xi1>, vector<8x1024xi32>
      %reduce_min3A = vector.shape_cast %select_n3A_189 : vector<8x1024xi32> to vector<1x8x1024xi32>
      %reduce_min3A_190 = arith.constant dense<2147483647> : vector<1xi32>
      %reduce_min3A_191 = vector.multi_reduction <minsi>, %reduce_min3A, %reduce_min3A_190 [1, 2] : vector<1x8x1024xi32> to vector<1xi32>
      %reduce_min3A_192 = vector.shape_cast %reduce_min3A_191 : vector<1xi32> to vector<1x1x1xi32>
      %reduce_min3A_193 = vector.extract %reduce_min3A_192[0, 0, 0] : i32 from vector<1x1x1xi32>
      %broadcast_in_dim3A_194 = vector.broadcast %reduce_min3A_193 : i32 to vector<128xi32>
      %swap3A = arith.constant 11 : index
      %swap3A_195 = arith.constant 0 : index
      %swap3A_196 = vector.load %arg38[%swap3A, %swap3A_195] : memref<16x128xi32, #tpu.memory_space<vmem>>, vector<1x128xi32>
      %swap3A_197 = vector.shape_cast %swap3A_196 : vector<1x128xi32> to vector<128xi32>
      %swap3A_198 = vector.shape_cast %broadcast_in_dim3A_194 : vector<128xi32> to vector<1x128xi32>
      tpu.vector_store %arg38[%swap3A, %swap3A_195], %swap3A_198 {strides = array<i32>} : memref<16x128xi32, #tpu.memory_space<vmem>>, vector<1x128xi32>,
    } else {
    }
    %mul3A_119 = arith.constant 16 : i32
    %mul3A_120 = arith.muli %arg0, %mul3A_119 : i32
    %add3A_121 = arith.constant 12 : i32
    %add3A_122 = arith.addi %mul3A_120, %add3A_121 : i32
    %get3A_123 = arith.constant 0 : index
    %get3A_124 = memref.load %arg4[%get3A_123] : memref<1xi32, #tpu.memory_space<smem>>
    %lt3A_125 = arith.cmpi slt, %add3A_122, %get3A_124 : i32
    %convert_element_type3A_126 = arith.extui %lt3A_125 : i1 to i32
    %cond3A_127 = arith.constant 0 : i32
    %cond3A_128 = arith.cmpi ne, %convert_element_type3A_126, %cond3A_127 : i32
    scf.if %cond3A_128 {
      %mul3A_159 = arith.constant 16 : i32
      %mul3A_160 = arith.muli %arg0, %mul3A_159 : i32
      %add3A_161 = arith.constant 12 : i32
      %add3A_162 = arith.addi %mul3A_160, %add3A_161 : i32
      %get3A_163 = arith.index_cast %add3A_162 : i32 to index
      %get3A_164 = memref.load %arg3[%get3A_163] : memref<2048xi32, #tpu.memory_space<smem>>
      %get3A_165 = arith.constant 0 : index
      %get3A_166 = arith.constant 0 : index
      %get3A_167 = arith.constant 0 : index
      %get3A_168 = vector.load %arg17[%get3A_165, %get3A_166, %get3A_167] : memref<1x1x8192xf32, #tpu.memory_space<vmem>>, vector<1x1x8192xf32>
      %reshape3A = vector.shape_cast %get3A_168 : vector<1x1x8192xf32> to vector<8x1024xf32>
      %gt3A = arith.constant 0 : i32
      %gt3A_169 = arith.cmpi sgt, %get3A_164, %gt3A : i32
      %select_n3A = arith.select %gt3A_169, %reshape3A, %get3A_3 : vector<8x1024xf32>
      %add3A_170 = arith.constant 9.99999996E-13 : f32
      %add3A_171 = vector.broadcast %add3A_170 : f32 to vector<8x1024xf32>
      %add3A_172 = arith.addf %select_n3A, %add3A_171 : vector<8x1024xf32>
      %log3A = math.log %add3A_172 : vector<8x1024xf32>
      %get3A_173 = arith.constant 0 : index
      %get3A_174 = arith.constant 0 : index
      %get3A_175 = arith.constant 0 : index
      %get3A_176 = vector.load %arg33[%get3A_173, %get3A_174, %get3A_175] : memref<1x8x1024xf32, #tpu.memory_space<vmem>>, vector<1x8x1024xf32>
      %get3A_177 = vector.shape_cast %get3A_176 : vector<1x8x1024xf32> to vector<8x1024xf32>
      %add3A_178 = arith.addf %log3A, %get3A_177 : vector<8x1024xf32>
      %reduce_max3A = vector.shape_cast %add3A_178 : vector<8x1024xf32> to vector<1x8x1024xf32>
      %reduce_max3A_179 = arith.constant dense<0xFF800000> : vector<1xf32>
      %reduce_max3A_180 = vector.multi_reduction <maximumf>, %reduce_max3A, %reduce_max3A_179 [1, 2] : vector<1x8x1024xf32> to vector<1xf32>
      %reduce_max3A_181 = vector.shape_cast %reduce_max3A_180 : vector<1xf32> to vector<1x1x1xf32>
      %reduce_max3A_182 = vector.extract %reduce_max3A_181[0, 0, 0] : f32 from vector<1x1x1xf32>
      %iota3A = tpu.iota {dimensions = array<i32: 0>} : vector<8x1024xi32>
      %mul3A_183 = arith.constant 1024 : i32
      %mul3A_184 = vector.broadcast %mul3A_183 : i32 to vector<8x1024xi32>
      %mul3A_185 = arith.muli %iota3A, %mul3A_184 : vector<8x1024xi32>
      %iota3A_186 = tpu.iota {dimensions = array<i32: 1>} : vector<8x1024xi32>
      %add3A_187 = arith.addi %mul3A_185, %iota3A_186 : vector<8x1024xi32>
      %eq3A = vector.broadcast %reduce_max3A_182 : f32 to vector<8x1024xf32>
      %eq3A_188 = arith.cmpf oeq, %add3A_178, %eq3A : vector<8x1024xf32>
      %jit3A = arith.constant 8192 : i32
      %broadcast_in_dim3A = vector.broadcast %jit3A : i32 to vector<8x1024xi32>
      %select_n3A_189 = arith.select %eq3A_188, %add3A_187, %broadcast_in_dim3A : vector<8x1024xi1>, vector<8x1024xi32>
      %reduce_min3A = vector.shape_cast %select_n3A_189 : vector<8x1024xi32> to vector<1x8x1024xi32>
      %reduce_min3A_190 = arith.constant dense<2147483647> : vector<1xi32>
      %reduce_min3A_191 = vector.multi_reduction <minsi>, %reduce_min3A, %reduce_min3A_190 [1, 2] : vector<1x8x1024xi32> to vector<1xi32>
      %reduce_min3A_192 = vector.shape_cast %reduce_min3A_191 : vector<1xi32> to vector<1x1x1xi32>
      %reduce_min3A_193 = vector.extract %reduce_min3A_192[0, 0, 0] : i32 from vector<1x1x1xi32>
      %broadcast_in_dim3A_194 = vector.broadcast %reduce_min3A_193 : i32 to vector<128xi32>
      %swap3A = arith.constant 12 : index
      %swap3A_195 = arith.constant 0 : index
      %swap3A_196 = vector.load %arg38[%swap3A, %swap3A_195] : memref<16x128xi32, #tpu.memory_space<vmem>>, vector<1x128xi32>
      %swap3A_197 = vector.shape_cast %swap3A_196 : vector<1x128xi32> to vector<128xi32>
      %swap3A_198 = vector.shape_cast %broadcast_in_dim3A_194 : vector<128xi32> to vector<1x128xi32>
      tpu.vector_store %arg38[%swap3A, %swap3A_195], %swap3A_198 {strides = array<i32>} : memref<16x128xi32, #tpu.memory_space<vmem>>, vector<1x128xi32>,
    } else {
    }
    %mul3A_129 = arith.constant 16 : i32
    %mul3A_130 = arith.muli %arg0, %mul3A_129 : i32
    %add3A_131 = arith.constant 13 : i32
    %add3A_132 = arith.addi %mul3A_130, %add3A_131 : i32
    %get3A_133 = arith.constant 0 : index
    %get3A_134 = memref.load %arg4[%get3A_133] : memref<1xi32, #tpu.memory_space<smem>>
    %lt3A_135 = arith.cmpi slt, %add3A_132, %get3A_134 : i32
    %convert_element_type3A_136 = arith.extui %lt3A_135 : i1 to i32
    %cond3A_137 = arith.constant 0 : i32
    %cond3A_138 = arith.cmpi ne, %convert_element_type3A_136, %cond3A_137 : i32
    scf.if %cond3A_138 {
      %mul3A_159 = arith.constant 16 : i32
      %mul3A_160 = arith.muli %arg0, %mul3A_159 : i32
      %add3A_161 = arith.constant 13 : i32
      %add3A_162 = arith.addi %mul3A_160, %add3A_161 : i32
      %get3A_163 = arith.index_cast %add3A_162 : i32 to index
      %get3A_164 = memref.load %arg3[%get3A_163] : memref<2048xi32, #tpu.memory_space<smem>>
      %get3A_165 = arith.constant 0 : index
      %get3A_166 = arith.constant 0 : index
      %get3A_167 = arith.constant 0 : index
      %get3A_168 = vector.load %arg18[%get3A_165, %get3A_166, %get3A_167] : memref<1x1x8192xf32, #tpu.memory_space<vmem>>, vector<1x1x8192xf32>
      %reshape3A = vector.shape_cast %get3A_168 : vector<1x1x8192xf32> to vector<8x1024xf32>
      %gt3A = arith.constant 0 : i32
      %gt3A_169 = arith.cmpi sgt, %get3A_164, %gt3A : i32
      %select_n3A = arith.select %gt3A_169, %reshape3A, %get3A_3 : vector<8x1024xf32>
      %add3A_170 = arith.constant 9.99999996E-13 : f32
      %add3A_171 = vector.broadcast %add3A_170 : f32 to vector<8x1024xf32>
      %add3A_172 = arith.addf %select_n3A, %add3A_171 : vector<8x1024xf32>
      %log3A = math.log %add3A_172 : vector<8x1024xf32>
      %get3A_173 = arith.constant 0 : index
      %get3A_174 = arith.constant 0 : index
      %get3A_175 = arith.constant 0 : index
      %get3A_176 = vector.load %arg34[%get3A_173, %get3A_174, %get3A_175] : memref<1x8x1024xf32, #tpu.memory_space<vmem>>, vector<1x8x1024xf32>
      %get3A_177 = vector.shape_cast %get3A_176 : vector<1x8x1024xf32> to vector<8x1024xf32>
      %add3A_178 = arith.addf %log3A, %get3A_177 : vector<8x1024xf32>
      %reduce_max3A = vector.shape_cast %add3A_178 : vector<8x1024xf32> to vector<1x8x1024xf32>
      %reduce_max3A_179 = arith.constant dense<0xFF800000> : vector<1xf32>
      %reduce_max3A_180 = vector.multi_reduction <maximumf>, %reduce_max3A, %reduce_max3A_179 [1, 2] : vector<1x8x1024xf32> to vector<1xf32>
      %reduce_max3A_181 = vector.shape_cast %reduce_max3A_180 : vector<1xf32> to vector<1x1x1xf32>
      %reduce_max3A_182 = vector.extract %reduce_max3A_181[0, 0, 0] : f32 from vector<1x1x1xf32>
      %iota3A = tpu.iota {dimensions = array<i32: 0>} : vector<8x1024xi32>
      %mul3A_183 = arith.constant 1024 : i32
      %mul3A_184 = vector.broadcast %mul3A_183 : i32 to vector<8x1024xi32>
      %mul3A_185 = arith.muli %iota3A, %mul3A_184 : vector<8x1024xi32>
      %iota3A_186 = tpu.iota {dimensions = array<i32: 1>} : vector<8x1024xi32>
      %add3A_187 = arith.addi %mul3A_185, %iota3A_186 : vector<8x1024xi32>
      %eq3A = vector.broadcast %reduce_max3A_182 : f32 to vector<8x1024xf32>
      %eq3A_188 = arith.cmpf oeq, %add3A_178, %eq3A : vector<8x1024xf32>
      %jit3A = arith.constant 8192 : i32
      %broadcast_in_dim3A = vector.broadcast %jit3A : i32 to vector<8x1024xi32>
      %select_n3A_189 = arith.select %eq3A_188, %add3A_187, %broadcast_in_dim3A : vector<8x1024xi1>, vector<8x1024xi32>
      %reduce_min3A = vector.shape_cast %select_n3A_189 : vector<8x1024xi32> to vector<1x8x1024xi32>
      %reduce_min3A_190 = arith.constant dense<2147483647> : vector<1xi32>
      %reduce_min3A_191 = vector.multi_reduction <minsi>, %reduce_min3A, %reduce_min3A_190 [1, 2] : vector<1x8x1024xi32> to vector<1xi32>
      %reduce_min3A_192 = vector.shape_cast %reduce_min3A_191 : vector<1xi32> to vector<1x1x1xi32>
      %reduce_min3A_193 = vector.extract %reduce_min3A_192[0, 0, 0] : i32 from vector<1x1x1xi32>
      %broadcast_in_dim3A_194 = vector.broadcast %reduce_min3A_193 : i32 to vector<128xi32>
      %swap3A = arith.constant 13 : index
      %swap3A_195 = arith.constant 0 : index
      %swap3A_196 = vector.load %arg38[%swap3A, %swap3A_195] : memref<16x128xi32, #tpu.memory_space<vmem>>, vector<1x128xi32>
      %swap3A_197 = vector.shape_cast %swap3A_196 : vector<1x128xi32> to vector<128xi32>
      %swap3A_198 = vector.shape_cast %broadcast_in_dim3A_194 : vector<128xi32> to vector<1x128xi32>
      tpu.vector_store %arg38[%swap3A, %swap3A_195], %swap3A_198 {strides = array<i32>} : memref<16x128xi32, #tpu.memory_space<vmem>>, vector<1x128xi32>,
    } else {
    }
    %mul3A_139 = arith.constant 16 : i32
    %mul3A_140 = arith.muli %arg0, %mul3A_139 : i32
    %add3A_141 = arith.constant 14 : i32
    %add3A_142 = arith.addi %mul3A_140, %add3A_141 : i32
    %get3A_143 = arith.constant 0 : index
    %get3A_144 = memref.load %arg4[%get3A_143] : memref<1xi32, #tpu.memory_space<smem>>
    %lt3A_145 = arith.cmpi slt, %add3A_142, %get3A_144 : i32
    %convert_element_type3A_146 = arith.extui %lt3A_145 : i1 to i32
    %cond3A_147 = arith.constant 0 : i32
    %cond3A_148 = arith.cmpi ne, %convert_element_type3A_146, %cond3A_147 : i32
    scf.if %cond3A_148 {
      %mul3A_159 = arith.constant 16 : i32
      %mul3A_160 = arith.muli %arg0, %mul3A_159 : i32
      %add3A_161 = arith.constant 14 : i32
      %add3A_162 = arith.addi %mul3A_160, %add3A_161 : i32
      %get3A_163 = arith.index_cast %add3A_162 : i32 to index
      %get3A_164 = memref.load %arg3[%get3A_163] : memref<2048xi32, #tpu.memory_space<smem>>
      %get3A_165 = arith.constant 0 : index
      %get3A_166 = arith.constant 0 : index
      %get3A_167 = arith.constant 0 : index
      %get3A_168 = vector.load %arg19[%get3A_165, %get3A_166, %get3A_167] : memref<1x1x8192xf32, #tpu.memory_space<vmem>>, vector<1x1x8192xf32>
      %reshape3A = vector.shape_cast %get3A_168 : vector<1x1x8192xf32> to vector<8x1024xf32>
      %gt3A = arith.constant 0 : i32
      %gt3A_169 = arith.cmpi sgt, %get3A_164, %gt3A : i32
      %select_n3A = arith.select %gt3A_169, %reshape3A, %get3A_3 : vector<8x1024xf32>
      %add3A_170 = arith.constant 9.99999996E-13 : f32
      %add3A_171 = vector.broadcast %add3A_170 : f32 to vector<8x1024xf32>
      %add3A_172 = arith.addf %select_n3A, %add3A_171 : vector<8x1024xf32>
      %log3A = math.log %add3A_172 : vector<8x1024xf32>
      %get3A_173 = arith.constant 0 : index
      %get3A_174 = arith.constant 0 : index
      %get3A_175 = arith.constant 0 : index
      %get3A_176 = vector.load %arg35[%get3A_173, %get3A_174, %get3A_175] : memref<1x8x1024xf32, #tpu.memory_space<vmem>>, vector<1x8x1024xf32>
      %get3A_177 = vector.shape_cast %get3A_176 : vector<1x8x1024xf32> to vector<8x1024xf32>
      %add3A_178 = arith.addf %log3A, %get3A_177 : vector<8x1024xf32>
      %reduce_max3A = vector.shape_cast %add3A_178 : vector<8x1024xf32> to vector<1x8x1024xf32>
      %reduce_max3A_179 = arith.constant dense<0xFF800000> : vector<1xf32>
      %reduce_max3A_180 = vector.multi_reduction <maximumf>, %reduce_max3A, %reduce_max3A_179 [1, 2] : vector<1x8x1024xf32> to vector<1xf32>
      %reduce_max3A_181 = vector.shape_cast %reduce_max3A_180 : vector<1xf32> to vector<1x1x1xf32>
      %reduce_max3A_182 = vector.extract %reduce_max3A_181[0, 0, 0] : f32 from vector<1x1x1xf32>
      %iota3A = tpu.iota {dimensions = array<i32: 0>} : vector<8x1024xi32>
      %mul3A_183 = arith.constant 1024 : i32
      %mul3A_184 = vector.broadcast %mul3A_183 : i32 to vector<8x1024xi32>
      %mul3A_185 = arith.muli %iota3A, %mul3A_184 : vector<8x1024xi32>
      %iota3A_186 = tpu.iota {dimensions = array<i32: 1>} : vector<8x1024xi32>
      %add3A_187 = arith.addi %mul3A_185, %iota3A_186 : vector<8x1024xi32>
      %eq3A = vector.broadcast %reduce_max3A_182 : f32 to vector<8x1024xf32>
      %eq3A_188 = arith.cmpf oeq, %add3A_178, %eq3A : vector<8x1024xf32>
      %jit3A = arith.constant 8192 : i32
      %broadcast_in_dim3A = vector.broadcast %jit3A : i32 to vector<8x1024xi32>
      %select_n3A_189 = arith.select %eq3A_188, %add3A_187, %broadcast_in_dim3A : vector<8x1024xi1>, vector<8x1024xi32>
      %reduce_min3A = vector.shape_cast %select_n3A_189 : vector<8x1024xi32> to vector<1x8x1024xi32>
      %reduce_min3A_190 = arith.constant dense<2147483647> : vector<1xi32>
      %reduce_min3A_191 = vector.multi_reduction <minsi>, %reduce_min3A, %reduce_min3A_190 [1, 2] : vector<1x8x1024xi32> to vector<1xi32>
      %reduce_min3A_192 = vector.shape_cast %reduce_min3A_191 : vector<1xi32> to vector<1x1x1xi32>
      %reduce_min3A_193 = vector.extract %reduce_min3A_192[0, 0, 0] : i32 from vector<1x1x1xi32>
      %broadcast_in_dim3A_194 = vector.broadcast %reduce_min3A_193 : i32 to vector<128xi32>
      %swap3A = arith.constant 14 : index
      %swap3A_195 = arith.constant 0 : index
      %swap3A_196 = vector.load %arg38[%swap3A, %swap3A_195] : memref<16x128xi32, #tpu.memory_space<vmem>>, vector<1x128xi32>
      %swap3A_197 = vector.shape_cast %swap3A_196 : vector<1x128xi32> to vector<128xi32>
      %swap3A_198 = vector.shape_cast %broadcast_in_dim3A_194 : vector<128xi32> to vector<1x128xi32>
      tpu.vector_store %arg38[%swap3A, %swap3A_195], %swap3A_198 {strides = array<i32>} : memref<16x128xi32, #tpu.memory_space<vmem>>, vector<1x128xi32>,
    } else {
    }
    %mul3A_149 = arith.constant 16 : i32
    %mul3A_150 = arith.muli %arg0, %mul3A_149 : i32
    %add3A_151 = arith.constant 15 : i32
    %add3A_152 = arith.addi %mul3A_150, %add3A_151 : i32
    %get3A_153 = arith.constant 0 : index
    %get3A_154 = memref.load %arg4[%get3A_153] : memref<1xi32, #tpu.memory_space<smem>>
    %lt3A_155 = arith.cmpi slt, %add3A_152, %get3A_154 : i32
    %convert_element_type3A_156 = arith.extui %lt3A_155 : i1 to i32
    %cond3A_157 = arith.constant 0 : i32
    %cond3A_158 = arith.cmpi ne, %convert_element_type3A_156, %cond3A_157 : i32
    scf.if %cond3A_158 {
      %mul3A_159 = arith.constant 16 : i32
      %mul3A_160 = arith.muli %arg0, %mul3A_159 : i32
      %add3A_161 = arith.constant 15 : i32
      %add3A_162 = arith.addi %mul3A_160, %add3A_161 : i32
      %get3A_163 = arith.index_cast %add3A_162 : i32 to index
      %get3A_164 = memref.load %arg3[%get3A_163] : memref<2048xi32, #tpu.memory_space<smem>>
      %get3A_165 = arith.constant 0 : index
      %get3A_166 = arith.constant 0 : index
      %get3A_167 = arith.constant 0 : index
      %get3A_168 = vector.load %arg20[%get3A_165, %get3A_166, %get3A_167] : memref<1x1x8192xf32, #tpu.memory_space<vmem>>, vector<1x1x8192xf32>
      %reshape3A = vector.shape_cast %get3A_168 : vector<1x1x8192xf32> to vector<8x1024xf32>
      %gt3A = arith.constant 0 : i32
      %gt3A_169 = arith.cmpi sgt, %get3A_164, %gt3A : i32
      %select_n3A = arith.select %gt3A_169, %reshape3A, %get3A_3 : vector<8x1024xf32>
      %add3A_170 = arith.constant 9.99999996E-13 : f32
      %add3A_171 = vector.broadcast %add3A_170 : f32 to vector<8x1024xf32>
      %add3A_172 = arith.addf %select_n3A, %add3A_171 : vector<8x1024xf32>
      %log3A = math.log %add3A_172 : vector<8x1024xf32>
      %get3A_173 = arith.constant 0 : index
      %get3A_174 = arith.constant 0 : index
      %get3A_175 = arith.constant 0 : index
      %get3A_176 = vector.load %arg36[%get3A_173, %get3A_174, %get3A_175] : memref<1x8x1024xf32, #tpu.memory_space<vmem>>, vector<1x8x1024xf32>
      %get3A_177 = vector.shape_cast %get3A_176 : vector<1x8x1024xf32> to vector<8x1024xf32>
      %add3A_178 = arith.addf %log3A, %get3A_177 : vector<8x1024xf32>
      %reduce_max3A = vector.shape_cast %add3A_178 : vector<8x1024xf32> to vector<1x8x1024xf32>
      %reduce_max3A_179 = arith.constant dense<0xFF800000> : vector<1xf32>
      %reduce_max3A_180 = vector.multi_reduction <maximumf>, %reduce_max3A, %reduce_max3A_179 [1, 2] : vector<1x8x1024xf32> to vector<1xf32>
      %reduce_max3A_181 = vector.shape_cast %reduce_max3A_180 : vector<1xf32> to vector<1x1x1xf32>
      %reduce_max3A_182 = vector.extract %reduce_max3A_181[0, 0, 0] : f32 from vector<1x1x1xf32>
      %iota3A = tpu.iota {dimensions = array<i32: 0>} : vector<8x1024xi32>
      %mul3A_183 = arith.constant 1024 : i32
      %mul3A_184 = vector.broadcast %mul3A_183 : i32 to vector<8x1024xi32>
      %mul3A_185 = arith.muli %iota3A, %mul3A_184 : vector<8x1024xi32>
      %iota3A_186 = tpu.iota {dimensions = array<i32: 1>} : vector<8x1024xi32>
      %add3A_187 = arith.addi %mul3A_185, %iota3A_186 : vector<8x1024xi32>
      %eq3A = vector.broadcast %reduce_max3A_182 : f32 to vector<8x1024xf32>
      %eq3A_188 = arith.cmpf oeq, %add3A_178, %eq3A : vector<8x1024xf32>
      %jit3A = arith.constant 8192 : i32
      %broadcast_in_dim3A = vector.broadcast %jit3A : i32 to vector<8x1024xi32>
      %select_n3A_189 = arith.select %eq3A_188, %add3A_187, %broadcast_in_dim3A : vector<8x1024xi1>, vector<8x1024xi32>
      %reduce_min3A = vector.shape_cast %select_n3A_189 : vector<8x1024xi32> to vector<1x8x1024xi32>
      %reduce_min3A_190 = arith.constant dense<2147483647> : vector<1xi32>
      %reduce_min3A_191 = vector.multi_reduction <minsi>, %reduce_min3A, %reduce_min3A_190 [1, 2] : vector<1x8x1024xi32> to vector<1xi32>
      %reduce_min3A_192 = vector.shape_cast %reduce_min3A_191 : vector<1xi32> to vector<1x1x1xi32>
      %reduce_min3A_193 = vector.extract %reduce_min3A_192[0, 0, 0] : i32 from vector<1x1x1xi32>
      %broadcast_in_dim3A_194 = vector.broadcast %reduce_min3A_193 : i32 to vector<128xi32>
      %swap3A = arith.constant 15 : index
      %swap3A_195 = arith.constant 0 : index
      %swap3A_196 = vector.load %arg38[%swap3A, %swap3A_195] : memref<16x128xi32, #tpu.memory_space<vmem>>, vector<1x128xi32>
      %swap3A_197 = vector.shape_cast %swap3A_196 : vector<1x128xi32> to vector<128xi32>
      %swap3A_198 = vector.shape_cast %broadcast_in_dim3A_194 : vector<128xi32> to vector<1x128xi32>
      tpu.vector_store %arg38[%swap3A, %swap3A_195], %swap3A_198 {strides = array<i32>} : memref<16x128xi32, #tpu.memory_space<vmem>>, vector<1x128xi32>,
    } else {
    }
    return
  }
  func.func @transform_0(%arg0: i32, %arg1: memref<2048xi32, #tpu.memory_space<smem>>, %arg2: memref<2048xi32, #tpu.memory_space<smem>>, %arg3: memref<2048xi32, #tpu.memory_space<smem>>, %arg4: memref<1xi32, #tpu.memory_space<smem>>) -> (i32, i32, i32) {
    %mul3A = arith.constant 16 : i32
    %mul3A_0 = arith.muli %arg0, %mul3A : i32
    %add3A = arith.constant 0 : i32
    %add3A_1 = arith.addi %mul3A_0, %add3A : i32
    %get3A = arith.index_cast %add3A_1 : i32 to index
    %get3A_2 = memref.load %arg2[%get3A] : memref<2048xi32, #tpu.memory_space<smem>>
    %c0_i32 = arith.constant 0 : i32
    %c0_i32_3 = arith.constant 0 : i32
    %c0_i32_4 = arith.constant 0 : i32
    return %get3A_2, %c0_i32, %c0_i32_3 : i32, i32, i32
  }
  func.func @transform_1(%arg0: i32, %arg1: memref<2048xi32, #tpu.memory_space<smem>>, %arg2: memref<2048xi32, #tpu.memory_space<smem>>, %arg3: memref<2048xi32, #tpu.memory_space<smem>>, %arg4: memref<1xi32, #tpu.memory_space<smem>>) -> (i32, i32, i32) {
    %mul3A = arith.constant 16 : i32
    %mul3A_0 = arith.muli %arg0, %mul3A : i32
    %add3A = arith.constant 1 : i32
    %add3A_1 = arith.addi %mul3A_0, %add3A : i32
    %get3A = arith.index_cast %add3A_1 : i32 to index
    %get3A_2 = memref.load %arg2[%get3A] : memref<2048xi32, #tpu.memory_space<smem>>
    %c0_i32 = arith.constant 0 : i32
    %c0_i32_3 = arith.constant 0 : i32
    %c0_i32_4 = arith.constant 0 : i32
    return %get3A_2, %c0_i32, %c0_i32_3 : i32, i32, i32
  }
  func.func @transform_2(%arg0: i32, %arg1: memref<2048xi32, #tpu.memory_space<smem>>, %arg2: memref<2048xi32, #tpu.memory_space<smem>>, %arg3: memref<2048xi32, #tpu.memory_space<smem>>, %arg4: memref<1xi32, #tpu.memory_space<smem>>) -> (i32, i32, i32) {
    %mul3A = arith.constant 16 : i32
    %mul3A_0 = arith.muli %arg0, %mul3A : i32
    %add3A = arith.constant 2 : i32
    %add3A_1 = arith.addi %mul3A_0, %add3A : i32
    %get3A = arith.index_cast %add3A_1 : i32 to index
    %get3A_2 = memref.load %arg2[%get3A] : memref<2048xi32, #tpu.memory_space<smem>>
    %c0_i32 = arith.constant 0 : i32
    %c0_i32_3 = arith.constant 0 : i32
    %c0_i32_4 = arith.constant 0 : i32
    return %get3A_2, %c0_i32, %c0_i32_3 : i32, i32, i32
  }
  func.func @transform_3(%arg0: i32, %arg1: memref<2048xi32, #tpu.memory_space<smem>>, %arg2: memref<2048xi32, #tpu.memory_space<smem>>, %arg3: memref<2048xi32, #tpu.memory_space<smem>>, %arg4: memref<1xi32, #tpu.memory_space<smem>>) -> (i32, i32, i32) {
    %mul3A = arith.constant 16 : i32
    %mul3A_0 = arith.muli %arg0, %mul3A : i32
    %add3A = arith.constant 3 : i32
    %add3A_1 = arith.addi %mul3A_0, %add3A : i32
    %get3A = arith.index_cast %add3A_1 : i32 to index
    %get3A_2 = memref.load %arg2[%get3A] : memref<2048xi32, #tpu.memory_space<smem>>
    %c0_i32 = arith.constant 0 : i32
    %c0_i32_3 = arith.constant 0 : i32
    %c0_i32_4 = arith.constant 0 : i32
    return %get3A_2, %c0_i32, %c0_i32_3 : i32, i32, i32
  }
  func.func @transform_4(%arg0: i32, %arg1: memref<2048xi32, #tpu.memory_space<smem>>, %arg2: memref<2048xi32, #tpu.memory_space<smem>>, %arg3: memref<2048xi32, #tpu.memory_space<smem>>, %arg4: memref<1xi32, #tpu.memory_space<smem>>) -> (i32, i32, i32) {
    %mul3A = arith.constant 16 : i32
    %mul3A_0 = arith.muli %arg0, %mul3A : i32
    %add3A = arith.constant 4 : i32
    %add3A_1 = arith.addi %mul3A_0, %add3A : i32
    %get3A = arith.index_cast %add3A_1 : i32 to index
    %get3A_2 = memref.load %arg2[%get3A] : memref<2048xi32, #tpu.memory_space<smem>>
    %c0_i32 = arith.constant 0 : i32
    %c0_i32_3 = arith.constant 0 : i32
    %c0_i32_4 = arith.constant 0 : i32
    return %get3A_2, %c0_i32, %c0_i32_3 : i32, i32, i32
  }
  func.func @transform_5(%arg0: i32, %arg1: memref<2048xi32, #tpu.memory_space<smem>>, %arg2: memref<2048xi32, #tpu.memory_space<smem>>, %arg3: memref<2048xi32, #tpu.memory_space<smem>>, %arg4: memref<1xi32, #tpu.memory_space<smem>>) -> (i32, i32, i32) {
    %mul3A = arith.constant 16 : i32
    %mul3A_0 = arith.muli %arg0, %mul3A : i32
    %add3A = arith.constant 5 : i32
    %add3A_1 = arith.addi %mul3A_0, %add3A : i32
    %get3A = arith.index_cast %add3A_1 : i32 to index
    %get3A_2 = memref.load %arg2[%get3A] : memref<2048xi32, #tpu.memory_space<smem>>
    %c0_i32 = arith.constant 0 : i32
    %c0_i32_3 = arith.constant 0 : i32
    %c0_i32_4 = arith.constant 0 : i32
    return %get3A_2, %c0_i32, %c0_i32_3 : i32, i32, i32
  }
  func.func @transform_6(%arg0: i32, %arg1: memref<2048xi32, #tpu.memory_space<smem>>, %arg2: memref<2048xi32, #tpu.memory_space<smem>>, %arg3: memref<2048xi32, #tpu.memory_space<smem>>, %arg4: memref<1xi32, #tpu.memory_space<smem>>) -> (i32, i32, i32) {
    %mul3A = arith.constant 16 : i32
    %mul3A_0 = arith.muli %arg0, %mul3A : i32
    %add3A = arith.constant 6 : i32
    %add3A_1 = arith.addi %mul3A_0, %add3A : i32
    %get3A = arith.index_cast %add3A_1 : i32 to index
    %get3A_2 = memref.load %arg2[%get3A] : memref<2048xi32, #tpu.memory_space<smem>>
    %c0_i32 = arith.constant 0 : i32
    %c0_i32_3 = arith.constant 0 : i32
    %c0_i32_4 = arith.constant 0 : i32
    return %get3A_2, %c0_i32, %c0_i32_3 : i32, i32, i32
  }
  func.func @transform_7(%arg0: i32, %arg1: memref<2048xi32, #tpu.memory_space<smem>>, %arg2: memref<2048xi32, #tpu.memory_space<smem>>, %arg3: memref<2048xi32, #tpu.memory_space<smem>>, %arg4: memref<1xi32, #tpu.memory_space<smem>>) -> (i32, i32, i32) {
    %mul3A = arith.constant 16 : i32
    %mul3A_0 = arith.muli %arg0, %mul3A : i32
    %add3A = arith.constant 7 : i32
    %add3A_1 = arith.addi %mul3A_0, %add3A : i32
    %get3A = arith.index_cast %add3A_1 : i32 to index
    %get3A_2 = memref.load %arg2[%get3A] : memref<2048xi32, #tpu.memory_space<smem>>
    %c0_i32 = arith.constant 0 : i32
    %c0_i32_3 = arith.constant 0 : i32
    %c0_i32_4 = arith.constant 0 : i32
    return %get3A_2, %c0_i32, %c0_i32_3 : i32, i32, i32
  }
  func.func @transform_8(%arg0: i32, %arg1: memref<2048xi32, #tpu.memory_space<smem>>, %arg2: memref<2048xi32, #tpu.memory_space<smem>>, %arg3: memref<2048xi32, #tpu.memory_space<smem>>, %arg4: memref<1xi32, #tpu.memory_space<smem>>) -> (i32, i32, i32) {
    %mul3A = arith.constant 16 : i32
    %mul3A_0 = arith.muli %arg0, %mul3A : i32
    %add3A = arith.constant 8 : i32
    %add3A_1 = arith.addi %mul3A_0, %add3A : i32
    %get3A = arith.index_cast %add3A_1 : i32 to index
    %get3A_2 = memref.load %arg2[%get3A] : memref<2048xi32, #tpu.memory_space<smem>>
    %c0_i32 = arith.constant 0 : i32
    %c0_i32_3 = arith.constant 0 : i32
    %c0_i32_4 = arith.constant 0 : i32
    return %get3A_2, %c0_i32, %c0_i32_3 : i32, i32, i32
  }
  func.func @transform_9(%arg0: i32, %arg1: memref<2048xi32, #tpu.memory_space<smem>>, %arg2: memref<2048xi32, #tpu.memory_space<smem>>, %arg3: memref<2048xi32, #tpu.memory_space<smem>>, %arg4: memref<1xi32, #tpu.memory_space<smem>>) -> (i32, i32, i32) {
    %mul3A = arith.constant 16 : i32
    %mul3A_0 = arith.muli %arg0, %mul3A : i32
    %add3A = arith.constant 9 : i32
    %add3A_1 = arith.addi %mul3A_0, %add3A : i32
    %get3A = arith.index_cast %add3A_1 : i32 to index
    %get3A_2 = memref.load %arg2[%get3A] : memref<2048xi32, #tpu.memory_space<smem>>
    %c0_i32 = arith.constant 0 : i32
    %c0_i32_3 = arith.constant 0 : i32
    %c0_i32_4 = arith.constant 0 : i32
    return %get3A_2, %c0_i32, %c0_i32_3 : i32, i32, i32
  }
  func.func @transform_10(%arg0: i32, %arg1: memref<2048xi32, #tpu.memory_space<smem>>, %arg2: memref<2048xi32, #tpu.memory_space<smem>>, %arg3: memref<2048xi32, #tpu.memory_space<smem>>, %arg4: memref<1xi32, #tpu.memory_space<smem>>) -> (i32, i32, i32) {
    %mul3A = arith.constant 16 : i32
    %mul3A_0 = arith.muli %arg0, %mul3A : i32
    %add3A = arith.constant 10 : i32
    %add3A_1 = arith.addi %mul3A_0, %add3A : i32
    %get3A = arith.index_cast %add3A_1 : i32 to index
    %get3A_2 = memref.load %arg2[%get3A] : memref<2048xi32, #tpu.memory_space<smem>>
    %c0_i32 = arith.constant 0 : i32
    %c0_i32_3 = arith.constant 0 : i32
    %c0_i32_4 = arith.constant 0 : i32
    return %get3A_2, %c0_i32, %c0_i32_3 : i32, i32, i32
  }
  func.func @transform_11(%arg0: i32, %arg1: memref<2048xi32, #tpu.memory_space<smem>>, %arg2: memref<2048xi32, #tpu.memory_space<smem>>, %arg3: memref<2048xi32, #tpu.memory_space<smem>>, %arg4: memref<1xi32, #tpu.memory_space<smem>>) -> (i32, i32, i32) {
    %mul3A = arith.constant 16 : i32
    %mul3A_0 = arith.muli %arg0, %mul3A : i32
    %add3A = arith.constant 11 : i32
    %add3A_1 = arith.addi %mul3A_0, %add3A : i32
    %get3A = arith.index_cast %add3A_1 : i32 to index
    %get3A_2 = memref.load %arg2[%get3A] : memref<2048xi32, #tpu.memory_space<smem>>
    %c0_i32 = arith.constant 0 : i32
    %c0_i32_3 = arith.constant 0 : i32
    %c0_i32_4 = arith.constant 0 : i32
    return %get3A_2, %c0_i32, %c0_i32_3 : i32, i32, i32
  }
  func.func @transform_12(%arg0: i32, %arg1: memref<2048xi32, #tpu.memory_space<smem>>, %arg2: memref<2048xi32, #tpu.memory_space<smem>>, %arg3: memref<2048xi32, #tpu.memory_space<smem>>, %arg4: memref<1xi32, #tpu.memory_space<smem>>) -> (i32, i32, i32) {
    %mul3A = arith.constant 16 : i32
    %mul3A_0 = arith.muli %arg0, %mul3A : i32
    %add3A = arith.constant 12 : i32
    %add3A_1 = arith.addi %mul3A_0, %add3A : i32
    %get3A = arith.index_cast %add3A_1 : i32 to index
    %get3A_2 = memref.load %arg2[%get3A] : memref<2048xi32, #tpu.memory_space<smem>>
    %c0_i32 = arith.constant 0 : i32
    %c0_i32_3 = arith.constant 0 : i32
    %c0_i32_4 = arith.constant 0 : i32
    return %get3A_2, %c0_i32, %c0_i32_3 : i32, i32, i32
  }
  func.func @transform_13(%arg0: i32, %arg1: memref<2048xi32, #tpu.memory_space<smem>>, %arg2: memref<2048xi32, #tpu.memory_space<smem>>, %arg3: memref<2048xi32, #tpu.memory_space<smem>>, %arg4: memref<1xi32, #tpu.memory_space<smem>>) -> (i32, i32, i32) {
    %mul3A = arith.constant 16 : i32
    %mul3A_0 = arith.muli %arg0, %mul3A : i32
    %add3A = arith.constant 13 : i32
    %add3A_1 = arith.addi %mul3A_0, %add3A : i32
    %get3A = arith.index_cast %add3A_1 : i32 to index
    %get3A_2 = memref.load %arg2[%get3A] : memref<2048xi32, #tpu.memory_space<smem>>
    %c0_i32 = arith.constant 0 : i32
    %c0_i32_3 = arith.constant 0 : i32
    %c0_i32_4 = arith.constant 0 : i32
    return %get3A_2, %c0_i32, %c0_i32_3 : i32, i32, i32
  }
  func.func @transform_14(%arg0: i32, %arg1: memref<2048xi32, #tpu.memory_space<smem>>, %arg2: memref<2048xi32, #tpu.memory_space<smem>>, %arg3: memref<2048xi32, #tpu.memory_space<smem>>, %arg4: memref<1xi32, #tpu.memory_space<smem>>) -> (i32, i32, i32) {
    %mul3A = arith.constant 16 : i32
    %mul3A_0 = arith.muli %arg0, %mul3A : i32
    %add3A = arith.constant 14 : i32
    %add3A_1 = arith.addi %mul3A_0, %add3A : i32
    %get3A = arith.index_cast %add3A_1 : i32 to index
    %get3A_2 = memref.load %arg2[%get3A] : memref<2048xi32, #tpu.memory_space<smem>>
    %c0_i32 = arith.constant 0 : i32
    %c0_i32_3 = arith.constant 0 : i32
    %c0_i32_4 = arith.constant 0 : i32
    return %get3A_2, %c0_i32, %c0_i32_3 : i32, i32, i32
  }
  func.func @transform_15(%arg0: i32, %arg1: memref<2048xi32, #tpu.memory_space<smem>>, %arg2: memref<2048xi32, #tpu.memory_space<smem>>, %arg3: memref<2048xi32, #tpu.memory_space<smem>>, %arg4: memref<1xi32, #tpu.memory_space<smem>>) -> (i32, i32, i32) {
    %mul3A = arith.constant 16 : i32
    %mul3A_0 = arith.muli %arg0, %mul3A : i32
    %add3A = arith.constant 15 : i32
    %add3A_1 = arith.addi %mul3A_0, %add3A : i32
    %get3A = arith.index_cast %add3A_1 : i32 to index
    %get3A_2 = memref.load %arg2[%get3A] : memref<2048xi32, #tpu.memory_space<smem>>
    %c0_i32 = arith.constant 0 : i32
    %c0_i32_3 = arith.constant 0 : i32
    %c0_i32_4 = arith.constant 0 : i32
    return %get3A_2, %c0_i32, %c0_i32_3 : i32, i32, i32
  }
  func.func @transform_16(%arg0: i32, %arg1: memref<2048xi32, #tpu.memory_space<smem>>, %arg2: memref<2048xi32, #tpu.memory_space<smem>>, %arg3: memref<2048xi32, #tpu.memory_space<smem>>, %arg4: memref<1xi32, #tpu.memory_space<smem>>) -> (i32, i32, i32) {
    %mul3A = arith.constant 16 : i32
    %mul3A_0 = arith.muli %arg0, %mul3A : i32
    %add3A = arith.constant 0 : i32
    %add3A_1 = arith.addi %mul3A_0, %add3A : i32
    %get3A = arith.index_cast %add3A_1 : i32 to index
    %get3A_2 = memref.load %arg1[%get3A] : memref<2048xi32, #tpu.memory_space<smem>>
    %c0_i32 = arith.constant 0 : i32
    %c0_i32_3 = arith.constant 0 : i32
    %c0_i32_4 = arith.constant 0 : i32
    return %get3A_2, %c0_i32, %c0_i32_3 : i32, i32, i32
  }
  func.func @transform_17(%arg0: i32, %arg1: memref<2048xi32, #tpu.memory_space<smem>>, %arg2: memref<2048xi32, #tpu.memory_space<smem>>, %arg3: memref<2048xi32, #tpu.memory_space<smem>>, %arg4: memref<1xi32, #tpu.memory_space<smem>>) -> (i32, i32, i32) {
    %mul3A = arith.constant 16 : i32
    %mul3A_0 = arith.muli %arg0, %mul3A : i32
    %add3A = arith.constant 1 : i32
    %add3A_1 = arith.addi %mul3A_0, %add3A : i32
    %get3A = arith.index_cast %add3A_1 : i32 to index
    %get3A_2 = memref.load %arg1[%get3A] : memref<2048xi32, #tpu.memory_space<smem>>
    %c0_i32 = arith.constant 0 : i32
    %c0_i32_3 = arith.constant 0 : i32
    %c0_i32_4 = arith.constant 0 : i32
    return %get3A_2, %c0_i32, %c0_i32_3 : i32, i32, i32
  }
  func.func @transform_18(%arg0: i32, %arg1: memref<2048xi32, #tpu.memory_space<smem>>, %arg2: memref<2048xi32, #tpu.memory_space<smem>>, %arg3: memref<2048xi32, #tpu.memory_space<smem>>, %arg4: memref<1xi32, #tpu.memory_space<smem>>) -> (i32, i32, i32) {
    %mul3A = arith.constant 16 : i32
    %mul3A_0 = arith.muli %arg0, %mul3A : i32
    %add3A = arith.constant 2 : i32
    %add3A_1 = arith.addi %mul3A_0, %add3A : i32
    %get3A = arith.index_cast %add3A_1 : i32 to index
    %get3A_2 = memref.load %arg1[%get3A] : memref<2048xi32, #tpu.memory_space<smem>>
    %c0_i32 = arith.constant 0 : i32
    %c0_i32_3 = arith.constant 0 : i32
    %c0_i32_4 = arith.constant 0 : i32
    return %get3A_2, %c0_i32, %c0_i32_3 : i32, i32, i32
  }
  func.func @transform_19(%arg0: i32, %arg1: memref<2048xi32, #tpu.memory_space<smem>>, %arg2: memref<2048xi32, #tpu.memory_space<smem>>, %arg3: memref<2048xi32, #tpu.memory_space<smem>>, %arg4: memref<1xi32, #tpu.memory_space<smem>>) -> (i32, i32, i32) {
    %mul3A = arith.constant 16 : i32
    %mul3A_0 = arith.muli %arg0, %mul3A : i32
    %add3A = arith.constant 3 : i32
    %add3A_1 = arith.addi %mul3A_0, %add3A : i32
    %get3A = arith.index_cast %add3A_1 : i32 to index
    %get3A_2 = memref.load %arg1[%get3A] : memref<2048xi32, #tpu.memory_space<smem>>
    %c0_i32 = arith.constant 0 : i32
    %c0_i32_3 = arith.constant 0 : i32
    %c0_i32_4 = arith.constant 0 : i32
    return %get3A_2, %c0_i32, %c0_i32_3 : i32, i32, i32
  }
  func.func @transform_20(%arg0: i32, %arg1: memref<2048xi32, #tpu.memory_space<smem>>, %arg2: memref<2048xi32, #tpu.memory_space<smem>>, %arg3: memref<2048xi32, #tpu.memory_space<smem>>, %arg4: memref<1xi32, #tpu.memory_space<smem>>) -> (i32, i32, i32) {
    %mul3A = arith.constant 16 : i32
    %mul3A_0 = arith.muli %arg0, %mul3A : i32
    %add3A = arith.constant 4 : i32
    %add3A_1 = arith.addi %mul3A_0, %add3A : i32
    %get3A = arith.index_cast %add3A_1 : i32 to index
    %get3A_2 = memref.load %arg1[%get3A] : memref<2048xi32, #tpu.memory_space<smem>>
    %c0_i32 = arith.constant 0 : i32
    %c0_i32_3 = arith.constant 0 : i32
    %c0_i32_4 = arith.constant 0 : i32
    return %get3A_2, %c0_i32, %c0_i32_3 : i32, i32, i32
  }
  func.func @transform_21(%arg0: i32, %arg1: memref<2048xi32, #tpu.memory_space<smem>>, %arg2: memref<2048xi32, #tpu.memory_space<smem>>, %arg3: memref<2048xi32, #tpu.memory_space<smem>>, %arg4: memref<1xi32, #tpu.memory_space<smem>>) -> (i32, i32, i32) {
    %mul3A = arith.constant 16 : i32
    %mul3A_0 = arith.muli %arg0, %mul3A : i32
    %add3A = arith.constant 5 : i32
    %add3A_1 = arith.addi %mul3A_0, %add3A : i32
    %get3A = arith.index_cast %add3A_1 : i32 to index
    %get3A_2 = memref.load %arg1[%get3A] : memref<2048xi32, #tpu.memory_space<smem>>
    %c0_i32 = arith.constant 0 : i32
    %c0_i32_3 = arith.constant 0 : i32
    %c0_i32_4 = arith.constant 0 : i32
    return %get3A_2, %c0_i32, %c0_i32_3 : i32, i32, i32
  }
  func.func @transform_22(%arg0: i32, %arg1: memref<2048xi32, #tpu.memory_space<smem>>, %arg2: memref<2048xi32, #tpu.memory_space<smem>>, %arg3: memref<2048xi32, #tpu.memory_space<smem>>, %arg4: memref<1xi32, #tpu.memory_space<smem>>) -> (i32, i32, i32) {
    %mul3A = arith.constant 16 : i32
    %mul3A_0 = arith.muli %arg0, %mul3A : i32
    %add3A = arith.constant 6 : i32
    %add3A_1 = arith.addi %mul3A_0, %add3A : i32
    %get3A = arith.index_cast %add3A_1 : i32 to index
    %get3A_2 = memref.load %arg1[%get3A] : memref<2048xi32, #tpu.memory_space<smem>>
    %c0_i32 = arith.constant 0 : i32
    %c0_i32_3 = arith.constant 0 : i32
    %c0_i32_4 = arith.constant 0 : i32
    return %get3A_2, %c0_i32, %c0_i32_3 : i32, i32, i32
  }
  func.func @transform_23(%arg0: i32, %arg1: memref<2048xi32, #tpu.memory_space<smem>>, %arg2: memref<2048xi32, #tpu.memory_space<smem>>, %arg3: memref<2048xi32, #tpu.memory_space<smem>>, %arg4: memref<1xi32, #tpu.memory_space<smem>>) -> (i32, i32, i32) {
    %mul3A = arith.constant 16 : i32
    %mul3A_0 = arith.muli %arg0, %mul3A : i32
    %add3A = arith.constant 7 : i32
    %add3A_1 = arith.addi %mul3A_0, %add3A : i32
    %get3A = arith.index_cast %add3A_1 : i32 to index
    %get3A_2 = memref.load %arg1[%get3A] : memref<2048xi32, #tpu.memory_space<smem>>
    %c0_i32 = arith.constant 0 : i32
    %c0_i32_3 = arith.constant 0 : i32
    %c0_i32_4 = arith.constant 0 : i32
    return %get3A_2, %c0_i32, %c0_i32_3 : i32, i32, i32
  }
  func.func @transform_24(%arg0: i32, %arg1: memref<2048xi32, #tpu.memory_space<smem>>, %arg2: memref<2048xi32, #tpu.memory_space<smem>>, %arg3: memref<2048xi32, #tpu.memory_space<smem>>, %arg4: memref<1xi32, #tpu.memory_space<smem>>) -> (i32, i32, i32) {
    %mul3A = arith.constant 16 : i32
    %mul3A_0 = arith.muli %arg0, %mul3A : i32
    %add3A = arith.constant 8 : i32
    %add3A_1 = arith.addi %mul3A_0, %add3A : i32
    %get3A = arith.index_cast %add3A_1 : i32 to index
    %get3A_2 = memref.load %arg1[%get3A] : memref<2048xi32, #tpu.memory_space<smem>>
    %c0_i32 = arith.constant 0 : i32
    %c0_i32_3 = arith.constant 0 : i32
    %c0_i32_4 = arith.constant 0 : i32
    return %get3A_2, %c0_i32, %c0_i32_3 : i32, i32, i32
  }
  func.func @transform_25(%arg0: i32, %arg1: memref<2048xi32, #tpu.memory_space<smem>>, %arg2: memref<2048xi32, #tpu.memory_space<smem>>, %arg3: memref<2048xi32, #tpu.memory_space<smem>>, %arg4: memref<1xi32, #tpu.memory_space<smem>>) -> (i32, i32, i32) {
    %mul3A = arith.constant 16 : i32
    %mul3A_0 = arith.muli %arg0, %mul3A : i32
    %add3A = arith.constant 9 : i32
    %add3A_1 = arith.addi %mul3A_0, %add3A : i32
    %get3A = arith.index_cast %add3A_1 : i32 to index
    %get3A_2 = memref.load %arg1[%get3A] : memref<2048xi32, #tpu.memory_space<smem>>
    %c0_i32 = arith.constant 0 : i32
    %c0_i32_3 = arith.constant 0 : i32
    %c0_i32_4 = arith.constant 0 : i32
    return %get3A_2, %c0_i32, %c0_i32_3 : i32, i32, i32
  }
  func.func @transform_26(%arg0: i32, %arg1: memref<2048xi32, #tpu.memory_space<smem>>, %arg2: memref<2048xi32, #tpu.memory_space<smem>>, %arg3: memref<2048xi32, #tpu.memory_space<smem>>, %arg4: memref<1xi32, #tpu.memory_space<smem>>) -> (i32, i32, i32) {
    %mul3A = arith.constant 16 : i32
    %mul3A_0 = arith.muli %arg0, %mul3A : i32
    %add3A = arith.constant 10 : i32
    %add3A_1 = arith.addi %mul3A_0, %add3A : i32
    %get3A = arith.index_cast %add3A_1 : i32 to index
    %get3A_2 = memref.load %arg1[%get3A] : memref<2048xi32, #tpu.memory_space<smem>>
    %c0_i32 = arith.constant 0 : i32
    %c0_i32_3 = arith.constant 0 : i32
    %c0_i32_4 = arith.constant 0 : i32
    return %get3A_2, %c0_i32, %c0_i32_3 : i32, i32, i32
  }
  func.func @transform_27(%arg0: i32, %arg1: memref<2048xi32, #tpu.memory_space<smem>>, %arg2: memref<2048xi32, #tpu.memory_space<smem>>, %arg3: memref<2048xi32, #tpu.memory_space<smem>>, %arg4: memref<1xi32, #tpu.memory_space<smem>>) -> (i32, i32, i32) {
    %mul3A = arith.constant 16 : i32
    %mul3A_0 = arith.muli %arg0, %mul3A : i32
    %add3A = arith.constant 11 : i32
    %add3A_1 = arith.addi %mul3A_0, %add3A : i32
    %get3A = arith.index_cast %add3A_1 : i32 to index
    %get3A_2 = memref.load %arg1[%get3A] : memref<2048xi32, #tpu.memory_space<smem>>
    %c0_i32 = arith.constant 0 : i32
    %c0_i32_3 = arith.constant 0 : i32
    %c0_i32_4 = arith.constant 0 : i32
    return %get3A_2, %c0_i32, %c0_i32_3 : i32, i32, i32
  }
  func.func @transform_28(%arg0: i32, %arg1: memref<2048xi32, #tpu.memory_space<smem>>, %arg2: memref<2048xi32, #tpu.memory_space<smem>>, %arg3: memref<2048xi32, #tpu.memory_space<smem>>, %arg4: memref<1xi32, #tpu.memory_space<smem>>) -> (i32, i32, i32) {
    %mul3A = arith.constant 16 : i32
    %mul3A_0 = arith.muli %arg0, %mul3A : i32
    %add3A = arith.constant 12 : i32
    %add3A_1 = arith.addi %mul3A_0, %add3A : i32
    %get3A = arith.index_cast %add3A_1 : i32 to index
    %get3A_2 = memref.load %arg1[%get3A] : memref<2048xi32, #tpu.memory_space<smem>>
    %c0_i32 = arith.constant 0 : i32
    %c0_i32_3 = arith.constant 0 : i32
    %c0_i32_4 = arith.constant 0 : i32
    return %get3A_2, %c0_i32, %c0_i32_3 : i32, i32, i32
  }
  func.func @transform_29(%arg0: i32, %arg1: memref<2048xi32, #tpu.memory_space<smem>>, %arg2: memref<2048xi32, #tpu.memory_space<smem>>, %arg3: memref<2048xi32, #tpu.memory_space<smem>>, %arg4: memref<1xi32, #tpu.memory_space<smem>>) -> (i32, i32, i32) {
    %mul3A = arith.constant 16 : i32
    %mul3A_0 = arith.muli %arg0, %mul3A : i32
    %add3A = arith.constant 13 : i32
    %add3A_1 = arith.addi %mul3A_0, %add3A : i32
    %get3A = arith.index_cast %add3A_1 : i32 to index
    %get3A_2 = memref.load %arg1[%get3A] : memref<2048xi32, #tpu.memory_space<smem>>
    %c0_i32 = arith.constant 0 : i32
    %c0_i32_3 = arith.constant 0 : i32
    %c0_i32_4 = arith.constant 0 : i32
    return %get3A_2, %c0_i32, %c0_i32_3 : i32, i32, i32
  }
  func.func @transform_30(%arg0: i32, %arg1: memref<2048xi32, #tpu.memory_space<smem>>, %arg2: memref<2048xi32, #tpu.memory_space<smem>>, %arg3: memref<2048xi32, #tpu.memory_space<smem>>, %arg4: memref<1xi32, #tpu.memory_space<smem>>) -> (i32, i32, i32) {
    %mul3A = arith.constant 16 : i32
    %mul3A_0 = arith.muli %arg0, %mul3A : i32
    %add3A = arith.constant 14 : i32
    %add3A_1 = arith.addi %mul3A_0, %add3A : i32
    %get3A = arith.index_cast %add3A_1 : i32 to index
    %get3A_2 = memref.load %arg1[%get3A] : memref<2048xi32, #tpu.memory_space<smem>>
    %c0_i32 = arith.constant 0 : i32
    %c0_i32_3 = arith.constant 0 : i32
    %c0_i32_4 = arith.constant 0 : i32
    return %get3A_2, %c0_i32, %c0_i32_3 : i32, i32, i32
  }
  func.func @transform_31(%arg0: i32, %arg1: memref<2048xi32, #tpu.memory_space<smem>>, %arg2: memref<2048xi32, #tpu.memory_space<smem>>, %arg3: memref<2048xi32, #tpu.memory_space<smem>>, %arg4: memref<1xi32, #tpu.memory_space<smem>>) -> (i32, i32, i32) {
    %mul3A = arith.constant 16 : i32
    %mul3A_0 = arith.muli %arg0, %mul3A : i32
    %add3A = arith.constant 15 : i32
    %add3A_1 = arith.addi %mul3A_0, %add3A : i32
    %get3A = arith.index_cast %add3A_1 : i32 to index
    %get3A_2 = memref.load %arg1[%get3A] : memref<2048xi32, #tpu.memory_space<smem>>
    %c0_i32 = arith.constant 0 : i32
    %c0_i32_3 = arith.constant 0 : i32
    %c0_i32_4 = arith.constant 0 : i32
    return %get3A_2, %c0_i32, %c0_i32_3 : i32, i32, i32
  }
  func.func @transform_32(%arg0: i32, %arg1: memref<2048xi32, #tpu.memory_space<smem>>, %arg2: memref<2048xi32, #tpu.memory_space<smem>>, %arg3: memref<2048xi32, #tpu.memory_space<smem>>, %arg4: memref<1xi32, #tpu.memory_space<smem>>) -> (i32, i32, i32) {
    %c0_i32 = arith.constant 0 : i32
    %c0_i32_0 = arith.constant 0 : i32
    %c0_i32_1 = arith.constant 0 : i32
    %c0_i32_2 = arith.constant 0 : i32
    return %c0_i32, %c0_i32_0, %c0_i32_1 : i32, i32, i32
  }
  func.func @transform_33(%arg0: i32, %arg1: memref<2048xi32, #tpu.memory_space<smem>>, %arg2: memref<2048xi32, #tpu.memory_space<smem>>, %arg3: memref<2048xi32, #tpu.memory_space<smem>>, %arg4: memref<1xi32, #tpu.memory_space<smem>>) -> (i32, i32) {
    %c0_i32 = arith.constant 0 : i32
    %c0_i32_0 = arith.constant 0 : i32
    return %arg0, %c0_i32 : i32, i32
  }
}

module attributes {stable_mosaic.version = 14 : i64} {
  func.func @_bwd_body(%arg0: i32, %arg1: memref<1024xi32, #tpu.memory_space<smem>>, %arg2: memref<1024xi32, #tpu.memory_space<smem>>, %arg3: memref<1xi32, #tpu.memory_space<smem>>, %arg4: memref<1x1x8192xf32, #tpu.memory_space<vmem>>, %arg5: memref<1x1x8192xf32, #tpu.memory_space<vmem>>, %arg6: memref<1x1x8192xf32, #tpu.memory_space<vmem>>, %arg7: memref<1x1x8192xf32, #tpu.memory_space<vmem>>, %arg8: memref<1x1x8192xf32, #tpu.memory_space<vmem>>, %arg9: memref<1x1x8192xf32, #tpu.memory_space<vmem>>, %arg10: memref<1x1x8192xf32, #tpu.memory_space<vmem>>, %arg11: memref<1x1x8192xf32, #tpu.memory_space<vmem>>, %arg12: memref<1x1x8192xf32, #tpu.memory_space<vmem>>, %arg13: memref<1x1x8192xf32, #tpu.memory_space<vmem>>, %arg14: memref<1x1x8192xf32, #tpu.memory_space<vmem>>, %arg15: memref<1x1x8192xf32, #tpu.memory_space<vmem>>, %arg16: memref<1x1x8192xf32, #tpu.memory_space<vmem>>, %arg17: memref<1x1x8192xf32, #tpu.memory_space<vmem>>, %arg18: memref<1x1x8192xf32, #tpu.memory_space<vmem>>, %arg19: memref<1x1x8192xf32, #tpu.memory_space<vmem>>, %arg20: memref<16x8x1024xf32, #tpu.memory_space<vmem>>, %arg21: memref<1x8x1024xf32, #tpu.memory_space<vmem>>, %arg22: memref<1x8x1024xf32, #tpu.memory_space<vmem>>, %arg23: memref<1x8x1024xf32, #tpu.memory_space<vmem>>, %arg24: memref<1x8x1024xf32, #tpu.memory_space<vmem>>, %arg25: memref<1x8x1024xf32, #tpu.memory_space<vmem>>, %arg26: memref<1x8x1024xf32, #tpu.memory_space<vmem>>, %arg27: memref<1x8x1024xf32, #tpu.memory_space<vmem>>, %arg28: memref<1x8x1024xf32, #tpu.memory_space<vmem>>, %arg29: memref<1x8x1024xf32, #tpu.memory_space<vmem>>, %arg30: memref<1x8x1024xf32, #tpu.memory_space<vmem>>, %arg31: memref<1x8x1024xf32, #tpu.memory_space<vmem>>, %arg32: memref<1x8x1024xf32, #tpu.memory_space<vmem>>, %arg33: memref<1x8x1024xf32, #tpu.memory_space<vmem>>, %arg34: memref<1x8x1024xf32, #tpu.memory_space<vmem>>, %arg35: memref<1x8x1024xf32, #tpu.memory_space<vmem>>, %arg36: memref<1x8x1024xf32, #tpu.memory_space<vmem>>, %arg37: memref<16x128xi32, #tpu.memory_space<vmem>>) attributes {dimension_semantics = [#tpu.dimension_semantics<arbitrary>], iteration_bounds = array<i64: 64>, scalar_prefetch = 3 : i64, scratch_operands = 0 : i64, tpu.core_type = #tpu.core_type<tc>, window_params = [{transform_indices = @transform_0, window_bounds = array<i64: 1, 1, 8192>}, {transform_indices = @transform_1, window_bounds = array<i64: 1, 1, 8192>}, {transform_indices = @transform_2, window_bounds = array<i64: 1, 1, 8192>}, {transform_indices = @transform_3, window_bounds = array<i64: 1, 1, 8192>}, {transform_indices = @transform_4, window_bounds = array<i64: 1, 1, 8192>}, {transform_indices = @transform_5, window_bounds = array<i64: 1, 1, 8192>}, {transform_indices = @transform_6, window_bounds = array<i64: 1, 1, 8192>}, {transform_indices = @transform_7, window_bounds = array<i64: 1, 1, 8192>}, {transform_indices = @transform_8, window_bounds = array<i64: 1, 1, 8192>}, {transform_indices = @transform_9, window_bounds = array<i64: 1, 1, 8192>}, {transform_indices = @transform_10, window_bounds = array<i64: 1, 1, 8192>}, {transform_indices = @transform_11, window_bounds = array<i64: 1, 1, 8192>}, {transform_indices = @transform_12, window_bounds = array<i64: 1, 1, 8192>}, {transform_indices = @transform_13, window_bounds = array<i64: 1, 1, 8192>}, {transform_indices = @transform_14, window_bounds = array<i64: 1, 1, 8192>}, {transform_indices = @transform_15, window_bounds = array<i64: 1, 1, 8192>}, {transform_indices = @transform_16, window_bounds = array<i64: 16, 8, 1024>}, {transform_indices = @transform_17, window_bounds = array<i64: 1, 8, 1024>}, {transform_indices = @transform_18, window_bounds = array<i64: 1, 8, 1024>}, {transform_indices = @transform_19, window_bounds = array<i64: 1, 8, 1024>}, {transform_indices = @transform_20, window_bounds = array<i64: 1, 8, 1024>}, {transform_indices = @transform_21, window_bounds = array<i64: 1, 8, 1024>}, {transform_indices = @transform_22, window_bounds = array<i64: 1, 8, 1024>}, {transform_indices = @transform_23, window_bounds = array<i64: 1, 8, 1024>}, {transform_indices = @transform_24, window_bounds = array<i64: 1, 8, 1024>}, {transform_indices = @transform_25, window_bounds = array<i64: 1, 8, 1024>}, {transform_indices = @transform_26, window_bounds = array<i64: 1, 8, 1024>}, {transform_indices = @transform_27, window_bounds = array<i64: 1, 8, 1024>}, {transform_indices = @transform_28, window_bounds = array<i64: 1, 8, 1024>}, {transform_indices = @transform_29, window_bounds = array<i64: 1, 8, 1024>}, {transform_indices = @transform_30, window_bounds = array<i64: 1, 8, 1024>}, {transform_indices = @transform_31, window_bounds = array<i64: 1, 8, 1024>}, {transform_indices = @transform_32, window_bounds = array<i64: 1, 8, 1024>}, {transform_indices = @transform_33, window_bounds = array<i64: 16, 128>}]} {
    %mul3A = arith.constant 16 : i32
    %mul3A_0 = arith.muli %arg0, %mul3A : i32
    %add3A = arith.constant 0 : i32
    %add3A_1 = arith.addi %mul3A_0, %add3A : i32
    %get3A = arith.constant 0 : index
    %get3A_2 = memref.load %arg3[%get3A] : memref<1xi32, #tpu.memory_space<smem>>
    %lt3A = arith.cmpi slt, %add3A_1, %get3A_2 : i32
    %convert_element_type3A = arith.extui %lt3A : i1 to i32
    %cond3A = arith.constant 0 : i32
    %cond3A_3 = arith.cmpi ne, %convert_element_type3A, %cond3A : i32
    scf.if %cond3A_3 {
      %get3A_154 = arith.constant 0 : index
      %get3A_155 = arith.constant 0 : index
      %get3A_156 = arith.constant 0 : index
      %get3A_157 = vector.load %arg20[%get3A_154, %get3A_155, %get3A_156] : memref<16x8x1024xf32, #tpu.memory_space<vmem>>, vector<1x8x1024xf32>
      %get3A_158 = vector.shape_cast %get3A_157 : vector<1x8x1024xf32> to vector<8x1024xf32>
      %reduce_sum3A = vector.shape_cast %get3A_158 : vector<8x1024xf32> to vector<1x8x1024xf32>
      %reduce_sum3A_159 = arith.constant dense<0.000000e+00> : vector<1xf32>
      %reduce_sum3A_160 = vector.multi_reduction <add>, %reduce_sum3A, %reduce_sum3A_159 [1, 2] : vector<1x8x1024xf32> to vector<1xf32>
      %reduce_sum3A_161 = vector.shape_cast %reduce_sum3A_160 : vector<1xf32> to vector<1x1x1xf32>
      %reduce_sum3A_162 = vector.extract %reduce_sum3A_161[0, 0, 0] : f32 from vector<1x1x1xf32>
      %add3A_163 = arith.constant 1.000000e-10 : f32
      %add3A_164 = arith.addf %reduce_sum3A_162, %add3A_163 : f32
      %div3A = vector.broadcast %add3A_164 : f32 to vector<8x1024xf32>
      %div3A_165 = arith.divf %get3A_158, %div3A : vector<8x1024xf32>
      %get3A_166 = arith.constant 0 : index
      %get3A_167 = arith.constant 0 : index
      %get3A_168 = arith.constant 0 : index
      %get3A_169 = vector.load %arg4[%get3A_166, %get3A_167, %get3A_168] : memref<1x1x8192xf32, #tpu.memory_space<vmem>>, vector<1x1x8192xf32>
      %reshape3A = vector.shape_cast %get3A_169 : vector<1x1x8192xf32> to vector<8x1024xf32>
      %mul3A_170 = arith.mulf %reshape3A, %div3A_165 : vector<8x1024xf32>
      %reduce_sum3A_171 = vector.shape_cast %mul3A_170 : vector<8x1024xf32> to vector<1x8x1024xf32>
      %reduce_sum3A_172 = arith.constant dense<0.000000e+00> : vector<1xf32>
      %reduce_sum3A_173 = vector.multi_reduction <add>, %reduce_sum3A_171, %reduce_sum3A_172 [1, 2] : vector<1x8x1024xf32> to vector<1xf32>
      %reduce_sum3A_174 = vector.shape_cast %reduce_sum3A_173 : vector<1xf32> to vector<1x1x1xf32>
      %reduce_sum3A_175 = vector.extract %reduce_sum3A_174[0, 0, 0] : f32 from vector<1x1x1xf32>
      %add3A_176 = arith.constant 1.000000e-10 : f32
      %add3A_177 = arith.addf %reduce_sum3A_175, %add3A_176 : f32
      %div3A_178 = vector.broadcast %add3A_177 : f32 to vector<8x1024xf32>
      %div3A_179 = arith.divf %mul3A_170, %div3A_178 : vector<8x1024xf32>
      %add3A_180 = arith.constant 9.99999996E-13 : f32
      %add3A_181 = vector.broadcast %add3A_180 : f32 to vector<8x1024xf32>
      %add3A_182 = arith.addf %div3A_179, %add3A_181 : vector<8x1024xf32>
      %log3A = math.log %add3A_182 : vector<8x1024xf32>
      %get3A_183 = arith.constant 0 : index
      %get3A_184 = arith.constant 0 : index
      %get3A_185 = arith.constant 0 : index
      %get3A_186 = vector.load %arg21[%get3A_183, %get3A_184, %get3A_185] : memref<1x8x1024xf32, #tpu.memory_space<vmem>>, vector<1x8x1024xf32>
      %get3A_187 = vector.shape_cast %get3A_186 : vector<1x8x1024xf32> to vector<8x1024xf32>
      %add3A_188 = arith.addf %log3A, %get3A_187 : vector<8x1024xf32>
      %reduce_max3A = vector.shape_cast %add3A_188 : vector<8x1024xf32> to vector<1x8x1024xf32>
      %reduce_max3A_189 = arith.constant dense<0xFF800000> : vector<1xf32>
      %reduce_max3A_190 = vector.multi_reduction <maximumf>, %reduce_max3A, %reduce_max3A_189 [1, 2] : vector<1x8x1024xf32> to vector<1xf32>
      %reduce_max3A_191 = vector.shape_cast %reduce_max3A_190 : vector<1xf32> to vector<1x1x1xf32>
      %reduce_max3A_192 = vector.extract %reduce_max3A_191[0, 0, 0] : f32 from vector<1x1x1xf32>
      %iota3A = tpu.iota {dimensions = array<i32: 0>} : vector<8x1024xi32>
      %mul3A_193 = arith.constant 1024 : i32
      %mul3A_194 = vector.broadcast %mul3A_193 : i32 to vector<8x1024xi32>
      %mul3A_195 = arith.muli %iota3A, %mul3A_194 : vector<8x1024xi32>
      %iota3A_196 = tpu.iota {dimensions = array<i32: 1>} : vector<8x1024xi32>
      %add3A_197 = arith.addi %mul3A_195, %iota3A_196 : vector<8x1024xi32>
      %eq3A = vector.broadcast %reduce_max3A_192 : f32 to vector<8x1024xf32>
      %eq3A_198 = arith.cmpf oeq, %add3A_188, %eq3A : vector<8x1024xf32>
      %jit3A = arith.constant 8192 : i32
      %broadcast_in_dim3A = vector.broadcast %jit3A : i32 to vector<8x1024xi32>
      %select_n3A = arith.select %eq3A_198, %add3A_197, %broadcast_in_dim3A : vector<8x1024xi1>, vector<8x1024xi32>
      %reduce_min3A = vector.shape_cast %select_n3A : vector<8x1024xi32> to vector<1x8x1024xi32>
      %reduce_min3A_199 = arith.constant dense<2147483647> : vector<1xi32>
      %reduce_min3A_200 = vector.multi_reduction <minsi>, %reduce_min3A, %reduce_min3A_199 [1, 2] : vector<1x8x1024xi32> to vector<1xi32>
      %reduce_min3A_201 = vector.shape_cast %reduce_min3A_200 : vector<1xi32> to vector<1x1x1xi32>
      %reduce_min3A_202 = vector.extract %reduce_min3A_201[0, 0, 0] : i32 from vector<1x1x1xi32>
      %broadcast_in_dim3A_203 = vector.broadcast %reduce_min3A_202 : i32 to vector<128xi32>
      %swap3A = arith.constant 0 : index
      %swap3A_204 = arith.constant 0 : index
      %swap3A_205 = vector.load %arg37[%swap3A, %swap3A_204] : memref<16x128xi32, #tpu.memory_space<vmem>>, vector<1x128xi32>
      %swap3A_206 = vector.shape_cast %swap3A_205 : vector<1x128xi32> to vector<128xi32>
      %swap3A_207 = vector.shape_cast %broadcast_in_dim3A_203 : vector<128xi32> to vector<1x128xi32>
      tpu.vector_store %arg37[%swap3A, %swap3A_204], %swap3A_207 {strides = array<i32>} : memref<16x128xi32, #tpu.memory_space<vmem>>, vector<1x128xi32>,
    } else {
    }
    %mul3A_4 = arith.constant 16 : i32
    %mul3A_5 = arith.muli %arg0, %mul3A_4 : i32
    %add3A_6 = arith.constant 1 : i32
    %add3A_7 = arith.addi %mul3A_5, %add3A_6 : i32
    %get3A_8 = arith.constant 0 : index
    %get3A_9 = memref.load %arg3[%get3A_8] : memref<1xi32, #tpu.memory_space<smem>>
    %lt3A_10 = arith.cmpi slt, %add3A_7, %get3A_9 : i32
    %convert_element_type3A_11 = arith.extui %lt3A_10 : i1 to i32
    %cond3A_12 = arith.constant 0 : i32
    %cond3A_13 = arith.cmpi ne, %convert_element_type3A_11, %cond3A_12 : i32
    scf.if %cond3A_13 {
      %get3A_154 = arith.constant 1 : index
      %get3A_155 = arith.constant 0 : index
      %get3A_156 = arith.constant 0 : index
      %get3A_157 = vector.load %arg20[%get3A_154, %get3A_155, %get3A_156] : memref<16x8x1024xf32, #tpu.memory_space<vmem>>, vector<1x8x1024xf32>
      %get3A_158 = vector.shape_cast %get3A_157 : vector<1x8x1024xf32> to vector<8x1024xf32>
      %reduce_sum3A = vector.shape_cast %get3A_158 : vector<8x1024xf32> to vector<1x8x1024xf32>
      %reduce_sum3A_159 = arith.constant dense<0.000000e+00> : vector<1xf32>
      %reduce_sum3A_160 = vector.multi_reduction <add>, %reduce_sum3A, %reduce_sum3A_159 [1, 2] : vector<1x8x1024xf32> to vector<1xf32>
      %reduce_sum3A_161 = vector.shape_cast %reduce_sum3A_160 : vector<1xf32> to vector<1x1x1xf32>
      %reduce_sum3A_162 = vector.extract %reduce_sum3A_161[0, 0, 0] : f32 from vector<1x1x1xf32>
      %add3A_163 = arith.constant 1.000000e-10 : f32
      %add3A_164 = arith.addf %reduce_sum3A_162, %add3A_163 : f32
      %div3A = vector.broadcast %add3A_164 : f32 to vector<8x1024xf32>
      %div3A_165 = arith.divf %get3A_158, %div3A : vector<8x1024xf32>
      %get3A_166 = arith.constant 0 : index
      %get3A_167 = arith.constant 0 : index
      %get3A_168 = arith.constant 0 : index
      %get3A_169 = vector.load %arg5[%get3A_166, %get3A_167, %get3A_168] : memref<1x1x8192xf32, #tpu.memory_space<vmem>>, vector<1x1x8192xf32>
      %reshape3A = vector.shape_cast %get3A_169 : vector<1x1x8192xf32> to vector<8x1024xf32>
      %mul3A_170 = arith.mulf %reshape3A, %div3A_165 : vector<8x1024xf32>
      %reduce_sum3A_171 = vector.shape_cast %mul3A_170 : vector<8x1024xf32> to vector<1x8x1024xf32>
      %reduce_sum3A_172 = arith.constant dense<0.000000e+00> : vector<1xf32>
      %reduce_sum3A_173 = vector.multi_reduction <add>, %reduce_sum3A_171, %reduce_sum3A_172 [1, 2] : vector<1x8x1024xf32> to vector<1xf32>
      %reduce_sum3A_174 = vector.shape_cast %reduce_sum3A_173 : vector<1xf32> to vector<1x1x1xf32>
      %reduce_sum3A_175 = vector.extract %reduce_sum3A_174[0, 0, 0] : f32 from vector<1x1x1xf32>
      %add3A_176 = arith.constant 1.000000e-10 : f32
      %add3A_177 = arith.addf %reduce_sum3A_175, %add3A_176 : f32
      %div3A_178 = vector.broadcast %add3A_177 : f32 to vector<8x1024xf32>
      %div3A_179 = arith.divf %mul3A_170, %div3A_178 : vector<8x1024xf32>
      %add3A_180 = arith.constant 9.99999996E-13 : f32
      %add3A_181 = vector.broadcast %add3A_180 : f32 to vector<8x1024xf32>
      %add3A_182 = arith.addf %div3A_179, %add3A_181 : vector<8x1024xf32>
      %log3A = math.log %add3A_182 : vector<8x1024xf32>
      %get3A_183 = arith.constant 0 : index
      %get3A_184 = arith.constant 0 : index
      %get3A_185 = arith.constant 0 : index
      %get3A_186 = vector.load %arg22[%get3A_183, %get3A_184, %get3A_185] : memref<1x8x1024xf32, #tpu.memory_space<vmem>>, vector<1x8x1024xf32>
      %get3A_187 = vector.shape_cast %get3A_186 : vector<1x8x1024xf32> to vector<8x1024xf32>
      %add3A_188 = arith.addf %log3A, %get3A_187 : vector<8x1024xf32>
      %reduce_max3A = vector.shape_cast %add3A_188 : vector<8x1024xf32> to vector<1x8x1024xf32>
      %reduce_max3A_189 = arith.constant dense<0xFF800000> : vector<1xf32>
      %reduce_max3A_190 = vector.multi_reduction <maximumf>, %reduce_max3A, %reduce_max3A_189 [1, 2] : vector<1x8x1024xf32> to vector<1xf32>
      %reduce_max3A_191 = vector.shape_cast %reduce_max3A_190 : vector<1xf32> to vector<1x1x1xf32>
      %reduce_max3A_192 = vector.extract %reduce_max3A_191[0, 0, 0] : f32 from vector<1x1x1xf32>
      %iota3A = tpu.iota {dimensions = array<i32: 0>} : vector<8x1024xi32>
      %mul3A_193 = arith.constant 1024 : i32
      %mul3A_194 = vector.broadcast %mul3A_193 : i32 to vector<8x1024xi32>
      %mul3A_195 = arith.muli %iota3A, %mul3A_194 : vector<8x1024xi32>
      %iota3A_196 = tpu.iota {dimensions = array<i32: 1>} : vector<8x1024xi32>
      %add3A_197 = arith.addi %mul3A_195, %iota3A_196 : vector<8x1024xi32>
      %eq3A = vector.broadcast %reduce_max3A_192 : f32 to vector<8x1024xf32>
      %eq3A_198 = arith.cmpf oeq, %add3A_188, %eq3A : vector<8x1024xf32>
      %jit3A = arith.constant 8192 : i32
      %broadcast_in_dim3A = vector.broadcast %jit3A : i32 to vector<8x1024xi32>
      %select_n3A = arith.select %eq3A_198, %add3A_197, %broadcast_in_dim3A : vector<8x1024xi1>, vector<8x1024xi32>
      %reduce_min3A = vector.shape_cast %select_n3A : vector<8x1024xi32> to vector<1x8x1024xi32>
      %reduce_min3A_199 = arith.constant dense<2147483647> : vector<1xi32>
      %reduce_min3A_200 = vector.multi_reduction <minsi>, %reduce_min3A, %reduce_min3A_199 [1, 2] : vector<1x8x1024xi32> to vector<1xi32>
      %reduce_min3A_201 = vector.shape_cast %reduce_min3A_200 : vector<1xi32> to vector<1x1x1xi32>
      %reduce_min3A_202 = vector.extract %reduce_min3A_201[0, 0, 0] : i32 from vector<1x1x1xi32>
      %broadcast_in_dim3A_203 = vector.broadcast %reduce_min3A_202 : i32 to vector<128xi32>
      %swap3A = arith.constant 1 : index
      %swap3A_204 = arith.constant 0 : index
      %swap3A_205 = vector.load %arg37[%swap3A, %swap3A_204] : memref<16x128xi32, #tpu.memory_space<vmem>>, vector<1x128xi32>
      %swap3A_206 = vector.shape_cast %swap3A_205 : vector<1x128xi32> to vector<128xi32>
      %swap3A_207 = vector.shape_cast %broadcast_in_dim3A_203 : vector<128xi32> to vector<1x128xi32>
      tpu.vector_store %arg37[%swap3A, %swap3A_204], %swap3A_207 {strides = array<i32>} : memref<16x128xi32, #tpu.memory_space<vmem>>, vector<1x128xi32>,
    } else {
    }
    %mul3A_14 = arith.constant 16 : i32
    %mul3A_15 = arith.muli %arg0, %mul3A_14 : i32
    %add3A_16 = arith.constant 2 : i32
    %add3A_17 = arith.addi %mul3A_15, %add3A_16 : i32
    %get3A_18 = arith.constant 0 : index
    %get3A_19 = memref.load %arg3[%get3A_18] : memref<1xi32, #tpu.memory_space<smem>>
    %lt3A_20 = arith.cmpi slt, %add3A_17, %get3A_19 : i32
    %convert_element_type3A_21 = arith.extui %lt3A_20 : i1 to i32
    %cond3A_22 = arith.constant 0 : i32
    %cond3A_23 = arith.cmpi ne, %convert_element_type3A_21, %cond3A_22 : i32
    scf.if %cond3A_23 {
      %get3A_154 = arith.constant 2 : index
      %get3A_155 = arith.constant 0 : index
      %get3A_156 = arith.constant 0 : index
      %get3A_157 = vector.load %arg20[%get3A_154, %get3A_155, %get3A_156] : memref<16x8x1024xf32, #tpu.memory_space<vmem>>, vector<1x8x1024xf32>
      %get3A_158 = vector.shape_cast %get3A_157 : vector<1x8x1024xf32> to vector<8x1024xf32>
      %reduce_sum3A = vector.shape_cast %get3A_158 : vector<8x1024xf32> to vector<1x8x1024xf32>
      %reduce_sum3A_159 = arith.constant dense<0.000000e+00> : vector<1xf32>
      %reduce_sum3A_160 = vector.multi_reduction <add>, %reduce_sum3A, %reduce_sum3A_159 [1, 2] : vector<1x8x1024xf32> to vector<1xf32>
      %reduce_sum3A_161 = vector.shape_cast %reduce_sum3A_160 : vector<1xf32> to vector<1x1x1xf32>
      %reduce_sum3A_162 = vector.extract %reduce_sum3A_161[0, 0, 0] : f32 from vector<1x1x1xf32>
      %add3A_163 = arith.constant 1.000000e-10 : f32
      %add3A_164 = arith.addf %reduce_sum3A_162, %add3A_163 : f32
      %div3A = vector.broadcast %add3A_164 : f32 to vector<8x1024xf32>
      %div3A_165 = arith.divf %get3A_158, %div3A : vector<8x1024xf32>
      %get3A_166 = arith.constant 0 : index
      %get3A_167 = arith.constant 0 : index
      %get3A_168 = arith.constant 0 : index
      %get3A_169 = vector.load %arg6[%get3A_166, %get3A_167, %get3A_168] : memref<1x1x8192xf32, #tpu.memory_space<vmem>>, vector<1x1x8192xf32>
      %reshape3A = vector.shape_cast %get3A_169 : vector<1x1x8192xf32> to vector<8x1024xf32>
      %mul3A_170 = arith.mulf %reshape3A, %div3A_165 : vector<8x1024xf32>
      %reduce_sum3A_171 = vector.shape_cast %mul3A_170 : vector<8x1024xf32> to vector<1x8x1024xf32>
      %reduce_sum3A_172 = arith.constant dense<0.000000e+00> : vector<1xf32>
      %reduce_sum3A_173 = vector.multi_reduction <add>, %reduce_sum3A_171, %reduce_sum3A_172 [1, 2] : vector<1x8x1024xf32> to vector<1xf32>
      %reduce_sum3A_174 = vector.shape_cast %reduce_sum3A_173 : vector<1xf32> to vector<1x1x1xf32>
      %reduce_sum3A_175 = vector.extract %reduce_sum3A_174[0, 0, 0] : f32 from vector<1x1x1xf32>
      %add3A_176 = arith.constant 1.000000e-10 : f32
      %add3A_177 = arith.addf %reduce_sum3A_175, %add3A_176 : f32
      %div3A_178 = vector.broadcast %add3A_177 : f32 to vector<8x1024xf32>
      %div3A_179 = arith.divf %mul3A_170, %div3A_178 : vector<8x1024xf32>
      %add3A_180 = arith.constant 9.99999996E-13 : f32
      %add3A_181 = vector.broadcast %add3A_180 : f32 to vector<8x1024xf32>
      %add3A_182 = arith.addf %div3A_179, %add3A_181 : vector<8x1024xf32>
      %log3A = math.log %add3A_182 : vector<8x1024xf32>
      %get3A_183 = arith.constant 0 : index
      %get3A_184 = arith.constant 0 : index
      %get3A_185 = arith.constant 0 : index
      %get3A_186 = vector.load %arg23[%get3A_183, %get3A_184, %get3A_185] : memref<1x8x1024xf32, #tpu.memory_space<vmem>>, vector<1x8x1024xf32>
      %get3A_187 = vector.shape_cast %get3A_186 : vector<1x8x1024xf32> to vector<8x1024xf32>
      %add3A_188 = arith.addf %log3A, %get3A_187 : vector<8x1024xf32>
      %reduce_max3A = vector.shape_cast %add3A_188 : vector<8x1024xf32> to vector<1x8x1024xf32>
      %reduce_max3A_189 = arith.constant dense<0xFF800000> : vector<1xf32>
      %reduce_max3A_190 = vector.multi_reduction <maximumf>, %reduce_max3A, %reduce_max3A_189 [1, 2] : vector<1x8x1024xf32> to vector<1xf32>
      %reduce_max3A_191 = vector.shape_cast %reduce_max3A_190 : vector<1xf32> to vector<1x1x1xf32>
      %reduce_max3A_192 = vector.extract %reduce_max3A_191[0, 0, 0] : f32 from vector<1x1x1xf32>
      %iota3A = tpu.iota {dimensions = array<i32: 0>} : vector<8x1024xi32>
      %mul3A_193 = arith.constant 1024 : i32
      %mul3A_194 = vector.broadcast %mul3A_193 : i32 to vector<8x1024xi32>
      %mul3A_195 = arith.muli %iota3A, %mul3A_194 : vector<8x1024xi32>
      %iota3A_196 = tpu.iota {dimensions = array<i32: 1>} : vector<8x1024xi32>
      %add3A_197 = arith.addi %mul3A_195, %iota3A_196 : vector<8x1024xi32>
      %eq3A = vector.broadcast %reduce_max3A_192 : f32 to vector<8x1024xf32>
      %eq3A_198 = arith.cmpf oeq, %add3A_188, %eq3A : vector<8x1024xf32>
      %jit3A = arith.constant 8192 : i32
      %broadcast_in_dim3A = vector.broadcast %jit3A : i32 to vector<8x1024xi32>
      %select_n3A = arith.select %eq3A_198, %add3A_197, %broadcast_in_dim3A : vector<8x1024xi1>, vector<8x1024xi32>
      %reduce_min3A = vector.shape_cast %select_n3A : vector<8x1024xi32> to vector<1x8x1024xi32>
      %reduce_min3A_199 = arith.constant dense<2147483647> : vector<1xi32>
      %reduce_min3A_200 = vector.multi_reduction <minsi>, %reduce_min3A, %reduce_min3A_199 [1, 2] : vector<1x8x1024xi32> to vector<1xi32>
      %reduce_min3A_201 = vector.shape_cast %reduce_min3A_200 : vector<1xi32> to vector<1x1x1xi32>
      %reduce_min3A_202 = vector.extract %reduce_min3A_201[0, 0, 0] : i32 from vector<1x1x1xi32>
      %broadcast_in_dim3A_203 = vector.broadcast %reduce_min3A_202 : i32 to vector<128xi32>
      %swap3A = arith.constant 2 : index
      %swap3A_204 = arith.constant 0 : index
      %swap3A_205 = vector.load %arg37[%swap3A, %swap3A_204] : memref<16x128xi32, #tpu.memory_space<vmem>>, vector<1x128xi32>
      %swap3A_206 = vector.shape_cast %swap3A_205 : vector<1x128xi32> to vector<128xi32>
      %swap3A_207 = vector.shape_cast %broadcast_in_dim3A_203 : vector<128xi32> to vector<1x128xi32>
      tpu.vector_store %arg37[%swap3A, %swap3A_204], %swap3A_207 {strides = array<i32>} : memref<16x128xi32, #tpu.memory_space<vmem>>, vector<1x128xi32>,
    } else {
    }
    %mul3A_24 = arith.constant 16 : i32
    %mul3A_25 = arith.muli %arg0, %mul3A_24 : i32
    %add3A_26 = arith.constant 3 : i32
    %add3A_27 = arith.addi %mul3A_25, %add3A_26 : i32
    %get3A_28 = arith.constant 0 : index
    %get3A_29 = memref.load %arg3[%get3A_28] : memref<1xi32, #tpu.memory_space<smem>>
    %lt3A_30 = arith.cmpi slt, %add3A_27, %get3A_29 : i32
    %convert_element_type3A_31 = arith.extui %lt3A_30 : i1 to i32
    %cond3A_32 = arith.constant 0 : i32
    %cond3A_33 = arith.cmpi ne, %convert_element_type3A_31, %cond3A_32 : i32
    scf.if %cond3A_33 {
      %get3A_154 = arith.constant 3 : index
      %get3A_155 = arith.constant 0 : index
      %get3A_156 = arith.constant 0 : index
      %get3A_157 = vector.load %arg20[%get3A_154, %get3A_155, %get3A_156] : memref<16x8x1024xf32, #tpu.memory_space<vmem>>, vector<1x8x1024xf32>
      %get3A_158 = vector.shape_cast %get3A_157 : vector<1x8x1024xf32> to vector<8x1024xf32>
      %reduce_sum3A = vector.shape_cast %get3A_158 : vector<8x1024xf32> to vector<1x8x1024xf32>
      %reduce_sum3A_159 = arith.constant dense<0.000000e+00> : vector<1xf32>
      %reduce_sum3A_160 = vector.multi_reduction <add>, %reduce_sum3A, %reduce_sum3A_159 [1, 2] : vector<1x8x1024xf32> to vector<1xf32>
      %reduce_sum3A_161 = vector.shape_cast %reduce_sum3A_160 : vector<1xf32> to vector<1x1x1xf32>
      %reduce_sum3A_162 = vector.extract %reduce_sum3A_161[0, 0, 0] : f32 from vector<1x1x1xf32>
      %add3A_163 = arith.constant 1.000000e-10 : f32
      %add3A_164 = arith.addf %reduce_sum3A_162, %add3A_163 : f32
      %div3A = vector.broadcast %add3A_164 : f32 to vector<8x1024xf32>
      %div3A_165 = arith.divf %get3A_158, %div3A : vector<8x1024xf32>
      %get3A_166 = arith.constant 0 : index
      %get3A_167 = arith.constant 0 : index
      %get3A_168 = arith.constant 0 : index
      %get3A_169 = vector.load %arg7[%get3A_166, %get3A_167, %get3A_168] : memref<1x1x8192xf32, #tpu.memory_space<vmem>>, vector<1x1x8192xf32>
      %reshape3A = vector.shape_cast %get3A_169 : vector<1x1x8192xf32> to vector<8x1024xf32>
      %mul3A_170 = arith.mulf %reshape3A, %div3A_165 : vector<8x1024xf32>
      %reduce_sum3A_171 = vector.shape_cast %mul3A_170 : vector<8x1024xf32> to vector<1x8x1024xf32>
      %reduce_sum3A_172 = arith.constant dense<0.000000e+00> : vector<1xf32>
      %reduce_sum3A_173 = vector.multi_reduction <add>, %reduce_sum3A_171, %reduce_sum3A_172 [1, 2] : vector<1x8x1024xf32> to vector<1xf32>
      %reduce_sum3A_174 = vector.shape_cast %reduce_sum3A_173 : vector<1xf32> to vector<1x1x1xf32>
      %reduce_sum3A_175 = vector.extract %reduce_sum3A_174[0, 0, 0] : f32 from vector<1x1x1xf32>
      %add3A_176 = arith.constant 1.000000e-10 : f32
      %add3A_177 = arith.addf %reduce_sum3A_175, %add3A_176 : f32
      %div3A_178 = vector.broadcast %add3A_177 : f32 to vector<8x1024xf32>
      %div3A_179 = arith.divf %mul3A_170, %div3A_178 : vector<8x1024xf32>
      %add3A_180 = arith.constant 9.99999996E-13 : f32
      %add3A_181 = vector.broadcast %add3A_180 : f32 to vector<8x1024xf32>
      %add3A_182 = arith.addf %div3A_179, %add3A_181 : vector<8x1024xf32>
      %log3A = math.log %add3A_182 : vector<8x1024xf32>
      %get3A_183 = arith.constant 0 : index
      %get3A_184 = arith.constant 0 : index
      %get3A_185 = arith.constant 0 : index
      %get3A_186 = vector.load %arg24[%get3A_183, %get3A_184, %get3A_185] : memref<1x8x1024xf32, #tpu.memory_space<vmem>>, vector<1x8x1024xf32>
      %get3A_187 = vector.shape_cast %get3A_186 : vector<1x8x1024xf32> to vector<8x1024xf32>
      %add3A_188 = arith.addf %log3A, %get3A_187 : vector<8x1024xf32>
      %reduce_max3A = vector.shape_cast %add3A_188 : vector<8x1024xf32> to vector<1x8x1024xf32>
      %reduce_max3A_189 = arith.constant dense<0xFF800000> : vector<1xf32>
      %reduce_max3A_190 = vector.multi_reduction <maximumf>, %reduce_max3A, %reduce_max3A_189 [1, 2] : vector<1x8x1024xf32> to vector<1xf32>
      %reduce_max3A_191 = vector.shape_cast %reduce_max3A_190 : vector<1xf32> to vector<1x1x1xf32>
      %reduce_max3A_192 = vector.extract %reduce_max3A_191[0, 0, 0] : f32 from vector<1x1x1xf32>
      %iota3A = tpu.iota {dimensions = array<i32: 0>} : vector<8x1024xi32>
      %mul3A_193 = arith.constant 1024 : i32
      %mul3A_194 = vector.broadcast %mul3A_193 : i32 to vector<8x1024xi32>
      %mul3A_195 = arith.muli %iota3A, %mul3A_194 : vector<8x1024xi32>
      %iota3A_196 = tpu.iota {dimensions = array<i32: 1>} : vector<8x1024xi32>
      %add3A_197 = arith.addi %mul3A_195, %iota3A_196 : vector<8x1024xi32>
      %eq3A = vector.broadcast %reduce_max3A_192 : f32 to vector<8x1024xf32>
      %eq3A_198 = arith.cmpf oeq, %add3A_188, %eq3A : vector<8x1024xf32>
      %jit3A = arith.constant 8192 : i32
      %broadcast_in_dim3A = vector.broadcast %jit3A : i32 to vector<8x1024xi32>
      %select_n3A = arith.select %eq3A_198, %add3A_197, %broadcast_in_dim3A : vector<8x1024xi1>, vector<8x1024xi32>
      %reduce_min3A = vector.shape_cast %select_n3A : vector<8x1024xi32> to vector<1x8x1024xi32>
      %reduce_min3A_199 = arith.constant dense<2147483647> : vector<1xi32>
      %reduce_min3A_200 = vector.multi_reduction <minsi>, %reduce_min3A, %reduce_min3A_199 [1, 2] : vector<1x8x1024xi32> to vector<1xi32>
      %reduce_min3A_201 = vector.shape_cast %reduce_min3A_200 : vector<1xi32> to vector<1x1x1xi32>
      %reduce_min3A_202 = vector.extract %reduce_min3A_201[0, 0, 0] : i32 from vector<1x1x1xi32>
      %broadcast_in_dim3A_203 = vector.broadcast %reduce_min3A_202 : i32 to vector<128xi32>
      %swap3A = arith.constant 3 : index
      %swap3A_204 = arith.constant 0 : index
      %swap3A_205 = vector.load %arg37[%swap3A, %swap3A_204] : memref<16x128xi32, #tpu.memory_space<vmem>>, vector<1x128xi32>
      %swap3A_206 = vector.shape_cast %swap3A_205 : vector<1x128xi32> to vector<128xi32>
      %swap3A_207 = vector.shape_cast %broadcast_in_dim3A_203 : vector<128xi32> to vector<1x128xi32>
      tpu.vector_store %arg37[%swap3A, %swap3A_204], %swap3A_207 {strides = array<i32>} : memref<16x128xi32, #tpu.memory_space<vmem>>, vector<1x128xi32>,
    } else {
    }
    %mul3A_34 = arith.constant 16 : i32
    %mul3A_35 = arith.muli %arg0, %mul3A_34 : i32
    %add3A_36 = arith.constant 4 : i32
    %add3A_37 = arith.addi %mul3A_35, %add3A_36 : i32
    %get3A_38 = arith.constant 0 : index
    %get3A_39 = memref.load %arg3[%get3A_38] : memref<1xi32, #tpu.memory_space<smem>>
    %lt3A_40 = arith.cmpi slt, %add3A_37, %get3A_39 : i32
    %convert_element_type3A_41 = arith.extui %lt3A_40 : i1 to i32
    %cond3A_42 = arith.constant 0 : i32
    %cond3A_43 = arith.cmpi ne, %convert_element_type3A_41, %cond3A_42 : i32
    scf.if %cond3A_43 {
      %get3A_154 = arith.constant 4 : index
      %get3A_155 = arith.constant 0 : index
      %get3A_156 = arith.constant 0 : index
      %get3A_157 = vector.load %arg20[%get3A_154, %get3A_155, %get3A_156] : memref<16x8x1024xf32, #tpu.memory_space<vmem>>, vector<1x8x1024xf32>
      %get3A_158 = vector.shape_cast %get3A_157 : vector<1x8x1024xf32> to vector<8x1024xf32>
      %reduce_sum3A = vector.shape_cast %get3A_158 : vector<8x1024xf32> to vector<1x8x1024xf32>
      %reduce_sum3A_159 = arith.constant dense<0.000000e+00> : vector<1xf32>
      %reduce_sum3A_160 = vector.multi_reduction <add>, %reduce_sum3A, %reduce_sum3A_159 [1, 2] : vector<1x8x1024xf32> to vector<1xf32>
      %reduce_sum3A_161 = vector.shape_cast %reduce_sum3A_160 : vector<1xf32> to vector<1x1x1xf32>
      %reduce_sum3A_162 = vector.extract %reduce_sum3A_161[0, 0, 0] : f32 from vector<1x1x1xf32>
      %add3A_163 = arith.constant 1.000000e-10 : f32
      %add3A_164 = arith.addf %reduce_sum3A_162, %add3A_163 : f32
      %div3A = vector.broadcast %add3A_164 : f32 to vector<8x1024xf32>
      %div3A_165 = arith.divf %get3A_158, %div3A : vector<8x1024xf32>
      %get3A_166 = arith.constant 0 : index
      %get3A_167 = arith.constant 0 : index
      %get3A_168 = arith.constant 0 : index
      %get3A_169 = vector.load %arg8[%get3A_166, %get3A_167, %get3A_168] : memref<1x1x8192xf32, #tpu.memory_space<vmem>>, vector<1x1x8192xf32>
      %reshape3A = vector.shape_cast %get3A_169 : vector<1x1x8192xf32> to vector<8x1024xf32>
      %mul3A_170 = arith.mulf %reshape3A, %div3A_165 : vector<8x1024xf32>
      %reduce_sum3A_171 = vector.shape_cast %mul3A_170 : vector<8x1024xf32> to vector<1x8x1024xf32>
      %reduce_sum3A_172 = arith.constant dense<0.000000e+00> : vector<1xf32>
      %reduce_sum3A_173 = vector.multi_reduction <add>, %reduce_sum3A_171, %reduce_sum3A_172 [1, 2] : vector<1x8x1024xf32> to vector<1xf32>
      %reduce_sum3A_174 = vector.shape_cast %reduce_sum3A_173 : vector<1xf32> to vector<1x1x1xf32>
      %reduce_sum3A_175 = vector.extract %reduce_sum3A_174[0, 0, 0] : f32 from vector<1x1x1xf32>
      %add3A_176 = arith.constant 1.000000e-10 : f32
      %add3A_177 = arith.addf %reduce_sum3A_175, %add3A_176 : f32
      %div3A_178 = vector.broadcast %add3A_177 : f32 to vector<8x1024xf32>
      %div3A_179 = arith.divf %mul3A_170, %div3A_178 : vector<8x1024xf32>
      %add3A_180 = arith.constant 9.99999996E-13 : f32
      %add3A_181 = vector.broadcast %add3A_180 : f32 to vector<8x1024xf32>
      %add3A_182 = arith.addf %div3A_179, %add3A_181 : vector<8x1024xf32>
      %log3A = math.log %add3A_182 : vector<8x1024xf32>
      %get3A_183 = arith.constant 0 : index
      %get3A_184 = arith.constant 0 : index
      %get3A_185 = arith.constant 0 : index
      %get3A_186 = vector.load %arg25[%get3A_183, %get3A_184, %get3A_185] : memref<1x8x1024xf32, #tpu.memory_space<vmem>>, vector<1x8x1024xf32>
      %get3A_187 = vector.shape_cast %get3A_186 : vector<1x8x1024xf32> to vector<8x1024xf32>
      %add3A_188 = arith.addf %log3A, %get3A_187 : vector<8x1024xf32>
      %reduce_max3A = vector.shape_cast %add3A_188 : vector<8x1024xf32> to vector<1x8x1024xf32>
      %reduce_max3A_189 = arith.constant dense<0xFF800000> : vector<1xf32>
      %reduce_max3A_190 = vector.multi_reduction <maximumf>, %reduce_max3A, %reduce_max3A_189 [1, 2] : vector<1x8x1024xf32> to vector<1xf32>
      %reduce_max3A_191 = vector.shape_cast %reduce_max3A_190 : vector<1xf32> to vector<1x1x1xf32>
      %reduce_max3A_192 = vector.extract %reduce_max3A_191[0, 0, 0] : f32 from vector<1x1x1xf32>
      %iota3A = tpu.iota {dimensions = array<i32: 0>} : vector<8x1024xi32>
      %mul3A_193 = arith.constant 1024 : i32
      %mul3A_194 = vector.broadcast %mul3A_193 : i32 to vector<8x1024xi32>
      %mul3A_195 = arith.muli %iota3A, %mul3A_194 : vector<8x1024xi32>
      %iota3A_196 = tpu.iota {dimensions = array<i32: 1>} : vector<8x1024xi32>
      %add3A_197 = arith.addi %mul3A_195, %iota3A_196 : vector<8x1024xi32>
      %eq3A = vector.broadcast %reduce_max3A_192 : f32 to vector<8x1024xf32>
      %eq3A_198 = arith.cmpf oeq, %add3A_188, %eq3A : vector<8x1024xf32>
      %jit3A = arith.constant 8192 : i32
      %broadcast_in_dim3A = vector.broadcast %jit3A : i32 to vector<8x1024xi32>
      %select_n3A = arith.select %eq3A_198, %add3A_197, %broadcast_in_dim3A : vector<8x1024xi1>, vector<8x1024xi32>
      %reduce_min3A = vector.shape_cast %select_n3A : vector<8x1024xi32> to vector<1x8x1024xi32>
      %reduce_min3A_199 = arith.constant dense<2147483647> : vector<1xi32>
      %reduce_min3A_200 = vector.multi_reduction <minsi>, %reduce_min3A, %reduce_min3A_199 [1, 2] : vector<1x8x1024xi32> to vector<1xi32>
      %reduce_min3A_201 = vector.shape_cast %reduce_min3A_200 : vector<1xi32> to vector<1x1x1xi32>
      %reduce_min3A_202 = vector.extract %reduce_min3A_201[0, 0, 0] : i32 from vector<1x1x1xi32>
      %broadcast_in_dim3A_203 = vector.broadcast %reduce_min3A_202 : i32 to vector<128xi32>
      %swap3A = arith.constant 4 : index
      %swap3A_204 = arith.constant 0 : index
      %swap3A_205 = vector.load %arg37[%swap3A, %swap3A_204] : memref<16x128xi32, #tpu.memory_space<vmem>>, vector<1x128xi32>
      %swap3A_206 = vector.shape_cast %swap3A_205 : vector<1x128xi32> to vector<128xi32>
      %swap3A_207 = vector.shape_cast %broadcast_in_dim3A_203 : vector<128xi32> to vector<1x128xi32>
      tpu.vector_store %arg37[%swap3A, %swap3A_204], %swap3A_207 {strides = array<i32>} : memref<16x128xi32, #tpu.memory_space<vmem>>, vector<1x128xi32>,
    } else {
    }
    %mul3A_44 = arith.constant 16 : i32
    %mul3A_45 = arith.muli %arg0, %mul3A_44 : i32
    %add3A_46 = arith.constant 5 : i32
    %add3A_47 = arith.addi %mul3A_45, %add3A_46 : i32
    %get3A_48 = arith.constant 0 : index
    %get3A_49 = memref.load %arg3[%get3A_48] : memref<1xi32, #tpu.memory_space<smem>>
    %lt3A_50 = arith.cmpi slt, %add3A_47, %get3A_49 : i32
    %convert_element_type3A_51 = arith.extui %lt3A_50 : i1 to i32
    %cond3A_52 = arith.constant 0 : i32
    %cond3A_53 = arith.cmpi ne, %convert_element_type3A_51, %cond3A_52 : i32
    scf.if %cond3A_53 {
      %get3A_154 = arith.constant 5 : index
      %get3A_155 = arith.constant 0 : index
      %get3A_156 = arith.constant 0 : index
      %get3A_157 = vector.load %arg20[%get3A_154, %get3A_155, %get3A_156] : memref<16x8x1024xf32, #tpu.memory_space<vmem>>, vector<1x8x1024xf32>
      %get3A_158 = vector.shape_cast %get3A_157 : vector<1x8x1024xf32> to vector<8x1024xf32>
      %reduce_sum3A = vector.shape_cast %get3A_158 : vector<8x1024xf32> to vector<1x8x1024xf32>
      %reduce_sum3A_159 = arith.constant dense<0.000000e+00> : vector<1xf32>
      %reduce_sum3A_160 = vector.multi_reduction <add>, %reduce_sum3A, %reduce_sum3A_159 [1, 2] : vector<1x8x1024xf32> to vector<1xf32>
      %reduce_sum3A_161 = vector.shape_cast %reduce_sum3A_160 : vector<1xf32> to vector<1x1x1xf32>
      %reduce_sum3A_162 = vector.extract %reduce_sum3A_161[0, 0, 0] : f32 from vector<1x1x1xf32>
      %add3A_163 = arith.constant 1.000000e-10 : f32
      %add3A_164 = arith.addf %reduce_sum3A_162, %add3A_163 : f32
      %div3A = vector.broadcast %add3A_164 : f32 to vector<8x1024xf32>
      %div3A_165 = arith.divf %get3A_158, %div3A : vector<8x1024xf32>
      %get3A_166 = arith.constant 0 : index
      %get3A_167 = arith.constant 0 : index
      %get3A_168 = arith.constant 0 : index
      %get3A_169 = vector.load %arg9[%get3A_166, %get3A_167, %get3A_168] : memref<1x1x8192xf32, #tpu.memory_space<vmem>>, vector<1x1x8192xf32>
      %reshape3A = vector.shape_cast %get3A_169 : vector<1x1x8192xf32> to vector<8x1024xf32>
      %mul3A_170 = arith.mulf %reshape3A, %div3A_165 : vector<8x1024xf32>
      %reduce_sum3A_171 = vector.shape_cast %mul3A_170 : vector<8x1024xf32> to vector<1x8x1024xf32>
      %reduce_sum3A_172 = arith.constant dense<0.000000e+00> : vector<1xf32>
      %reduce_sum3A_173 = vector.multi_reduction <add>, %reduce_sum3A_171, %reduce_sum3A_172 [1, 2] : vector<1x8x1024xf32> to vector<1xf32>
      %reduce_sum3A_174 = vector.shape_cast %reduce_sum3A_173 : vector<1xf32> to vector<1x1x1xf32>
      %reduce_sum3A_175 = vector.extract %reduce_sum3A_174[0, 0, 0] : f32 from vector<1x1x1xf32>
      %add3A_176 = arith.constant 1.000000e-10 : f32
      %add3A_177 = arith.addf %reduce_sum3A_175, %add3A_176 : f32
      %div3A_178 = vector.broadcast %add3A_177 : f32 to vector<8x1024xf32>
      %div3A_179 = arith.divf %mul3A_170, %div3A_178 : vector<8x1024xf32>
      %add3A_180 = arith.constant 9.99999996E-13 : f32
      %add3A_181 = vector.broadcast %add3A_180 : f32 to vector<8x1024xf32>
      %add3A_182 = arith.addf %div3A_179, %add3A_181 : vector<8x1024xf32>
      %log3A = math.log %add3A_182 : vector<8x1024xf32>
      %get3A_183 = arith.constant 0 : index
      %get3A_184 = arith.constant 0 : index
      %get3A_185 = arith.constant 0 : index
      %get3A_186 = vector.load %arg26[%get3A_183, %get3A_184, %get3A_185] : memref<1x8x1024xf32, #tpu.memory_space<vmem>>, vector<1x8x1024xf32>
      %get3A_187 = vector.shape_cast %get3A_186 : vector<1x8x1024xf32> to vector<8x1024xf32>
      %add3A_188 = arith.addf %log3A, %get3A_187 : vector<8x1024xf32>
      %reduce_max3A = vector.shape_cast %add3A_188 : vector<8x1024xf32> to vector<1x8x1024xf32>
      %reduce_max3A_189 = arith.constant dense<0xFF800000> : vector<1xf32>
      %reduce_max3A_190 = vector.multi_reduction <maximumf>, %reduce_max3A, %reduce_max3A_189 [1, 2] : vector<1x8x1024xf32> to vector<1xf32>
      %reduce_max3A_191 = vector.shape_cast %reduce_max3A_190 : vector<1xf32> to vector<1x1x1xf32>
      %reduce_max3A_192 = vector.extract %reduce_max3A_191[0, 0, 0] : f32 from vector<1x1x1xf32>
      %iota3A = tpu.iota {dimensions = array<i32: 0>} : vector<8x1024xi32>
      %mul3A_193 = arith.constant 1024 : i32
      %mul3A_194 = vector.broadcast %mul3A_193 : i32 to vector<8x1024xi32>
      %mul3A_195 = arith.muli %iota3A, %mul3A_194 : vector<8x1024xi32>
      %iota3A_196 = tpu.iota {dimensions = array<i32: 1>} : vector<8x1024xi32>
      %add3A_197 = arith.addi %mul3A_195, %iota3A_196 : vector<8x1024xi32>
      %eq3A = vector.broadcast %reduce_max3A_192 : f32 to vector<8x1024xf32>
      %eq3A_198 = arith.cmpf oeq, %add3A_188, %eq3A : vector<8x1024xf32>
      %jit3A = arith.constant 8192 : i32
      %broadcast_in_dim3A = vector.broadcast %jit3A : i32 to vector<8x1024xi32>
      %select_n3A = arith.select %eq3A_198, %add3A_197, %broadcast_in_dim3A : vector<8x1024xi1>, vector<8x1024xi32>
      %reduce_min3A = vector.shape_cast %select_n3A : vector<8x1024xi32> to vector<1x8x1024xi32>
      %reduce_min3A_199 = arith.constant dense<2147483647> : vector<1xi32>
      %reduce_min3A_200 = vector.multi_reduction <minsi>, %reduce_min3A, %reduce_min3A_199 [1, 2] : vector<1x8x1024xi32> to vector<1xi32>
      %reduce_min3A_201 = vector.shape_cast %reduce_min3A_200 : vector<1xi32> to vector<1x1x1xi32>
      %reduce_min3A_202 = vector.extract %reduce_min3A_201[0, 0, 0] : i32 from vector<1x1x1xi32>
      %broadcast_in_dim3A_203 = vector.broadcast %reduce_min3A_202 : i32 to vector<128xi32>
      %swap3A = arith.constant 5 : index
      %swap3A_204 = arith.constant 0 : index
      %swap3A_205 = vector.load %arg37[%swap3A, %swap3A_204] : memref<16x128xi32, #tpu.memory_space<vmem>>, vector<1x128xi32>
      %swap3A_206 = vector.shape_cast %swap3A_205 : vector<1x128xi32> to vector<128xi32>
      %swap3A_207 = vector.shape_cast %broadcast_in_dim3A_203 : vector<128xi32> to vector<1x128xi32>
      tpu.vector_store %arg37[%swap3A, %swap3A_204], %swap3A_207 {strides = array<i32>} : memref<16x128xi32, #tpu.memory_space<vmem>>, vector<1x128xi32>,
    } else {
    }
    %mul3A_54 = arith.constant 16 : i32
    %mul3A_55 = arith.muli %arg0, %mul3A_54 : i32
    %add3A_56 = arith.constant 6 : i32
    %add3A_57 = arith.addi %mul3A_55, %add3A_56 : i32
    %get3A_58 = arith.constant 0 : index
    %get3A_59 = memref.load %arg3[%get3A_58] : memref<1xi32, #tpu.memory_space<smem>>
    %lt3A_60 = arith.cmpi slt, %add3A_57, %get3A_59 : i32
    %convert_element_type3A_61 = arith.extui %lt3A_60 : i1 to i32
    %cond3A_62 = arith.constant 0 : i32
    %cond3A_63 = arith.cmpi ne, %convert_element_type3A_61, %cond3A_62 : i32
    scf.if %cond3A_63 {
      %get3A_154 = arith.constant 6 : index
      %get3A_155 = arith.constant 0 : index
      %get3A_156 = arith.constant 0 : index
      %get3A_157 = vector.load %arg20[%get3A_154, %get3A_155, %get3A_156] : memref<16x8x1024xf32, #tpu.memory_space<vmem>>, vector<1x8x1024xf32>
      %get3A_158 = vector.shape_cast %get3A_157 : vector<1x8x1024xf32> to vector<8x1024xf32>
      %reduce_sum3A = vector.shape_cast %get3A_158 : vector<8x1024xf32> to vector<1x8x1024xf32>
      %reduce_sum3A_159 = arith.constant dense<0.000000e+00> : vector<1xf32>
      %reduce_sum3A_160 = vector.multi_reduction <add>, %reduce_sum3A, %reduce_sum3A_159 [1, 2] : vector<1x8x1024xf32> to vector<1xf32>
      %reduce_sum3A_161 = vector.shape_cast %reduce_sum3A_160 : vector<1xf32> to vector<1x1x1xf32>
      %reduce_sum3A_162 = vector.extract %reduce_sum3A_161[0, 0, 0] : f32 from vector<1x1x1xf32>
      %add3A_163 = arith.constant 1.000000e-10 : f32
      %add3A_164 = arith.addf %reduce_sum3A_162, %add3A_163 : f32
      %div3A = vector.broadcast %add3A_164 : f32 to vector<8x1024xf32>
      %div3A_165 = arith.divf %get3A_158, %div3A : vector<8x1024xf32>
      %get3A_166 = arith.constant 0 : index
      %get3A_167 = arith.constant 0 : index
      %get3A_168 = arith.constant 0 : index
      %get3A_169 = vector.load %arg10[%get3A_166, %get3A_167, %get3A_168] : memref<1x1x8192xf32, #tpu.memory_space<vmem>>, vector<1x1x8192xf32>
      %reshape3A = vector.shape_cast %get3A_169 : vector<1x1x8192xf32> to vector<8x1024xf32>
      %mul3A_170 = arith.mulf %reshape3A, %div3A_165 : vector<8x1024xf32>
      %reduce_sum3A_171 = vector.shape_cast %mul3A_170 : vector<8x1024xf32> to vector<1x8x1024xf32>
      %reduce_sum3A_172 = arith.constant dense<0.000000e+00> : vector<1xf32>
      %reduce_sum3A_173 = vector.multi_reduction <add>, %reduce_sum3A_171, %reduce_sum3A_172 [1, 2] : vector<1x8x1024xf32> to vector<1xf32>
      %reduce_sum3A_174 = vector.shape_cast %reduce_sum3A_173 : vector<1xf32> to vector<1x1x1xf32>
      %reduce_sum3A_175 = vector.extract %reduce_sum3A_174[0, 0, 0] : f32 from vector<1x1x1xf32>
      %add3A_176 = arith.constant 1.000000e-10 : f32
      %add3A_177 = arith.addf %reduce_sum3A_175, %add3A_176 : f32
      %div3A_178 = vector.broadcast %add3A_177 : f32 to vector<8x1024xf32>
      %div3A_179 = arith.divf %mul3A_170, %div3A_178 : vector<8x1024xf32>
      %add3A_180 = arith.constant 9.99999996E-13 : f32
      %add3A_181 = vector.broadcast %add3A_180 : f32 to vector<8x1024xf32>
      %add3A_182 = arith.addf %div3A_179, %add3A_181 : vector<8x1024xf32>
      %log3A = math.log %add3A_182 : vector<8x1024xf32>
      %get3A_183 = arith.constant 0 : index
      %get3A_184 = arith.constant 0 : index
      %get3A_185 = arith.constant 0 : index
      %get3A_186 = vector.load %arg27[%get3A_183, %get3A_184, %get3A_185] : memref<1x8x1024xf32, #tpu.memory_space<vmem>>, vector<1x8x1024xf32>
      %get3A_187 = vector.shape_cast %get3A_186 : vector<1x8x1024xf32> to vector<8x1024xf32>
      %add3A_188 = arith.addf %log3A, %get3A_187 : vector<8x1024xf32>
      %reduce_max3A = vector.shape_cast %add3A_188 : vector<8x1024xf32> to vector<1x8x1024xf32>
      %reduce_max3A_189 = arith.constant dense<0xFF800000> : vector<1xf32>
      %reduce_max3A_190 = vector.multi_reduction <maximumf>, %reduce_max3A, %reduce_max3A_189 [1, 2] : vector<1x8x1024xf32> to vector<1xf32>
      %reduce_max3A_191 = vector.shape_cast %reduce_max3A_190 : vector<1xf32> to vector<1x1x1xf32>
      %reduce_max3A_192 = vector.extract %reduce_max3A_191[0, 0, 0] : f32 from vector<1x1x1xf32>
      %iota3A = tpu.iota {dimensions = array<i32: 0>} : vector<8x1024xi32>
      %mul3A_193 = arith.constant 1024 : i32
      %mul3A_194 = vector.broadcast %mul3A_193 : i32 to vector<8x1024xi32>
      %mul3A_195 = arith.muli %iota3A, %mul3A_194 : vector<8x1024xi32>
      %iota3A_196 = tpu.iota {dimensions = array<i32: 1>} : vector<8x1024xi32>
      %add3A_197 = arith.addi %mul3A_195, %iota3A_196 : vector<8x1024xi32>
      %eq3A = vector.broadcast %reduce_max3A_192 : f32 to vector<8x1024xf32>
      %eq3A_198 = arith.cmpf oeq, %add3A_188, %eq3A : vector<8x1024xf32>
      %jit3A = arith.constant 8192 : i32
      %broadcast_in_dim3A = vector.broadcast %jit3A : i32 to vector<8x1024xi32>
      %select_n3A = arith.select %eq3A_198, %add3A_197, %broadcast_in_dim3A : vector<8x1024xi1>, vector<8x1024xi32>
      %reduce_min3A = vector.shape_cast %select_n3A : vector<8x1024xi32> to vector<1x8x1024xi32>
      %reduce_min3A_199 = arith.constant dense<2147483647> : vector<1xi32>
      %reduce_min3A_200 = vector.multi_reduction <minsi>, %reduce_min3A, %reduce_min3A_199 [1, 2] : vector<1x8x1024xi32> to vector<1xi32>
      %reduce_min3A_201 = vector.shape_cast %reduce_min3A_200 : vector<1xi32> to vector<1x1x1xi32>
      %reduce_min3A_202 = vector.extract %reduce_min3A_201[0, 0, 0] : i32 from vector<1x1x1xi32>
      %broadcast_in_dim3A_203 = vector.broadcast %reduce_min3A_202 : i32 to vector<128xi32>
      %swap3A = arith.constant 6 : index
      %swap3A_204 = arith.constant 0 : index
      %swap3A_205 = vector.load %arg37[%swap3A, %swap3A_204] : memref<16x128xi32, #tpu.memory_space<vmem>>, vector<1x128xi32>
      %swap3A_206 = vector.shape_cast %swap3A_205 : vector<1x128xi32> to vector<128xi32>
      %swap3A_207 = vector.shape_cast %broadcast_in_dim3A_203 : vector<128xi32> to vector<1x128xi32>
      tpu.vector_store %arg37[%swap3A, %swap3A_204], %swap3A_207 {strides = array<i32>} : memref<16x128xi32, #tpu.memory_space<vmem>>, vector<1x128xi32>,
    } else {
    }
    %mul3A_64 = arith.constant 16 : i32
    %mul3A_65 = arith.muli %arg0, %mul3A_64 : i32
    %add3A_66 = arith.constant 7 : i32
    %add3A_67 = arith.addi %mul3A_65, %add3A_66 : i32
    %get3A_68 = arith.constant 0 : index
    %get3A_69 = memref.load %arg3[%get3A_68] : memref<1xi32, #tpu.memory_space<smem>>
    %lt3A_70 = arith.cmpi slt, %add3A_67, %get3A_69 : i32
    %convert_element_type3A_71 = arith.extui %lt3A_70 : i1 to i32
    %cond3A_72 = arith.constant 0 : i32
    %cond3A_73 = arith.cmpi ne, %convert_element_type3A_71, %cond3A_72 : i32
    scf.if %cond3A_73 {
      %get3A_154 = arith.constant 7 : index
      %get3A_155 = arith.constant 0 : index
      %get3A_156 = arith.constant 0 : index
      %get3A_157 = vector.load %arg20[%get3A_154, %get3A_155, %get3A_156] : memref<16x8x1024xf32, #tpu.memory_space<vmem>>, vector<1x8x1024xf32>
      %get3A_158 = vector.shape_cast %get3A_157 : vector<1x8x1024xf32> to vector<8x1024xf32>
      %reduce_sum3A = vector.shape_cast %get3A_158 : vector<8x1024xf32> to vector<1x8x1024xf32>
      %reduce_sum3A_159 = arith.constant dense<0.000000e+00> : vector<1xf32>
      %reduce_sum3A_160 = vector.multi_reduction <add>, %reduce_sum3A, %reduce_sum3A_159 [1, 2] : vector<1x8x1024xf32> to vector<1xf32>
      %reduce_sum3A_161 = vector.shape_cast %reduce_sum3A_160 : vector<1xf32> to vector<1x1x1xf32>
      %reduce_sum3A_162 = vector.extract %reduce_sum3A_161[0, 0, 0] : f32 from vector<1x1x1xf32>
      %add3A_163 = arith.constant 1.000000e-10 : f32
      %add3A_164 = arith.addf %reduce_sum3A_162, %add3A_163 : f32
      %div3A = vector.broadcast %add3A_164 : f32 to vector<8x1024xf32>
      %div3A_165 = arith.divf %get3A_158, %div3A : vector<8x1024xf32>
      %get3A_166 = arith.constant 0 : index
      %get3A_167 = arith.constant 0 : index
      %get3A_168 = arith.constant 0 : index
      %get3A_169 = vector.load %arg11[%get3A_166, %get3A_167, %get3A_168] : memref<1x1x8192xf32, #tpu.memory_space<vmem>>, vector<1x1x8192xf32>
      %reshape3A = vector.shape_cast %get3A_169 : vector<1x1x8192xf32> to vector<8x1024xf32>
      %mul3A_170 = arith.mulf %reshape3A, %div3A_165 : vector<8x1024xf32>
      %reduce_sum3A_171 = vector.shape_cast %mul3A_170 : vector<8x1024xf32> to vector<1x8x1024xf32>
      %reduce_sum3A_172 = arith.constant dense<0.000000e+00> : vector<1xf32>
      %reduce_sum3A_173 = vector.multi_reduction <add>, %reduce_sum3A_171, %reduce_sum3A_172 [1, 2] : vector<1x8x1024xf32> to vector<1xf32>
      %reduce_sum3A_174 = vector.shape_cast %reduce_sum3A_173 : vector<1xf32> to vector<1x1x1xf32>
      %reduce_sum3A_175 = vector.extract %reduce_sum3A_174[0, 0, 0] : f32 from vector<1x1x1xf32>
      %add3A_176 = arith.constant 1.000000e-10 : f32
      %add3A_177 = arith.addf %reduce_sum3A_175, %add3A_176 : f32
      %div3A_178 = vector.broadcast %add3A_177 : f32 to vector<8x1024xf32>
      %div3A_179 = arith.divf %mul3A_170, %div3A_178 : vector<8x1024xf32>
      %add3A_180 = arith.constant 9.99999996E-13 : f32
      %add3A_181 = vector.broadcast %add3A_180 : f32 to vector<8x1024xf32>
      %add3A_182 = arith.addf %div3A_179, %add3A_181 : vector<8x1024xf32>
      %log3A = math.log %add3A_182 : vector<8x1024xf32>
      %get3A_183 = arith.constant 0 : index
      %get3A_184 = arith.constant 0 : index
      %get3A_185 = arith.constant 0 : index
      %get3A_186 = vector.load %arg28[%get3A_183, %get3A_184, %get3A_185] : memref<1x8x1024xf32, #tpu.memory_space<vmem>>, vector<1x8x1024xf32>
      %get3A_187 = vector.shape_cast %get3A_186 : vector<1x8x1024xf32> to vector<8x1024xf32>
      %add3A_188 = arith.addf %log3A, %get3A_187 : vector<8x1024xf32>
      %reduce_max3A = vector.shape_cast %add3A_188 : vector<8x1024xf32> to vector<1x8x1024xf32>
      %reduce_max3A_189 = arith.constant dense<0xFF800000> : vector<1xf32>
      %reduce_max3A_190 = vector.multi_reduction <maximumf>, %reduce_max3A, %reduce_max3A_189 [1, 2] : vector<1x8x1024xf32> to vector<1xf32>
      %reduce_max3A_191 = vector.shape_cast %reduce_max3A_190 : vector<1xf32> to vector<1x1x1xf32>
      %reduce_max3A_192 = vector.extract %reduce_max3A_191[0, 0, 0] : f32 from vector<1x1x1xf32>
      %iota3A = tpu.iota {dimensions = array<i32: 0>} : vector<8x1024xi32>
      %mul3A_193 = arith.constant 1024 : i32
      %mul3A_194 = vector.broadcast %mul3A_193 : i32 to vector<8x1024xi32>
      %mul3A_195 = arith.muli %iota3A, %mul3A_194 : vector<8x1024xi32>
      %iota3A_196 = tpu.iota {dimensions = array<i32: 1>} : vector<8x1024xi32>
      %add3A_197 = arith.addi %mul3A_195, %iota3A_196 : vector<8x1024xi32>
      %eq3A = vector.broadcast %reduce_max3A_192 : f32 to vector<8x1024xf32>
      %eq3A_198 = arith.cmpf oeq, %add3A_188, %eq3A : vector<8x1024xf32>
      %jit3A = arith.constant 8192 : i32
      %broadcast_in_dim3A = vector.broadcast %jit3A : i32 to vector<8x1024xi32>
      %select_n3A = arith.select %eq3A_198, %add3A_197, %broadcast_in_dim3A : vector<8x1024xi1>, vector<8x1024xi32>
      %reduce_min3A = vector.shape_cast %select_n3A : vector<8x1024xi32> to vector<1x8x1024xi32>
      %reduce_min3A_199 = arith.constant dense<2147483647> : vector<1xi32>
      %reduce_min3A_200 = vector.multi_reduction <minsi>, %reduce_min3A, %reduce_min3A_199 [1, 2] : vector<1x8x1024xi32> to vector<1xi32>
      %reduce_min3A_201 = vector.shape_cast %reduce_min3A_200 : vector<1xi32> to vector<1x1x1xi32>
      %reduce_min3A_202 = vector.extract %reduce_min3A_201[0, 0, 0] : i32 from vector<1x1x1xi32>
      %broadcast_in_dim3A_203 = vector.broadcast %reduce_min3A_202 : i32 to vector<128xi32>
      %swap3A = arith.constant 7 : index
      %swap3A_204 = arith.constant 0 : index
      %swap3A_205 = vector.load %arg37[%swap3A, %swap3A_204] : memref<16x128xi32, #tpu.memory_space<vmem>>, vector<1x128xi32>
      %swap3A_206 = vector.shape_cast %swap3A_205 : vector<1x128xi32> to vector<128xi32>
      %swap3A_207 = vector.shape_cast %broadcast_in_dim3A_203 : vector<128xi32> to vector<1x128xi32>
      tpu.vector_store %arg37[%swap3A, %swap3A_204], %swap3A_207 {strides = array<i32>} : memref<16x128xi32, #tpu.memory_space<vmem>>, vector<1x128xi32>,
    } else {
    }
    %mul3A_74 = arith.constant 16 : i32
    %mul3A_75 = arith.muli %arg0, %mul3A_74 : i32
    %add3A_76 = arith.constant 8 : i32
    %add3A_77 = arith.addi %mul3A_75, %add3A_76 : i32
    %get3A_78 = arith.constant 0 : index
    %get3A_79 = memref.load %arg3[%get3A_78] : memref<1xi32, #tpu.memory_space<smem>>
    %lt3A_80 = arith.cmpi slt, %add3A_77, %get3A_79 : i32
    %convert_element_type3A_81 = arith.extui %lt3A_80 : i1 to i32
    %cond3A_82 = arith.constant 0 : i32
    %cond3A_83 = arith.cmpi ne, %convert_element_type3A_81, %cond3A_82 : i32
    scf.if %cond3A_83 {
      %get3A_154 = arith.constant 8 : index
      %get3A_155 = arith.constant 0 : index
      %get3A_156 = arith.constant 0 : index
      %get3A_157 = vector.load %arg20[%get3A_154, %get3A_155, %get3A_156] : memref<16x8x1024xf32, #tpu.memory_space<vmem>>, vector<1x8x1024xf32>
      %get3A_158 = vector.shape_cast %get3A_157 : vector<1x8x1024xf32> to vector<8x1024xf32>
      %reduce_sum3A = vector.shape_cast %get3A_158 : vector<8x1024xf32> to vector<1x8x1024xf32>
      %reduce_sum3A_159 = arith.constant dense<0.000000e+00> : vector<1xf32>
      %reduce_sum3A_160 = vector.multi_reduction <add>, %reduce_sum3A, %reduce_sum3A_159 [1, 2] : vector<1x8x1024xf32> to vector<1xf32>
      %reduce_sum3A_161 = vector.shape_cast %reduce_sum3A_160 : vector<1xf32> to vector<1x1x1xf32>
      %reduce_sum3A_162 = vector.extract %reduce_sum3A_161[0, 0, 0] : f32 from vector<1x1x1xf32>
      %add3A_163 = arith.constant 1.000000e-10 : f32
      %add3A_164 = arith.addf %reduce_sum3A_162, %add3A_163 : f32
      %div3A = vector.broadcast %add3A_164 : f32 to vector<8x1024xf32>
      %div3A_165 = arith.divf %get3A_158, %div3A : vector<8x1024xf32>
      %get3A_166 = arith.constant 0 : index
      %get3A_167 = arith.constant 0 : index
      %get3A_168 = arith.constant 0 : index
      %get3A_169 = vector.load %arg12[%get3A_166, %get3A_167, %get3A_168] : memref<1x1x8192xf32, #tpu.memory_space<vmem>>, vector<1x1x8192xf32>
      %reshape3A = vector.shape_cast %get3A_169 : vector<1x1x8192xf32> to vector<8x1024xf32>
      %mul3A_170 = arith.mulf %reshape3A, %div3A_165 : vector<8x1024xf32>
      %reduce_sum3A_171 = vector.shape_cast %mul3A_170 : vector<8x1024xf32> to vector<1x8x1024xf32>
      %reduce_sum3A_172 = arith.constant dense<0.000000e+00> : vector<1xf32>
      %reduce_sum3A_173 = vector.multi_reduction <add>, %reduce_sum3A_171, %reduce_sum3A_172 [1, 2] : vector<1x8x1024xf32> to vector<1xf32>
      %reduce_sum3A_174 = vector.shape_cast %reduce_sum3A_173 : vector<1xf32> to vector<1x1x1xf32>
      %reduce_sum3A_175 = vector.extract %reduce_sum3A_174[0, 0, 0] : f32 from vector<1x1x1xf32>
      %add3A_176 = arith.constant 1.000000e-10 : f32
      %add3A_177 = arith.addf %reduce_sum3A_175, %add3A_176 : f32
      %div3A_178 = vector.broadcast %add3A_177 : f32 to vector<8x1024xf32>
      %div3A_179 = arith.divf %mul3A_170, %div3A_178 : vector<8x1024xf32>
      %add3A_180 = arith.constant 9.99999996E-13 : f32
      %add3A_181 = vector.broadcast %add3A_180 : f32 to vector<8x1024xf32>
      %add3A_182 = arith.addf %div3A_179, %add3A_181 : vector<8x1024xf32>
      %log3A = math.log %add3A_182 : vector<8x1024xf32>
      %get3A_183 = arith.constant 0 : index
      %get3A_184 = arith.constant 0 : index
      %get3A_185 = arith.constant 0 : index
      %get3A_186 = vector.load %arg29[%get3A_183, %get3A_184, %get3A_185] : memref<1x8x1024xf32, #tpu.memory_space<vmem>>, vector<1x8x1024xf32>
      %get3A_187 = vector.shape_cast %get3A_186 : vector<1x8x1024xf32> to vector<8x1024xf32>
      %add3A_188 = arith.addf %log3A, %get3A_187 : vector<8x1024xf32>
      %reduce_max3A = vector.shape_cast %add3A_188 : vector<8x1024xf32> to vector<1x8x1024xf32>
      %reduce_max3A_189 = arith.constant dense<0xFF800000> : vector<1xf32>
      %reduce_max3A_190 = vector.multi_reduction <maximumf>, %reduce_max3A, %reduce_max3A_189 [1, 2] : vector<1x8x1024xf32> to vector<1xf32>
      %reduce_max3A_191 = vector.shape_cast %reduce_max3A_190 : vector<1xf32> to vector<1x1x1xf32>
      %reduce_max3A_192 = vector.extract %reduce_max3A_191[0, 0, 0] : f32 from vector<1x1x1xf32>
      %iota3A = tpu.iota {dimensions = array<i32: 0>} : vector<8x1024xi32>
      %mul3A_193 = arith.constant 1024 : i32
      %mul3A_194 = vector.broadcast %mul3A_193 : i32 to vector<8x1024xi32>
      %mul3A_195 = arith.muli %iota3A, %mul3A_194 : vector<8x1024xi32>
      %iota3A_196 = tpu.iota {dimensions = array<i32: 1>} : vector<8x1024xi32>
      %add3A_197 = arith.addi %mul3A_195, %iota3A_196 : vector<8x1024xi32>
      %eq3A = vector.broadcast %reduce_max3A_192 : f32 to vector<8x1024xf32>
      %eq3A_198 = arith.cmpf oeq, %add3A_188, %eq3A : vector<8x1024xf32>
      %jit3A = arith.constant 8192 : i32
      %broadcast_in_dim3A = vector.broadcast %jit3A : i32 to vector<8x1024xi32>
      %select_n3A = arith.select %eq3A_198, %add3A_197, %broadcast_in_dim3A : vector<8x1024xi1>, vector<8x1024xi32>
      %reduce_min3A = vector.shape_cast %select_n3A : vector<8x1024xi32> to vector<1x8x1024xi32>
      %reduce_min3A_199 = arith.constant dense<2147483647> : vector<1xi32>
      %reduce_min3A_200 = vector.multi_reduction <minsi>, %reduce_min3A, %reduce_min3A_199 [1, 2] : vector<1x8x1024xi32> to vector<1xi32>
      %reduce_min3A_201 = vector.shape_cast %reduce_min3A_200 : vector<1xi32> to vector<1x1x1xi32>
      %reduce_min3A_202 = vector.extract %reduce_min3A_201[0, 0, 0] : i32 from vector<1x1x1xi32>
      %broadcast_in_dim3A_203 = vector.broadcast %reduce_min3A_202 : i32 to vector<128xi32>
      %swap3A = arith.constant 8 : index
      %swap3A_204 = arith.constant 0 : index
      %swap3A_205 = vector.load %arg37[%swap3A, %swap3A_204] : memref<16x128xi32, #tpu.memory_space<vmem>>, vector<1x128xi32>
      %swap3A_206 = vector.shape_cast %swap3A_205 : vector<1x128xi32> to vector<128xi32>
      %swap3A_207 = vector.shape_cast %broadcast_in_dim3A_203 : vector<128xi32> to vector<1x128xi32>
      tpu.vector_store %arg37[%swap3A, %swap3A_204], %swap3A_207 {strides = array<i32>} : memref<16x128xi32, #tpu.memory_space<vmem>>, vector<1x128xi32>,
    } else {
    }
    %mul3A_84 = arith.constant 16 : i32
    %mul3A_85 = arith.muli %arg0, %mul3A_84 : i32
    %add3A_86 = arith.constant 9 : i32
    %add3A_87 = arith.addi %mul3A_85, %add3A_86 : i32
    %get3A_88 = arith.constant 0 : index
    %get3A_89 = memref.load %arg3[%get3A_88] : memref<1xi32, #tpu.memory_space<smem>>
    %lt3A_90 = arith.cmpi slt, %add3A_87, %get3A_89 : i32
    %convert_element_type3A_91 = arith.extui %lt3A_90 : i1 to i32
    %cond3A_92 = arith.constant 0 : i32
    %cond3A_93 = arith.cmpi ne, %convert_element_type3A_91, %cond3A_92 : i32
    scf.if %cond3A_93 {
      %get3A_154 = arith.constant 9 : index
      %get3A_155 = arith.constant 0 : index
      %get3A_156 = arith.constant 0 : index
      %get3A_157 = vector.load %arg20[%get3A_154, %get3A_155, %get3A_156] : memref<16x8x1024xf32, #tpu.memory_space<vmem>>, vector<1x8x1024xf32>
      %get3A_158 = vector.shape_cast %get3A_157 : vector<1x8x1024xf32> to vector<8x1024xf32>
      %reduce_sum3A = vector.shape_cast %get3A_158 : vector<8x1024xf32> to vector<1x8x1024xf32>
      %reduce_sum3A_159 = arith.constant dense<0.000000e+00> : vector<1xf32>
      %reduce_sum3A_160 = vector.multi_reduction <add>, %reduce_sum3A, %reduce_sum3A_159 [1, 2] : vector<1x8x1024xf32> to vector<1xf32>
      %reduce_sum3A_161 = vector.shape_cast %reduce_sum3A_160 : vector<1xf32> to vector<1x1x1xf32>
      %reduce_sum3A_162 = vector.extract %reduce_sum3A_161[0, 0, 0] : f32 from vector<1x1x1xf32>
      %add3A_163 = arith.constant 1.000000e-10 : f32
      %add3A_164 = arith.addf %reduce_sum3A_162, %add3A_163 : f32
      %div3A = vector.broadcast %add3A_164 : f32 to vector<8x1024xf32>
      %div3A_165 = arith.divf %get3A_158, %div3A : vector<8x1024xf32>
      %get3A_166 = arith.constant 0 : index
      %get3A_167 = arith.constant 0 : index
      %get3A_168 = arith.constant 0 : index
      %get3A_169 = vector.load %arg13[%get3A_166, %get3A_167, %get3A_168] : memref<1x1x8192xf32, #tpu.memory_space<vmem>>, vector<1x1x8192xf32>
      %reshape3A = vector.shape_cast %get3A_169 : vector<1x1x8192xf32> to vector<8x1024xf32>
      %mul3A_170 = arith.mulf %reshape3A, %div3A_165 : vector<8x1024xf32>
      %reduce_sum3A_171 = vector.shape_cast %mul3A_170 : vector<8x1024xf32> to vector<1x8x1024xf32>
      %reduce_sum3A_172 = arith.constant dense<0.000000e+00> : vector<1xf32>
      %reduce_sum3A_173 = vector.multi_reduction <add>, %reduce_sum3A_171, %reduce_sum3A_172 [1, 2] : vector<1x8x1024xf32> to vector<1xf32>
      %reduce_sum3A_174 = vector.shape_cast %reduce_sum3A_173 : vector<1xf32> to vector<1x1x1xf32>
      %reduce_sum3A_175 = vector.extract %reduce_sum3A_174[0, 0, 0] : f32 from vector<1x1x1xf32>
      %add3A_176 = arith.constant 1.000000e-10 : f32
      %add3A_177 = arith.addf %reduce_sum3A_175, %add3A_176 : f32
      %div3A_178 = vector.broadcast %add3A_177 : f32 to vector<8x1024xf32>
      %div3A_179 = arith.divf %mul3A_170, %div3A_178 : vector<8x1024xf32>
      %add3A_180 = arith.constant 9.99999996E-13 : f32
      %add3A_181 = vector.broadcast %add3A_180 : f32 to vector<8x1024xf32>
      %add3A_182 = arith.addf %div3A_179, %add3A_181 : vector<8x1024xf32>
      %log3A = math.log %add3A_182 : vector<8x1024xf32>
      %get3A_183 = arith.constant 0 : index
      %get3A_184 = arith.constant 0 : index
      %get3A_185 = arith.constant 0 : index
      %get3A_186 = vector.load %arg30[%get3A_183, %get3A_184, %get3A_185] : memref<1x8x1024xf32, #tpu.memory_space<vmem>>, vector<1x8x1024xf32>
      %get3A_187 = vector.shape_cast %get3A_186 : vector<1x8x1024xf32> to vector<8x1024xf32>
      %add3A_188 = arith.addf %log3A, %get3A_187 : vector<8x1024xf32>
      %reduce_max3A = vector.shape_cast %add3A_188 : vector<8x1024xf32> to vector<1x8x1024xf32>
      %reduce_max3A_189 = arith.constant dense<0xFF800000> : vector<1xf32>
      %reduce_max3A_190 = vector.multi_reduction <maximumf>, %reduce_max3A, %reduce_max3A_189 [1, 2] : vector<1x8x1024xf32> to vector<1xf32>
      %reduce_max3A_191 = vector.shape_cast %reduce_max3A_190 : vector<1xf32> to vector<1x1x1xf32>
      %reduce_max3A_192 = vector.extract %reduce_max3A_191[0, 0, 0] : f32 from vector<1x1x1xf32>
      %iota3A = tpu.iota {dimensions = array<i32: 0>} : vector<8x1024xi32>
      %mul3A_193 = arith.constant 1024 : i32
      %mul3A_194 = vector.broadcast %mul3A_193 : i32 to vector<8x1024xi32>
      %mul3A_195 = arith.muli %iota3A, %mul3A_194 : vector<8x1024xi32>
      %iota3A_196 = tpu.iota {dimensions = array<i32: 1>} : vector<8x1024xi32>
      %add3A_197 = arith.addi %mul3A_195, %iota3A_196 : vector<8x1024xi32>
      %eq3A = vector.broadcast %reduce_max3A_192 : f32 to vector<8x1024xf32>
      %eq3A_198 = arith.cmpf oeq, %add3A_188, %eq3A : vector<8x1024xf32>
      %jit3A = arith.constant 8192 : i32
      %broadcast_in_dim3A = vector.broadcast %jit3A : i32 to vector<8x1024xi32>
      %select_n3A = arith.select %eq3A_198, %add3A_197, %broadcast_in_dim3A : vector<8x1024xi1>, vector<8x1024xi32>
      %reduce_min3A = vector.shape_cast %select_n3A : vector<8x1024xi32> to vector<1x8x1024xi32>
      %reduce_min3A_199 = arith.constant dense<2147483647> : vector<1xi32>
      %reduce_min3A_200 = vector.multi_reduction <minsi>, %reduce_min3A, %reduce_min3A_199 [1, 2] : vector<1x8x1024xi32> to vector<1xi32>
      %reduce_min3A_201 = vector.shape_cast %reduce_min3A_200 : vector<1xi32> to vector<1x1x1xi32>
      %reduce_min3A_202 = vector.extract %reduce_min3A_201[0, 0, 0] : i32 from vector<1x1x1xi32>
      %broadcast_in_dim3A_203 = vector.broadcast %reduce_min3A_202 : i32 to vector<128xi32>
      %swap3A = arith.constant 9 : index
      %swap3A_204 = arith.constant 0 : index
      %swap3A_205 = vector.load %arg37[%swap3A, %swap3A_204] : memref<16x128xi32, #tpu.memory_space<vmem>>, vector<1x128xi32>
      %swap3A_206 = vector.shape_cast %swap3A_205 : vector<1x128xi32> to vector<128xi32>
      %swap3A_207 = vector.shape_cast %broadcast_in_dim3A_203 : vector<128xi32> to vector<1x128xi32>
      tpu.vector_store %arg37[%swap3A, %swap3A_204], %swap3A_207 {strides = array<i32>} : memref<16x128xi32, #tpu.memory_space<vmem>>, vector<1x128xi32>,
    } else {
    }
    %mul3A_94 = arith.constant 16 : i32
    %mul3A_95 = arith.muli %arg0, %mul3A_94 : i32
    %add3A_96 = arith.constant 10 : i32
    %add3A_97 = arith.addi %mul3A_95, %add3A_96 : i32
    %get3A_98 = arith.constant 0 : index
    %get3A_99 = memref.load %arg3[%get3A_98] : memref<1xi32, #tpu.memory_space<smem>>
    %lt3A_100 = arith.cmpi slt, %add3A_97, %get3A_99 : i32
    %convert_element_type3A_101 = arith.extui %lt3A_100 : i1 to i32
    %cond3A_102 = arith.constant 0 : i32
    %cond3A_103 = arith.cmpi ne, %convert_element_type3A_101, %cond3A_102 : i32
    scf.if %cond3A_103 {
      %get3A_154 = arith.constant 10 : index
      %get3A_155 = arith.constant 0 : index
      %get3A_156 = arith.constant 0 : index
      %get3A_157 = vector.load %arg20[%get3A_154, %get3A_155, %get3A_156] : memref<16x8x1024xf32, #tpu.memory_space<vmem>>, vector<1x8x1024xf32>
      %get3A_158 = vector.shape_cast %get3A_157 : vector<1x8x1024xf32> to vector<8x1024xf32>
      %reduce_sum3A = vector.shape_cast %get3A_158 : vector<8x1024xf32> to vector<1x8x1024xf32>
      %reduce_sum3A_159 = arith.constant dense<0.000000e+00> : vector<1xf32>
      %reduce_sum3A_160 = vector.multi_reduction <add>, %reduce_sum3A, %reduce_sum3A_159 [1, 2] : vector<1x8x1024xf32> to vector<1xf32>
      %reduce_sum3A_161 = vector.shape_cast %reduce_sum3A_160 : vector<1xf32> to vector<1x1x1xf32>
      %reduce_sum3A_162 = vector.extract %reduce_sum3A_161[0, 0, 0] : f32 from vector<1x1x1xf32>
      %add3A_163 = arith.constant 1.000000e-10 : f32
      %add3A_164 = arith.addf %reduce_sum3A_162, %add3A_163 : f32
      %div3A = vector.broadcast %add3A_164 : f32 to vector<8x1024xf32>
      %div3A_165 = arith.divf %get3A_158, %div3A : vector<8x1024xf32>
      %get3A_166 = arith.constant 0 : index
      %get3A_167 = arith.constant 0 : index
      %get3A_168 = arith.constant 0 : index
      %get3A_169 = vector.load %arg14[%get3A_166, %get3A_167, %get3A_168] : memref<1x1x8192xf32, #tpu.memory_space<vmem>>, vector<1x1x8192xf32>
      %reshape3A = vector.shape_cast %get3A_169 : vector<1x1x8192xf32> to vector<8x1024xf32>
      %mul3A_170 = arith.mulf %reshape3A, %div3A_165 : vector<8x1024xf32>
      %reduce_sum3A_171 = vector.shape_cast %mul3A_170 : vector<8x1024xf32> to vector<1x8x1024xf32>
      %reduce_sum3A_172 = arith.constant dense<0.000000e+00> : vector<1xf32>
      %reduce_sum3A_173 = vector.multi_reduction <add>, %reduce_sum3A_171, %reduce_sum3A_172 [1, 2] : vector<1x8x1024xf32> to vector<1xf32>
      %reduce_sum3A_174 = vector.shape_cast %reduce_sum3A_173 : vector<1xf32> to vector<1x1x1xf32>
      %reduce_sum3A_175 = vector.extract %reduce_sum3A_174[0, 0, 0] : f32 from vector<1x1x1xf32>
      %add3A_176 = arith.constant 1.000000e-10 : f32
      %add3A_177 = arith.addf %reduce_sum3A_175, %add3A_176 : f32
      %div3A_178 = vector.broadcast %add3A_177 : f32 to vector<8x1024xf32>
      %div3A_179 = arith.divf %mul3A_170, %div3A_178 : vector<8x1024xf32>
      %add3A_180 = arith.constant 9.99999996E-13 : f32
      %add3A_181 = vector.broadcast %add3A_180 : f32 to vector<8x1024xf32>
      %add3A_182 = arith.addf %div3A_179, %add3A_181 : vector<8x1024xf32>
      %log3A = math.log %add3A_182 : vector<8x1024xf32>
      %get3A_183 = arith.constant 0 : index
      %get3A_184 = arith.constant 0 : index
      %get3A_185 = arith.constant 0 : index
      %get3A_186 = vector.load %arg31[%get3A_183, %get3A_184, %get3A_185] : memref<1x8x1024xf32, #tpu.memory_space<vmem>>, vector<1x8x1024xf32>
      %get3A_187 = vector.shape_cast %get3A_186 : vector<1x8x1024xf32> to vector<8x1024xf32>
      %add3A_188 = arith.addf %log3A, %get3A_187 : vector<8x1024xf32>
      %reduce_max3A = vector.shape_cast %add3A_188 : vector<8x1024xf32> to vector<1x8x1024xf32>
      %reduce_max3A_189 = arith.constant dense<0xFF800000> : vector<1xf32>
      %reduce_max3A_190 = vector.multi_reduction <maximumf>, %reduce_max3A, %reduce_max3A_189 [1, 2] : vector<1x8x1024xf32> to vector<1xf32>
      %reduce_max3A_191 = vector.shape_cast %reduce_max3A_190 : vector<1xf32> to vector<1x1x1xf32>
      %reduce_max3A_192 = vector.extract %reduce_max3A_191[0, 0, 0] : f32 from vector<1x1x1xf32>
      %iota3A = tpu.iota {dimensions = array<i32: 0>} : vector<8x1024xi32>
      %mul3A_193 = arith.constant 1024 : i32
      %mul3A_194 = vector.broadcast %mul3A_193 : i32 to vector<8x1024xi32>
      %mul3A_195 = arith.muli %iota3A, %mul3A_194 : vector<8x1024xi32>
      %iota3A_196 = tpu.iota {dimensions = array<i32: 1>} : vector<8x1024xi32>
      %add3A_197 = arith.addi %mul3A_195, %iota3A_196 : vector<8x1024xi32>
      %eq3A = vector.broadcast %reduce_max3A_192 : f32 to vector<8x1024xf32>
      %eq3A_198 = arith.cmpf oeq, %add3A_188, %eq3A : vector<8x1024xf32>
      %jit3A = arith.constant 8192 : i32
      %broadcast_in_dim3A = vector.broadcast %jit3A : i32 to vector<8x1024xi32>
      %select_n3A = arith.select %eq3A_198, %add3A_197, %broadcast_in_dim3A : vector<8x1024xi1>, vector<8x1024xi32>
      %reduce_min3A = vector.shape_cast %select_n3A : vector<8x1024xi32> to vector<1x8x1024xi32>
      %reduce_min3A_199 = arith.constant dense<2147483647> : vector<1xi32>
      %reduce_min3A_200 = vector.multi_reduction <minsi>, %reduce_min3A, %reduce_min3A_199 [1, 2] : vector<1x8x1024xi32> to vector<1xi32>
      %reduce_min3A_201 = vector.shape_cast %reduce_min3A_200 : vector<1xi32> to vector<1x1x1xi32>
      %reduce_min3A_202 = vector.extract %reduce_min3A_201[0, 0, 0] : i32 from vector<1x1x1xi32>
      %broadcast_in_dim3A_203 = vector.broadcast %reduce_min3A_202 : i32 to vector<128xi32>
      %swap3A = arith.constant 10 : index
      %swap3A_204 = arith.constant 0 : index
      %swap3A_205 = vector.load %arg37[%swap3A, %swap3A_204] : memref<16x128xi32, #tpu.memory_space<vmem>>, vector<1x128xi32>
      %swap3A_206 = vector.shape_cast %swap3A_205 : vector<1x128xi32> to vector<128xi32>
      %swap3A_207 = vector.shape_cast %broadcast_in_dim3A_203 : vector<128xi32> to vector<1x128xi32>
      tpu.vector_store %arg37[%swap3A, %swap3A_204], %swap3A_207 {strides = array<i32>} : memref<16x128xi32, #tpu.memory_space<vmem>>, vector<1x128xi32>,
    } else {
    }
    %mul3A_104 = arith.constant 16 : i32
    %mul3A_105 = arith.muli %arg0, %mul3A_104 : i32
    %add3A_106 = arith.constant 11 : i32
    %add3A_107 = arith.addi %mul3A_105, %add3A_106 : i32
    %get3A_108 = arith.constant 0 : index
    %get3A_109 = memref.load %arg3[%get3A_108] : memref<1xi32, #tpu.memory_space<smem>>
    %lt3A_110 = arith.cmpi slt, %add3A_107, %get3A_109 : i32
    %convert_element_type3A_111 = arith.extui %lt3A_110 : i1 to i32
    %cond3A_112 = arith.constant 0 : i32
    %cond3A_113 = arith.cmpi ne, %convert_element_type3A_111, %cond3A_112 : i32
    scf.if %cond3A_113 {
      %get3A_154 = arith.constant 11 : index
      %get3A_155 = arith.constant 0 : index
      %get3A_156 = arith.constant 0 : index
      %get3A_157 = vector.load %arg20[%get3A_154, %get3A_155, %get3A_156] : memref<16x8x1024xf32, #tpu.memory_space<vmem>>, vector<1x8x1024xf32>
      %get3A_158 = vector.shape_cast %get3A_157 : vector<1x8x1024xf32> to vector<8x1024xf32>
      %reduce_sum3A = vector.shape_cast %get3A_158 : vector<8x1024xf32> to vector<1x8x1024xf32>
      %reduce_sum3A_159 = arith.constant dense<0.000000e+00> : vector<1xf32>
      %reduce_sum3A_160 = vector.multi_reduction <add>, %reduce_sum3A, %reduce_sum3A_159 [1, 2] : vector<1x8x1024xf32> to vector<1xf32>
      %reduce_sum3A_161 = vector.shape_cast %reduce_sum3A_160 : vector<1xf32> to vector<1x1x1xf32>
      %reduce_sum3A_162 = vector.extract %reduce_sum3A_161[0, 0, 0] : f32 from vector<1x1x1xf32>
      %add3A_163 = arith.constant 1.000000e-10 : f32
      %add3A_164 = arith.addf %reduce_sum3A_162, %add3A_163 : f32
      %div3A = vector.broadcast %add3A_164 : f32 to vector<8x1024xf32>
      %div3A_165 = arith.divf %get3A_158, %div3A : vector<8x1024xf32>
      %get3A_166 = arith.constant 0 : index
      %get3A_167 = arith.constant 0 : index
      %get3A_168 = arith.constant 0 : index
      %get3A_169 = vector.load %arg15[%get3A_166, %get3A_167, %get3A_168] : memref<1x1x8192xf32, #tpu.memory_space<vmem>>, vector<1x1x8192xf32>
      %reshape3A = vector.shape_cast %get3A_169 : vector<1x1x8192xf32> to vector<8x1024xf32>
      %mul3A_170 = arith.mulf %reshape3A, %div3A_165 : vector<8x1024xf32>
      %reduce_sum3A_171 = vector.shape_cast %mul3A_170 : vector<8x1024xf32> to vector<1x8x1024xf32>
      %reduce_sum3A_172 = arith.constant dense<0.000000e+00> : vector<1xf32>
      %reduce_sum3A_173 = vector.multi_reduction <add>, %reduce_sum3A_171, %reduce_sum3A_172 [1, 2] : vector<1x8x1024xf32> to vector<1xf32>
      %reduce_sum3A_174 = vector.shape_cast %reduce_sum3A_173 : vector<1xf32> to vector<1x1x1xf32>
      %reduce_sum3A_175 = vector.extract %reduce_sum3A_174[0, 0, 0] : f32 from vector<1x1x1xf32>
      %add3A_176 = arith.constant 1.000000e-10 : f32
      %add3A_177 = arith.addf %reduce_sum3A_175, %add3A_176 : f32
      %div3A_178 = vector.broadcast %add3A_177 : f32 to vector<8x1024xf32>
      %div3A_179 = arith.divf %mul3A_170, %div3A_178 : vector<8x1024xf32>
      %add3A_180 = arith.constant 9.99999996E-13 : f32
      %add3A_181 = vector.broadcast %add3A_180 : f32 to vector<8x1024xf32>
      %add3A_182 = arith.addf %div3A_179, %add3A_181 : vector<8x1024xf32>
      %log3A = math.log %add3A_182 : vector<8x1024xf32>
      %get3A_183 = arith.constant 0 : index
      %get3A_184 = arith.constant 0 : index
      %get3A_185 = arith.constant 0 : index
      %get3A_186 = vector.load %arg32[%get3A_183, %get3A_184, %get3A_185] : memref<1x8x1024xf32, #tpu.memory_space<vmem>>, vector<1x8x1024xf32>
      %get3A_187 = vector.shape_cast %get3A_186 : vector<1x8x1024xf32> to vector<8x1024xf32>
      %add3A_188 = arith.addf %log3A, %get3A_187 : vector<8x1024xf32>
      %reduce_max3A = vector.shape_cast %add3A_188 : vector<8x1024xf32> to vector<1x8x1024xf32>
      %reduce_max3A_189 = arith.constant dense<0xFF800000> : vector<1xf32>
      %reduce_max3A_190 = vector.multi_reduction <maximumf>, %reduce_max3A, %reduce_max3A_189 [1, 2] : vector<1x8x1024xf32> to vector<1xf32>
      %reduce_max3A_191 = vector.shape_cast %reduce_max3A_190 : vector<1xf32> to vector<1x1x1xf32>
      %reduce_max3A_192 = vector.extract %reduce_max3A_191[0, 0, 0] : f32 from vector<1x1x1xf32>
      %iota3A = tpu.iota {dimensions = array<i32: 0>} : vector<8x1024xi32>
      %mul3A_193 = arith.constant 1024 : i32
      %mul3A_194 = vector.broadcast %mul3A_193 : i32 to vector<8x1024xi32>
      %mul3A_195 = arith.muli %iota3A, %mul3A_194 : vector<8x1024xi32>
      %iota3A_196 = tpu.iota {dimensions = array<i32: 1>} : vector<8x1024xi32>
      %add3A_197 = arith.addi %mul3A_195, %iota3A_196 : vector<8x1024xi32>
      %eq3A = vector.broadcast %reduce_max3A_192 : f32 to vector<8x1024xf32>
      %eq3A_198 = arith.cmpf oeq, %add3A_188, %eq3A : vector<8x1024xf32>
      %jit3A = arith.constant 8192 : i32
      %broadcast_in_dim3A = vector.broadcast %jit3A : i32 to vector<8x1024xi32>
      %select_n3A = arith.select %eq3A_198, %add3A_197, %broadcast_in_dim3A : vector<8x1024xi1>, vector<8x1024xi32>
      %reduce_min3A = vector.shape_cast %select_n3A : vector<8x1024xi32> to vector<1x8x1024xi32>
      %reduce_min3A_199 = arith.constant dense<2147483647> : vector<1xi32>
      %reduce_min3A_200 = vector.multi_reduction <minsi>, %reduce_min3A, %reduce_min3A_199 [1, 2] : vector<1x8x1024xi32> to vector<1xi32>
      %reduce_min3A_201 = vector.shape_cast %reduce_min3A_200 : vector<1xi32> to vector<1x1x1xi32>
      %reduce_min3A_202 = vector.extract %reduce_min3A_201[0, 0, 0] : i32 from vector<1x1x1xi32>
      %broadcast_in_dim3A_203 = vector.broadcast %reduce_min3A_202 : i32 to vector<128xi32>
      %swap3A = arith.constant 11 : index
      %swap3A_204 = arith.constant 0 : index
      %swap3A_205 = vector.load %arg37[%swap3A, %swap3A_204] : memref<16x128xi32, #tpu.memory_space<vmem>>, vector<1x128xi32>
      %swap3A_206 = vector.shape_cast %swap3A_205 : vector<1x128xi32> to vector<128xi32>
      %swap3A_207 = vector.shape_cast %broadcast_in_dim3A_203 : vector<128xi32> to vector<1x128xi32>
      tpu.vector_store %arg37[%swap3A, %swap3A_204], %swap3A_207 {strides = array<i32>} : memref<16x128xi32, #tpu.memory_space<vmem>>, vector<1x128xi32>,
    } else {
    }
    %mul3A_114 = arith.constant 16 : i32
    %mul3A_115 = arith.muli %arg0, %mul3A_114 : i32
    %add3A_116 = arith.constant 12 : i32
    %add3A_117 = arith.addi %mul3A_115, %add3A_116 : i32
    %get3A_118 = arith.constant 0 : index
    %get3A_119 = memref.load %arg3[%get3A_118] : memref<1xi32, #tpu.memory_space<smem>>
    %lt3A_120 = arith.cmpi slt, %add3A_117, %get3A_119 : i32
    %convert_element_type3A_121 = arith.extui %lt3A_120 : i1 to i32
    %cond3A_122 = arith.constant 0 : i32
    %cond3A_123 = arith.cmpi ne, %convert_element_type3A_121, %cond3A_122 : i32
    scf.if %cond3A_123 {
      %get3A_154 = arith.constant 12 : index
      %get3A_155 = arith.constant 0 : index
      %get3A_156 = arith.constant 0 : index
      %get3A_157 = vector.load %arg20[%get3A_154, %get3A_155, %get3A_156] : memref<16x8x1024xf32, #tpu.memory_space<vmem>>, vector<1x8x1024xf32>
      %get3A_158 = vector.shape_cast %get3A_157 : vector<1x8x1024xf32> to vector<8x1024xf32>
      %reduce_sum3A = vector.shape_cast %get3A_158 : vector<8x1024xf32> to vector<1x8x1024xf32>
      %reduce_sum3A_159 = arith.constant dense<0.000000e+00> : vector<1xf32>
      %reduce_sum3A_160 = vector.multi_reduction <add>, %reduce_sum3A, %reduce_sum3A_159 [1, 2] : vector<1x8x1024xf32> to vector<1xf32>
      %reduce_sum3A_161 = vector.shape_cast %reduce_sum3A_160 : vector<1xf32> to vector<1x1x1xf32>
      %reduce_sum3A_162 = vector.extract %reduce_sum3A_161[0, 0, 0] : f32 from vector<1x1x1xf32>
      %add3A_163 = arith.constant 1.000000e-10 : f32
      %add3A_164 = arith.addf %reduce_sum3A_162, %add3A_163 : f32
      %div3A = vector.broadcast %add3A_164 : f32 to vector<8x1024xf32>
      %div3A_165 = arith.divf %get3A_158, %div3A : vector<8x1024xf32>
      %get3A_166 = arith.constant 0 : index
      %get3A_167 = arith.constant 0 : index
      %get3A_168 = arith.constant 0 : index
      %get3A_169 = vector.load %arg16[%get3A_166, %get3A_167, %get3A_168] : memref<1x1x8192xf32, #tpu.memory_space<vmem>>, vector<1x1x8192xf32>
      %reshape3A = vector.shape_cast %get3A_169 : vector<1x1x8192xf32> to vector<8x1024xf32>
      %mul3A_170 = arith.mulf %reshape3A, %div3A_165 : vector<8x1024xf32>
      %reduce_sum3A_171 = vector.shape_cast %mul3A_170 : vector<8x1024xf32> to vector<1x8x1024xf32>
      %reduce_sum3A_172 = arith.constant dense<0.000000e+00> : vector<1xf32>
      %reduce_sum3A_173 = vector.multi_reduction <add>, %reduce_sum3A_171, %reduce_sum3A_172 [1, 2] : vector<1x8x1024xf32> to vector<1xf32>
      %reduce_sum3A_174 = vector.shape_cast %reduce_sum3A_173 : vector<1xf32> to vector<1x1x1xf32>
      %reduce_sum3A_175 = vector.extract %reduce_sum3A_174[0, 0, 0] : f32 from vector<1x1x1xf32>
      %add3A_176 = arith.constant 1.000000e-10 : f32
      %add3A_177 = arith.addf %reduce_sum3A_175, %add3A_176 : f32
      %div3A_178 = vector.broadcast %add3A_177 : f32 to vector<8x1024xf32>
      %div3A_179 = arith.divf %mul3A_170, %div3A_178 : vector<8x1024xf32>
      %add3A_180 = arith.constant 9.99999996E-13 : f32
      %add3A_181 = vector.broadcast %add3A_180 : f32 to vector<8x1024xf32>
      %add3A_182 = arith.addf %div3A_179, %add3A_181 : vector<8x1024xf32>
      %log3A = math.log %add3A_182 : vector<8x1024xf32>
      %get3A_183 = arith.constant 0 : index
      %get3A_184 = arith.constant 0 : index
      %get3A_185 = arith.constant 0 : index
      %get3A_186 = vector.load %arg33[%get3A_183, %get3A_184, %get3A_185] : memref<1x8x1024xf32, #tpu.memory_space<vmem>>, vector<1x8x1024xf32>
      %get3A_187 = vector.shape_cast %get3A_186 : vector<1x8x1024xf32> to vector<8x1024xf32>
      %add3A_188 = arith.addf %log3A, %get3A_187 : vector<8x1024xf32>
      %reduce_max3A = vector.shape_cast %add3A_188 : vector<8x1024xf32> to vector<1x8x1024xf32>
      %reduce_max3A_189 = arith.constant dense<0xFF800000> : vector<1xf32>
      %reduce_max3A_190 = vector.multi_reduction <maximumf>, %reduce_max3A, %reduce_max3A_189 [1, 2] : vector<1x8x1024xf32> to vector<1xf32>
      %reduce_max3A_191 = vector.shape_cast %reduce_max3A_190 : vector<1xf32> to vector<1x1x1xf32>
      %reduce_max3A_192 = vector.extract %reduce_max3A_191[0, 0, 0] : f32 from vector<1x1x1xf32>
      %iota3A = tpu.iota {dimensions = array<i32: 0>} : vector<8x1024xi32>
      %mul3A_193 = arith.constant 1024 : i32
      %mul3A_194 = vector.broadcast %mul3A_193 : i32 to vector<8x1024xi32>
      %mul3A_195 = arith.muli %iota3A, %mul3A_194 : vector<8x1024xi32>
      %iota3A_196 = tpu.iota {dimensions = array<i32: 1>} : vector<8x1024xi32>
      %add3A_197 = arith.addi %mul3A_195, %iota3A_196 : vector<8x1024xi32>
      %eq3A = vector.broadcast %reduce_max3A_192 : f32 to vector<8x1024xf32>
      %eq3A_198 = arith.cmpf oeq, %add3A_188, %eq3A : vector<8x1024xf32>
      %jit3A = arith.constant 8192 : i32
      %broadcast_in_dim3A = vector.broadcast %jit3A : i32 to vector<8x1024xi32>
      %select_n3A = arith.select %eq3A_198, %add3A_197, %broadcast_in_dim3A : vector<8x1024xi1>, vector<8x1024xi32>
      %reduce_min3A = vector.shape_cast %select_n3A : vector<8x1024xi32> to vector<1x8x1024xi32>
      %reduce_min3A_199 = arith.constant dense<2147483647> : vector<1xi32>
      %reduce_min3A_200 = vector.multi_reduction <minsi>, %reduce_min3A, %reduce_min3A_199 [1, 2] : vector<1x8x1024xi32> to vector<1xi32>
      %reduce_min3A_201 = vector.shape_cast %reduce_min3A_200 : vector<1xi32> to vector<1x1x1xi32>
      %reduce_min3A_202 = vector.extract %reduce_min3A_201[0, 0, 0] : i32 from vector<1x1x1xi32>
      %broadcast_in_dim3A_203 = vector.broadcast %reduce_min3A_202 : i32 to vector<128xi32>
      %swap3A = arith.constant 12 : index
      %swap3A_204 = arith.constant 0 : index
      %swap3A_205 = vector.load %arg37[%swap3A, %swap3A_204] : memref<16x128xi32, #tpu.memory_space<vmem>>, vector<1x128xi32>
      %swap3A_206 = vector.shape_cast %swap3A_205 : vector<1x128xi32> to vector<128xi32>
      %swap3A_207 = vector.shape_cast %broadcast_in_dim3A_203 : vector<128xi32> to vector<1x128xi32>
      tpu.vector_store %arg37[%swap3A, %swap3A_204], %swap3A_207 {strides = array<i32>} : memref<16x128xi32, #tpu.memory_space<vmem>>, vector<1x128xi32>,
    } else {
    }
    %mul3A_124 = arith.constant 16 : i32
    %mul3A_125 = arith.muli %arg0, %mul3A_124 : i32
    %add3A_126 = arith.constant 13 : i32
    %add3A_127 = arith.addi %mul3A_125, %add3A_126 : i32
    %get3A_128 = arith.constant 0 : index
    %get3A_129 = memref.load %arg3[%get3A_128] : memref<1xi32, #tpu.memory_space<smem>>
    %lt3A_130 = arith.cmpi slt, %add3A_127, %get3A_129 : i32
    %convert_element_type3A_131 = arith.extui %lt3A_130 : i1 to i32
    %cond3A_132 = arith.constant 0 : i32
    %cond3A_133 = arith.cmpi ne, %convert_element_type3A_131, %cond3A_132 : i32
    scf.if %cond3A_133 {
      %get3A_154 = arith.constant 13 : index
      %get3A_155 = arith.constant 0 : index
      %get3A_156 = arith.constant 0 : index
      %get3A_157 = vector.load %arg20[%get3A_154, %get3A_155, %get3A_156] : memref<16x8x1024xf32, #tpu.memory_space<vmem>>, vector<1x8x1024xf32>
      %get3A_158 = vector.shape_cast %get3A_157 : vector<1x8x1024xf32> to vector<8x1024xf32>
      %reduce_sum3A = vector.shape_cast %get3A_158 : vector<8x1024xf32> to vector<1x8x1024xf32>
      %reduce_sum3A_159 = arith.constant dense<0.000000e+00> : vector<1xf32>
      %reduce_sum3A_160 = vector.multi_reduction <add>, %reduce_sum3A, %reduce_sum3A_159 [1, 2] : vector<1x8x1024xf32> to vector<1xf32>
      %reduce_sum3A_161 = vector.shape_cast %reduce_sum3A_160 : vector<1xf32> to vector<1x1x1xf32>
      %reduce_sum3A_162 = vector.extract %reduce_sum3A_161[0, 0, 0] : f32 from vector<1x1x1xf32>
      %add3A_163 = arith.constant 1.000000e-10 : f32
      %add3A_164 = arith.addf %reduce_sum3A_162, %add3A_163 : f32
      %div3A = vector.broadcast %add3A_164 : f32 to vector<8x1024xf32>
      %div3A_165 = arith.divf %get3A_158, %div3A : vector<8x1024xf32>
      %get3A_166 = arith.constant 0 : index
      %get3A_167 = arith.constant 0 : index
      %get3A_168 = arith.constant 0 : index
      %get3A_169 = vector.load %arg17[%get3A_166, %get3A_167, %get3A_168] : memref<1x1x8192xf32, #tpu.memory_space<vmem>>, vector<1x1x8192xf32>
      %reshape3A = vector.shape_cast %get3A_169 : vector<1x1x8192xf32> to vector<8x1024xf32>
      %mul3A_170 = arith.mulf %reshape3A, %div3A_165 : vector<8x1024xf32>
      %reduce_sum3A_171 = vector.shape_cast %mul3A_170 : vector<8x1024xf32> to vector<1x8x1024xf32>
      %reduce_sum3A_172 = arith.constant dense<0.000000e+00> : vector<1xf32>
      %reduce_sum3A_173 = vector.multi_reduction <add>, %reduce_sum3A_171, %reduce_sum3A_172 [1, 2] : vector<1x8x1024xf32> to vector<1xf32>
      %reduce_sum3A_174 = vector.shape_cast %reduce_sum3A_173 : vector<1xf32> to vector<1x1x1xf32>
      %reduce_sum3A_175 = vector.extract %reduce_sum3A_174[0, 0, 0] : f32 from vector<1x1x1xf32>
      %add3A_176 = arith.constant 1.000000e-10 : f32
      %add3A_177 = arith.addf %reduce_sum3A_175, %add3A_176 : f32
      %div3A_178 = vector.broadcast %add3A_177 : f32 to vector<8x1024xf32>
      %div3A_179 = arith.divf %mul3A_170, %div3A_178 : vector<8x1024xf32>
      %add3A_180 = arith.constant 9.99999996E-13 : f32
      %add3A_181 = vector.broadcast %add3A_180 : f32 to vector<8x1024xf32>
      %add3A_182 = arith.addf %div3A_179, %add3A_181 : vector<8x1024xf32>
      %log3A = math.log %add3A_182 : vector<8x1024xf32>
      %get3A_183 = arith.constant 0 : index
      %get3A_184 = arith.constant 0 : index
      %get3A_185 = arith.constant 0 : index
      %get3A_186 = vector.load %arg34[%get3A_183, %get3A_184, %get3A_185] : memref<1x8x1024xf32, #tpu.memory_space<vmem>>, vector<1x8x1024xf32>
      %get3A_187 = vector.shape_cast %get3A_186 : vector<1x8x1024xf32> to vector<8x1024xf32>
      %add3A_188 = arith.addf %log3A, %get3A_187 : vector<8x1024xf32>
      %reduce_max3A = vector.shape_cast %add3A_188 : vector<8x1024xf32> to vector<1x8x1024xf32>
      %reduce_max3A_189 = arith.constant dense<0xFF800000> : vector<1xf32>
      %reduce_max3A_190 = vector.multi_reduction <maximumf>, %reduce_max3A, %reduce_max3A_189 [1, 2] : vector<1x8x1024xf32> to vector<1xf32>
      %reduce_max3A_191 = vector.shape_cast %reduce_max3A_190 : vector<1xf32> to vector<1x1x1xf32>
      %reduce_max3A_192 = vector.extract %reduce_max3A_191[0, 0, 0] : f32 from vector<1x1x1xf32>
      %iota3A = tpu.iota {dimensions = array<i32: 0>} : vector<8x1024xi32>
      %mul3A_193 = arith.constant 1024 : i32
      %mul3A_194 = vector.broadcast %mul3A_193 : i32 to vector<8x1024xi32>
      %mul3A_195 = arith.muli %iota3A, %mul3A_194 : vector<8x1024xi32>
      %iota3A_196 = tpu.iota {dimensions = array<i32: 1>} : vector<8x1024xi32>
      %add3A_197 = arith.addi %mul3A_195, %iota3A_196 : vector<8x1024xi32>
      %eq3A = vector.broadcast %reduce_max3A_192 : f32 to vector<8x1024xf32>
      %eq3A_198 = arith.cmpf oeq, %add3A_188, %eq3A : vector<8x1024xf32>
      %jit3A = arith.constant 8192 : i32
      %broadcast_in_dim3A = vector.broadcast %jit3A : i32 to vector<8x1024xi32>
      %select_n3A = arith.select %eq3A_198, %add3A_197, %broadcast_in_dim3A : vector<8x1024xi1>, vector<8x1024xi32>
      %reduce_min3A = vector.shape_cast %select_n3A : vector<8x1024xi32> to vector<1x8x1024xi32>
      %reduce_min3A_199 = arith.constant dense<2147483647> : vector<1xi32>
      %reduce_min3A_200 = vector.multi_reduction <minsi>, %reduce_min3A, %reduce_min3A_199 [1, 2] : vector<1x8x1024xi32> to vector<1xi32>
      %reduce_min3A_201 = vector.shape_cast %reduce_min3A_200 : vector<1xi32> to vector<1x1x1xi32>
      %reduce_min3A_202 = vector.extract %reduce_min3A_201[0, 0, 0] : i32 from vector<1x1x1xi32>
      %broadcast_in_dim3A_203 = vector.broadcast %reduce_min3A_202 : i32 to vector<128xi32>
      %swap3A = arith.constant 13 : index
      %swap3A_204 = arith.constant 0 : index
      %swap3A_205 = vector.load %arg37[%swap3A, %swap3A_204] : memref<16x128xi32, #tpu.memory_space<vmem>>, vector<1x128xi32>
      %swap3A_206 = vector.shape_cast %swap3A_205 : vector<1x128xi32> to vector<128xi32>
      %swap3A_207 = vector.shape_cast %broadcast_in_dim3A_203 : vector<128xi32> to vector<1x128xi32>
      tpu.vector_store %arg37[%swap3A, %swap3A_204], %swap3A_207 {strides = array<i32>} : memref<16x128xi32, #tpu.memory_space<vmem>>, vector<1x128xi32>,
    } else {
    }
    %mul3A_134 = arith.constant 16 : i32
    %mul3A_135 = arith.muli %arg0, %mul3A_134 : i32
    %add3A_136 = arith.constant 14 : i32
    %add3A_137 = arith.addi %mul3A_135, %add3A_136 : i32
    %get3A_138 = arith.constant 0 : index
    %get3A_139 = memref.load %arg3[%get3A_138] : memref<1xi32, #tpu.memory_space<smem>>
    %lt3A_140 = arith.cmpi slt, %add3A_137, %get3A_139 : i32
    %convert_element_type3A_141 = arith.extui %lt3A_140 : i1 to i32
    %cond3A_142 = arith.constant 0 : i32
    %cond3A_143 = arith.cmpi ne, %convert_element_type3A_141, %cond3A_142 : i32
    scf.if %cond3A_143 {
      %get3A_154 = arith.constant 14 : index
      %get3A_155 = arith.constant 0 : index
      %get3A_156 = arith.constant 0 : index
      %get3A_157 = vector.load %arg20[%get3A_154, %get3A_155, %get3A_156] : memref<16x8x1024xf32, #tpu.memory_space<vmem>>, vector<1x8x1024xf32>
      %get3A_158 = vector.shape_cast %get3A_157 : vector<1x8x1024xf32> to vector<8x1024xf32>
      %reduce_sum3A = vector.shape_cast %get3A_158 : vector<8x1024xf32> to vector<1x8x1024xf32>
      %reduce_sum3A_159 = arith.constant dense<0.000000e+00> : vector<1xf32>
      %reduce_sum3A_160 = vector.multi_reduction <add>, %reduce_sum3A, %reduce_sum3A_159 [1, 2] : vector<1x8x1024xf32> to vector<1xf32>
      %reduce_sum3A_161 = vector.shape_cast %reduce_sum3A_160 : vector<1xf32> to vector<1x1x1xf32>
      %reduce_sum3A_162 = vector.extract %reduce_sum3A_161[0, 0, 0] : f32 from vector<1x1x1xf32>
      %add3A_163 = arith.constant 1.000000e-10 : f32
      %add3A_164 = arith.addf %reduce_sum3A_162, %add3A_163 : f32
      %div3A = vector.broadcast %add3A_164 : f32 to vector<8x1024xf32>
      %div3A_165 = arith.divf %get3A_158, %div3A : vector<8x1024xf32>
      %get3A_166 = arith.constant 0 : index
      %get3A_167 = arith.constant 0 : index
      %get3A_168 = arith.constant 0 : index
      %get3A_169 = vector.load %arg18[%get3A_166, %get3A_167, %get3A_168] : memref<1x1x8192xf32, #tpu.memory_space<vmem>>, vector<1x1x8192xf32>
      %reshape3A = vector.shape_cast %get3A_169 : vector<1x1x8192xf32> to vector<8x1024xf32>
      %mul3A_170 = arith.mulf %reshape3A, %div3A_165 : vector<8x1024xf32>
      %reduce_sum3A_171 = vector.shape_cast %mul3A_170 : vector<8x1024xf32> to vector<1x8x1024xf32>
      %reduce_sum3A_172 = arith.constant dense<0.000000e+00> : vector<1xf32>
      %reduce_sum3A_173 = vector.multi_reduction <add>, %reduce_sum3A_171, %reduce_sum3A_172 [1, 2] : vector<1x8x1024xf32> to vector<1xf32>
      %reduce_sum3A_174 = vector.shape_cast %reduce_sum3A_173 : vector<1xf32> to vector<1x1x1xf32>
      %reduce_sum3A_175 = vector.extract %reduce_sum3A_174[0, 0, 0] : f32 from vector<1x1x1xf32>
      %add3A_176 = arith.constant 1.000000e-10 : f32
      %add3A_177 = arith.addf %reduce_sum3A_175, %add3A_176 : f32
      %div3A_178 = vector.broadcast %add3A_177 : f32 to vector<8x1024xf32>
      %div3A_179 = arith.divf %mul3A_170, %div3A_178 : vector<8x1024xf32>
      %add3A_180 = arith.constant 9.99999996E-13 : f32
      %add3A_181 = vector.broadcast %add3A_180 : f32 to vector<8x1024xf32>
      %add3A_182 = arith.addf %div3A_179, %add3A_181 : vector<8x1024xf32>
      %log3A = math.log %add3A_182 : vector<8x1024xf32>
      %get3A_183 = arith.constant 0 : index
      %get3A_184 = arith.constant 0 : index
      %get3A_185 = arith.constant 0 : index
      %get3A_186 = vector.load %arg35[%get3A_183, %get3A_184, %get3A_185] : memref<1x8x1024xf32, #tpu.memory_space<vmem>>, vector<1x8x1024xf32>
      %get3A_187 = vector.shape_cast %get3A_186 : vector<1x8x1024xf32> to vector<8x1024xf32>
      %add3A_188 = arith.addf %log3A, %get3A_187 : vector<8x1024xf32>
      %reduce_max3A = vector.shape_cast %add3A_188 : vector<8x1024xf32> to vector<1x8x1024xf32>
      %reduce_max3A_189 = arith.constant dense<0xFF800000> : vector<1xf32>
      %reduce_max3A_190 = vector.multi_reduction <maximumf>, %reduce_max3A, %reduce_max3A_189 [1, 2] : vector<1x8x1024xf32> to vector<1xf32>
      %reduce_max3A_191 = vector.shape_cast %reduce_max3A_190 : vector<1xf32> to vector<1x1x1xf32>
      %reduce_max3A_192 = vector.extract %reduce_max3A_191[0, 0, 0] : f32 from vector<1x1x1xf32>
      %iota3A = tpu.iota {dimensions = array<i32: 0>} : vector<8x1024xi32>
      %mul3A_193 = arith.constant 1024 : i32
      %mul3A_194 = vector.broadcast %mul3A_193 : i32 to vector<8x1024xi32>
      %mul3A_195 = arith.muli %iota3A, %mul3A_194 : vector<8x1024xi32>
      %iota3A_196 = tpu.iota {dimensions = array<i32: 1>} : vector<8x1024xi32>
      %add3A_197 = arith.addi %mul3A_195, %iota3A_196 : vector<8x1024xi32>
      %eq3A = vector.broadcast %reduce_max3A_192 : f32 to vector<8x1024xf32>
      %eq3A_198 = arith.cmpf oeq, %add3A_188, %eq3A : vector<8x1024xf32>
      %jit3A = arith.constant 8192 : i32
      %broadcast_in_dim3A = vector.broadcast %jit3A : i32 to vector<8x1024xi32>
      %select_n3A = arith.select %eq3A_198, %add3A_197, %broadcast_in_dim3A : vector<8x1024xi1>, vector<8x1024xi32>
      %reduce_min3A = vector.shape_cast %select_n3A : vector<8x1024xi32> to vector<1x8x1024xi32>
      %reduce_min3A_199 = arith.constant dense<2147483647> : vector<1xi32>
      %reduce_min3A_200 = vector.multi_reduction <minsi>, %reduce_min3A, %reduce_min3A_199 [1, 2] : vector<1x8x1024xi32> to vector<1xi32>
      %reduce_min3A_201 = vector.shape_cast %reduce_min3A_200 : vector<1xi32> to vector<1x1x1xi32>
      %reduce_min3A_202 = vector.extract %reduce_min3A_201[0, 0, 0] : i32 from vector<1x1x1xi32>
      %broadcast_in_dim3A_203 = vector.broadcast %reduce_min3A_202 : i32 to vector<128xi32>
      %swap3A = arith.constant 14 : index
      %swap3A_204 = arith.constant 0 : index
      %swap3A_205 = vector.load %arg37[%swap3A, %swap3A_204] : memref<16x128xi32, #tpu.memory_space<vmem>>, vector<1x128xi32>
      %swap3A_206 = vector.shape_cast %swap3A_205 : vector<1x128xi32> to vector<128xi32>
      %swap3A_207 = vector.shape_cast %broadcast_in_dim3A_203 : vector<128xi32> to vector<1x128xi32>
      tpu.vector_store %arg37[%swap3A, %swap3A_204], %swap3A_207 {strides = array<i32>} : memref<16x128xi32, #tpu.memory_space<vmem>>, vector<1x128xi32>,
    } else {
    }
    %mul3A_144 = arith.constant 16 : i32
    %mul3A_145 = arith.muli %arg0, %mul3A_144 : i32
    %add3A_146 = arith.constant 15 : i32
    %add3A_147 = arith.addi %mul3A_145, %add3A_146 : i32
    %get3A_148 = arith.constant 0 : index
    %get3A_149 = memref.load %arg3[%get3A_148] : memref<1xi32, #tpu.memory_space<smem>>
    %lt3A_150 = arith.cmpi slt, %add3A_147, %get3A_149 : i32
    %convert_element_type3A_151 = arith.extui %lt3A_150 : i1 to i32
    %cond3A_152 = arith.constant 0 : i32
    %cond3A_153 = arith.cmpi ne, %convert_element_type3A_151, %cond3A_152 : i32
    scf.if %cond3A_153 {
      %get3A_154 = arith.constant 15 : index
      %get3A_155 = arith.constant 0 : index
      %get3A_156 = arith.constant 0 : index
      %get3A_157 = vector.load %arg20[%get3A_154, %get3A_155, %get3A_156] : memref<16x8x1024xf32, #tpu.memory_space<vmem>>, vector<1x8x1024xf32>
      %get3A_158 = vector.shape_cast %get3A_157 : vector<1x8x1024xf32> to vector<8x1024xf32>
      %reduce_sum3A = vector.shape_cast %get3A_158 : vector<8x1024xf32> to vector<1x8x1024xf32>
      %reduce_sum3A_159 = arith.constant dense<0.000000e+00> : vector<1xf32>
      %reduce_sum3A_160 = vector.multi_reduction <add>, %reduce_sum3A, %reduce_sum3A_159 [1, 2] : vector<1x8x1024xf32> to vector<1xf32>
      %reduce_sum3A_161 = vector.shape_cast %reduce_sum3A_160 : vector<1xf32> to vector<1x1x1xf32>
      %reduce_sum3A_162 = vector.extract %reduce_sum3A_161[0, 0, 0] : f32 from vector<1x1x1xf32>
      %add3A_163 = arith.constant 1.000000e-10 : f32
      %add3A_164 = arith.addf %reduce_sum3A_162, %add3A_163 : f32
      %div3A = vector.broadcast %add3A_164 : f32 to vector<8x1024xf32>
      %div3A_165 = arith.divf %get3A_158, %div3A : vector<8x1024xf32>
      %get3A_166 = arith.constant 0 : index
      %get3A_167 = arith.constant 0 : index
      %get3A_168 = arith.constant 0 : index
      %get3A_169 = vector.load %arg19[%get3A_166, %get3A_167, %get3A_168] : memref<1x1x8192xf32, #tpu.memory_space<vmem>>, vector<1x1x8192xf32>
      %reshape3A = vector.shape_cast %get3A_169 : vector<1x1x8192xf32> to vector<8x1024xf32>
      %mul3A_170 = arith.mulf %reshape3A, %div3A_165 : vector<8x1024xf32>
      %reduce_sum3A_171 = vector.shape_cast %mul3A_170 : vector<8x1024xf32> to vector<1x8x1024xf32>
      %reduce_sum3A_172 = arith.constant dense<0.000000e+00> : vector<1xf32>
      %reduce_sum3A_173 = vector.multi_reduction <add>, %reduce_sum3A_171, %reduce_sum3A_172 [1, 2] : vector<1x8x1024xf32> to vector<1xf32>
      %reduce_sum3A_174 = vector.shape_cast %reduce_sum3A_173 : vector<1xf32> to vector<1x1x1xf32>
      %reduce_sum3A_175 = vector.extract %reduce_sum3A_174[0, 0, 0] : f32 from vector<1x1x1xf32>
      %add3A_176 = arith.constant 1.000000e-10 : f32
      %add3A_177 = arith.addf %reduce_sum3A_175, %add3A_176 : f32
      %div3A_178 = vector.broadcast %add3A_177 : f32 to vector<8x1024xf32>
      %div3A_179 = arith.divf %mul3A_170, %div3A_178 : vector<8x1024xf32>
      %add3A_180 = arith.constant 9.99999996E-13 : f32
      %add3A_181 = vector.broadcast %add3A_180 : f32 to vector<8x1024xf32>
      %add3A_182 = arith.addf %div3A_179, %add3A_181 : vector<8x1024xf32>
      %log3A = math.log %add3A_182 : vector<8x1024xf32>
      %get3A_183 = arith.constant 0 : index
      %get3A_184 = arith.constant 0 : index
      %get3A_185 = arith.constant 0 : index
      %get3A_186 = vector.load %arg36[%get3A_183, %get3A_184, %get3A_185] : memref<1x8x1024xf32, #tpu.memory_space<vmem>>, vector<1x8x1024xf32>
      %get3A_187 = vector.shape_cast %get3A_186 : vector<1x8x1024xf32> to vector<8x1024xf32>
      %add3A_188 = arith.addf %log3A, %get3A_187 : vector<8x1024xf32>
      %reduce_max3A = vector.shape_cast %add3A_188 : vector<8x1024xf32> to vector<1x8x1024xf32>
      %reduce_max3A_189 = arith.constant dense<0xFF800000> : vector<1xf32>
      %reduce_max3A_190 = vector.multi_reduction <maximumf>, %reduce_max3A, %reduce_max3A_189 [1, 2] : vector<1x8x1024xf32> to vector<1xf32>
      %reduce_max3A_191 = vector.shape_cast %reduce_max3A_190 : vector<1xf32> to vector<1x1x1xf32>
      %reduce_max3A_192 = vector.extract %reduce_max3A_191[0, 0, 0] : f32 from vector<1x1x1xf32>
      %iota3A = tpu.iota {dimensions = array<i32: 0>} : vector<8x1024xi32>
      %mul3A_193 = arith.constant 1024 : i32
      %mul3A_194 = vector.broadcast %mul3A_193 : i32 to vector<8x1024xi32>
      %mul3A_195 = arith.muli %iota3A, %mul3A_194 : vector<8x1024xi32>
      %iota3A_196 = tpu.iota {dimensions = array<i32: 1>} : vector<8x1024xi32>
      %add3A_197 = arith.addi %mul3A_195, %iota3A_196 : vector<8x1024xi32>
      %eq3A = vector.broadcast %reduce_max3A_192 : f32 to vector<8x1024xf32>
      %eq3A_198 = arith.cmpf oeq, %add3A_188, %eq3A : vector<8x1024xf32>
      %jit3A = arith.constant 8192 : i32
      %broadcast_in_dim3A = vector.broadcast %jit3A : i32 to vector<8x1024xi32>
      %select_n3A = arith.select %eq3A_198, %add3A_197, %broadcast_in_dim3A : vector<8x1024xi1>, vector<8x1024xi32>
      %reduce_min3A = vector.shape_cast %select_n3A : vector<8x1024xi32> to vector<1x8x1024xi32>
      %reduce_min3A_199 = arith.constant dense<2147483647> : vector<1xi32>
      %reduce_min3A_200 = vector.multi_reduction <minsi>, %reduce_min3A, %reduce_min3A_199 [1, 2] : vector<1x8x1024xi32> to vector<1xi32>
      %reduce_min3A_201 = vector.shape_cast %reduce_min3A_200 : vector<1xi32> to vector<1x1x1xi32>
      %reduce_min3A_202 = vector.extract %reduce_min3A_201[0, 0, 0] : i32 from vector<1x1x1xi32>
      %broadcast_in_dim3A_203 = vector.broadcast %reduce_min3A_202 : i32 to vector<128xi32>
      %swap3A = arith.constant 15 : index
      %swap3A_204 = arith.constant 0 : index
      %swap3A_205 = vector.load %arg37[%swap3A, %swap3A_204] : memref<16x128xi32, #tpu.memory_space<vmem>>, vector<1x128xi32>
      %swap3A_206 = vector.shape_cast %swap3A_205 : vector<1x128xi32> to vector<128xi32>
      %swap3A_207 = vector.shape_cast %broadcast_in_dim3A_203 : vector<128xi32> to vector<1x128xi32>
      tpu.vector_store %arg37[%swap3A, %swap3A_204], %swap3A_207 {strides = array<i32>} : memref<16x128xi32, #tpu.memory_space<vmem>>, vector<1x128xi32>,
    } else {
    }
    return
  }
  func.func @transform_0(%arg0: i32, %arg1: memref<1024xi32, #tpu.memory_space<smem>>, %arg2: memref<1024xi32, #tpu.memory_space<smem>>, %arg3: memref<1xi32, #tpu.memory_space<smem>>) -> (i32, i32, i32) {
    %mul3A = arith.constant 16 : i32
    %mul3A_0 = arith.muli %arg0, %mul3A : i32
    %add3A = arith.constant 0 : i32
    %add3A_1 = arith.addi %mul3A_0, %add3A : i32
    %get3A = arith.index_cast %add3A_1 : i32 to index
    %get3A_2 = memref.load %arg2[%get3A] : memref<1024xi32, #tpu.memory_space<smem>>
    %c0_i32 = arith.constant 0 : i32
    %c0_i32_3 = arith.constant 0 : i32
    %c0_i32_4 = arith.constant 0 : i32
    return %get3A_2, %c0_i32, %c0_i32_3 : i32, i32, i32
  }
  func.func @transform_1(%arg0: i32, %arg1: memref<1024xi32, #tpu.memory_space<smem>>, %arg2: memref<1024xi32, #tpu.memory_space<smem>>, %arg3: memref<1xi32, #tpu.memory_space<smem>>) -> (i32, i32, i32) {
    %mul3A = arith.constant 16 : i32
    %mul3A_0 = arith.muli %arg0, %mul3A : i32
    %add3A = arith.constant 1 : i32
    %add3A_1 = arith.addi %mul3A_0, %add3A : i32
    %get3A = arith.index_cast %add3A_1 : i32 to index
    %get3A_2 = memref.load %arg2[%get3A] : memref<1024xi32, #tpu.memory_space<smem>>
    %c0_i32 = arith.constant 0 : i32
    %c0_i32_3 = arith.constant 0 : i32
    %c0_i32_4 = arith.constant 0 : i32
    return %get3A_2, %c0_i32, %c0_i32_3 : i32, i32, i32
  }
  func.func @transform_2(%arg0: i32, %arg1: memref<1024xi32, #tpu.memory_space<smem>>, %arg2: memref<1024xi32, #tpu.memory_space<smem>>, %arg3: memref<1xi32, #tpu.memory_space<smem>>) -> (i32, i32, i32) {
    %mul3A = arith.constant 16 : i32
    %mul3A_0 = arith.muli %arg0, %mul3A : i32
    %add3A = arith.constant 2 : i32
    %add3A_1 = arith.addi %mul3A_0, %add3A : i32
    %get3A = arith.index_cast %add3A_1 : i32 to index
    %get3A_2 = memref.load %arg2[%get3A] : memref<1024xi32, #tpu.memory_space<smem>>
    %c0_i32 = arith.constant 0 : i32
    %c0_i32_3 = arith.constant 0 : i32
    %c0_i32_4 = arith.constant 0 : i32
    return %get3A_2, %c0_i32, %c0_i32_3 : i32, i32, i32
  }
  func.func @transform_3(%arg0: i32, %arg1: memref<1024xi32, #tpu.memory_space<smem>>, %arg2: memref<1024xi32, #tpu.memory_space<smem>>, %arg3: memref<1xi32, #tpu.memory_space<smem>>) -> (i32, i32, i32) {
    %mul3A = arith.constant 16 : i32
    %mul3A_0 = arith.muli %arg0, %mul3A : i32
    %add3A = arith.constant 3 : i32
    %add3A_1 = arith.addi %mul3A_0, %add3A : i32
    %get3A = arith.index_cast %add3A_1 : i32 to index
    %get3A_2 = memref.load %arg2[%get3A] : memref<1024xi32, #tpu.memory_space<smem>>
    %c0_i32 = arith.constant 0 : i32
    %c0_i32_3 = arith.constant 0 : i32
    %c0_i32_4 = arith.constant 0 : i32
    return %get3A_2, %c0_i32, %c0_i32_3 : i32, i32, i32
  }
  func.func @transform_4(%arg0: i32, %arg1: memref<1024xi32, #tpu.memory_space<smem>>, %arg2: memref<1024xi32, #tpu.memory_space<smem>>, %arg3: memref<1xi32, #tpu.memory_space<smem>>) -> (i32, i32, i32) {
    %mul3A = arith.constant 16 : i32
    %mul3A_0 = arith.muli %arg0, %mul3A : i32
    %add3A = arith.constant 4 : i32
    %add3A_1 = arith.addi %mul3A_0, %add3A : i32
    %get3A = arith.index_cast %add3A_1 : i32 to index
    %get3A_2 = memref.load %arg2[%get3A] : memref<1024xi32, #tpu.memory_space<smem>>
    %c0_i32 = arith.constant 0 : i32
    %c0_i32_3 = arith.constant 0 : i32
    %c0_i32_4 = arith.constant 0 : i32
    return %get3A_2, %c0_i32, %c0_i32_3 : i32, i32, i32
  }
  func.func @transform_5(%arg0: i32, %arg1: memref<1024xi32, #tpu.memory_space<smem>>, %arg2: memref<1024xi32, #tpu.memory_space<smem>>, %arg3: memref<1xi32, #tpu.memory_space<smem>>) -> (i32, i32, i32) {
    %mul3A = arith.constant 16 : i32
    %mul3A_0 = arith.muli %arg0, %mul3A : i32
    %add3A = arith.constant 5 : i32
    %add3A_1 = arith.addi %mul3A_0, %add3A : i32
    %get3A = arith.index_cast %add3A_1 : i32 to index
    %get3A_2 = memref.load %arg2[%get3A] : memref<1024xi32, #tpu.memory_space<smem>>
    %c0_i32 = arith.constant 0 : i32
    %c0_i32_3 = arith.constant 0 : i32
    %c0_i32_4 = arith.constant 0 : i32
    return %get3A_2, %c0_i32, %c0_i32_3 : i32, i32, i32
  }
  func.func @transform_6(%arg0: i32, %arg1: memref<1024xi32, #tpu.memory_space<smem>>, %arg2: memref<1024xi32, #tpu.memory_space<smem>>, %arg3: memref<1xi32, #tpu.memory_space<smem>>) -> (i32, i32, i32) {
    %mul3A = arith.constant 16 : i32
    %mul3A_0 = arith.muli %arg0, %mul3A : i32
    %add3A = arith.constant 6 : i32
    %add3A_1 = arith.addi %mul3A_0, %add3A : i32
    %get3A = arith.index_cast %add3A_1 : i32 to index
    %get3A_2 = memref.load %arg2[%get3A] : memref<1024xi32, #tpu.memory_space<smem>>
    %c0_i32 = arith.constant 0 : i32
    %c0_i32_3 = arith.constant 0 : i32
    %c0_i32_4 = arith.constant 0 : i32
    return %get3A_2, %c0_i32, %c0_i32_3 : i32, i32, i32
  }
  func.func @transform_7(%arg0: i32, %arg1: memref<1024xi32, #tpu.memory_space<smem>>, %arg2: memref<1024xi32, #tpu.memory_space<smem>>, %arg3: memref<1xi32, #tpu.memory_space<smem>>) -> (i32, i32, i32) {
    %mul3A = arith.constant 16 : i32
    %mul3A_0 = arith.muli %arg0, %mul3A : i32
    %add3A = arith.constant 7 : i32
    %add3A_1 = arith.addi %mul3A_0, %add3A : i32
    %get3A = arith.index_cast %add3A_1 : i32 to index
    %get3A_2 = memref.load %arg2[%get3A] : memref<1024xi32, #tpu.memory_space<smem>>
    %c0_i32 = arith.constant 0 : i32
    %c0_i32_3 = arith.constant 0 : i32
    %c0_i32_4 = arith.constant 0 : i32
    return %get3A_2, %c0_i32, %c0_i32_3 : i32, i32, i32
  }
  func.func @transform_8(%arg0: i32, %arg1: memref<1024xi32, #tpu.memory_space<smem>>, %arg2: memref<1024xi32, #tpu.memory_space<smem>>, %arg3: memref<1xi32, #tpu.memory_space<smem>>) -> (i32, i32, i32) {
    %mul3A = arith.constant 16 : i32
    %mul3A_0 = arith.muli %arg0, %mul3A : i32
    %add3A = arith.constant 8 : i32
    %add3A_1 = arith.addi %mul3A_0, %add3A : i32
    %get3A = arith.index_cast %add3A_1 : i32 to index
    %get3A_2 = memref.load %arg2[%get3A] : memref<1024xi32, #tpu.memory_space<smem>>
    %c0_i32 = arith.constant 0 : i32
    %c0_i32_3 = arith.constant 0 : i32
    %c0_i32_4 = arith.constant 0 : i32
    return %get3A_2, %c0_i32, %c0_i32_3 : i32, i32, i32
  }
  func.func @transform_9(%arg0: i32, %arg1: memref<1024xi32, #tpu.memory_space<smem>>, %arg2: memref<1024xi32, #tpu.memory_space<smem>>, %arg3: memref<1xi32, #tpu.memory_space<smem>>) -> (i32, i32, i32) {
    %mul3A = arith.constant 16 : i32
    %mul3A_0 = arith.muli %arg0, %mul3A : i32
    %add3A = arith.constant 9 : i32
    %add3A_1 = arith.addi %mul3A_0, %add3A : i32
    %get3A = arith.index_cast %add3A_1 : i32 to index
    %get3A_2 = memref.load %arg2[%get3A] : memref<1024xi32, #tpu.memory_space<smem>>
    %c0_i32 = arith.constant 0 : i32
    %c0_i32_3 = arith.constant 0 : i32
    %c0_i32_4 = arith.constant 0 : i32
    return %get3A_2, %c0_i32, %c0_i32_3 : i32, i32, i32
  }
  func.func @transform_10(%arg0: i32, %arg1: memref<1024xi32, #tpu.memory_space<smem>>, %arg2: memref<1024xi32, #tpu.memory_space<smem>>, %arg3: memref<1xi32, #tpu.memory_space<smem>>) -> (i32, i32, i32) {
    %mul3A = arith.constant 16 : i32
    %mul3A_0 = arith.muli %arg0, %mul3A : i32
    %add3A = arith.constant 10 : i32
    %add3A_1 = arith.addi %mul3A_0, %add3A : i32
    %get3A = arith.index_cast %add3A_1 : i32 to index
    %get3A_2 = memref.load %arg2[%get3A] : memref<1024xi32, #tpu.memory_space<smem>>
    %c0_i32 = arith.constant 0 : i32
    %c0_i32_3 = arith.constant 0 : i32
    %c0_i32_4 = arith.constant 0 : i32
    return %get3A_2, %c0_i32, %c0_i32_3 : i32, i32, i32
  }
  func.func @transform_11(%arg0: i32, %arg1: memref<1024xi32, #tpu.memory_space<smem>>, %arg2: memref<1024xi32, #tpu.memory_space<smem>>, %arg3: memref<1xi32, #tpu.memory_space<smem>>) -> (i32, i32, i32) {
    %mul3A = arith.constant 16 : i32
    %mul3A_0 = arith.muli %arg0, %mul3A : i32
    %add3A = arith.constant 11 : i32
    %add3A_1 = arith.addi %mul3A_0, %add3A : i32
    %get3A = arith.index_cast %add3A_1 : i32 to index
    %get3A_2 = memref.load %arg2[%get3A] : memref<1024xi32, #tpu.memory_space<smem>>
    %c0_i32 = arith.constant 0 : i32
    %c0_i32_3 = arith.constant 0 : i32
    %c0_i32_4 = arith.constant 0 : i32
    return %get3A_2, %c0_i32, %c0_i32_3 : i32, i32, i32
  }
  func.func @transform_12(%arg0: i32, %arg1: memref<1024xi32, #tpu.memory_space<smem>>, %arg2: memref<1024xi32, #tpu.memory_space<smem>>, %arg3: memref<1xi32, #tpu.memory_space<smem>>) -> (i32, i32, i32) {
    %mul3A = arith.constant 16 : i32
    %mul3A_0 = arith.muli %arg0, %mul3A : i32
    %add3A = arith.constant 12 : i32
    %add3A_1 = arith.addi %mul3A_0, %add3A : i32
    %get3A = arith.index_cast %add3A_1 : i32 to index
    %get3A_2 = memref.load %arg2[%get3A] : memref<1024xi32, #tpu.memory_space<smem>>
    %c0_i32 = arith.constant 0 : i32
    %c0_i32_3 = arith.constant 0 : i32
    %c0_i32_4 = arith.constant 0 : i32
    return %get3A_2, %c0_i32, %c0_i32_3 : i32, i32, i32
  }
  func.func @transform_13(%arg0: i32, %arg1: memref<1024xi32, #tpu.memory_space<smem>>, %arg2: memref<1024xi32, #tpu.memory_space<smem>>, %arg3: memref<1xi32, #tpu.memory_space<smem>>) -> (i32, i32, i32) {
    %mul3A = arith.constant 16 : i32
    %mul3A_0 = arith.muli %arg0, %mul3A : i32
    %add3A = arith.constant 13 : i32
    %add3A_1 = arith.addi %mul3A_0, %add3A : i32
    %get3A = arith.index_cast %add3A_1 : i32 to index
    %get3A_2 = memref.load %arg2[%get3A] : memref<1024xi32, #tpu.memory_space<smem>>
    %c0_i32 = arith.constant 0 : i32
    %c0_i32_3 = arith.constant 0 : i32
    %c0_i32_4 = arith.constant 0 : i32
    return %get3A_2, %c0_i32, %c0_i32_3 : i32, i32, i32
  }
  func.func @transform_14(%arg0: i32, %arg1: memref<1024xi32, #tpu.memory_space<smem>>, %arg2: memref<1024xi32, #tpu.memory_space<smem>>, %arg3: memref<1xi32, #tpu.memory_space<smem>>) -> (i32, i32, i32) {
    %mul3A = arith.constant 16 : i32
    %mul3A_0 = arith.muli %arg0, %mul3A : i32
    %add3A = arith.constant 14 : i32
    %add3A_1 = arith.addi %mul3A_0, %add3A : i32
    %get3A = arith.index_cast %add3A_1 : i32 to index
    %get3A_2 = memref.load %arg2[%get3A] : memref<1024xi32, #tpu.memory_space<smem>>
    %c0_i32 = arith.constant 0 : i32
    %c0_i32_3 = arith.constant 0 : i32
    %c0_i32_4 = arith.constant 0 : i32
    return %get3A_2, %c0_i32, %c0_i32_3 : i32, i32, i32
  }
  func.func @transform_15(%arg0: i32, %arg1: memref<1024xi32, #tpu.memory_space<smem>>, %arg2: memref<1024xi32, #tpu.memory_space<smem>>, %arg3: memref<1xi32, #tpu.memory_space<smem>>) -> (i32, i32, i32) {
    %mul3A = arith.constant 16 : i32
    %mul3A_0 = arith.muli %arg0, %mul3A : i32
    %add3A = arith.constant 15 : i32
    %add3A_1 = arith.addi %mul3A_0, %add3A : i32
    %get3A = arith.index_cast %add3A_1 : i32 to index
    %get3A_2 = memref.load %arg2[%get3A] : memref<1024xi32, #tpu.memory_space<smem>>
    %c0_i32 = arith.constant 0 : i32
    %c0_i32_3 = arith.constant 0 : i32
    %c0_i32_4 = arith.constant 0 : i32
    return %get3A_2, %c0_i32, %c0_i32_3 : i32, i32, i32
  }
  func.func @transform_16(%arg0: i32, %arg1: memref<1024xi32, #tpu.memory_space<smem>>, %arg2: memref<1024xi32, #tpu.memory_space<smem>>, %arg3: memref<1xi32, #tpu.memory_space<smem>>) -> (i32, i32, i32) {
    %get3A = arith.constant 0 : index
    %get3A_0 = memref.load %arg3[%get3A] : memref<1xi32, #tpu.memory_space<smem>>
    %sub3A = arith.constant 1 : i32
    %sub3A_1 = arith.subi %get3A_0, %sub3A : i32
    %max3A = arith.constant 0 : i32
    %max3A_2 = arith.maxsi %sub3A_1, %max3A : i32
    %jit3A = arith.constant 16 : i32
    %div3A = arith.divsi %max3A_2, %jit3A : i32
    %sign3A = arith.constant 0 : i32
    %sign3A_3 = arith.cmpi sgt, %max3A_2, %sign3A : i32
    %sign3A_4 = arith.extui %sign3A_3 : i1 to i32
    %sign3A_5 = arith.constant 0 : i32
    %sign3A_6 = arith.cmpi slt, %max3A_2, %sign3A_5 : i32
    %sign3A_7 = arith.extui %sign3A_6 : i1 to i32
    %sign3A_8 = arith.subi %sign3A_4, %sign3A_7 : i32
    %sign3A_9 = arith.constant 0 : i32
    %sign3A_10 = arith.cmpi sgt, %jit3A, %sign3A_9 : i32
    %sign3A_11 = arith.extui %sign3A_10 : i1 to i32
    %sign3A_12 = arith.constant 0 : i32
    %sign3A_13 = arith.cmpi slt, %jit3A, %sign3A_12 : i32
    %sign3A_14 = arith.extui %sign3A_13 : i1 to i32
    %sign3A_15 = arith.subi %sign3A_11, %sign3A_14 : i32
    %ne3A = arith.cmpi ne, %sign3A_8, %sign3A_15 : i32
    %rem3A = arith.remsi %max3A_2, %jit3A : i32
    %ne3A_16 = arith.constant 0 : i32
    %ne3A_17 = arith.cmpi ne, %rem3A, %ne3A_16 : i32
    %and3A = arith.andi %ne3A, %ne3A_17 : i1
    %sub3A_18 = arith.constant 1 : i32
    %sub3A_19 = arith.subi %div3A, %sub3A_18 : i32
    %select_n3A = arith.select %and3A, %sub3A_19, %div3A : i32
    %min3A = arith.minsi %arg0, %select_n3A : i32
    %c0_i32 = arith.constant 0 : i32
    %c0_i32_20 = arith.constant 0 : i32
    %c0_i32_21 = arith.constant 0 : i32
    return %min3A, %c0_i32, %c0_i32_20 : i32, i32, i32
  }
  func.func @transform_17(%arg0: i32, %arg1: memref<1024xi32, #tpu.memory_space<smem>>, %arg2: memref<1024xi32, #tpu.memory_space<smem>>, %arg3: memref<1xi32, #tpu.memory_space<smem>>) -> (i32, i32, i32) {
    %mul3A = arith.constant 16 : i32
    %mul3A_0 = arith.muli %arg0, %mul3A : i32
    %add3A = arith.constant 0 : i32
    %add3A_1 = arith.addi %mul3A_0, %add3A : i32
    %get3A = arith.index_cast %add3A_1 : i32 to index
    %get3A_2 = memref.load %arg1[%get3A] : memref<1024xi32, #tpu.memory_space<smem>>
    %c0_i32 = arith.constant 0 : i32
    %c0_i32_3 = arith.constant 0 : i32
    %c0_i32_4 = arith.constant 0 : i32
    return %get3A_2, %c0_i32, %c0_i32_3 : i32, i32, i32
  }
  func.func @transform_18(%arg0: i32, %arg1: memref<1024xi32, #tpu.memory_space<smem>>, %arg2: memref<1024xi32, #tpu.memory_space<smem>>, %arg3: memref<1xi32, #tpu.memory_space<smem>>) -> (i32, i32, i32) {
    %mul3A = arith.constant 16 : i32
    %mul3A_0 = arith.muli %arg0, %mul3A : i32
    %add3A = arith.constant 1 : i32
    %add3A_1 = arith.addi %mul3A_0, %add3A : i32
    %get3A = arith.index_cast %add3A_1 : i32 to index
    %get3A_2 = memref.load %arg1[%get3A] : memref<1024xi32, #tpu.memory_space<smem>>
    %c0_i32 = arith.constant 0 : i32
    %c0_i32_3 = arith.constant 0 : i32
    %c0_i32_4 = arith.constant 0 : i32
    return %get3A_2, %c0_i32, %c0_i32_3 : i32, i32, i32
  }
  func.func @transform_19(%arg0: i32, %arg1: memref<1024xi32, #tpu.memory_space<smem>>, %arg2: memref<1024xi32, #tpu.memory_space<smem>>, %arg3: memref<1xi32, #tpu.memory_space<smem>>) -> (i32, i32, i32) {
    %mul3A = arith.constant 16 : i32
    %mul3A_0 = arith.muli %arg0, %mul3A : i32
    %add3A = arith.constant 2 : i32
    %add3A_1 = arith.addi %mul3A_0, %add3A : i32
    %get3A = arith.index_cast %add3A_1 : i32 to index
    %get3A_2 = memref.load %arg1[%get3A] : memref<1024xi32, #tpu.memory_space<smem>>
    %c0_i32 = arith.constant 0 : i32
    %c0_i32_3 = arith.constant 0 : i32
    %c0_i32_4 = arith.constant 0 : i32
    return %get3A_2, %c0_i32, %c0_i32_3 : i32, i32, i32
  }
  func.func @transform_20(%arg0: i32, %arg1: memref<1024xi32, #tpu.memory_space<smem>>, %arg2: memref<1024xi32, #tpu.memory_space<smem>>, %arg3: memref<1xi32, #tpu.memory_space<smem>>) -> (i32, i32, i32) {
    %mul3A = arith.constant 16 : i32
    %mul3A_0 = arith.muli %arg0, %mul3A : i32
    %add3A = arith.constant 3 : i32
    %add3A_1 = arith.addi %mul3A_0, %add3A : i32
    %get3A = arith.index_cast %add3A_1 : i32 to index
    %get3A_2 = memref.load %arg1[%get3A] : memref<1024xi32, #tpu.memory_space<smem>>
    %c0_i32 = arith.constant 0 : i32
    %c0_i32_3 = arith.constant 0 : i32
    %c0_i32_4 = arith.constant 0 : i32
    return %get3A_2, %c0_i32, %c0_i32_3 : i32, i32, i32
  }
  func.func @transform_21(%arg0: i32, %arg1: memref<1024xi32, #tpu.memory_space<smem>>, %arg2: memref<1024xi32, #tpu.memory_space<smem>>, %arg3: memref<1xi32, #tpu.memory_space<smem>>) -> (i32, i32, i32) {
    %mul3A = arith.constant 16 : i32
    %mul3A_0 = arith.muli %arg0, %mul3A : i32
    %add3A = arith.constant 4 : i32
    %add3A_1 = arith.addi %mul3A_0, %add3A : i32
    %get3A = arith.index_cast %add3A_1 : i32 to index
    %get3A_2 = memref.load %arg1[%get3A] : memref<1024xi32, #tpu.memory_space<smem>>
    %c0_i32 = arith.constant 0 : i32
    %c0_i32_3 = arith.constant 0 : i32
    %c0_i32_4 = arith.constant 0 : i32
    return %get3A_2, %c0_i32, %c0_i32_3 : i32, i32, i32
  }
  func.func @transform_22(%arg0: i32, %arg1: memref<1024xi32, #tpu.memory_space<smem>>, %arg2: memref<1024xi32, #tpu.memory_space<smem>>, %arg3: memref<1xi32, #tpu.memory_space<smem>>) -> (i32, i32, i32) {
    %mul3A = arith.constant 16 : i32
    %mul3A_0 = arith.muli %arg0, %mul3A : i32
    %add3A = arith.constant 5 : i32
    %add3A_1 = arith.addi %mul3A_0, %add3A : i32
    %get3A = arith.index_cast %add3A_1 : i32 to index
    %get3A_2 = memref.load %arg1[%get3A] : memref<1024xi32, #tpu.memory_space<smem>>
    %c0_i32 = arith.constant 0 : i32
    %c0_i32_3 = arith.constant 0 : i32
    %c0_i32_4 = arith.constant 0 : i32
    return %get3A_2, %c0_i32, %c0_i32_3 : i32, i32, i32
  }
  func.func @transform_23(%arg0: i32, %arg1: memref<1024xi32, #tpu.memory_space<smem>>, %arg2: memref<1024xi32, #tpu.memory_space<smem>>, %arg3: memref<1xi32, #tpu.memory_space<smem>>) -> (i32, i32, i32) {
    %mul3A = arith.constant 16 : i32
    %mul3A_0 = arith.muli %arg0, %mul3A : i32
    %add3A = arith.constant 6 : i32
    %add3A_1 = arith.addi %mul3A_0, %add3A : i32
    %get3A = arith.index_cast %add3A_1 : i32 to index
    %get3A_2 = memref.load %arg1[%get3A] : memref<1024xi32, #tpu.memory_space<smem>>
    %c0_i32 = arith.constant 0 : i32
    %c0_i32_3 = arith.constant 0 : i32
    %c0_i32_4 = arith.constant 0 : i32
    return %get3A_2, %c0_i32, %c0_i32_3 : i32, i32, i32
  }
  func.func @transform_24(%arg0: i32, %arg1: memref<1024xi32, #tpu.memory_space<smem>>, %arg2: memref<1024xi32, #tpu.memory_space<smem>>, %arg3: memref<1xi32, #tpu.memory_space<smem>>) -> (i32, i32, i32) {
    %mul3A = arith.constant 16 : i32
    %mul3A_0 = arith.muli %arg0, %mul3A : i32
    %add3A = arith.constant 7 : i32
    %add3A_1 = arith.addi %mul3A_0, %add3A : i32
    %get3A = arith.index_cast %add3A_1 : i32 to index
    %get3A_2 = memref.load %arg1[%get3A] : memref<1024xi32, #tpu.memory_space<smem>>
    %c0_i32 = arith.constant 0 : i32
    %c0_i32_3 = arith.constant 0 : i32
    %c0_i32_4 = arith.constant 0 : i32
    return %get3A_2, %c0_i32, %c0_i32_3 : i32, i32, i32
  }
  func.func @transform_25(%arg0: i32, %arg1: memref<1024xi32, #tpu.memory_space<smem>>, %arg2: memref<1024xi32, #tpu.memory_space<smem>>, %arg3: memref<1xi32, #tpu.memory_space<smem>>) -> (i32, i32, i32) {
    %mul3A = arith.constant 16 : i32
    %mul3A_0 = arith.muli %arg0, %mul3A : i32
    %add3A = arith.constant 8 : i32
    %add3A_1 = arith.addi %mul3A_0, %add3A : i32
    %get3A = arith.index_cast %add3A_1 : i32 to index
    %get3A_2 = memref.load %arg1[%get3A] : memref<1024xi32, #tpu.memory_space<smem>>
    %c0_i32 = arith.constant 0 : i32
    %c0_i32_3 = arith.constant 0 : i32
    %c0_i32_4 = arith.constant 0 : i32
    return %get3A_2, %c0_i32, %c0_i32_3 : i32, i32, i32
  }
  func.func @transform_26(%arg0: i32, %arg1: memref<1024xi32, #tpu.memory_space<smem>>, %arg2: memref<1024xi32, #tpu.memory_space<smem>>, %arg3: memref<1xi32, #tpu.memory_space<smem>>) -> (i32, i32, i32) {
    %mul3A = arith.constant 16 : i32
    %mul3A_0 = arith.muli %arg0, %mul3A : i32
    %add3A = arith.constant 9 : i32
    %add3A_1 = arith.addi %mul3A_0, %add3A : i32
    %get3A = arith.index_cast %add3A_1 : i32 to index
    %get3A_2 = memref.load %arg1[%get3A] : memref<1024xi32, #tpu.memory_space<smem>>
    %c0_i32 = arith.constant 0 : i32
    %c0_i32_3 = arith.constant 0 : i32
    %c0_i32_4 = arith.constant 0 : i32
    return %get3A_2, %c0_i32, %c0_i32_3 : i32, i32, i32
  }
  func.func @transform_27(%arg0: i32, %arg1: memref<1024xi32, #tpu.memory_space<smem>>, %arg2: memref<1024xi32, #tpu.memory_space<smem>>, %arg3: memref<1xi32, #tpu.memory_space<smem>>) -> (i32, i32, i32) {
    %mul3A = arith.constant 16 : i32
    %mul3A_0 = arith.muli %arg0, %mul3A : i32
    %add3A = arith.constant 10 : i32
    %add3A_1 = arith.addi %mul3A_0, %add3A : i32
    %get3A = arith.index_cast %add3A_1 : i32 to index
    %get3A_2 = memref.load %arg1[%get3A] : memref<1024xi32, #tpu.memory_space<smem>>
    %c0_i32 = arith.constant 0 : i32
    %c0_i32_3 = arith.constant 0 : i32
    %c0_i32_4 = arith.constant 0 : i32
    return %get3A_2, %c0_i32, %c0_i32_3 : i32, i32, i32
  }
  func.func @transform_28(%arg0: i32, %arg1: memref<1024xi32, #tpu.memory_space<smem>>, %arg2: memref<1024xi32, #tpu.memory_space<smem>>, %arg3: memref<1xi32, #tpu.memory_space<smem>>) -> (i32, i32, i32) {
    %mul3A = arith.constant 16 : i32
    %mul3A_0 = arith.muli %arg0, %mul3A : i32
    %add3A = arith.constant 11 : i32
    %add3A_1 = arith.addi %mul3A_0, %add3A : i32
    %get3A = arith.index_cast %add3A_1 : i32 to index
    %get3A_2 = memref.load %arg1[%get3A] : memref<1024xi32, #tpu.memory_space<smem>>
    %c0_i32 = arith.constant 0 : i32
    %c0_i32_3 = arith.constant 0 : i32
    %c0_i32_4 = arith.constant 0 : i32
    return %get3A_2, %c0_i32, %c0_i32_3 : i32, i32, i32
  }
  func.func @transform_29(%arg0: i32, %arg1: memref<1024xi32, #tpu.memory_space<smem>>, %arg2: memref<1024xi32, #tpu.memory_space<smem>>, %arg3: memref<1xi32, #tpu.memory_space<smem>>) -> (i32, i32, i32) {
    %mul3A = arith.constant 16 : i32
    %mul3A_0 = arith.muli %arg0, %mul3A : i32
    %add3A = arith.constant 12 : i32
    %add3A_1 = arith.addi %mul3A_0, %add3A : i32
    %get3A = arith.index_cast %add3A_1 : i32 to index
    %get3A_2 = memref.load %arg1[%get3A] : memref<1024xi32, #tpu.memory_space<smem>>
    %c0_i32 = arith.constant 0 : i32
    %c0_i32_3 = arith.constant 0 : i32
    %c0_i32_4 = arith.constant 0 : i32
    return %get3A_2, %c0_i32, %c0_i32_3 : i32, i32, i32
  }
  func.func @transform_30(%arg0: i32, %arg1: memref<1024xi32, #tpu.memory_space<smem>>, %arg2: memref<1024xi32, #tpu.memory_space<smem>>, %arg3: memref<1xi32, #tpu.memory_space<smem>>) -> (i32, i32, i32) {
    %mul3A = arith.constant 16 : i32
    %mul3A_0 = arith.muli %arg0, %mul3A : i32
    %add3A = arith.constant 13 : i32
    %add3A_1 = arith.addi %mul3A_0, %add3A : i32
    %get3A = arith.index_cast %add3A_1 : i32 to index
    %get3A_2 = memref.load %arg1[%get3A] : memref<1024xi32, #tpu.memory_space<smem>>
    %c0_i32 = arith.constant 0 : i32
    %c0_i32_3 = arith.constant 0 : i32
    %c0_i32_4 = arith.constant 0 : i32
    return %get3A_2, %c0_i32, %c0_i32_3 : i32, i32, i32
  }
  func.func @transform_31(%arg0: i32, %arg1: memref<1024xi32, #tpu.memory_space<smem>>, %arg2: memref<1024xi32, #tpu.memory_space<smem>>, %arg3: memref<1xi32, #tpu.memory_space<smem>>) -> (i32, i32, i32) {
    %mul3A = arith.constant 16 : i32
    %mul3A_0 = arith.muli %arg0, %mul3A : i32
    %add3A = arith.constant 14 : i32
    %add3A_1 = arith.addi %mul3A_0, %add3A : i32
    %get3A = arith.index_cast %add3A_1 : i32 to index
    %get3A_2 = memref.load %arg1[%get3A] : memref<1024xi32, #tpu.memory_space<smem>>
    %c0_i32 = arith.constant 0 : i32
    %c0_i32_3 = arith.constant 0 : i32
    %c0_i32_4 = arith.constant 0 : i32
    return %get3A_2, %c0_i32, %c0_i32_3 : i32, i32, i32
  }
  func.func @transform_32(%arg0: i32, %arg1: memref<1024xi32, #tpu.memory_space<smem>>, %arg2: memref<1024xi32, #tpu.memory_space<smem>>, %arg3: memref<1xi32, #tpu.memory_space<smem>>) -> (i32, i32, i32) {
    %mul3A = arith.constant 16 : i32
    %mul3A_0 = arith.muli %arg0, %mul3A : i32
    %add3A = arith.constant 15 : i32
    %add3A_1 = arith.addi %mul3A_0, %add3A : i32
    %get3A = arith.index_cast %add3A_1 : i32 to index
    %get3A_2 = memref.load %arg1[%get3A] : memref<1024xi32, #tpu.memory_space<smem>>
    %c0_i32 = arith.constant 0 : i32
    %c0_i32_3 = arith.constant 0 : i32
    %c0_i32_4 = arith.constant 0 : i32
    return %get3A_2, %c0_i32, %c0_i32_3 : i32, i32, i32
  }
  func.func @transform_33(%arg0: i32, %arg1: memref<1024xi32, #tpu.memory_space<smem>>, %arg2: memref<1024xi32, #tpu.memory_space<smem>>, %arg3: memref<1xi32, #tpu.memory_space<smem>>) -> (i32, i32) {
    %c0_i32 = arith.constant 0 : i32
    %c0_i32_0 = arith.constant 0 : i32
    return %arg0, %c0_i32 : i32, i32
  }
}

</mosaic_0001>

<sc_bundles>
// kernel: gather_offload_async_start.1
scs
__scs_entry_jumppad:
0x0: {  	(pc) =	sbr.rel $0x88, $3  }
0x1: {  	(tag) =	ssettag $0x0;
	lr =	simm.s32 $0x1  }
0x2: {  	[smem:$0x3F9D] =	sst lr;
	_ =	strace $0xD0000000  }
0x3: {  	_ = 	snop  }
0x4: {  	_ = 	snop  }
0x5: {  	_ = 	snop  }
0x6: {  	_ = 	snop  }
0x7: {  	_ = 	snop  }
__scs_overlays_trampoline_lowered:
0x8: {  	[smem:$0x3FAC] =	sst s0  }
0x9: {  	[smem:$0x3FAD] =	sst s1  }
0xa: {  	[smem:$0x3FAE] =	sst s2  }
0xb: {  	[smem:$0x3FAF] =	sst s3  }
0xc: {  	[smem:$0x3FB0] =	sst s4  }
0xd: {  	[smem:$0x3FB1] =	sst s5  }
0xe: {  	[smem:$0x3FB2] =	sst s6  }
0xf: {  	[smem:$0x3FB3] =	sst s7  }
0x10: {  	[smem:$0x3FB4] =	sst s8  }
0x11: {  	[smem:$0x3FB5] =	sst s9;
	s0 =	simm.s32 @!p0 $0x0  }
0x12: {  	s1 =	sld [smem:$0x3F9B];
	s0 =	simm.s32 @p0 $0x1  }
0x13: {  	[smem:$0x3FB6] =	sst s0;
	s0 =	simm.s32 @!p1 $0x0  }
0x14: {  	s2 =	sld [smem:$0x3F9A];
	s0 =	simm.s32 @p1 $0x1  }
0x15: {  	[smem:$0x3FB7] =	sst s0;
	s0 =	simm.s32 @!p2 $0x0  }
0x16: {  	s3 =	sld [smem:$0x3FDB];
	s0 =	simm.s32 @p2 $0x1  }
0x17: {  	s4 =	simm.s32 $0x1BF5;
	[smem:$0x3FB9] =	sst s0  }
0x18: {  	s0 =	sld [smem:$0x3F9C];
	_ =	swait.ge [sflag:s4], $0x0  }
0x19: {  	s7 =	sld [smem:$0x3F9D]  }
0x1a: {  	s8 =	sadd.s32 $0xFFFFE003, lr  }
0x1b: {  	s9 =	sadd.s32 $0xFFFFFEF7, lr;
	s5 =	simm.s32 $0xFFFFFFFF;
	p2 =	slt.u32 s8, $0xFFFFF086  }
0x1c: {  	p1 =	slt.u32 s9, $0xF7A;
	s5 =	simm.s32 @!p2 $0x0  }
0x1d: {  	s5 =	simm.s32 @p1 $0x1;
	p0 =	seq.s32 s7, s2  }
0x1e: {  	s7 =	smul.u32 @!p0 $0xF7A, s2;
	p2 =	seq.s32 @!p0 s5, $0x0  }
0x1f: {  	s9 =	smul.u32 $0xF7A, s1;
	s8 =	simm.s32 @!p0 $0x1BF5;
	p2 =	por !p2, p0  }
0x20: {  	[sflag:s8] =	ssyncset.s32 @!p0 $0xFFFFF086;
	s6 =	sadd.s32 @!p0 s3, s7;
	s7 =	simm.s32 @!p0 $0x108  }
0x21: {  	s3 =	sadd.s32 s3, s9;
	s6 =	sadd.s32 @!p0 $0x88, s6;
	s7 =	simm.s32 @p2 $0x1082  }
0x22: {  	[simem:s7], [sflag:s8] =	dma.local @!p0 [hbm:s6], $0xF7A  }
0x23: {  	s9 =	sor.u32 $0xD0000000, s2;
	s6 =	simm.s32 $0x108;
	_ =	swait.ge @!p0 [sflag:s8], $0x0  }
0x24: {  	s3 =	sadd.s32 $0x88, s3;
	s6 =	simm.s32 @!p1 $0x1082;
	[sflag:s4] =	ssyncset.s32 $0xFFFFF086  }
0x25: {  	[simem:s6], [sflag:s4] =	dma.local [hbm:s3], $0xF7A  }
0x26: {  	[smem:$0x3F9D] =	sst s1;
	(tag) =	ssettag s2;
	_ =	strace s9  }
0x27: {  	s1 =	sld [smem:$0x3FAD]  }
0x28: {  	s2 =	sld [smem:$0x3FAE]  }
0x29: {  	s4 =	sld [smem:$0x3FB0]  }
0x2a: {  	p0 =	seq.s32 s5, $0x0;
	s5 =	sld [smem:$0x3FB1]  }
0x2b: {  	s6 =	sld [smem:$0x3FB2]  }
0x2c: {  	s7 =	sld [smem:$0x3FB3]  }
0x2d: {  	s3 =	simm.s32 $0x108;
	s8 =	sld [smem:$0x3FB4]  }
0x2e: {  	s3 =	simm.s32 @!p0 $0x1082;
	s9 =	sld [smem:$0x3FB5]  }
0x2f: {  	lr =	sadd.s32 s0, s3;
	s0 =	sld [smem:$0x3FAC]  }
0x30: {  	s3 =	sld [smem:$0x3FAF]  }
0x31: {  	[smem:$0x3FB8] =	sst s10  }
0x32: {  	s10 =	sld [smem:$0x3FB6];
	_ =	sdelay $0x3  }
0x33: {  	p0 =	seq.s32 s10, $0x1;
	s10 =	sld [smem:$0x3FB8];
	_ =	sdelay $0x3  }
0x34: {  	[smem:$0x3FB8] =	sst s10  }
0x35: {  	s10 =	sld [smem:$0x3FB7];
	_ =	sdelay $0x3  }
0x36: {  	p1 =	seq.s32 s10, $0x1;
	s10 =	sld [smem:$0x3FB8];
	_ =	sdelay $0x3  }
0x37: {  	[smem:$0x3FB8] =	sst s10  }
0x38: {  	s10 =	sld [smem:$0x3FB9]  }
0x39: {  	_ = 	snop;
	(pc) =	sbr.ind lr, $3  }
0x3a: {  	_ = 	snop  }
0x3b: {  	_ = 	snop  }
0x3c: {  	p2 =	seq.s32 s10, $0x1;
	s10 =	sld [smem:$0x3FB8]  }
0x3d: {  	_ =	shalt  }
0x3e: {  	_ =	shalt  }
0x3f: {  	_ =	shalt  }
0x40: {  	_ =	shalt  }
0x41: {  	_ =	shalt  }
0x42: {  	_ =	shalt  }
0x43: {  	_ =	shalt  }
0x44: {  	_ =	shalt  }
0x45: {  	_ =	shalt  }
0x46: {  	_ =	shalt  }
0x47: {  	_ =	shalt  }
0x48: {  	_ =	shalt  }
0x49: {  	_ =	shalt  }
0x4a: {  	_ =	shalt  }
0x4b: {  	_ =	shalt  }
0x4c: {  	_ =	shalt  }
0x4d: {  	_ =	shalt  }
0x4e: {  	_ =	shalt  }
0x4f: {  	_ =	shalt  }
0x50: {  	_ =	shalt  }
0x51: {  	_ =	shalt  }
0x52: {  	_ =	shalt  }
0x53: {  	_ =	shalt  }
0x54: {  	_ =	shalt  }
0x55: {  	_ =	shalt  }
0x56: {  	_ =	shalt  }
0x57: {  	_ =	shalt  }
0x58: {  	_ =	shalt  }
0x59: {  	_ =	shalt  }
0x5a: {  	_ =	shalt  }
0x5b: {  	_ =	shalt  }
0x5c: {  	_ =	shalt  }
0x5d: {  	_ =	shalt  }
0x5e: {  	_ =	shalt  }
0x5f: {  	_ =	shalt  }
0x60: {  	_ =	shalt  }
0x61: {  	_ =	shalt  }
0x62: {  	_ =	shalt  }
0x63: {  	_ =	shalt  }
0x64: {  	_ =	shalt  }
0x65: {  	_ =	shalt  }
0x66: {  	_ =	shalt  }
0x67: {  	_ =	shalt  }
0x68: {  	_ =	shalt  }
0x69: {  	_ =	shalt  }
0x6a: {  	_ =	shalt  }
0x6b: {  	_ =	shalt  }
0x6c: {  	_ =	shalt  }
0x6d: {  	_ =	shalt  }
0x6e: {  	_ =	shalt  }
0x6f: {  	_ =	shalt  }
0x70: {  	_ =	shalt  }
0x71: {  	_ =	shalt  }
0x72: {  	_ =	shalt  }
0x73: {  	_ =	shalt  }
0x74: {  	_ =	shalt  }
0x75: {  	_ =	shalt  }
0x76: {  	_ =	shalt  }
0x77: {  	_ =	shalt  }
0x78: {  	_ =	shalt  }
0x79: {  	_ =	shalt  }
0x7a: {  	_ =	shalt  }
0x7b: {  	_ =	shalt  }
0x7c: {  	_ =	shalt  }
0x7d: {  	_ =	shalt  }
0x7e: {  	_ =	shalt  }
0x7f: {  	_ =	shalt  }
0x80: {  	_ =	shalt  }
0x81: {  	_ =	shalt  }
0x82: {  	_ =	shalt  }
0x83: {  	_ =	shalt  }
0x84: {  	_ =	shalt  }
0x85: {  	_ =	shalt  }
0x86: {  	_ =	shalt  }
0x87: {  	_ =	shalt  }
.Lfunc_end0:
.L_simem_size_0:
called_computation.3_lowered:
.L_overlay_start_0:
0x88: {  	s2 =	sld [smem:$0x3FD9]  }
0x89: {  	s3 =	sld [smem:$0x3FFE];
	_ =	sdelay $0x1  }
0x8a: {  	s1 =	srdreg.scid  }
0x8b: {  	s0 =	sand.u32 $0x1, s1  }
0x8c: {  	s17 =	sshll.u32 s0, $0xA;
	s2 =	sadd.s32 s3, s2  }
0x8d: {  	s2 =	sadd.s32 s2, s17  }
0x8e: {  	[smem:$0x3FC4] =	sst s2  }
0x8f: {  	_ = 	snop  }
0x90: {  	s18 =	sld [smem:$0x3FD0];
	(tm) =	ssettm $0x1  }
0x91: {  	s19 =	sld [smem:$0x3FFB];
	_ =	sdelay $0x3  }
0x92: {  	_ =	strace s19  }
0x93: {  	s2 =	sld [smem:$0x3FFC];
	_ =	sdelay $0x3  }
0x94: {  	_ =	strace s2  }
0x95: {  	s2 =	sld [smem:$0x3FFD];
	_ =	sdelay $0x3  }
0x96: {  	_ =	strace s2  }
0x97: {  	_ =	strace $0x8FFFFFFF  }
0x98: {  	s20 =	sld [smem:$0x3FDB];
	_ =	sdelay $0x1  }
0x99: {  	s4 =	simm.s32 $_scs_section_size  }
0x9a: {  	s5 =	simm.s32 $_size__tile_overlayer_lowered;
	s6 =	simm.s32 $_tile_overlayer_lowered  }
0x9b: {  	s7 =	simm.s32 $0x1BFF;
	s21 =	sshll.u32 s6, $0x1;
	s4 =	sadd.s32 s4, s20  }
0x9c: {  	s22 =	simm.s32 $0x0;
	s5 =	sshll.u32 s5, $0x1;
	s6 =	sadd.s32 s21, s4  }
0x9d: {  	[timem:s22], [sflag:s7] =	dma.local [hbm:s6], s5  }
0x9e: {  	_ =	swait.ge [sflag:s7], s5  }
0x9f: {  	s5 =	ssub.s32 $0x0, s5;
	[sflag:s7] =	ssyncset.done $0x0  }
0xa0: {  	[sflag:s7] =	ssyncadd.s32 s5;
	_ =	sdelay $0x1  }
0xa1: {  	s23 =	simm.s32 $0x1B8B  }
0xa2: {  	_ =	swait.ge [sflag:s23], $0x1  }
0xa3: {  	[sflag:s23] =	ssyncset.done $0x0  }
0xa4: {  	[sflag:s23] =	ssyncadd.s32 $0xFFFFFFFF  }
0xa5: {  	s5 =	sld [smem:$0x0]  }
0xa6: {  	s6 =	sand.u32 $0xFFFFFFFE, s1  }
0xa7: {  	p0 =	sne.s32 s1, s6  }
0xa8: {  	s6 =	sshll.u32 @p0 s6, $0xE  }
0xa9: {  	s6 =	sadd.s32 @p0 $0x11B8D, s6;
	s7 =	sshll.u32 @p0 s5, $0x11  }
0xaa: {  	s6 =	sor.u32 @p0 s7, s6  }
0xab: {  	[sflag:s6] =	ssyncadd.remote.s32 @p0 $0x1;
	_ =	sdelay $0x1  }
0xac: {  	s6 =	simm.s32 @p0 $0x1B8D  }
0xad: {  	_ =	swait.eq @p0 [sflag:s6], $0x1  }
0xae: {  	[sflag:s6] =	ssyncadd.s32 @p0 $0xFFFFFFFF  }
0xaf: {  	s7 =	sshll.u32 @!p0 s1, $0xE  }
0xb0: {  	s7 =	sor.u32 @!p0 $0x4000, s7;
	s6 =	simm.s32 @!p0 $0x1B8D  }
0xb1: {  	s5 =	sshll.u32 @!p0 s5, $0x11;
	s7 =	sadd.s32 @!p0 $0x11B8D, s7;
	_ =	swait.eq @!p0 [sflag:s6], $0x1  }
0xb2: {  	s5 =	sor.u32 @!p0 s5, s7;
	[sflag:s6] =	ssyncadd.s32 @!p0 $0xFFFFFFFF  }
0xb3: {  	s25 =	simm.s32 $0x1B8E;
	s24 =	sld [smem:$0x3FFE];
	[sflag:s5] =	ssyncadd.remote.s32 @!p0 $0x1  }
0xb4: {  	s26 =	simm.s32 $execute0_lowered;
	[smem:$0x3FD2] =	sst s25  }
0xb5: {  	s6 =	sshll.u32 s26, $0x1;
	_ =	strace $0x8000004F;
	[dreg:$0x1] =	wrdreg $0xFFFFFFFF  }
0xb6: {  	s28 =	simm.s32 $_size_execute0_lowered;
	s4 =	sadd.s32 s4, s6;
	[dreg:$0x0] =	wrdreg $0x0  }
0xb7: {  	s6 =	sshll.u32 s28, $0x1;
	[dreg:$0x2] =	wrdreg s4  }
0xb8: {  	[dreg:$0x3] =	wrdreg s6  }
0xb9: {  	[dreg:$0x4] =	wrdreg $0xC0  }
0xba: {  	_ =	task [dreg:s22], $0x5FFFF  }
0xbb: {  	[dreg:$0x1] =	wrdreg $0xFFFFFFFF  }
0xbc: {  	[dreg:$0x0] =	wrdreg $0x60  }
0xbd: {  	[dreg:$0x2] =	wrdreg s24  }
0xbe: {  	[dreg:$0x3] =	wrdreg s18  }
0xbf: {  	[dreg:$0x4] =	wrdreg $0xA  }
0xc0: {  	_ =	task.clear_ibuf [dreg:s22], $0x5FFFF;
	_ =	strace $0x9000004F  }
0xc1: {  	s29 =	simm.s32 $0xA;
	_ =	strace $0x80000051  }
0xc2: {  	_ =	swait.ge [sflag:s29], $0x1  }
0xc3: {  	[sflag:s29] =	ssyncadd.s32 $0xFFFFFFFF  }
0xc4: {  	_ =	strace $0x90000051  }
0xc5: {  	_ =	sfence  }
0xc6: {  	s30 =	sld [smem:$0x0];
	_ =	sdelay $0x2  }
0xc7: {  	s31 =	sshll.u32 s1, $0xD;
	s1 =	sshrl.u32 s1, $0x2  }
0xc8: {  	s4 =	sand.u32 $0x4000, s31;
	s1 =	sadd.s32 s1, s30  }
0xc9: {  	s0 =	sor.u32 s4, s0;
	s1 =	sshll.u32 s1, $0x11  }
0xca: {  	s0 =	sor.u32 s1, s0  }
0xcb: {  	s0 =	sadd.s32 $0x8F2B, s0  }
0xcc: {  	[sflag:s0] =	ssyncadd.remote.s32 $0x1  }
0xcd: {  	_ =	sfence.sel $0xFFFF  }
0xce: {  	[dreg:$0x0] =	wrdreg $0xFFFFFFFF;
	(pc) =	sbr.abs _section_cstart, $3  }
0xcf: {  	[dreg:$0x1] =	wrdreg $0xFFFFFFFF  }
0xd0: {  	_ =	task.clear_ibuf [dreg:s22], $0x2FFFF;
	_ =	strace $0x9FFFFFFF  }
0xd1: {  	(tm) =	ssettm $0x7FFFFFFF  }
tec
execute0_lowered:
.L_overlay_start_1:
0x0: {  	(tag) =	ssettag $0x1  }
0x1: {  	s1 =	srdreg.scid;
	s6 =	rddreg [dreg:$0x0]  }
0x2: {  	s0 =	stileid.u32;
	s2 =	rddreg [dreg:$0x1];
	s1 =	sshll.u32 s1, $0x5  }
0x3: {  	s7 =	simm.s32 $0x1;
	s3 =	sshll.u32 s0, $0x6;
	s1 =	sand.u32 $0x20, s1  }
0x4: {  	s30 =	simm.s32 $0x2;
	s31 =	simm.s32 $0x3;
	s3 =	sor.u32 s3, s1  }
0x5: {  	s11 =	simm.s32 $0x0;
	s9 =	simm.s32 $0x0;
	s5 =	ssub.s32 $0x800, s3  }
0x6: {  	s4 =	sadd.s32 $0x1800, s6;
	s6 =	sadd.s32 $0xA02200, s6;
	s8 =	sand.u32 $0x3E0, s5  }
0x7: {  	s1 =	rddreg [dreg:$0x2];
	_ =	strace $0x80000050;
	p0 =	sne.s32 s8, $0x0  }
0x8: {  	[sflag:s7] =	ssyncpa.u1 $0x0;
	s5 =	sshrl.u32 s5, $0xA;
	s7 =	simm.s32 @!p0 $0x0  }
0x9: {  	s10 =	smov.u32 s3;
	[sflag:s30] =	ssyncpa.u1 $0x0;
	s5 =	sadd.s32 s7, s5  }
0xa: {  	[sflag:s31] =	ssyncpa.u1 $0x0;
	s8 =	simm.s32 $0x0;
	s7 =	sadd.s32 $0x1, s5  }
.LBB2_1:
0xb: {  	p0 =	sge.u32 s9, s5  }
0xc: {  	s31 =	sadd.s32 $0xFFFFFFFF, s9;
	s12 =	sxor.u32 @!p0 $0xFFFFFFFF, s8;
	s13 =	sshrl.u32 @!p0 s10, $0x3  }
0xd: {  	s14 =	sand.u32 @!p0 $0x7, s10;
	s12 =	sand.u32 @!p0 $0x20, s12;
	s13 =	sadd.s32 @!p0 s2, s13  }
0xe: {  	[tilespmem:s12], [sflag:$0x2] =	stream.linear.gather @!p0 [hbm4b:s13+s14], $0x20, $0x38;
	[tilespmem:$0x80] =	vst v63  }
0xf: {  	p0 =	sge.u32 s31, s5  }
0x10: {  	s12 =	simm.s32 @!p0 $0x2  }
0x11: {  	_ =	swait.ge @!p0 [sflag:s12], $0x20  }
0x12: {  	[sflag:s12] =	ssyncset.done @!p0 $0x0  }
0x13: {  	[sflag:s12] =	ssyncadd.s32 @!p0 $0xFFFFFFE0;
	s12 =	sand.u32 @!p0 $0x20, s8  }
0x14: {  	(ifvalue) =	ssetifvalue @!p0 $0x7FFFFFFF;
	v0 =	vld.msk @!p0 [tilespmem:s12+$0x0 ss:$0x1], $0xffff;
	_ =	sdelay $0x4  }
0x15: {  	vm0 =	vgt.s32 @!p0 v0, $0x0  }
0x16: {  	v0 =	vnsel @!p0 vm0, $0x0, v0  }
0x17: {  	v0 =	vmin.u32 @!p0 v0, $0x7FF;
	_ =	sdelay $0x2  }
0x18: {  	s14 =	simm.s32 @!p0 $0x0  }
0x19: {  	s13 =	sor.u32 @!p0 $0x40, s12;
	(ifvalue) =	ssetifvalue @!p0 $0x7FFFFFFF;
	s15 =	sor.u32 @!p0 $0x10, s12;
	vm0 =	vmmov @!p0 $0xffff  }
0x1a: {  	[tilespmem:s13], [sflag:$0x1] =	stream.indirect_vreg.gather @!p0 [hbm4b:s4+s14], $0x1, v0, vm0, $0x4038;
	[tilespmem:$0x80] =	vst v63  }
0x1b: {  	v0 =	vld.msk @!p0 [tilespmem:s15+$0x0 ss:$0x1], $0xffff;
	_ =	sdelay $0x4  }
0x1c: {  	vm1 =	vgt.s32 @!p0 v0, $0x0  }
0x1d: {  	v0 =	vnsel @!p0 vm1, $0x0, v0  }
0x1e: {  	v0 =	vmin.u32 @!p0 v0, $0x7FF;
	_ =	sdelay $0x3  }
0x1f: {  	s12 =	sor.u32 @!p0 $0x50, s12;
	(ifvalue) =	ssetifvalue @!p0 $0x7FFFFFFF  }
0x20: {  	[tilespmem:s12], [sflag:$0x1] =	stream.indirect_vreg.gather @!p0 [hbm4b:s4+s14], $0x1, v0, vm0, $0x4038;
	[tilespmem:$0x80] =	vst v63  }
0x21: {  	s12 =	simm.s32 @!p0 $0x1  }
0x22: {  	_ =	swait.ge @!p0 [sflag:s12], $0x20  }
0x23: {  	s14 =	sshrl.u32 @!p0 s11, $0x3;
	[sflag:s12] =	ssyncset.done @!p0 $0x0  }
0x24: {  	s11 =	sand.u32 @!p0 $0x7, s11;
	[sflag:s12] =	ssyncadd.s32 @!p0 $0xFFFFFFE0;
	s12 =	sadd.s32 @!p0 s6, s14  }
0x25: {  	[hbm4b:s12+s11] =	stream.linear.scatter @!p0 [tilespmem:s13], [sflag:$0x3], $0x20, $0x38;
	[tilespmem:$0x80] =	vst v63  }
0x26: {  	s13 =	sadd.s32 $0x400, s10  }
0x27: {  	p1 =	sgt.s32 s13, $0x7FF  }
0x28: {  	s13 =	smov.u32 @p1 s3;
	p1 =	sne.s32 s9, s7  }
.Ltmp0:
0x29: {  	p0 =	slt.u32 s9, $0x2;
	(pc) =	sbr.rel @p1 .LBB2_1-.Ltmp0, $4  }
0x2a: {  	s12 =	simm.s32 @!p0 $0x3  }
0x2b: {  	_ =	swait.ge @!p0 [sflag:s12], $0x20  }
0x2c: {  	s8 =	sadd.s32 $0x20, s8;
	s11 =	smov.u32 s10;
	[sflag:s12] =	ssyncset.done @!p0 $0x0  }
0x2d: {  	s9 =	sadd.s32 $0x1, s9;
	s10 =	smov.u32 s13;
	[sflag:s12] =	ssyncadd.s32 @!p0 $0xFFFFFFE0  }
0x2e: {  	_ =	sfence.sel $0x180000  }
0x2f: {  	s2 =	simm.s32 $0x2;
	[bflag:$0x0] =	sbarrier.arrive $0xFFFF  }
0x30: {  	s30 =	simm.s32 $0x3;
	[sflag:s2] =	ssyncpa.u1 $0x1  }
0x31: {  	s31 =	simm.s32 $0x1;
	[sflag:s30] =	ssyncpa.u1 $0x1  }
0x32: {  	[sflag:s31] =	ssyncpa.u1 $0x1  }
0x33: {  	p0 =	sne.s32 s0, $0x0;
	_ =	strace $0x90000050  }
0x34: {  	s0 =	sadd.s32 @!p0 $0x100000, s1;
	[bflag:$0x2] =	sbarrier.arrive $0xFFFF  }
0x35: {  	[sflag:s0] =	ssyncadd.tile.s32 @!p0 $0x1;
	_ =	shalt  }
.Lfunc_end2:
_tile_overlayer_lowered:
.L_overlay_start_2:
0x36: {  	(tag) =	ssettag $0x2  }
0x37: {  	s0 =	rddreg [dreg:$0x0];
	s2 =	stileid.u32  }
0x38: {  	s1 =	rddreg [dreg:$0x1];
	p0 =	sne.s32 s2, $0x0  }
0x39: {  	s3 =	rddreg [dreg:$0x2];
	[bflag:$0x3] =	sbarrier.arrive $0xFFFF;
	s2 =	simm.s32 @!p0 $0x1C01  }
0x3a: {  	[timem:s3], [sflag:s2] =	dma.local @!p0 [hbm:s0], s1  }
0x3b: {  	s0 =	simm.s32 @!p0 $0x1  }
0x3c: {  	_ =	swait.ge @!p0 [sflag:s0], s1  }
0x3d: {  	s1 =	ssub.s32 @!p0 $0x0, s1;
	[sflag:s0] =	ssyncset.done @!p0 $0x0  }
0x3e: {  	[sflag:s0] =	ssyncadd.s32 @!p0 s1  }
0x3f: {  	[bflag:$0x3] =	sbarrier.arrive $0xFFFF  }
0x40: {  	_ =	shalt  }

// kernel: gather_offload_async_start.2
scs
__scs_entry_jumppad:
0x0: {  	(pc) =	sbr.rel $0x88, $3  }
0x1: {  	(tag) =	ssettag $0x0;
	lr =	simm.s32 $0x1  }
0x2: {  	[smem:$0x3F9D] =	sst lr;
	_ =	strace $0xD0000000  }
0x3: {  	_ = 	snop  }
0x4: {  	_ = 	snop  }
0x5: {  	_ = 	snop  }
0x6: {  	_ = 	snop  }
0x7: {  	_ = 	snop  }
__scs_overlays_trampoline_lowered:
0x8: {  	[smem:$0x3FAC] =	sst s0  }
0x9: {  	[smem:$0x3FAD] =	sst s1  }
0xa: {  	[smem:$0x3FAE] =	sst s2  }
0xb: {  	[smem:$0x3FAF] =	sst s3  }
0xc: {  	[smem:$0x3FB0] =	sst s4  }
0xd: {  	[smem:$0x3FB1] =	sst s5  }
0xe: {  	[smem:$0x3FB2] =	sst s6  }
0xf: {  	[smem:$0x3FB3] =	sst s7  }
0x10: {  	[smem:$0x3FB4] =	sst s8  }
0x11: {  	[smem:$0x3FB5] =	sst s9;
	s0 =	simm.s32 @!p0 $0x0  }
0x12: {  	s1 =	sld [smem:$0x3F9B];
	s0 =	simm.s32 @p0 $0x1  }
0x13: {  	[smem:$0x3FB6] =	sst s0;
	s0 =	simm.s32 @!p1 $0x0  }
0x14: {  	s2 =	sld [smem:$0x3F9A];
	s0 =	simm.s32 @p1 $0x1  }
0x15: {  	[smem:$0x3FB7] =	sst s0;
	s0 =	simm.s32 @!p2 $0x0  }
0x16: {  	s3 =	sld [smem:$0x3FDB];
	s0 =	simm.s32 @p2 $0x1  }
0x17: {  	s4 =	simm.s32 $0x1BF5;
	[smem:$0x3FB9] =	sst s0  }
0x18: {  	s0 =	sld [smem:$0x3F9C];
	_ =	swait.ge [sflag:s4], $0x0  }
0x19: {  	s7 =	sld [smem:$0x3F9D]  }
0x1a: {  	s8 =	sadd.s32 $0xFFFFE003, lr  }
0x1b: {  	s9 =	sadd.s32 $0xFFFFFEF7, lr;
	s5 =	simm.s32 $0xFFFFFFFF;
	p2 =	slt.u32 s8, $0xFFFFF086  }
0x1c: {  	p1 =	slt.u32 s9, $0xF7A;
	s5 =	simm.s32 @!p2 $0x0  }
0x1d: {  	s5 =	simm.s32 @p1 $0x1;
	p0 =	seq.s32 s7, s2  }
0x1e: {  	s7 =	smul.u32 @!p0 $0xF7A, s2;
	p2 =	seq.s32 @!p0 s5, $0x0  }
0x1f: {  	s9 =	smul.u32 $0xF7A, s1;
	s8 =	simm.s32 @!p0 $0x1BF5;
	p2 =	por !p2, p0  }
0x20: {  	[sflag:s8] =	ssyncset.s32 @!p0 $0xFFFFF086;
	s6 =	sadd.s32 @!p0 s3, s7;
	s7 =	simm.s32 @!p0 $0x108  }
0x21: {  	s3 =	sadd.s32 s3, s9;
	s6 =	sadd.s32 @!p0 $0x88, s6;
	s7 =	simm.s32 @p2 $0x1082  }
0x22: {  	[simem:s7], [sflag:s8] =	dma.local @!p0 [hbm:s6], $0xF7A  }
0x23: {  	s9 =	sor.u32 $0xD0000000, s2;
	s6 =	simm.s32 $0x108;
	_ =	swait.ge @!p0 [sflag:s8], $0x0  }
0x24: {  	s3 =	sadd.s32 $0x88, s3;
	s6 =	simm.s32 @!p1 $0x1082;
	[sflag:s4] =	ssyncset.s32 $0xFFFFF086  }
0x25: {  	[simem:s6], [sflag:s4] =	dma.local [hbm:s3], $0xF7A  }
0x26: {  	[smem:$0x3F9D] =	sst s1;
	(tag) =	ssettag s2;
	_ =	strace s9  }
0x27: {  	s1 =	sld [smem:$0x3FAD]  }
0x28: {  	s2 =	sld [smem:$0x3FAE]  }
0x29: {  	s4 =	sld [smem:$0x3FB0]  }
0x2a: {  	p0 =	seq.s32 s5, $0x0;
	s5 =	sld [smem:$0x3FB1]  }
0x2b: {  	s6 =	sld [smem:$0x3FB2]  }
0x2c: {  	s7 =	sld [smem:$0x3FB3]  }
0x2d: {  	s3 =	simm.s32 $0x108;
	s8 =	sld [smem:$0x3FB4]  }
0x2e: {  	s3 =	simm.s32 @!p0 $0x1082;
	s9 =	sld [smem:$0x3FB5]  }
0x2f: {  	lr =	sadd.s32 s0, s3;
	s0 =	sld [smem:$0x3FAC]  }
0x30: {  	s3 =	sld [smem:$0x3FAF]  }
0x31: {  	[smem:$0x3FB8] =	sst s10  }
0x32: {  	s10 =	sld [smem:$0x3FB6];
	_ =	sdelay $0x3  }
0x33: {  	p0 =	seq.s32 s10, $0x1;
	s10 =	sld [smem:$0x3FB8];
	_ =	sdelay $0x3  }
0x34: {  	[smem:$0x3FB8] =	sst s10  }
0x35: {  	s10 =	sld [smem:$0x3FB7];
	_ =	sdelay $0x3  }
0x36: {  	p1 =	seq.s32 s10, $0x1;
	s10 =	sld [smem:$0x3FB8];
	_ =	sdelay $0x3  }
0x37: {  	[smem:$0x3FB8] =	sst s10  }
0x38: {  	s10 =	sld [smem:$0x3FB9]  }
0x39: {  	_ = 	snop;
	(pc) =	sbr.ind lr, $3  }
0x3a: {  	_ = 	snop  }
0x3b: {  	_ = 	snop  }
0x3c: {  	p2 =	seq.s32 s10, $0x1;
	s10 =	sld [smem:$0x3FB8]  }
0x3d: {  	_ =	shalt  }
0x3e: {  	_ =	shalt  }
0x3f: {  	_ =	shalt  }
0x40: {  	_ =	shalt  }
0x41: {  	_ =	shalt  }
0x42: {  	_ =	shalt  }
0x43: {  	_ =	shalt  }
0x44: {  	_ =	shalt  }
0x45: {  	_ =	shalt  }
0x46: {  	_ =	shalt  }
0x47: {  	_ =	shalt  }
0x48: {  	_ =	shalt  }
0x49: {  	_ =	shalt  }
0x4a: {  	_ =	shalt  }
0x4b: {  	_ =	shalt  }
0x4c: {  	_ =	shalt  }
0x4d: {  	_ =	shalt  }
0x4e: {  	_ =	shalt  }
0x4f: {  	_ =	shalt  }
0x50: {  	_ =	shalt  }
0x51: {  	_ =	shalt  }
0x52: {  	_ =	shalt  }
0x53: {  	_ =	shalt  }
0x54: {  	_ =	shalt  }
0x55: {  	_ =	shalt  }
0x56: {  	_ =	shalt  }
0x57: {  	_ =	shalt  }
0x58: {  	_ =	shalt  }
0x59: {  	_ =	shalt  }
0x5a: {  	_ =	shalt  }
0x5b: {  	_ =	shalt  }
0x5c: {  	_ =	shalt  }
0x5d: {  	_ =	shalt  }
0x5e: {  	_ =	shalt  }
0x5f: {  	_ =	shalt  }
0x60: {  	_ =	shalt  }
0x61: {  	_ =	shalt  }
0x62: {  	_ =	shalt  }
0x63: {  	_ =	shalt  }
0x64: {  	_ =	shalt  }
0x65: {  	_ =	shalt  }
0x66: {  	_ =	shalt  }
0x67: {  	_ =	shalt  }
0x68: {  	_ =	shalt  }
0x69: {  	_ =	shalt  }
0x6a: {  	_ =	shalt  }
0x6b: {  	_ =	shalt  }
0x6c: {  	_ =	shalt  }
0x6d: {  	_ =	shalt  }
0x6e: {  	_ =	shalt  }
0x6f: {  	_ =	shalt  }
0x70: {  	_ =	shalt  }
0x71: {  	_ =	shalt  }
0x72: {  	_ =	shalt  }
0x73: {  	_ =	shalt  }
0x74: {  	_ =	shalt  }
0x75: {  	_ =	shalt  }
0x76: {  	_ =	shalt  }
0x77: {  	_ =	shalt  }
0x78: {  	_ =	shalt  }
0x79: {  	_ =	shalt  }
0x7a: {  	_ =	shalt  }
0x7b: {  	_ =	shalt  }
0x7c: {  	_ =	shalt  }
0x7d: {  	_ =	shalt  }
0x7e: {  	_ =	shalt  }
0x7f: {  	_ =	shalt  }
0x80: {  	_ =	shalt  }
0x81: {  	_ =	shalt  }
0x82: {  	_ =	shalt  }
0x83: {  	_ =	shalt  }
0x84: {  	_ =	shalt  }
0x85: {  	_ =	shalt  }
0x86: {  	_ =	shalt  }
0x87: {  	_ =	shalt  }
.Lfunc_end0:
.L_simem_size_0:
called_computation.4_lowered:
.L_overlay_start_0:
0x88: {  	s2 =	sld [smem:$0x3FD9]  }
0x89: {  	s3 =	sld [smem:$0x3FFE];
	_ =	sdelay $0x1  }
0x8a: {  	s1 =	srdreg.scid  }
0x8b: {  	s0 =	sand.u32 $0x1, s1  }
0x8c: {  	s17 =	sshll.u32 s0, $0xA;
	s2 =	sadd.s32 s3, s2  }
0x8d: {  	s2 =	sadd.s32 s2, s17  }
0x8e: {  	[smem:$0x3FC4] =	sst s2  }
0x8f: {  	_ = 	snop  }
0x90: {  	s2 =	sld [smem:$0x3FD0];
	(tm) =	ssettm $0x1  }
0x91: {  	s18 =	sld [smem:$0x3FFB];
	_ =	sdelay $0x3  }
0x92: {  	_ =	strace s18  }
0x93: {  	s3 =	sld [smem:$0x3FFC];
	_ =	sdelay $0x3  }
0x94: {  	_ =	strace s3  }
0x95: {  	s3 =	sld [smem:$0x3FFD];
	_ =	sdelay $0x3  }
0x96: {  	_ =	strace s3  }
0x97: {  	_ =	strace $0x8FFFFFFF  }
0x98: {  	s19 =	sld [smem:$0x3FDB];
	_ =	sdelay $0x1  }
0x99: {  	s4 =	simm.s32 $_scs_section_size  }
0x9a: {  	s5 =	simm.s32 $_size__tile_overlayer_lowered;
	s6 =	simm.s32 $_tile_overlayer_lowered  }
0x9b: {  	s22 =	simm.s32 $0x1BFF;
	s21 =	sshll.u32 s6, $0x1;
	s3 =	sadd.s32 s4, s19  }
0x9c: {  	s7 =	simm.s32 $0x0;
	s20 =	sshll.u32 s5, $0x1;
	s5 =	sadd.s32 s21, s3  }
0x9d: {  	[timem:s7], [sflag:s22] =	dma.local [hbm:s5], s20  }
0x9e: {  	_ =	swait.ge [sflag:s22], s20  }
0x9f: {  	s4 =	ssub.s32 $0x0, s20;
	[sflag:s22] =	ssyncset.done $0x0  }
0xa0: {  	[sflag:s22] =	ssyncadd.s32 s4;
	_ =	sdelay $0x1  }
0xa1: {  	s23 =	simm.s32 $0x1B8B  }
0xa2: {  	_ =	swait.ge [sflag:s23], $0x1  }
0xa3: {  	[sflag:s23] =	ssyncset.done $0x0  }
0xa4: {  	s25 =	simm.s32 $0x1B8E;
	s24 =	sld [smem:$0x3FFE];
	[sflag:s23] =	ssyncadd.s32 $0xFFFFFFFF  }
0xa5: {  	s26 =	simm.s32 $execute0_lowered;
	[smem:$0x3FD2] =	sst s25  }
0xa6: {  	s5 =	sshll.u32 s26, $0x1;
	_ =	strace $0x80000055;
	[dreg:$0x1] =	wrdreg $0xFFFFFFFF  }
0xa7: {  	s28 =	simm.s32 $_size_execute0_lowered;
	s3 =	sadd.s32 s3, s5;
	[dreg:$0x0] =	wrdreg $0x0  }
0xa8: {  	s5 =	sshll.u32 s28, $0x1;
	[dreg:$0x2] =	wrdreg s3  }
0xa9: {  	[dreg:$0x3] =	wrdreg s5  }
0xaa: {  	[dreg:$0x4] =	wrdreg $0xC0  }
0xab: {  	_ =	task [dreg:s7], $0x5FFFF  }
0xac: {  	[dreg:$0x1] =	wrdreg $0xFFFFFFFF  }
0xad: {  	[dreg:$0x0] =	wrdreg $0x60  }
0xae: {  	[dreg:$0x2] =	wrdreg s2  }
0xaf: {  	[dreg:$0x3] =	wrdreg s24  }
0xb0: {  	[dreg:$0x4] =	wrdreg $0x9  }
0xb1: {  	_ =	task.clear_ibuf [dreg:s7], $0x5FFFF;
	_ =	strace $0x90000055  }
0xb2: {  	s29 =	simm.s32 $0x9;
	_ =	strace $0x80000057  }
0xb3: {  	_ =	swait.ge [sflag:s29], $0x1  }
0xb4: {  	[sflag:s29] =	ssyncadd.s32 $0xFFFFFFFF  }
0xb5: {  	_ =	strace $0x90000057  }
0xb6: {  	_ =	sfence  }
0xb7: {  	s30 =	sld [smem:$0x0];
	_ =	sdelay $0x2  }
0xb8: {  	s31 =	sshll.u32 s1, $0xD;
	s1 =	sshrl.u32 s1, $0x2  }
0xb9: {  	s3 =	sand.u32 $0x4000, s31;
	s1 =	sadd.s32 s1, s30  }
0xba: {  	s0 =	sor.u32 s3, s0;
	s1 =	sshll.u32 s1, $0x11  }
0xbb: {  	s0 =	sor.u32 s1, s0  }
0xbc: {  	s0 =	sadd.s32 $0x8F2B, s0  }
0xbd: {  	[sflag:s0] =	ssyncadd.remote.s32 $0x1  }
0xbe: {  	_ =	sfence.sel $0xFFFF  }
0xbf: {  	[dreg:$0x0] =	wrdreg $0xFFFFFFFF;
	(pc) =	sbr.abs _section_cstart, $3  }
0xc0: {  	[dreg:$0x1] =	wrdreg $0xFFFFFFFF  }
0xc1: {  	_ =	task.clear_ibuf [dreg:s7], $0x2FFFF;
	_ =	strace $0x9FFFFFFF  }
0xc2: {  	(tm) =	ssettm $0x7FFFFFFF  }
0xc3: {  	_ =	shalt  }
tec
execute0_lowered:
.L_overlay_start_1:
0x0: {  	(tag) =	ssettag $0x1  }
0x1: {  	s1 =	srdreg.scid;
	s2 =	rddreg [dreg:$0x0]  }
0x2: {  	s0 =	stileid.u32;
	s6 =	rddreg [dreg:$0x1];
	s1 =	sshll.u32 s1, $0x5  }
0x3: {  	s7 =	simm.s32 $0x1;
	s3 =	sshll.u32 s0, $0x6;
	s1 =	sand.u32 $0x20, s1  }
0x4: {  	s30 =	simm.s32 $0x2;
	s31 =	simm.s32 $0x3;
	s3 =	sor.u32 s3, s1  }
0x5: {  	s11 =	simm.s32 $0x0;
	s9 =	simm.s32 $0x0;
	s5 =	ssub.s32 $0x800, s3  }
0x6: {  	s4 =	sadd.s32 $0x1202C00, s6;
	s6 =	sadd.s32 $0xA00, s6;
	s8 =	sand.u32 $0x3E0, s5  }
0x7: {  	s1 =	rddreg [dreg:$0x2];
	_ =	strace $0x80000056;
	p0 =	sne.s32 s8, $0x0  }
0x8: {  	[sflag:s7] =	ssyncpa.u1 $0x0;
	s5 =	sshrl.u32 s5, $0xA;
	s7 =	simm.s32 @!p0 $0x0  }
0x9: {  	s10 =	smov.u32 s3;
	[sflag:s30] =	ssyncpa.u1 $0x0;
	s5 =	sadd.s32 s7, s5  }
0xa: {  	[sflag:s31] =	ssyncpa.u1 $0x0;
	s8 =	simm.s32 $0x0;
	s7 =	sadd.s32 $0x1, s5  }
.LBB2_1:
0xb: {  	p0 =	sge.u32 s9, s5  }
0xc: {  	s31 =	sadd.s32 $0xFFFFFFFF, s9;
	s12 =	sxor.u32 @!p0 $0xFFFFFFFF, s8;
	s13 =	sshrl.u32 @!p0 s10, $0x3  }
0xd: {  	s14 =	sand.u32 @!p0 $0x7, s10;
	s12 =	sand.u32 @!p0 $0x20, s12;
	s13 =	sadd.s32 @!p0 s4, s13  }
0xe: {  	[tilespmem:s12], [sflag:$0x2] =	stream.linear.gather @!p0 [hbm4b:s13+s14], $0x20, $0x38;
	[tilespmem:$0x80] =	vst v63  }
0xf: {  	p0 =	sge.u32 s31, s5  }
0x10: {  	s12 =	simm.s32 @!p0 $0x2  }
0x11: {  	_ =	swait.ge @!p0 [sflag:s12], $0x20  }
0x12: {  	[sflag:s12] =	ssyncset.done @!p0 $0x0  }
0x13: {  	[sflag:s12] =	ssyncadd.s32 @!p0 $0xFFFFFFE0;
	s12 =	sand.u32 @!p0 $0x20, s8  }
0x14: {  	(ifvalue) =	ssetifvalue @!p0 $0x7FFFFFFF;
	v0 =	vld.msk @!p0 [tilespmem:s12+$0x0 ss:$0x1], $0xffff;
	_ =	sdelay $0x4  }
0x15: {  	vm0 =	vgt.s32 @!p0 v0, $0x0  }
0x16: {  	v0 =	vnsel @!p0 vm0, $0x0, v0  }
0x17: {  	v0 =	vmin.u32 @!p0 v0, $0x7FF;
	_ =	sdelay $0x2  }
0x18: {  	s14 =	simm.s32 @!p0 $0x0  }
0x19: {  	s13 =	sor.u32 @!p0 $0x40, s12;
	(ifvalue) =	ssetifvalue @!p0 $0x7FFFFFFF;
	s15 =	sor.u32 @!p0 $0x10, s12;
	vm0 =	vmmov @!p0 $0xffff  }
0x1a: {  	[tilespmem:s13], [sflag:$0x1] =	stream.indirect_vreg.gather @!p0 [hbm4b:s2+s14], $0x1, v0, vm0, $0x4038;
	[tilespmem:$0x80] =	vst v63  }
0x1b: {  	v0 =	vld.msk @!p0 [tilespmem:s15+$0x0 ss:$0x1], $0xffff;
	_ =	sdelay $0x4  }
0x1c: {  	vm1 =	vgt.s32 @!p0 v0, $0x0  }
0x1d: {  	v0 =	vnsel @!p0 vm1, $0x0, v0  }
0x1e: {  	v0 =	vmin.u32 @!p0 v0, $0x7FF;
	_ =	sdelay $0x3  }
0x1f: {  	s12 =	sor.u32 @!p0 $0x50, s12;
	(ifvalue) =	ssetifvalue @!p0 $0x7FFFFFFF  }
0x20: {  	[tilespmem:s12], [sflag:$0x1] =	stream.indirect_vreg.gather @!p0 [hbm4b:s2+s14], $0x1, v0, vm0, $0x4038;
	[tilespmem:$0x80] =	vst v63  }
0x21: {  	s12 =	simm.s32 @!p0 $0x1  }
0x22: {  	_ =	swait.ge @!p0 [sflag:s12], $0x20  }
0x23: {  	s14 =	sshrl.u32 @!p0 s11, $0x3;
	[sflag:s12] =	ssyncset.done @!p0 $0x0  }
0x24: {  	s11 =	sand.u32 @!p0 $0x7, s11;
	[sflag:s12] =	ssyncadd.s32 @!p0 $0xFFFFFFE0;
	s12 =	sadd.s32 @!p0 s6, s14  }
0x25: {  	[hbm4b:s12+s11] =	stream.linear.scatter @!p0 [tilespmem:s13], [sflag:$0x3], $0x20, $0x38;
	[tilespmem:$0x80] =	vst v63  }
0x26: {  	s13 =	sadd.s32 $0x400, s10  }
0x27: {  	p1 =	sgt.s32 s13, $0x7FF  }
0x28: {  	s13 =	smov.u32 @p1 s3;
	p1 =	sne.s32 s9, s7  }
.Ltmp0:
0x29: {  	p0 =	slt.u32 s9, $0x2;
	(pc) =	sbr.rel @p1 .LBB2_1-.Ltmp0, $4  }
0x2a: {  	s12 =	simm.s32 @!p0 $0x3  }
0x2b: {  	_ =	swait.ge @!p0 [sflag:s12], $0x20  }
0x2c: {  	s8 =	sadd.s32 $0x20, s8;
	s11 =	smov.u32 s10;
	[sflag:s12] =	ssyncset.done @!p0 $0x0  }
0x2d: {  	s9 =	sadd.s32 $0x1, s9;
	s10 =	smov.u32 s13;
	[sflag:s12] =	ssyncadd.s32 @!p0 $0xFFFFFFE0  }
0x2e: {  	_ =	sfence.sel $0x180000  }
0x2f: {  	s2 =	simm.s32 $0x2;
	[bflag:$0x0] =	sbarrier.arrive $0xFFFF  }
0x30: {  	s30 =	simm.s32 $0x3;
	[sflag:s2] =	ssyncpa.u1 $0x1  }
0x31: {  	s31 =	simm.s32 $0x1;
	[sflag:s30] =	ssyncpa.u1 $0x1  }
0x32: {  	[sflag:s31] =	ssyncpa.u1 $0x1  }
0x33: {  	p0 =	sne.s32 s0, $0x0;
	_ =	strace $0x90000056  }
0x34: {  	s0 =	sadd.s32 @!p0 $0x100000, s1;
	[bflag:$0x2] =	sbarrier.arrive $0xFFFF  }
0x35: {  	[sflag:s0] =	ssyncadd.tile.s32 @!p0 $0x1;
	_ =	shalt  }
.Lfunc_end2:
_tile_overlayer_lowered:
.L_overlay_start_2:
0x36: {  	(tag) =	ssettag $0x2  }
0x37: {  	s0 =	rddreg [dreg:$0x0];
	s2 =	stileid.u32  }
0x38: {  	s1 =	rddreg [dreg:$0x1];
	p0 =	sne.s32 s2, $0x0  }
0x39: {  	s3 =	rddreg [dreg:$0x2];
	[bflag:$0x3] =	sbarrier.arrive $0xFFFF;
	s2 =	simm.s32 @!p0 $0x1C01  }
0x3a: {  	[timem:s3], [sflag:s2] =	dma.local @!p0 [hbm:s0], s1  }
0x3b: {  	s0 =	simm.s32 @!p0 $0x1  }
0x3c: {  	_ =	swait.ge @!p0 [sflag:s0], s1  }
0x3d: {  	s1 =	ssub.s32 @!p0 $0x0, s1;
	[sflag:s0] =	ssyncset.done @!p0 $0x0  }
0x3e: {  	[sflag:s0] =	ssyncadd.s32 @!p0 s1  }
0x3f: {  	[bflag:$0x3] =	sbarrier.arrive $0xFFFF  }
0x40: {  	_ =	shalt  }

// kernel: gather_offload_async_start
scs
__scs_entry_jumppad:
0x0: {  	(pc) =	sbr.rel $0x88, $3  }
0x1: {  	(tag) =	ssettag $0x0;
	lr =	simm.s32 $0x1  }
0x2: {  	[smem:$0x3F9D] =	sst lr;
	_ =	strace $0xD0000000  }
0x3: {  	_ = 	snop  }
0x4: {  	_ = 	snop  }
0x5: {  	_ = 	snop  }
0x6: {  	_ = 	snop  }
0x7: {  	_ = 	snop  }
__scs_overlays_trampoline_lowered:
0x8: {  	[smem:$0x3FAC] =	sst s0  }
0x9: {  	[smem:$0x3FAD] =	sst s1  }
0xa: {  	[smem:$0x3FAE] =	sst s2  }
0xb: {  	[smem:$0x3FAF] =	sst s3  }
0xc: {  	[smem:$0x3FB0] =	sst s4  }
0xd: {  	[smem:$0x3FB1] =	sst s5  }
0xe: {  	[smem:$0x3FB2] =	sst s6  }
0xf: {  	[smem:$0x3FB3] =	sst s7  }
0x10: {  	[smem:$0x3FB4] =	sst s8  }
0x11: {  	[smem:$0x3FB5] =	sst s9;
	s0 =	simm.s32 @!p0 $0x0  }
0x12: {  	s1 =	sld [smem:$0x3F9B];
	s0 =	simm.s32 @p0 $0x1  }
0x13: {  	[smem:$0x3FB6] =	sst s0;
	s0 =	simm.s32 @!p1 $0x0  }
0x14: {  	s2 =	sld [smem:$0x3F9A];
	s0 =	simm.s32 @p1 $0x1  }
0x15: {  	[smem:$0x3FB7] =	sst s0;
	s0 =	simm.s32 @!p2 $0x0  }
0x16: {  	s3 =	sld [smem:$0x3FDB];
	s0 =	simm.s32 @p2 $0x1  }
0x17: {  	s4 =	simm.s32 $0x1BF5;
	[smem:$0x3FB9] =	sst s0  }
0x18: {  	s0 =	sld [smem:$0x3F9C];
	_ =	swait.ge [sflag:s4], $0x0  }
0x19: {  	s7 =	sld [smem:$0x3F9D]  }
0x1a: {  	s8 =	sadd.s32 $0xFFFFE003, lr  }
0x1b: {  	s9 =	sadd.s32 $0xFFFFFEF7, lr;
	s5 =	simm.s32 $0xFFFFFFFF;
	p2 =	slt.u32 s8, $0xFFFFF086  }
0x1c: {  	p1 =	slt.u32 s9, $0xF7A;
	s5 =	simm.s32 @!p2 $0x0  }
0x1d: {  	s5 =	simm.s32 @p1 $0x1;
	p0 =	seq.s32 s7, s2  }
0x1e: {  	s7 =	smul.u32 @!p0 $0xF7A, s2;
	p2 =	seq.s32 @!p0 s5, $0x0  }
0x1f: {  	s9 =	smul.u32 $0xF7A, s1;
	s8 =	simm.s32 @!p0 $0x1BF5;
	p2 =	por !p2, p0  }
0x20: {  	[sflag:s8] =	ssyncset.s32 @!p0 $0xFFFFF086;
	s6 =	sadd.s32 @!p0 s3, s7;
	s7 =	simm.s32 @!p0 $0x108  }
0x21: {  	s3 =	sadd.s32 s3, s9;
	s6 =	sadd.s32 @!p0 $0x88, s6;
	s7 =	simm.s32 @p2 $0x1082  }
0x22: {  	[simem:s7], [sflag:s8] =	dma.local @!p0 [hbm:s6], $0xF7A  }
0x23: {  	s9 =	sor.u32 $0xD0000000, s2;
	s6 =	simm.s32 $0x108;
	_ =	swait.ge @!p0 [sflag:s8], $0x0  }
0x24: {  	s3 =	sadd.s32 $0x88, s3;
	s6 =	simm.s32 @!p1 $0x1082;
	[sflag:s4] =	ssyncset.s32 $0xFFFFF086  }
0x25: {  	[simem:s6], [sflag:s4] =	dma.local [hbm:s3], $0xF7A  }
0x26: {  	[smem:$0x3F9D] =	sst s1;
	(tag) =	ssettag s2;
	_ =	strace s9  }
0x27: {  	s1 =	sld [smem:$0x3FAD]  }
0x28: {  	s2 =	sld [smem:$0x3FAE]  }
0x29: {  	s4 =	sld [smem:$0x3FB0]  }
0x2a: {  	p0 =	seq.s32 s5, $0x0;
	s5 =	sld [smem:$0x3FB1]  }
0x2b: {  	s6 =	sld [smem:$0x3FB2]  }
0x2c: {  	s7 =	sld [smem:$0x3FB3]  }
0x2d: {  	s3 =	simm.s32 $0x108;
	s8 =	sld [smem:$0x3FB4]  }
0x2e: {  	s3 =	simm.s32 @!p0 $0x1082;
	s9 =	sld [smem:$0x3FB5]  }
0x2f: {  	lr =	sadd.s32 s0, s3;
	s0 =	sld [smem:$0x3FAC]  }
0x30: {  	s3 =	sld [smem:$0x3FAF]  }
0x31: {  	[smem:$0x3FB8] =	sst s10  }
0x32: {  	s10 =	sld [smem:$0x3FB6];
	_ =	sdelay $0x3  }
0x33: {  	p0 =	seq.s32 s10, $0x1;
	s10 =	sld [smem:$0x3FB8];
	_ =	sdelay $0x3  }
0x34: {  	[smem:$0x3FB8] =	sst s10  }
0x35: {  	s10 =	sld [smem:$0x3FB7];
	_ =	sdelay $0x3  }
0x36: {  	p1 =	seq.s32 s10, $0x1;
	s10 =	sld [smem:$0x3FB8];
	_ =	sdelay $0x3  }
0x37: {  	[smem:$0x3FB8] =	sst s10  }
0x38: {  	s10 =	sld [smem:$0x3FB9]  }
0x39: {  	_ = 	snop;
	(pc) =	sbr.ind lr, $3  }
0x3a: {  	_ = 	snop  }
0x3b: {  	_ = 	snop  }
0x3c: {  	p2 =	seq.s32 s10, $0x1;
	s10 =	sld [smem:$0x3FB8]  }
0x3d: {  	_ =	shalt  }
0x3e: {  	_ =	shalt  }
0x3f: {  	_ =	shalt  }
0x40: {  	_ =	shalt  }
0x41: {  	_ =	shalt  }
0x42: {  	_ =	shalt  }
0x43: {  	_ =	shalt  }
0x44: {  	_ =	shalt  }
0x45: {  	_ =	shalt  }
0x46: {  	_ =	shalt  }
0x47: {  	_ =	shalt  }
0x48: {  	_ =	shalt  }
0x49: {  	_ =	shalt  }
0x4a: {  	_ =	shalt  }
0x4b: {  	_ =	shalt  }
0x4c: {  	_ =	shalt  }
0x4d: {  	_ =	shalt  }
0x4e: {  	_ =	shalt  }
0x4f: {  	_ =	shalt  }
0x50: {  	_ =	shalt  }
0x51: {  	_ =	shalt  }
0x52: {  	_ =	shalt  }
0x53: {  	_ =	shalt  }
0x54: {  	_ =	shalt  }
0x55: {  	_ =	shalt  }
0x56: {  	_ =	shalt  }
0x57: {  	_ =	shalt  }
0x58: {  	_ =	shalt  }
0x59: {  	_ =	shalt  }
0x5a: {  	_ =	shalt  }
0x5b: {  	_ =	shalt  }
0x5c: {  	_ =	shalt  }
0x5d: {  	_ =	shalt  }
0x5e: {  	_ =	shalt  }
0x5f: {  	_ =	shalt  }
0x60: {  	_ =	shalt  }
0x61: {  	_ =	shalt  }
0x62: {  	_ =	shalt  }
0x63: {  	_ =	shalt  }
0x64: {  	_ =	shalt  }
0x65: {  	_ =	shalt  }
0x66: {  	_ =	shalt  }
0x67: {  	_ =	shalt  }
0x68: {  	_ =	shalt  }
0x69: {  	_ =	shalt  }
0x6a: {  	_ =	shalt  }
0x6b: {  	_ =	shalt  }
0x6c: {  	_ =	shalt  }
0x6d: {  	_ =	shalt  }
0x6e: {  	_ =	shalt  }
0x6f: {  	_ =	shalt  }
0x70: {  	_ =	shalt  }
0x71: {  	_ =	shalt  }
0x72: {  	_ =	shalt  }
0x73: {  	_ =	shalt  }
0x74: {  	_ =	shalt  }
0x75: {  	_ =	shalt  }
0x76: {  	_ =	shalt  }
0x77: {  	_ =	shalt  }
0x78: {  	_ =	shalt  }
0x79: {  	_ =	shalt  }
0x7a: {  	_ =	shalt  }
0x7b: {  	_ =	shalt  }
0x7c: {  	_ =	shalt  }
0x7d: {  	_ =	shalt  }
0x7e: {  	_ =	shalt  }
0x7f: {  	_ =	shalt  }
0x80: {  	_ =	shalt  }
0x81: {  	_ =	shalt  }
0x82: {  	_ =	shalt  }
0x83: {  	_ =	shalt  }
0x84: {  	_ =	shalt  }
0x85: {  	_ =	shalt  }
0x86: {  	_ =	shalt  }
0x87: {  	_ =	shalt  }
.Lfunc_end0:
.L_simem_size_0:
called_computation.2_lowered:
.L_overlay_start_0:
0x88: {  	s2 =	sld [smem:$0x3FD9]  }
0x89: {  	s3 =	sld [smem:$0x3FFE];
	_ =	sdelay $0x1  }
0x8a: {  	s1 =	srdreg.scid  }
0x8b: {  	s0 =	sand.u32 $0x1, s1  }
0x8c: {  	s17 =	sshll.u32 s0, $0xA;
	s2 =	sadd.s32 s3, s2  }
0x8d: {  	s2 =	sadd.s32 s2, s17  }
0x8e: {  	[smem:$0x3FC4] =	sst s2  }
0x8f: {  	_ = 	snop  }
0x90: {  	s18 =	sld [smem:$0x3FD0];
	(tm) =	ssettm $0x1  }
0x91: {  	s19 =	sld [smem:$0x3FFB];
	_ =	sdelay $0x3  }
0x92: {  	_ =	strace s19  }
0x93: {  	s2 =	sld [smem:$0x3FFC];
	_ =	sdelay $0x3  }
0x94: {  	_ =	strace s2  }
0x95: {  	s2 =	sld [smem:$0x3FFD];
	_ =	sdelay $0x3  }
0x96: {  	_ =	strace s2  }
0x97: {  	_ =	strace $0x8FFFFFFF  }
0x98: {  	s20 =	sld [smem:$0x3FDB];
	_ =	sdelay $0x1  }
0x99: {  	s4 =	simm.s32 $_scs_section_size  }
0x9a: {  	s5 =	simm.s32 $_size__tile_overlayer_lowered;
	s6 =	simm.s32 $_tile_overlayer_lowered  }
0x9b: {  	s7 =	simm.s32 $0x1BFF;
	s21 =	sshll.u32 s6, $0x1;
	s4 =	sadd.s32 s4, s20  }
0x9c: {  	s22 =	simm.s32 $0x0;
	s5 =	sshll.u32 s5, $0x1;
	s6 =	sadd.s32 s21, s4  }
0x9d: {  	[timem:s22], [sflag:s7] =	dma.local [hbm:s6], s5  }
0x9e: {  	_ =	swait.ge [sflag:s7], s5  }
0x9f: {  	s5 =	ssub.s32 $0x0, s5;
	[sflag:s7] =	ssyncset.done $0x0  }
0xa0: {  	[sflag:s7] =	ssyncadd.s32 s5;
	_ =	sdelay $0x1  }
0xa1: {  	s23 =	simm.s32 $0x1B8B  }
0xa2: {  	_ =	swait.ge [sflag:s23], $0x1  }
0xa3: {  	[sflag:s23] =	ssyncset.done $0x0  }
0xa4: {  	[sflag:s23] =	ssyncadd.s32 $0xFFFFFFFF  }
0xa5: {  	s5 =	sld [smem:$0x0]  }
0xa6: {  	s6 =	sand.u32 $0xFFFFFFFE, s1  }
0xa7: {  	p0 =	sne.s32 s1, s6  }
0xa8: {  	s6 =	sshll.u32 @p0 s6, $0xE  }
0xa9: {  	s6 =	sadd.s32 @p0 $0x11B8D, s6;
	s7 =	sshll.u32 @p0 s5, $0x11  }
0xaa: {  	s6 =	sor.u32 @p0 s7, s6  }
0xab: {  	[sflag:s6] =	ssyncadd.remote.s32 @p0 $0x1;
	_ =	sdelay $0x1  }
0xac: {  	s6 =	simm.s32 @p0 $0x1B8D  }
0xad: {  	_ =	swait.eq @p0 [sflag:s6], $0x1  }
0xae: {  	[sflag:s6] =	ssyncadd.s32 @p0 $0xFFFFFFFF  }
0xaf: {  	s7 =	sshll.u32 @!p0 s1, $0xE  }
0xb0: {  	s7 =	sor.u32 @!p0 $0x4000, s7;
	s6 =	simm.s32 @!p0 $0x1B8D  }
0xb1: {  	s5 =	sshll.u32 @!p0 s5, $0x11;
	s7 =	sadd.s32 @!p0 $0x11B8D, s7;
	_ =	swait.eq @!p0 [sflag:s6], $0x1  }
0xb2: {  	s5 =	sor.u32 @!p0 s5, s7;
	[sflag:s6] =	ssyncadd.s32 @!p0 $0xFFFFFFFF  }
0xb3: {  	s25 =	simm.s32 $0x1B8E;
	s24 =	sld [smem:$0x3FFE];
	[sflag:s5] =	ssyncadd.remote.s32 @!p0 $0x1  }
0xb4: {  	s26 =	simm.s32 $execute0_lowered;
	[smem:$0x3FD2] =	sst s25  }
0xb5: {  	s6 =	sshll.u32 s26, $0x1;
	_ =	strace $0x8000004C;
	[dreg:$0x1] =	wrdreg $0xFFFFFFFF  }
0xb6: {  	s28 =	simm.s32 $_size_execute0_lowered;
	s4 =	sadd.s32 s4, s6;
	[dreg:$0x0] =	wrdreg $0x0  }
0xb7: {  	s6 =	sshll.u32 s28, $0x1;
	[dreg:$0x2] =	wrdreg s4  }
0xb8: {  	[dreg:$0x3] =	wrdreg s6  }
0xb9: {  	[dreg:$0x4] =	wrdreg $0xC0  }
0xba: {  	_ =	task [dreg:s22], $0x5FFFF  }
0xbb: {  	[dreg:$0x1] =	wrdreg $0xFFFFFFFF  }
0xbc: {  	[dreg:$0x0] =	wrdreg $0x60  }
0xbd: {  	[dreg:$0x2] =	wrdreg s24  }
0xbe: {  	[dreg:$0x3] =	wrdreg s18  }
0xbf: {  	[dreg:$0x4] =	wrdreg $0x9  }
0xc0: {  	_ =	task.clear_ibuf [dreg:s22], $0x5FFFF;
	_ =	strace $0x9000004C  }
0xc1: {  	s29 =	simm.s32 $0x9;
	_ =	strace $0x8000004E  }
0xc2: {  	_ =	swait.ge [sflag:s29], $0x1  }
0xc3: {  	[sflag:s29] =	ssyncadd.s32 $0xFFFFFFFF  }
0xc4: {  	_ =	strace $0x9000004E  }
0xc5: {  	_ =	sfence  }
0xc6: {  	s30 =	sld [smem:$0x0];
	_ =	sdelay $0x2  }
0xc7: {  	s31 =	sshll.u32 s1, $0xD;
	s1 =	sshrl.u32 s1, $0x2  }
0xc8: {  	s4 =	sand.u32 $0x4000, s31;
	s1 =	sadd.s32 s1, s30  }
0xc9: {  	s0 =	sor.u32 s4, s0;
	s1 =	sshll.u32 s1, $0x11  }
0xca: {  	s0 =	sor.u32 s1, s0  }
0xcb: {  	s0 =	sadd.s32 $0x8F2B, s0  }
0xcc: {  	[sflag:s0] =	ssyncadd.remote.s32 $0x1  }
0xcd: {  	_ =	sfence.sel $0xFFFF  }
0xce: {  	[dreg:$0x0] =	wrdreg $0xFFFFFFFF;
	(pc) =	sbr.abs _section_cstart, $3  }
0xcf: {  	[dreg:$0x1] =	wrdreg $0xFFFFFFFF  }
0xd0: {  	_ =	task.clear_ibuf [dreg:s22], $0x2FFFF;
	_ =	strace $0x9FFFFFFF  }
0xd1: {  	(tm) =	ssettm $0x7FFFFFFF  }
tec
execute0_lowered:
.L_overlay_start_1:
0x0: {  	(tag) =	ssettag $0x1  }
0x1: {  	s6 =	rddreg [dreg:$0x0]  }
0x2: {  	s0 =	srdreg.scid;
	s4 =	simm.s32 $0x200;
	s2 =	rddreg [dreg:$0x1]  }
0x3: {  	s7 =	simm.s32 $0x1;
	s8 =	simm.s32 $0x3;
	s1 =	sshll.u32 s0, $0x4  }
0x4: {  	s10 =	simm.s32 $0x4;
	s0 =	stileid.u32;
	s1 =	sand.u32 $0x10, s1  }
0x5: {  	s11 =	simm.s32 $0x0;
	s12 =	simm.s32 $0xFFFFF800;
	s1 =	sor.u32 s0, s1  }
0x6: {  	s13 =	simm.s32 $0xFFFFFE00;
	s3 =	smin.u32 s1, $0x4;
	p0 =	slt.u32 s1, $0x4  }
0x7: {  	s14 =	simm.s32 $0xFFFFFFFF;
	s3 =	sshll.u32 s3, $0x9;
	s4 =	simm.s32 @!p0 $0x0  }
0x8: {  	s18 =	simm.s32 $0x0;
	s15 =	simm.s32 $0x0;
	s5 =	sadd.s32 s4, s3  }
0x9: {  	s17 =	simm.s32 $0x0;
	s1 =	rddreg [dreg:$0x2];
	s5 =	smin.u32 s5, $0x800  }
.Ltmp0:
0xa: {  	_ =	strace $0x8000004D;
	s9 =	ssub.s32 s5, s3;
	(pc) =	sbr.rel .LBB2_1-.Ltmp0, $4  }
0xb: {  	[sflag:s7] =	ssyncpa.u1 $0x0;
	s7 =	simm.s32 $0x2;
	p0 =	sgt.s32 s9, $0x0  }
0xc: {  	s4 =	sadd.s32 $0xA00, s6;
	[sflag:s7] =	ssyncpa.u1 $0x0;
	s9 =	simm.s32 @!p0 $0x0  }
0xd: {  	s6 =	sadd.s32 $0xA02000, s6;
	[sflag:s8] =	ssyncpa.u1 $0x0;
	s9 =	sshrl.u32 s9, $0x9  }
0xe: {  	v0 =	vlaneseq.u32;
	vm0 =	vmmov $0xffff;
	s16 =	smov.u32 s3;
	[sflag:s10] =	ssyncpa.u1 $0x0;
	s10 =	sadd.s32 $0x2, s9  }
.LBB2_7:
0xf: {  	p0 =	slt.u32 s17, $0x3  }
0x10: {  	s18 =	simm.s32 @!p0 $0x4  }
0x11: {  	_ =	swait.ge @!p0 [sflag:s18], $0x80  }
0x12: {  	s19 =	sadd.s32 $0x200, s16;
	[sflag:s18] =	ssyncset.done @!p0 $0x0  }
0x13: {  	s20 =	smov.u32 s3;
	[sflag:s18] =	ssyncadd.s32 @!p0 $0xFFFFFF80;
	p0 =	slt.s32 s19, s5  }
0x14: {  	s20 =	smov.u32 @p0 s19;
	p0 =	sne.s32 s17, s10  }
.Ltmp1:
0x15: {  	_ = 	snop;
	(pc) =	sbr.rel @!p0 .LBB2_8-.Ltmp1, $4  }
0x16: {  	_ = 	snop  }
0x17: {  	s31 =	sadd.s32 $0x1, s17;
	s12 =	sadd.s32 $0x800, s12  }
0x18: {  	s13 =	sadd.s32 $0x200, s13;
	s14 =	sadd.s32 $0x1, s14;
	s18 =	smov.u32 s15  }
0x19: {  	s15 =	smov.u32 s16;
	s17 =	smov.u32 s31;
	s16 =	smov.u32 s20  }
.LBB2_1:
0x1a: {  	p0 =	sge.u32 s17, s9  }
0x1b: {  	s19 =	smulhi.u32 @!p0 $0xAAAAAAAB, s17;
	_ =	sdelay $0x1  }
0x1c: {  	s19 =	sshrl.u32 @!p0 s19, $0x1  }
0x1d: {  	s19 =	smul.u32 @!p0 $0x3, s19;
	_ =	sdelay $0x1  }
0x1e: {  	s31 =	sadd.s32 $0xFFFFFFFF, s17;
	s20 =	sshrl.u32 @!p0 s16, $0x3;
	s19 =	ssub.s32 @!p0 s17, s19  }
0x1f: {  	s21 =	sand.u32 @!p0 $0x7, s16;
	s20 =	sadd.s32 @!p0 s2, s20;
	s19 =	sshll.u32 @!p0 s19, $0x9  }
0x20: {  	[tilespmem:s19], [sflag:$0x2] =	stream.linear.gather @!p0 [hbm4b:s20+s21], $0x200, $0x38;
	[tilespmem:$0xB00] =	vst v63  }
0x21: {  	p0 =	sge.u32 s31, s9  }
.Ltmp2:
0x22: {  	_ = 	snop;
	(pc) =	sbr.rel @p0 .LBB2_5-.Ltmp2, $1  }
0x23: {  	_ =	sdelay $0x3  }
0x24: {  	s19 =	smulhi.u32 $0xAAAAAAAB, s14;
	_ =	sdelay $0x1  }
0x25: {  	s19 =	sshrl.u32 s19, $0x1  }
0x26: {  	s19 =	smul.u32 $0xFFFFE800, s19;
	_ =	sdelay $0x1  }
0x27: {  	_ =	swait.ge [sflag:s7], $0x200;
	s19 =	sshra.s32 s19, $0x2  }
0x28: {  	[sflag:s7] =	ssyncset.done $0x0;
	s20 =	sadd.s32 s19, s13  }
0x29: {  	[sflag:s7] =	ssyncadd.s32 $0xFFFFFE00;
	(ifvalue) =	ssetifvalue $0x7FFFFFFF;
	v1 =	vld.msk [tilespmem:s20+$0x0 ss:$0x1], $0xffff  }
0x2a: {  	s21 =	sadd.s32 $0x10, s20  }
0x2b: {  	v2 =	vld.msk [tilespmem:s21+$0x0 ss:$0x1], $0xffff;
	_ =	sdelay $0x1  }
0x2c: {  	s19 =	ssub.s32 $0x800, s15  }
0x2d: {  	p0 =	slt.s32 s19, $0x200;
	vm1 =	vgt.s32 v1, $0x0  }
0x2e: {  	s19 =	simm.s32 @!p0 $0x200;
	v1 =	vnsel vm1, $0x0, v1  }
0x2f: {  	p0 =	sgt.s32 s19, $0x0;
	s22 =	smov.u32 s19;
	vm1 =	vgt.s32 v2, $0x0;
	v1 =	vmin.u32 v1, $0x7FF  }
0x30: {  	s22 =	simm.s32 @!p0 $0x0;
	v2 =	vnsel vm1, $0x0, v2;
	v4 =	vshll.u32 v1, $0x2  }
0x31: {  	s22 =	smin.u32 s22, $0x10;
	v3 =	vshrl.u32 v1, $0x7;
	v1 =	vand.u32 $0x600, v1;
	v4 =	vand.u32 $0x1FC, v4  }
0x32: {  	v5 =	vmin.u32 v2, $0x7FF;
	v2 =	vmov s22;
	v1 =	vor.u32 v1, v4  }
0x33: {  	vm1 =	vgt.u32 v2, v0;
	v1 =	vshrl.u32 v1, $0x2  }
0x34: {  	s30 =	sshrl.u32 s12, $0x2;
	s23 =	sadd.s32 $0xFFFFFFF0, s19;
	v1 =	vnsel vm1, $0x7FFFFFFF, v1  }
0x35: {  	s19 =	sadd.s32 $0x10, s21;
	p0 =	sgt.s32 s23, $0x0;
	s25 =	smov.u32 s23;
	v3 =	vand.u32 $0x3, v3  }
0x36: {  	s31 =	sand.u32 $0x200, s30;
	s25 =	simm.s32 @!p0 $0x0;
	v2 =	vld.msk [tilespmem:s19+$0x0 ss:$0x1], $0xffff;
	v4 =	vshrl.u32 v5, $0x7;
	[tilespmem:s20+$0x0] =	vst v3;
	v3 =	vshll.u32 v5, $0x2  }
0x37: {  	s24 =	simm.s32 $0x30;
	s25 =	smin.u32 s25, $0x10;
	s22 =	sadd.s32 $0x600, s31;
	v5 =	vand.u32 $0x600, v5;
	v4 =	vand.u32 $0x3, v4;
	v6 =	vand.u32 $0x1FC, v3  }
0x38: {  	s20 =	sadd.s32 $0x10, s19;
	v3 =	vmov s25;
	[tilespmem:s21+$0x0] =	vst v4;
	v4 =	vor.u32 v5, v6;
	(ifvalue) =	ssetifvalue $0x7FFFFFFF;
	s21 =	sadd.s32 $0x10, s22  }
.LBB2_3:
0x39: {  	[tilespmem:s22], [sflag:$0x3] =	stream.indirect_vreg.gather [hbm4b:s4+s11], $0x1, v1, vm0, $0x4038;
	[tilespmem:$0xB00] =	vst v63  }
0x3a: {  	s24 =	sadd.s32 $0x10, s24  }
0x3b: {  	vm1 =	vgt.s32 v2, $0x0;
	vm2 =	vgt.u32 v3, v0;
	v3 =	vshrl.u32 v4, $0x2;
	v1 =	vmovc v2;
	v2 =	vld.msk [tilespmem:s20+$0x0 ss:$0x1], $0xffff;
	p0 =	slt.u32 s24, $0x1F0  }
.Ltmp3:
0x3c: {  	s23 =	sadd.s32 $0xFFFFFFF0, s23;
	v4 =	vnsel vm1, $0x0, v1;
	v1 =	vnsel vm2, $0x7FFFFFFF, v3;
	(pc) =	sbr.rel @p0 .LBB2_3-.Ltmp3, $4  }
0x3d: {  	s25 =	smov.u32 s19;
	p1 =	sgt.s32 s23, $0x0;
	s26 =	smov.u32 s23;
	v3 =	vmin.u32 v4, $0x7FF  }
0x3e: {  	s19 =	smov.u32 s20;
	s22 =	smov.u32 s21;
	s26 =	simm.s32 @!p1 $0x0;
	v4 =	vshrl.u32 v3, $0x7;
	v5 =	vshll.u32 v3, $0x2  }
0x3f: {  	s26 =	smin.u32 s26, $0x10;
	v6 =	vand.u32 $0x3, v4;
	v4 =	vand.u32 $0x600, v3;
	v5 =	vand.u32 $0x1FC, v5  }
0x40: {  	s20 =	sadd.s32 $0x10, s20;
	s21 =	sadd.s32 $0x10, s21;
	v3 =	vmov s26;
	v4 =	vor.u32 v4, v5;
	[tilespmem:s25+$0x0] =	vst v6;
	(ifvalue) =	ssetifvalue $0x7FFFFFFF  }
0x41: {  	v5 =	vld.msk [tilespmem:s20+$0x0 ss:$0x1], $0xffff;
	_ =	sdelay $0x1  }
0x42: {  	s23 =	sadd.s32 $0xFFFFFFF0, s23;
	vm1 =	vgt.s32 v2, $0x0  }
0x43: {  	p0 =	sgt.s32 s23, $0x0;
	s24 =	smov.u32 s23;
	v2 =	vnsel vm1, $0x0, v2;
	vm1 =	vgt.u32 v3, v0;
	v3 =	vshrl.u32 v4, $0x2  }
0x44: {  	s24 =	simm.s32 @!p0 $0x0;
	v2 =	vmin.u32 v2, $0x7FF;
	v3 =	vnsel vm1, $0x7FFFFFFF, v3  }
0x45: {  	s24 =	smin.u32 s24, $0x10;
	v60 =	vshll.u32 v2, $0x2;
	v7 =	vand.u32 $0x600, v2;
	vm1 =	vgt.s32 v5, $0x0  }
0x46: {  	s23 =	sadd.s32 $0xFFFFFFF0, s23;
	v2 =	vshrl.u32 v2, $0x7;
	v6 =	vmov s24;
	v5 =	vnsel vm1, $0x0, v5  }
0x47: {  	p0 =	sgt.s32 s23, $0x0;
	v4 =	vand.u32 $0x1FC, v60;
	v2 =	vand.u32 $0x3, v2;
	v5 =	vmin.u32 v5, $0x7FF  }
0x48: {  	s23 =	simm.s32 @!p0 $0x0;
	v4 =	vor.u32 v7, v4;
	vm1 =	vgt.u32 v6, v0;
	v61 =	vshll.u32 v5, $0x2  }
0x49: {  	s23 =	smin.u32 s23, $0x10;
	v4 =	vshrl.u32 v4, $0x2;
	v62 =	vand.u32 $0x600, v5;
	v6 =	vand.u32 $0x1FC, v61  }
0x4a: {  	v63 =	vmov s23;
	v4 =	vnsel vm1, $0x7FFFFFFF, v4;
	v6 =	vor.u32 v62, v6  }
0x4b: {  	[tilespmem:s22], [sflag:$0x3] =	stream.indirect_vreg.gather [hbm4b:s4+s11], $0x1, v1, vm0, $0x4038;
	[tilespmem:s19+$0x0] =	vst v2;
	vm1 =	vgt.u32 v63, v0;
	v2 =	vshrl.u32 v6, $0x2  }
0x4c: {  	(ifvalue) =	ssetifvalue $0x7FFFFFFF;
	v1 =	vshrl.u32 v5, $0x7;
	v2 =	vnsel vm1, $0x7FFFFFFF, v2  }
0x4d: {  	[tilespmem:s21], [sflag:$0x3] =	stream.indirect_vreg.gather [hbm4b:s4+s11], $0x1, v3, vm0, $0x4038;
	v1 =	vand.u32 $0x3, v1;
	[tilespmem:$0xB00] =	vst v63  }
0x4e: {  	s31 =	sadd.s32 $0x10, s21;
	[tilespmem:s20+$0x0] =	vst v1;
	(ifvalue) =	ssetifvalue $0x7FFFFFFF  }
0x4f: {  	[tilespmem:s31], [sflag:$0x3] =	stream.indirect_vreg.gather [hbm4b:s4+s11], $0x1, v4, vm0, $0x4038;
	[tilespmem:$0xB00] =	vst v63  }
0x50: {  	s19 =	sadd.s32 $0x10, s31;
	(ifvalue) =	ssetifvalue $0x7FFFFFFF  }
0x51: {  	[tilespmem:s19], [sflag:$0x3] =	stream.indirect_vreg.gather [hbm4b:s4+s11], $0x1, v2, vm0, $0x4038;
	[tilespmem:$0xB00] =	vst v63  }
.LBB2_5:
0x52: {  	p0 =	slt.u32 s17, $0x2  }
0x53: {  	p1 =	sge.u32 @!p0 s17, s10  }
0x54: {  	p0 =	por p0, p1  }
.Ltmp4:
0x55: {  	_ = 	snop;
	(pc) =	sbr.rel @p0 .LBB2_7-.Ltmp4, $1  }
0x56: {  	_ =	sdelay $0x3  }
0x57: {  	s19 =	sadd.s32 $0xFFFFFFFE, s17  }
0x58: {  	s20 =	smulhi.u32 $0xAAAAAAAB, s19  }
0x59: {  	_ =	swait.ge [sflag:s8], $0x200  }
0x5a: {  	s21 =	sand.u32 $0x1, s17;
	[sflag:s8] =	ssyncset.done $0x0;
	s20 =	sshrl.u32 s20, $0x1  }
0x5b: {  	s28 =	sshll.u32 s21, $0x9;
	[sflag:s8] =	ssyncadd.s32 $0xFFFFFE00;
	s20 =	smul.u32 $0x3, s20  }
0x5c: {  	v1 =	vld [tilespmem:s28+$0x600]  }
0x5d: {  	v3 =	vld [tilespmem:s28+$0x680];
	s20 =	ssub.s32 s19, s20  }
0x5e: {  	v6 =	vld [tilespmem:s28+$0x700];
	s20 =	sshll.u32 s20, $0x9  }
0x5f: {  	v2 =	vld [tilespmem:s20+$0x0]  }
0x60: {  	v4 =	vld [tilespmem:s20+$0x80]  }
0x61: {  	v5 =	vld [tilespmem:s20+$0x100]  }
0x62: {  	v7 =	vld [tilespmem:s20+$0x180];
	_ =	sdelay $0x1  }
0x63: {  	v8 =	vld [tilespmem:s28+$0x780]  }
0x64: {  	v2 =	vshll.u32 v2, $0x3;
	v4 =	vshll.u32 v4, $0x3  }
0x65: {  	v1 =	vshrl.u32 v1, v2;
	v2 =	vshrl.u32 v3, v4;
	v3 =	vshll.u32 v5, $0x3  }
0x66: {  	v21 =	vshll.u32 v7, $0x3;
	v2 =	vshll.u32 v2, $0x8;
	v3 =	vshrl.u32 v6, v3  }
0x67: {  	v1 =	vand.u32 $0xFF, v1;
	v2 =	vand.u32 $0xFF00, v2;
	v3 =	vshll.u32 v3, $0x10  }
0x68: {  	v1 =	vor.u32 v1, v2;
	v2 =	vand.u32 $0xFF0000, v3;
	v3 =	vshrl.u32 v8, v21  }
0x69: {  	v1 =	vor.u32 v2, v1;
	v2 =	vshll.u32 v3, $0x18  }
0x6a: {  	s21 =	sshll.u32 s21, $0x7;
	v1 =	vor.u32 v2, v1  }
0x6b: {  	[tilespmem:s21+$0xA00] =	vst v1  }
0x6c: {  	v1 =	vld [tilespmem:s28+$0x610]  }
0x6d: {  	v2 =	vld [tilespmem:s20+$0x10]  }
0x6e: {  	v3 =	vld [tilespmem:s28+$0x690]  }
0x6f: {  	v22 =	vld [tilespmem:s20+$0x90]  }
0x70: {  	v23 =	vld [tilespmem:s20+$0x110]  }
0x71: {  	v24 =	vld [tilespmem:s28+$0x710]  }
0x72: {  	v25 =	vld [tilespmem:s20+$0x190];
	_ =	sdelay $0x1  }
0x73: {  	v26 =	vld [tilespmem:s28+$0x790]  }
0x74: {  	v2 =	vshll.u32 v2, $0x3;
	v4 =	vshll.u32 v22, $0x3  }
0x75: {  	v1 =	vshrl.u32 v1, v2;
	v2 =	vshrl.u32 v3, v4;
	v3 =	vshll.u32 v23, $0x3  }
0x76: {  	v27 =	vshll.u32 v25, $0x3;
	v2 =	vshll.u32 v2, $0x8;
	v3 =	vshrl.u32 v24, v3  }
0x77: {  	v1 =	vand.u32 $0xFF, v1;
	v2 =	vand.u32 $0xFF00, v2;
	v3 =	vshll.u32 v3, $0x10  }
0x78: {  	v1 =	vor.u32 v1, v2;
	v2 =	vand.u32 $0xFF0000, v3;
	v3 =	vshrl.u32 v26, v27  }
0x79: {  	v1 =	vor.u32 v2, v1;
	v2 =	vshll.u32 v3, $0x18  }
0x7a: {  	v1 =	vor.u32 v2, v1  }
0x7b: {  	[tilespmem:s21+$0xA10] =	vst v1  }
0x7c: {  	v1 =	vld [tilespmem:s28+$0x620]  }
0x7d: {  	v2 =	vld [tilespmem:s20+$0x20]  }
0x7e: {  	v3 =	vld [tilespmem:s28+$0x6A0]  }
0x7f: {  	v28 =	vld [tilespmem:s20+$0xA0]  }
0x80: {  	v29 =	vld [tilespmem:s20+$0x120]  }
0x81: {  	v30 =	vld [tilespmem:s28+$0x720]  }
0x82: {  	v31 =	vld [tilespmem:s20+$0x1A0];
	_ =	sdelay $0x1  }
0x83: {  	v32 =	vld [tilespmem:s28+$0x7A0]  }
0x84: {  	v2 =	vshll.u32 v2, $0x3;
	v4 =	vshll.u32 v28, $0x3  }
0x85: {  	v1 =	vshrl.u32 v1, v2;
	v2 =	vshrl.u32 v3, v4;
	v3 =	vshll.u32 v29, $0x3  }
0x86: {  	v33 =	vshll.u32 v31, $0x3;
	v2 =	vshll.u32 v2, $0x8;
	v3 =	vshrl.u32 v30, v3  }
0x87: {  	v1 =	vand.u32 $0xFF, v1;
	v2 =	vand.u32 $0xFF00, v2;
	v3 =	vshll.u32 v3, $0x10  }
0x88: {  	v1 =	vor.u32 v1, v2;
	v2 =	vand.u32 $0xFF0000, v3;
	v3 =	vshrl.u32 v32, v33  }
0x89: {  	v1 =	vor.u32 v2, v1;
	v2 =	vshll.u32 v3, $0x18  }
0x8a: {  	v1 =	vor.u32 v2, v1  }
0x8b: {  	[tilespmem:s21+$0xA20] =	vst v1  }
0x8c: {  	v1 =	vld [tilespmem:s28+$0x630]  }
0x8d: {  	v2 =	vld [tilespmem:s20+$0x30]  }
0x8e: {  	v3 =	vld [tilespmem:s28+$0x6B0]  }
0x8f: {  	v34 =	vld [tilespmem:s20+$0xB0]  }
0x90: {  	v35 =	vld [tilespmem:s20+$0x130]  }
0x91: {  	v36 =	vld [tilespmem:s28+$0x730]  }
0x92: {  	v37 =	vld [tilespmem:s20+$0x1B0];
	_ =	sdelay $0x1  }
0x93: {  	v38 =	vld [tilespmem:s28+$0x7B0]  }
0x94: {  	v2 =	vshll.u32 v2, $0x3;
	v4 =	vshll.u32 v34, $0x3  }
0x95: {  	v1 =	vshrl.u32 v1, v2;
	v2 =	vshrl.u32 v3, v4;
	v3 =	vshll.u32 v35, $0x3  }
0x96: {  	v39 =	vshll.u32 v37, $0x3;
	v2 =	vshll.u32 v2, $0x8;
	v3 =	vshrl.u32 v36, v3  }
0x97: {  	v1 =	vand.u32 $0xFF, v1;
	v2 =	vand.u32 $0xFF00, v2;
	v3 =	vshll.u32 v3, $0x10  }
0x98: {  	v1 =	vor.u32 v1, v2;
	v2 =	vand.u32 $0xFF0000, v3;
	v3 =	vshrl.u32 v38, v39  }
0x99: {  	v1 =	vor.u32 v2, v1;
	v2 =	vshll.u32 v3, $0x18  }
0x9a: {  	v1 =	vor.u32 v2, v1  }
0x9b: {  	[tilespmem:s21+$0xA30] =	vst v1  }
0x9c: {  	v1 =	vld [tilespmem:s28+$0x640]  }
0x9d: {  	v2 =	vld [tilespmem:s20+$0x40]  }
0x9e: {  	v3 =	vld [tilespmem:s28+$0x6C0]  }
0x9f: {  	v40 =	vld [tilespmem:s20+$0xC0]  }
0xa0: {  	v41 =	vld [tilespmem:s20+$0x140]  }
0xa1: {  	v42 =	vld [tilespmem:s28+$0x740]  }
0xa2: {  	v43 =	vld [tilespmem:s20+$0x1C0];
	_ =	sdelay $0x1  }
0xa3: {  	v44 =	vld [tilespmem:s28+$0x7C0]  }
0xa4: {  	v2 =	vshll.u32 v2, $0x3;
	v4 =	vshll.u32 v40, $0x3  }
0xa5: {  	v1 =	vshrl.u32 v1, v2;
	v2 =	vshrl.u32 v3, v4;
	v3 =	vshll.u32 v41, $0x3  }
0xa6: {  	v45 =	vshll.u32 v43, $0x3;
	v2 =	vshll.u32 v2, $0x8;
	v3 =	vshrl.u32 v42, v3  }
0xa7: {  	v1 =	vand.u32 $0xFF, v1;
	v2 =	vand.u32 $0xFF00, v2;
	v3 =	vshll.u32 v3, $0x10  }
0xa8: {  	v1 =	vor.u32 v1, v2;
	v2 =	vand.u32 $0xFF0000, v3;
	v3 =	vshrl.u32 v44, v45  }
0xa9: {  	v1 =	vor.u32 v2, v1;
	v2 =	vshll.u32 v3, $0x18  }
0xaa: {  	v1 =	vor.u32 v2, v1  }
0xab: {  	[tilespmem:s21+$0xA40] =	vst v1  }
0xac: {  	v1 =	vld [tilespmem:s28+$0x650]  }
0xad: {  	v2 =	vld [tilespmem:s20+$0x50]  }
0xae: {  	v3 =	vld [tilespmem:s28+$0x6D0]  }
0xaf: {  	v46 =	vld [tilespmem:s20+$0xD0]  }
0xb0: {  	v47 =	vld [tilespmem:s20+$0x150]  }
0xb1: {  	v48 =	vld [tilespmem:s28+$0x750]  }
0xb2: {  	v49 =	vld [tilespmem:s20+$0x1D0];
	_ =	sdelay $0x1  }
0xb3: {  	v50 =	vld [tilespmem:s28+$0x7D0]  }
0xb4: {  	v2 =	vshll.u32 v2, $0x3;
	v4 =	vshll.u32 v46, $0x3  }
0xb5: {  	v1 =	vshrl.u32 v1, v2;
	v2 =	vshrl.u32 v3, v4;
	v3 =	vshll.u32 v47, $0x3  }
0xb6: {  	v51 =	vshll.u32 v49, $0x3;
	v2 =	vshll.u32 v2, $0x8;
	v3 =	vshrl.u32 v48, v3  }
0xb7: {  	v1 =	vand.u32 $0xFF, v1;
	v2 =	vand.u32 $0xFF00, v2;
	v3 =	vshll.u32 v3, $0x10  }
0xb8: {  	v1 =	vor.u32 v1, v2;
	v2 =	vand.u32 $0xFF0000, v3;
	v3 =	vshrl.u32 v50, v51  }
0xb9: {  	v1 =	vor.u32 v2, v1;
	v2 =	vshll.u32 v3, $0x18  }
0xba: {  	v1 =	vor.u32 v2, v1  }
0xbb: {  	[tilespmem:s21+$0xA50] =	vst v1  }
0xbc: {  	v1 =	vld [tilespmem:s28+$0x660]  }
0xbd: {  	v2 =	vld [tilespmem:s20+$0x60]  }
0xbe: {  	v3 =	vld [tilespmem:s28+$0x6E0]  }
0xbf: {  	v52 =	vld [tilespmem:s20+$0xE0]  }
0xc0: {  	v53 =	vld [tilespmem:s20+$0x160]  }
0xc1: {  	v54 =	vld [tilespmem:s28+$0x760]  }
0xc2: {  	v55 =	vld [tilespmem:s20+$0x1E0];
	_ =	sdelay $0x1  }
0xc3: {  	v56 =	vld [tilespmem:s28+$0x7E0]  }
0xc4: {  	v2 =	vshll.u32 v2, $0x3;
	v4 =	vshll.u32 v52, $0x3  }
0xc5: {  	v1 =	vshrl.u32 v1, v2;
	v2 =	vshrl.u32 v3, v4;
	v3 =	vshll.u32 v53, $0x3  }
0xc6: {  	v57 =	vshll.u32 v55, $0x3;
	v2 =	vshll.u32 v2, $0x8;
	v3 =	vshrl.u32 v54, v3  }
0xc7: {  	v1 =	vand.u32 $0xFF, v1;
	v2 =	vand.u32 $0xFF00, v2;
	v3 =	vshll.u32 v3, $0x10  }
0xc8: {  	v1 =	vor.u32 v1, v2;
	v2 =	vand.u32 $0xFF0000, v3;
	v3 =	vshrl.u32 v56, v57  }
0xc9: {  	v1 =	vor.u32 v2, v1;
	v2 =	vshll.u32 v3, $0x18  }
0xca: {  	v1 =	vor.u32 v2, v1  }
0xcb: {  	[tilespmem:s21+$0xA60] =	vst v1  }
0xcc: {  	v1 =	vld [tilespmem:s28+$0x670]  }
0xcd: {  	v2 =	vld [tilespmem:s20+$0x70]  }
0xce: {  	v3 =	vld [tilespmem:s28+$0x6F0]  }
0xcf: {  	v58 =	vld [tilespmem:s20+$0xF0]  }
0xd0: {  	v59 =	vld [tilespmem:s20+$0x170]  }
0xd1: {  	v60 =	vld [tilespmem:s28+$0x770]  }
0xd2: {  	v61 =	vld [tilespmem:s20+$0x1F0];
	_ =	sdelay $0x1  }
0xd3: {  	v62 =	vld [tilespmem:s28+$0x7F0]  }
0xd4: {  	v2 =	vshll.u32 v2, $0x3;
	v4 =	vshll.u32 v58, $0x3  }
0xd5: {  	v1 =	vshrl.u32 v1, v2;
	v2 =	vshrl.u32 v3, v4;
	v3 =	vshll.u32 v59, $0x3  }
0xd6: {  	v63 =	vshll.u32 v61, $0x3;
	v3 =	vshrl.u32 v60, v3;
	v2 =	vshll.u32 v2, $0x8  }
0xd7: {  	v1 =	vand.u32 $0xFF, v1;
	v2 =	vand.u32 $0xFF00, v2;
	v3 =	vshll.u32 v3, $0x10  }
.Ltmp5:
0xd8: {  	v1 =	vor.u32 v1, v2;
	v2 =	vshrl.u32 v62, v63;
	v3 =	vand.u32 $0xFF0000, v3;
	(pc) =	sbr.rel .LBB2_7-.Ltmp5, $4  }
0xd9: {  	v1 =	vor.u32 v3, v1;
	v2 =	vshll.u32 v2, $0x18  }
0xda: {  	s29 =	sshrl.u32 s18, $0x2;
	s30 =	sshrl.u32 s18, $0x5;
	v1 =	vor.u32 v2, v1  }
0xdb: {  	s18 =	sadd.s32 s30, s6;
	s31 =	sor.u32 $0xA00, s21;
	s19 =	sand.u32 $0x7, s29;
	[tilespmem:s21+$0xA70] =	vst v1  }
0xdc: {  	[hbm4b:s18+s19] =	stream.linear.scatter [tilespmem:s31], [sflag:$0x4], $0x80, $0x38;
	[tilespmem:$0xB00] =	vst v63  }
.LBB2_8:
0xdd: {  	_ =	sfence.sel $0x180000  }
0xde: {  	s2 =	simm.s32 $0x2;
	[bflag:$0x0] =	sbarrier.arrive $0xFFFF  }
0xdf: {  	s29 =	simm.s32 $0x3;
	[sflag:s2] =	ssyncpa.u1 $0x1  }
0xe0: {  	s30 =	simm.s32 $0x4;
	[sflag:s29] =	ssyncpa.u1 $0x1  }
0xe1: {  	s31 =	simm.s32 $0x1;
	[sflag:s30] =	ssyncpa.u1 $0x1  }
0xe2: {  	[sflag:s31] =	ssyncpa.u1 $0x1  }
0xe3: {  	p0 =	sne.s32 s0, $0x0;
	_ =	strace $0x9000004D  }
0xe4: {  	s0 =	sadd.s32 @!p0 $0x100000, s1;
	[bflag:$0x2] =	sbarrier.arrive $0xFFFF  }
0xe5: {  	[sflag:s0] =	ssyncadd.tile.s32 @!p0 $0x1;
	_ =	shalt  }
.Lfunc_end2:
_tile_overlayer_lowered:
.L_overlay_start_2:
0xe6: {  	(tag) =	ssettag $0x2  }
0xe7: {  	s0 =	rddreg [dreg:$0x0];
	s2 =	stileid.u32  }
0xe8: {  	s1 =	rddreg [dreg:$0x1];
	p0 =	sne.s32 s2, $0x0  }
0xe9: {  	s3 =	rddreg [dreg:$0x2];
	[bflag:$0x3] =	sbarrier.arrive $0xFFFF;
	s2 =	simm.s32 @!p0 $0x1C01  }
0xea: {  	[timem:s3], [sflag:s2] =	dma.local @!p0 [hbm:s0], s1  }
0xeb: {  	s0 =	simm.s32 @!p0 $0x1  }
0xec: {  	_ =	swait.ge @!p0 [sflag:s0], s1  }
0xed: {  	s1 =	ssub.s32 @!p0 $0x0, s1;
	[sflag:s0] =	ssyncset.done @!p0 $0x0  }
0xee: {  	[sflag:s0] =	ssyncadd.s32 @!p0 s1  }
0xef: {  	[bflag:$0x3] =	sbarrier.arrive $0xFFFF  }
0xf0: {  	_ =	shalt  }

// kernel: kernel.5.cloned.1.call-start
scs
__scs_entry_jumppad:
0x0: {  	(pc) =	sbr.rel $0x88, $3  }
0x1: {  	(tag) =	ssettag $0x0;
	lr =	simm.s32 $0x1  }
0x2: {  	[smem:$0x3F9D] =	sst lr;
	_ =	strace $0xD0000000  }
0x3: {  	_ = 	snop  }
0x4: {  	_ = 	snop  }
0x5: {  	_ = 	snop  }
0x6: {  	_ = 	snop  }
0x7: {  	_ = 	snop  }
__scs_overlays_trampoline_lowered:
0x8: {  	[smem:$0x3FAC] =	sst s0  }
0x9: {  	[smem:$0x3FAD] =	sst s1  }
0xa: {  	[smem:$0x3FAE] =	sst s2  }
0xb: {  	[smem:$0x3FAF] =	sst s3  }
0xc: {  	[smem:$0x3FB0] =	sst s4  }
0xd: {  	[smem:$0x3FB1] =	sst s5  }
0xe: {  	[smem:$0x3FB2] =	sst s6  }
0xf: {  	[smem:$0x3FB3] =	sst s7  }
0x10: {  	[smem:$0x3FB4] =	sst s8  }
0x11: {  	[smem:$0x3FB5] =	sst s9;
	s0 =	simm.s32 @!p0 $0x0  }
0x12: {  	s1 =	sld [smem:$0x3F9B];
	s0 =	simm.s32 @p0 $0x1  }
0x13: {  	[smem:$0x3FB6] =	sst s0;
	s0 =	simm.s32 @!p1 $0x0  }
0x14: {  	s2 =	sld [smem:$0x3F9A];
	s0 =	simm.s32 @p1 $0x1  }
0x15: {  	[smem:$0x3FB7] =	sst s0;
	s0 =	simm.s32 @!p2 $0x0  }
0x16: {  	s3 =	sld [smem:$0x3FDB];
	s0 =	simm.s32 @p2 $0x1  }
0x17: {  	s4 =	simm.s32 $0x1BF5;
	[smem:$0x3FB9] =	sst s0  }
0x18: {  	s0 =	sld [smem:$0x3F9C];
	_ =	swait.ge [sflag:s4], $0x0  }
0x19: {  	s7 =	sld [smem:$0x3F9D]  }
0x1a: {  	s8 =	sadd.s32 $0xFFFFE003, lr  }
0x1b: {  	s9 =	sadd.s32 $0xFFFFFEF7, lr;
	s5 =	simm.s32 $0xFFFFFFFF;
	p2 =	slt.u32 s8, $0xFFFFF086  }
0x1c: {  	p1 =	slt.u32 s9, $0xF7A;
	s5 =	simm.s32 @!p2 $0x0  }
0x1d: {  	s5 =	simm.s32 @p1 $0x1;
	p0 =	seq.s32 s7, s2  }
0x1e: {  	s7 =	smul.u32 @!p0 $0xF7A, s2;
	p2 =	seq.s32 @!p0 s5, $0x0  }
0x1f: {  	s9 =	smul.u32 $0xF7A, s1;
	s8 =	simm.s32 @!p0 $0x1BF5;
	p2 =	por !p2, p0  }
0x20: {  	[sflag:s8] =	ssyncset.s32 @!p0 $0xFFFFF086;
	s6 =	sadd.s32 @!p0 s3, s7;
	s7 =	simm.s32 @!p0 $0x108  }
0x21: {  	s3 =	sadd.s32 s3, s9;
	s6 =	sadd.s32 @!p0 $0x88, s6;
	s7 =	simm.s32 @p2 $0x1082  }
0x22: {  	[simem:s7], [sflag:s8] =	dma.local @!p0 [hbm:s6], $0xF7A  }
0x23: {  	s9 =	sor.u32 $0xD0000000, s2;
	s6 =	simm.s32 $0x108;
	_ =	swait.ge @!p0 [sflag:s8], $0x0  }
0x24: {  	s3 =	sadd.s32 $0x88, s3;
	s6 =	simm.s32 @!p1 $0x1082;
	[sflag:s4] =	ssyncset.s32 $0xFFFFF086  }
0x25: {  	[simem:s6], [sflag:s4] =	dma.local [hbm:s3], $0xF7A  }
0x26: {  	[smem:$0x3F9D] =	sst s1;
	(tag) =	ssettag s2;
	_ =	strace s9  }
0x27: {  	s1 =	sld [smem:$0x3FAD]  }
0x28: {  	s2 =	sld [smem:$0x3FAE]  }
0x29: {  	s4 =	sld [smem:$0x3FB0]  }
0x2a: {  	p0 =	seq.s32 s5, $0x0;
	s5 =	sld [smem:$0x3FB1]  }
0x2b: {  	s6 =	sld [smem:$0x3FB2]  }
0x2c: {  	s7 =	sld [smem:$0x3FB3]  }
0x2d: {  	s3 =	simm.s32 $0x108;
	s8 =	sld [smem:$0x3FB4]  }
0x2e: {  	s3 =	simm.s32 @!p0 $0x1082;
	s9 =	sld [smem:$0x3FB5]  }
0x2f: {  	lr =	sadd.s32 s0, s3;
	s0 =	sld [smem:$0x3FAC]  }
0x30: {  	s3 =	sld [smem:$0x3FAF]  }
0x31: {  	[smem:$0x3FB8] =	sst s10  }
0x32: {  	s10 =	sld [smem:$0x3FB6];
	_ =	sdelay $0x3  }
0x33: {  	p0 =	seq.s32 s10, $0x1;
	s10 =	sld [smem:$0x3FB8];
	_ =	sdelay $0x3  }
0x34: {  	[smem:$0x3FB8] =	sst s10  }
0x35: {  	s10 =	sld [smem:$0x3FB7];
	_ =	sdelay $0x3  }
0x36: {  	p1 =	seq.s32 s10, $0x1;
	s10 =	sld [smem:$0x3FB8];
	_ =	sdelay $0x3  }
0x37: {  	[smem:$0x3FB8] =	sst s10  }
0x38: {  	s10 =	sld [smem:$0x3FB9]  }
0x39: {  	_ = 	snop;
	(pc) =	sbr.ind lr, $3  }
0x3a: {  	_ = 	snop  }
0x3b: {  	_ = 	snop  }
0x3c: {  	p2 =	seq.s32 s10, $0x1;
	s10 =	sld [smem:$0x3FB8]  }
0x3d: {  	_ =	shalt  }
0x3e: {  	_ =	shalt  }
0x3f: {  	_ =	shalt  }
0x40: {  	_ =	shalt  }
0x41: {  	_ =	shalt  }
0x42: {  	_ =	shalt  }
0x43: {  	_ =	shalt  }
0x44: {  	_ =	shalt  }
0x45: {  	_ =	shalt  }
0x46: {  	_ =	shalt  }
0x47: {  	_ =	shalt  }
0x48: {  	_ =	shalt  }
0x49: {  	_ =	shalt  }
0x4a: {  	_ =	shalt  }
0x4b: {  	_ =	shalt  }
0x4c: {  	_ =	shalt  }
0x4d: {  	_ =	shalt  }
0x4e: {  	_ =	shalt  }
0x4f: {  	_ =	shalt  }
0x50: {  	_ =	shalt  }
0x51: {  	_ =	shalt  }
0x52: {  	_ =	shalt  }
0x53: {  	_ =	shalt  }
0x54: {  	_ =	shalt  }
0x55: {  	_ =	shalt  }
0x56: {  	_ =	shalt  }
0x57: {  	_ =	shalt  }
0x58: {  	_ =	shalt  }
0x59: {  	_ =	shalt  }
0x5a: {  	_ =	shalt  }
0x5b: {  	_ =	shalt  }
0x5c: {  	_ =	shalt  }
0x5d: {  	_ =	shalt  }
0x5e: {  	_ =	shalt  }
0x5f: {  	_ =	shalt  }
0x60: {  	_ =	shalt  }
0x61: {  	_ =	shalt  }
0x62: {  	_ =	shalt  }
0x63: {  	_ =	shalt  }
0x64: {  	_ =	shalt  }
0x65: {  	_ =	shalt  }
0x66: {  	_ =	shalt  }
0x67: {  	_ =	shalt  }
0x68: {  	_ =	shalt  }
0x69: {  	_ =	shalt  }
0x6a: {  	_ =	shalt  }
0x6b: {  	_ =	shalt  }
0x6c: {  	_ =	shalt  }
0x6d: {  	_ =	shalt  }
0x6e: {  	_ =	shalt  }
0x6f: {  	_ =	shalt  }
0x70: {  	_ =	shalt  }
0x71: {  	_ =	shalt  }
0x72: {  	_ =	shalt  }
0x73: {  	_ =	shalt  }
0x74: {  	_ =	shalt  }
0x75: {  	_ =	shalt  }
0x76: {  	_ =	shalt  }
0x77: {  	_ =	shalt  }
0x78: {  	_ =	shalt  }
0x79: {  	_ =	shalt  }
0x7a: {  	_ =	shalt  }
0x7b: {  	_ =	shalt  }
0x7c: {  	_ =	shalt  }
0x7d: {  	_ =	shalt  }
0x7e: {  	_ =	shalt  }
0x7f: {  	_ =	shalt  }
0x80: {  	_ =	shalt  }
0x81: {  	_ =	shalt  }
0x82: {  	_ =	shalt  }
0x83: {  	_ =	shalt  }
0x84: {  	_ =	shalt  }
0x85: {  	_ =	shalt  }
0x86: {  	_ =	shalt  }
0x87: {  	_ =	shalt  }
.Lfunc_end0:
.L_simem_size_0:
called_computation.5_lowered:
.L_overlay_start_0:
0x88: {  	s2 =	sld [smem:$0x3FD9]  }
0x89: {  	s3 =	sld [smem:$0x3FFE];
	_ =	sdelay $0x1  }
0x8a: {  	s1 =	srdreg.scid  }
0x8b: {  	s0 =	sand.u32 $0x1, s1  }
0x8c: {  	s17 =	sshll.u32 s0, $0xA;
	s2 =	sadd.s32 s3, s2  }
0x8d: {  	s2 =	sadd.s32 s2, s17  }
0x8e: {  	[smem:$0x3FC4] =	sst s2  }
0x8f: {  	_ = 	snop  }
0x90: {  	(tm) =	ssettm $0x1  }
0x91: {  	s18 =	sld [smem:$0x3FFB];
	_ =	sdelay $0x3  }
0x92: {  	_ =	strace s18  }
0x93: {  	s2 =	sld [smem:$0x3FFC];
	_ =	sdelay $0x3  }
0x94: {  	_ =	strace s2  }
0x95: {  	s2 =	sld [smem:$0x3FFD];
	_ =	sdelay $0x3  }
0x96: {  	_ =	strace s2  }
0x97: {  	_ =	strace $0x8FFFFFFF  }
0x98: {  	s19 =	sld [smem:$0x3FDB];
	_ =	sdelay $0x1  }
0x99: {  	s20 =	simm.s32 $_scs_section_size  }
0x9a: {  	s4 =	simm.s32 $_size__tile_overlayer_lowered;
	s5 =	simm.s32 $_tile_overlayer_lowered  }
0x9b: {  	s6 =	simm.s32 $0x1BFF;
	s21 =	sshll.u32 s5, $0x1;
	s3 =	sadd.s32 s20, s19  }
0x9c: {  	s22 =	simm.s32 $0x0;
	s4 =	sshll.u32 s4, $0x1;
	s5 =	sadd.s32 s21, s3  }
0x9d: {  	[timem:s22], [sflag:s6] =	dma.local [hbm:s5], s4  }
0x9e: {  	_ =	swait.ge [sflag:s6], s4  }
0x9f: {  	s4 =	ssub.s32 $0x0, s4;
	[sflag:s6] =	ssyncset.done $0x0  }
0xa0: {  	[sflag:s6] =	ssyncadd.s32 s4;
	_ =	sdelay $0x1  }
0xa1: {  	s23 =	simm.s32 $0x1B8B  }
0xa2: {  	_ =	swait.ge [sflag:s23], $0x1  }
0xa3: {  	[sflag:s23] =	ssyncset.done $0x0  }
0xa4: {  	[sflag:s23] =	ssyncadd.s32 $0xFFFFFFFF  }
0xa5: {  	s4 =	sld [smem:$0x0]  }
0xa6: {  	s5 =	sand.u32 $0xFFFFFFFE, s1  }
0xa7: {  	p0 =	sne.s32 s1, s5  }
0xa8: {  	s5 =	sshll.u32 @p0 s5, $0xE  }
0xa9: {  	s5 =	sadd.s32 @p0 $0x11B8D, s5;
	s6 =	sshll.u32 @p0 s4, $0x11  }
0xaa: {  	s5 =	sor.u32 @p0 s6, s5  }
0xab: {  	[sflag:s5] =	ssyncadd.remote.s32 @p0 $0x1;
	_ =	sdelay $0x1  }
0xac: {  	s5 =	simm.s32 @p0 $0x1B8D  }
0xad: {  	_ =	swait.eq @p0 [sflag:s5], $0x1  }
0xae: {  	[sflag:s5] =	ssyncadd.s32 @p0 $0xFFFFFFFF  }
0xaf: {  	s6 =	sshll.u32 @!p0 s1, $0xE  }
0xb0: {  	s6 =	sor.u32 @!p0 $0x4000, s6;
	s5 =	simm.s32 @!p0 $0x1B8D  }
0xb1: {  	s4 =	sshll.u32 @!p0 s4, $0x11;
	s6 =	sadd.s32 @!p0 $0x11B8D, s6;
	_ =	swait.eq @!p0 [sflag:s5], $0x1  }
0xb2: {  	s4 =	sor.u32 @!p0 s4, s6;
	[sflag:s5] =	ssyncadd.s32 @!p0 $0xFFFFFFFF  }
0xb3: {  	s25 =	simm.s32 $0x1B8E;
	s24 =	sld [smem:$0x3FFE];
	[sflag:s4] =	ssyncadd.remote.s32 @!p0 $0x1  }
0xb4: {  	s26 =	simm.s32 $execute0_lowered;
	[smem:$0x3FD2] =	sst s25  }
0xb5: {  	s5 =	sshll.u32 s26, $0x1;
	_ =	strace $0x80000052;
	[dreg:$0x1] =	wrdreg $0xFFFFFFFF  }
0xb6: {  	s28 =	simm.s32 $_size_execute0_lowered;
	s3 =	sadd.s32 s3, s5;
	[dreg:$0x0] =	wrdreg $0x0  }
0xb7: {  	s5 =	sshll.u32 s28, $0x1;
	[dreg:$0x2] =	wrdreg s3  }
0xb8: {  	[dreg:$0x3] =	wrdreg s5  }
0xb9: {  	[dreg:$0x4] =	wrdreg $0xC0  }
0xba: {  	_ =	task [dreg:s22], $0x5FFFF  }
0xbb: {  	[dreg:$0x1] =	wrdreg $0xFFFFFFFF  }
0xbc: {  	[dreg:$0x0] =	wrdreg $0x60  }
0xbd: {  	[dreg:$0x2] =	wrdreg s24  }
0xbe: {  	[dreg:$0x3] =	wrdreg $0xB  }
0xbf: {  	_ =	task.clear_ibuf [dreg:s22], $0x4FFFF;
	_ =	strace $0x90000052  }
0xc0: {  	s29 =	simm.s32 $0xB;
	_ =	strace $0x80000054  }
0xc1: {  	_ =	swait.ge [sflag:s29], $0x1  }
0xc2: {  	[sflag:s29] =	ssyncadd.s32 $0xFFFFFFFF  }
0xc3: {  	_ =	strace $0x90000054  }
0xc4: {  	_ =	sfence  }
0xc5: {  	s30 =	sld [smem:$0x0];
	_ =	sdelay $0x2  }
0xc6: {  	s31 =	sshll.u32 s1, $0xD;
	s1 =	sshrl.u32 s1, $0x2  }
0xc7: {  	s4 =	sand.u32 $0x4000, s31;
	s1 =	sadd.s32 s1, s30  }
0xc8: {  	s0 =	sor.u32 s4, s0;
	s1 =	sshll.u32 s1, $0x11  }
0xc9: {  	s0 =	sor.u32 s1, s0  }
0xca: {  	s0 =	sadd.s32 $0x8F2B, s0  }
0xcb: {  	[sflag:s0] =	ssyncadd.remote.s32 $0x1  }
0xcc: {  	_ =	sfence.sel $0xFFFF  }
0xcd: {  	[dreg:$0x0] =	wrdreg $0xFFFFFFFF;
	(pc) =	sbr.abs _section_cstart, $3  }
0xce: {  	[dreg:$0x1] =	wrdreg $0xFFFFFFFF  }
0xcf: {  	_ =	task.clear_ibuf [dreg:s22], $0x2FFFF;
	_ =	strace $0x9FFFFFFF  }
0xd0: {  	(tm) =	ssettm $0x7FFFFFFF  }
0xd1: {  	_ =	shalt  }
tec
execute0_lowered:
.L_overlay_start_1:
0x0: {  	(tag) =	ssettag $0x1  }
0x1: {  	s3 =	rddreg [dreg:$0x0];
	s1 =	srdreg.scid  }
0x2: {  	s0 =	rddreg [dreg:$0x1];
	s2 =	simm.s32 $0x0;
	s8 =	simm.s32 $0x2000  }
0x3: {  	s9 =	simm.s32 $0x1;
	s10 =	simm.s32 $0x0;
	s4 =	sand.u32 $0x1, s1  }
0x4: {  	[smem:$0x7FF] =	sst s2;
	s1 =	stileid.u32;
	s5 =	ssub.s32 $0x2, s4  }
0x5: {  	_ =	strace $0x80000053;
	s6 =	sshll.u32 s1, $0x10;
	s31 =	sshll.u32 s4, $0xF  }
0x6: {  	s7 =	sshrl.u32 s5, $0x1;
	s6 =	sadd.s32 s6, s3;
	s3 =	sadd.s32 $0x201A00, s3  }
0x7: {  	s5 =	ssub.s32 s5, s7;
	s6 =	sadd.s32 s31, s6;
	s7 =	simm.s32 $0x2  }
0x8: {  	s4 =	smax.u32 s5, $0x1;
	s5 =	sadd.s32 $0x1A00, s6;
	s6 =	sadd.s32 $0x101A00, s6  }
.LBB2_1:
0x9: {  	s11 =	sadd.s32 $0x0, s6  }
0xa: {  	[tilespmem:s2], [sflag:$0x2] =	stream.linear.gather [hbm4b:s11+s2], $0x2000, $0x38;
	[tilespmem:$0x4000] =	vst v63  }
0xb: {  	_ =	swait.ge [sflag:s7], $0x2000  }
0xc: {  	[sflag:s7] =	ssyncset.done $0x0  }
0xd: {  	[sflag:s7] =	ssyncadd.s32 $0xFFFFE000  }
0xe: {  	[tilespmem:s8], [sflag:$0x1] =	stream.indirect.gather [hbm4b:s3+s8], $0x1, s2, s8, $0xb8;
	[tilespmem:$0x4000] =	vst v63  }
0xf: {  	_ =	swait.ge [sflag:s9], $0x2000  }
0x10: {  	[sflag:s9] =	ssyncset.done $0x0  }
0x11: {  	s31 =	sadd.s32 $0x0, s5;
	[sflag:s9] =	ssyncadd.s32 $0xFFFFE000  }
0x12: {  	[hbm4b:s31+s2] =	stream.linear.scatter [tilespmem:s8], [sflag:$0x2], $0x2000, $0x38;
	[tilespmem:$0x4000] =	vst v63  }
0x13: {  	_ =	swait.ge [sflag:s7], $0x2000  }
0x14: {  	s12 =	simm.s32 $0x800;
	s11 =	simm.s32 $0x400;
	[sflag:s7] =	ssyncset.done $0x0  }
.LBB2_2:
0x15: {  	s13 =	sadd.s32 s11, s6  }
0x16: {  	[sflag:s7] =	ssyncadd.s32 $0xFFFFE000;
	s14 =	smov.u32 s12;
	s15 =	sadd.s32 $0x400, s12  }
0x17: {  	[tilespmem:s2], [sflag:$0x2] =	stream.linear.gather [hbm4b:s13+s2], $0x2000, $0x38;
	[tilespmem:$0x4000] =	vst v63  }
0x18: {  	p0 =	sne.s32 s12, $0x7C00;
	_ =	swait.ge [sflag:s7], $0x2000  }
0x19: {  	[sflag:s7] =	ssyncset.done $0x0  }
0x1a: {  	[sflag:s7] =	ssyncadd.s32 $0xFFFFE000  }
0x1b: {  	[tilespmem:s8], [sflag:$0x1] =	stream.indirect.gather [hbm4b:s3+s8], $0x1, s2, s8, $0xb8;
	[tilespmem:$0x4000] =	vst v63  }
0x1c: {  	_ =	swait.ge [sflag:s9], $0x2000  }
.Ltmp0:
0x1d: {  	[sflag:s9] =	ssyncset.done $0x0;
	(pc) =	sbr.rel @p0 .LBB2_2-.Ltmp0, $4  }
0x1e: {  	s12 =	sadd.s32 s11, s5;
	s11 =	smov.u32 s14;
	[sflag:s9] =	ssyncadd.s32 $0xFFFFE000  }
0x1f: {  	[hbm4b:s12+s2] =	stream.linear.scatter [tilespmem:s8], [sflag:$0x2], $0x2000, $0x38;
	[tilespmem:$0x4000] =	vst v63  }
0x20: {  	_ =	swait.ge [sflag:s7], $0x2000  }
0x21: {  	s12 =	smov.u32 s15;
	[sflag:s7] =	ssyncset.done $0x0  }
0x22: {  	s12 =	sadd.s32 s11, s6;
	[sflag:s7] =	ssyncadd.s32 $0xFFFFE000  }
0x23: {  	[tilespmem:s2], [sflag:$0x2] =	stream.linear.gather [hbm4b:s12+s2], $0x2000, $0x38;
	[tilespmem:$0x4000] =	vst v63  }
0x24: {  	_ =	swait.ge [sflag:s7], $0x2000  }
0x25: {  	[sflag:s7] =	ssyncset.done $0x0  }
0x26: {  	[sflag:s7] =	ssyncadd.s32 $0xFFFFE000  }
0x27: {  	[tilespmem:s8], [sflag:$0x1] =	stream.indirect.gather [hbm4b:s3+s8], $0x1, s2, s8, $0xb8;
	[tilespmem:$0x4000] =	vst v63  }
0x28: {  	s10 =	sadd.s32 $0x1, s10;
	_ =	swait.ge [sflag:s9], $0x2000  }
0x29: {  	p0 =	sne.s32 s10, s4;
	[sflag:s9] =	ssyncset.done $0x0  }
.Ltmp1:
0x2a: {  	s31 =	sadd.s32 s11, s5;
	[sflag:s9] =	ssyncadd.s32 $0xFFFFE000;
	(pc) =	sbr.rel @p0 .LBB2_1-.Ltmp1, $4  }
0x2b: {  	[hbm4b:s31+s2] =	stream.linear.scatter [tilespmem:s8], [sflag:$0x2], $0x2000, $0x38;
	[tilespmem:$0x4000] =	vst v63  }
0x2c: {  	_ =	swait.ge [sflag:s7], $0x2000  }
0x2d: {  	[sflag:s7] =	ssyncset.done $0x0  }
0x2e: {  	[sflag:s7] =	ssyncadd.s32 $0xFFFFE000  }
0x2f: {  	_ =	sfence.sel $0x180000  }
0x30: {  	[bflag:$0x0] =	sbarrier.arrive $0xFFFF  }
0x31: {  	p0 =	sne.s32 s1, $0x0;
	_ =	strace $0x90000053  }
0x32: {  	s0 =	sadd.s32 @!p0 $0x100000, s0;
	[bflag:$0x2] =	sbarrier.arrive $0xFFFF  }
0x33: {  	[sflag:s0] =	ssyncadd.tile.s32 @!p0 $0x1;
	_ =	shalt  }
.Lfunc_end2:
_tile_overlayer_lowered:
.L_overlay_start_2:
0x34: {  	(tag) =	ssettag $0x2  }
0x35: {  	s0 =	rddreg [dreg:$0x0];
	s2 =	stileid.u32  }
0x36: {  	s1 =	rddreg [dreg:$0x1];
	p0 =	sne.s32 s2, $0x0  }
0x37: {  	s3 =	rddreg [dreg:$0x2];
	[bflag:$0x3] =	sbarrier.arrive $0xFFFF;
	s2 =	simm.s32 @!p0 $0x1C02  }
0x38: {  	[timem:s3], [sflag:s2] =	dma.local @!p0 [hbm:s0], s1  }
0x39: {  	s0 =	simm.s32 @!p0 $0x2  }
0x3a: {  	_ =	swait.ge @!p0 [sflag:s0], s1  }
0x3b: {  	s1 =	ssub.s32 @!p0 $0x0, s1;
	[sflag:s0] =	ssyncset.done @!p0 $0x0  }
0x3c: {  	[sflag:s0] =	ssyncadd.s32 @!p0 s1  }
0x3d: {  	[bflag:$0x3] =	sbarrier.arrive $0xFFFF  }
0x3e: {  	_ =	shalt  }

// kernel: sparse-core-data-format-call.1.cloned.1.call-start
scs
called_computation.1_lowered:
.L_overlay_start_0:
0x0: {  	s2 =	sld [smem:$0x3FD9]  }
0x1: {  	s3 =	sld [smem:$0x3FFE];
	_ =	sdelay $0x1  }
0x2: {  	s1 =	srdreg.scid  }
0x3: {  	s0 =	sand.u32 $0x1, s1  }
0x4: {  	s18 =	sshll.u32 s0, $0xA;
	s2 =	sadd.s32 s3, s2  }
0x5: {  	s2 =	sadd.s32 s2, s18  }
0x6: {  	[smem:$0x3FC4] =	sst s2  }
0x7: {  	_ = 	snop  }
0x8: {  	s19 =	sld [smem:$0x3FC7];
	(tm) =	ssettm $0x1  }
0x9: {  	s20 =	sld [smem:$0x3FFB];
	_ =	sdelay $0x3  }
0xa: {  	_ =	strace s20  }
0xb: {  	s2 =	sld [smem:$0x3FFC];
	_ =	sdelay $0x3  }
0xc: {  	_ =	strace s2  }
0xd: {  	s2 =	sld [smem:$0x3FFD];
	_ =	sdelay $0x3  }
0xe: {  	_ =	strace s2  }
0xf: {  	_ =	strace $0x8FFFFFFF  }
0x10: {  	s21 =	sld [smem:$0x3FDB];
	_ =	sdelay $0x1  }
0x11: {  	s4 =	simm.s32 $_scs_section_size  }
0x12: {  	s5 =	simm.s32 $_size__tile_overlayer_lowered;
	s6 =	simm.s32 $_tile_overlayer_lowered  }
0x13: {  	s7 =	simm.s32 $0x1BFF;
	s22 =	sshll.u32 s6, $0x1;
	s4 =	sadd.s32 s4, s21  }
0x14: {  	s23 =	simm.s32 $0x0;
	s5 =	sshll.u32 s5, $0x1;
	s6 =	sadd.s32 s22, s4  }
0x15: {  	[timem:s23], [sflag:s7] =	dma.local [hbm:s6], s5  }
0x16: {  	_ =	swait.ge [sflag:s7], s5  }
0x17: {  	s5 =	ssub.s32 $0x0, s5;
	[sflag:s7] =	ssyncset.done $0x0  }
0x18: {  	[sflag:s7] =	ssyncadd.s32 s5;
	_ =	sdelay $0x1  }
0x19: {  	s24 =	simm.s32 $0x1B8B  }
0x1a: {  	_ =	swait.ge [sflag:s24], $0x1  }
0x1b: {  	[sflag:s24] =	ssyncset.done $0x0  }
0x1c: {  	[sflag:s24] =	ssyncadd.s32 $0xFFFFFFFF  }
0x1d: {  	s5 =	sld [smem:$0x0]  }
0x1e: {  	s6 =	sand.u32 $0xFFFFFFFE, s1  }
0x1f: {  	p0 =	sne.s32 s1, s6  }
0x20: {  	s6 =	sshll.u32 @p0 s6, $0xE  }
0x21: {  	s6 =	sadd.s32 @p0 $0x11B8D, s6;
	s7 =	sshll.u32 @p0 s5, $0x11  }
0x22: {  	s6 =	sor.u32 @p0 s7, s6  }
0x23: {  	[sflag:s6] =	ssyncadd.remote.s32 @p0 $0x1;
	_ =	sdelay $0x1  }
0x24: {  	s6 =	simm.s32 @p0 $0x1B8D  }
0x25: {  	_ =	swait.eq @p0 [sflag:s6], $0x1  }
0x26: {  	[sflag:s6] =	ssyncadd.s32 @p0 $0xFFFFFFFF  }
0x27: {  	s7 =	sshll.u32 @!p0 s1, $0xE  }
0x28: {  	s7 =	sor.u32 @!p0 $0x4000, s7;
	s6 =	simm.s32 @!p0 $0x1B8D  }
0x29: {  	s5 =	sshll.u32 @!p0 s5, $0x11;
	s7 =	sadd.s32 @!p0 $0x11B8D, s7;
	_ =	swait.eq @!p0 [sflag:s6], $0x1  }
0x2a: {  	s5 =	sor.u32 @!p0 s5, s7;
	[sflag:s6] =	ssyncadd.s32 @!p0 $0xFFFFFFFF  }
0x2b: {  	s26 =	simm.s32 $0x1B8E;
	s25 =	sld [smem:$0x3FFE];
	[sflag:s5] =	ssyncadd.remote.s32 @!p0 $0x1  }
0x2c: {  	s27 =	simm.s32 $execute0_lowered;
	[smem:$0x3FD2] =	sst s26  }
0x2d: {  	s6 =	sshll.u32 s27, $0x1;
	_ =	strace $0x80000049;
	[dreg:$0x1] =	wrdreg $0xFFFFFFFF  }
0x2e: {  	s28 =	simm.s32 $_size_execute0_lowered;
	s4 =	sadd.s32 s4, s6;
	[dreg:$0x0] =	wrdreg $0x0  }
0x2f: {  	s6 =	sshll.u32 s28, $0x1;
	[dreg:$0x2] =	wrdreg s4  }
0x30: {  	[dreg:$0x3] =	wrdreg s6  }
0x31: {  	[dreg:$0x4] =	wrdreg $0xC0  }
0x32: {  	_ =	task [dreg:s23], $0x5FFFF  }
0x33: {  	[dreg:$0x1] =	wrdreg $0xFFFFFFFF  }
0x34: {  	[dreg:$0x0] =	wrdreg $0x60  }
0x35: {  	[dreg:$0x2] =	wrdreg s19  }
0x36: {  	[dreg:$0x3] =	wrdreg s25  }
0x37: {  	[dreg:$0x4] =	wrdreg $0xC  }
0x38: {  	_ =	task.clear_ibuf [dreg:s23], $0x5FFFF;
	_ =	strace $0x90000049  }
0x39: {  	s29 =	simm.s32 $0xC;
	_ =	strace $0x8000004B  }
0x3a: {  	_ =	swait.ge [sflag:s29], $0x1  }
0x3b: {  	[sflag:s29] =	ssyncadd.s32 $0xFFFFFFFF  }
0x3c: {  	_ =	strace $0x9000004B  }
0x3d: {  	_ =	sfence  }
0x3e: {  	s30 =	sld [smem:$0x0];
	_ =	sdelay $0x2  }
0x3f: {  	s31 =	sshll.u32 s1, $0xD;
	s1 =	sshrl.u32 s1, $0x2  }
0x40: {  	s4 =	sand.u32 $0x4000, s31;
	s1 =	sadd.s32 s1, s30  }
0x41: {  	s0 =	sor.u32 s4, s0;
	s1 =	sshll.u32 s1, $0x11  }
0x42: {  	s0 =	sor.u32 s1, s0  }
0x43: {  	s0 =	sadd.s32 $0x8F2B, s0  }
0x44: {  	[sflag:s0] =	ssyncadd.remote.s32 $0x1  }
0x45: {  	_ =	sfence.sel $0xFFFF  }
0x46: {  	[dreg:$0x0] =	wrdreg $0xFFFFFFFF;
	(pc) =	sbr.abs _section_cstart, $3  }
0x47: {  	[dreg:$0x1] =	wrdreg $0xFFFFFFFF  }
0x48: {  	_ =	task.clear_ibuf [dreg:s23], $0x2FFFF;
	_ =	strace $0x9FFFFFFF  }
0x49: {  	(tm) =	ssettm $0x7FFFFFFF  }
tec
execute0_lowered:
.L_overlay_start_1:
0x0: {  	(tag) =	ssettag $0x1  }
0x1: {  	s2 =	rddreg [dreg:$0x0]  }
0x2: {  	s1 =	rddreg [dreg:$0x1]  }
0x3: {  	s0 =	rddreg [dreg:$0x2];
	_ =	strace $0x8000004A;
	s4 =	srdreg.scid  }
0x4: {  	s6 =	simm.s32 $0x2;
	s11 =	simm.s32 $0x0;
	p0 =	por $0x0, $0x0  }
.Ltmp0:
0x5: {  	s7 =	simm.s32 $0x2000;
	s12 =	simm.s32 $0x0;
	(pc) =	sbr.rel .LBB1_1-.Ltmp0, $4  }
0x6: {  	s9 =	simm.s32 $0x0;
	s3 =	sadd.s32 $0x201A00, s1;
	s5 =	sshll.u32 s4, $0x4  }
0x7: {  	s1 =	stileid.u32;
	s4 =	simm.s32 $0x1;
	s5 =	sand.u32 $0x10, s5  }
0x8: {  	s8 =	simm.s32 $0x0;
	[sflag:s4] =	ssyncpa.u1 $0x0;
	s5 =	sor.u32 s1, s5  }
0x9: {  	[sflag:s6] =	ssyncpa.u1 $0x0;
	s6 =	simm.s32 $0x800;
	s10 =	smov.u32 s5  }
.LBB1_7:
0xa: {  	s13 =	sadd.s32 $0x10, s9  }
0xb: {  	s11 =	sadd.s32 $0x20, s10;
	s15 =	smov.u32 s10;
	p2 =	sgt.s32 s13, $0x3F  }
0xc: {  	p1 =	slt.u32 s8, $0x2;
	s15 =	smov.u32 @p2 s11  }
0xd: {  	s8 =	sadd.s32 $0x1, s8;
	s13 =	simm.s32 @p2 $0x0;
	p2 =	sgt.s32 s15, $0x3FF  }
0xe: {  	s15 =	smov.u32 @p2 s5;
	p2 =	sne.s32 s8, $0x82  }
.Ltmp1:
0xf: {  	_ = 	snop;
	(pc) =	sbr.rel @!p2 .LBB1_8-.Ltmp1, $4  }
0x10: {  	s14 =	simm.s32 @!p1 $0x2  }
0x11: {  	s12 =	smov.u32 s10;
	_ =	swait.ge @!p1 [sflag:s14], $0x4000  }
0x12: {  	p0 =	por !p0, !p0;
	s11 =	smov.u32 s9;
	[sflag:s14] =	ssyncset.done @!p1 $0x0  }
0x13: {  	s9 =	smov.u32 s13;
	[sflag:s14] =	ssyncadd.s32 @!p1 $0xFFFFC000;
	s10 =	smov.u32 s15  }
.LBB1_1:
0x14: {  	p1 =	sgt.u32 s8, $0x7F  }
0x15: {  	s13 =	sxor.u32 @!p1 $0xFFFFFFFF, s8;
	s14 =	sshll.u32 @!p1 s10, $0xD  }
0x16: {  	s15 =	sshll.u32 @!p1 s9, $0x7;
	s13 =	sshll.u32 @!p1 s13, $0xE;
	s14 =	sadd.s32 @!p1 s2, s14  }
0x17: {  	s13 =	sand.u32 @!p1 $0x4000, s13;
	s14 =	sadd.s32 @!p1 s15, s14;
	s15 =	simm.s32 @!p1 $0x0  }
0x18: {  	[tilespmem:s13], [sflag:$0x1] =	stream.linear.gather @!p1 [hbm4b:s14+s15], $0x4000, $0x38;
	[tilespmem:$0x10000] =	vst v63  }
0x19: {  	p1 =	seq.s32 s8, $0x0  }
0x1a: {  	p2 =	seq.s32 @!p1 s8, $0x81  }
0x1b: {  	p1 =	por p1, p2  }
.Ltmp2:
0x1c: {  	_ = 	snop;
	(pc) =	sbr.rel @p1 .LBB1_7-.Ltmp2, $1  }
0x1d: {  	_ =	sdelay $0x3  }
0x1e: {  	s13 =	simm.s32 $0x1;
	_ =	swait.ge [sflag:s4], $0x4000;
	s16 =	sshll.u32 s8, $0xE  }
0x1f: {  	s13 =	simm.s32 @!p0 $0x0;
	[sflag:s4] =	ssyncset.done $0x0;
	s31 =	sand.u32 $0x4000, s16  }
0x20: {  	s16 =	simm.s32 $0x0;
	s14 =	sshll.u32 s13, $0xE;
	[sflag:s4] =	ssyncadd.s32 $0xFFFFC000  }
0x21: {  	s13 =	sor.u32 $0x8040, s14;
	s15 =	sor.u32 $0x40, s14;
	s14 =	sor.u32 $0x8000, s31  }
.LBB1_3:
0x22: {  	v0 =	vmov s15;
	_ =	sdelay $0x3  }
0x23: {  	s18 =	simm.s32 $0x0  }
0x24: {  	v6 =	vld.idx.msk [tilespmem:v0+s18+$0x30 ss:$0x1], $0xffff  }
0x25: {  	v7 =	vld.idx.msk [tilespmem:v0+s18+$0xFFFFFFC0 ss:$0x1], $0xffff  }
0x26: {  	v5 =	vld.idx.msk [tilespmem:v0+s18+$0xFFFFFFD0 ss:$0x1], $0xffff  }
0x27: {  	v4 =	vld.idx.msk [tilespmem:v0+s18+$0xFFFFFFE0 ss:$0x1], $0xffff  }
0x28: {  	v3 =	vld.idx.msk [tilespmem:v0+s18+$0xFFFFFFF0 ss:$0x1], $0xffff  }
0x29: {  	v1 =	vld.idx.msk [tilespmem:v0+s18+$0x0 ss:$0x1], $0xffff  }
0x2a: {  	v2 =	vld.idx.msk [tilespmem:v0+s18+$0x10 ss:$0x1], $0xffff;
	[tilespmem:s13+$0x30] =	vst v6  }
0x2b: {  	s17 =	simm.s32 $0x80;
	s19 =	simm.s32 $0x400;
	[tilespmem:s13+$0xFFFFFFC0] =	vst v7;
	v6 =	vld.idx.msk [tilespmem:v0+s18+$0x20 ss:$0x1], $0xffff;
	s18 =	smov.u32 s13  }
.LBB1_4:
0x2c: {  	p1 =	sne.s32 s19, $0xE00;
	v7 =	vld.idx.msk [tilespmem:v0+s17+$0x30 ss:$0x1], $0xffff;
	[tilespmem:s18+$0xFFFFFFD0] =	vst v5  }
0x2d: {  	v8 =	vld.idx.msk [tilespmem:v0+s17+$0xFFFFFFC0 ss:$0x1], $0xffff;
	[tilespmem:s18+$0xFFFFFFE0] =	vst v4  }
0x2e: {  	v5 =	vld.idx.msk [tilespmem:v0+s17+$0xFFFFFFD0 ss:$0x1], $0xffff;
	[tilespmem:s18+$0xFFFFFFF0] =	vst v3  }
.Ltmp3:
0x2f: {  	v4 =	vld.idx.msk [tilespmem:v0+s17+$0xFFFFFFE0 ss:$0x1], $0xffff;
	[tilespmem:s18+$0x0] =	vst v1;
	(pc) =	sbr.rel @p1 .LBB1_4-.Ltmp3, $4  }
0x30: {  	v3 =	vld.idx.msk [tilespmem:v0+s17+$0xFFFFFFF0 ss:$0x1], $0xffff;
	[tilespmem:s18+$0x10] =	vst v2  }
0x31: {  	v1 =	vld.idx.msk [tilespmem:v0+s17+$0x0 ss:$0x1], $0xffff;
	[tilespmem:s18+$0x20] =	vst v6;
	s18 =	sadd.s32 $0x800, s18  }
0x32: {  	v2 =	vld.idx.msk [tilespmem:v0+s17+$0x10 ss:$0x1], $0xffff;
	[tilespmem:s18+$0x30] =	vst v7  }
0x33: {  	[tilespmem:s18+$0xFFFFFFC0] =	vst v8;
	v6 =	vld.idx.msk [tilespmem:v0+s17+$0x20 ss:$0x1], $0xffff;
	s17 =	sshra.s32 s19, $0x2;
	s19 =	sadd.s32 $0x200, s19  }
0x34: {  	_ =	sdelay $0x2  }
0x35: {  	[tilespmem:s18+$0xFFFFFFD0] =	vst v5  }
0x36: {  	v56 =	vld.idx.msk [tilespmem:v0+s17+$0x30 ss:$0x1], $0xffff;
	[tilespmem:s18+$0xFFFFFFE0] =	vst v4  }
0x37: {  	v57 =	vld.idx.msk [tilespmem:v0+s17+$0xFFFFFFC0 ss:$0x1], $0xffff;
	[tilespmem:s18+$0xFFFFFFF0] =	vst v3  }
0x38: {  	v58 =	vld.idx.msk [tilespmem:v0+s17+$0xFFFFFFD0 ss:$0x1], $0xffff;
	[tilespmem:s18+$0x0] =	vst v1  }
0x39: {  	v59 =	vld.idx.msk [tilespmem:v0+s17+$0xFFFFFFE0 ss:$0x1], $0xffff;
	[tilespmem:s18+$0x10] =	vst v2  }
0x3a: {  	v60 =	vld.idx.msk [tilespmem:v0+s17+$0xFFFFFFF0 ss:$0x1], $0xffff;
	s31 =	sadd.s32 $0x800, s18;
	[tilespmem:s18+$0x20] =	vst v6  }
0x3b: {  	v61 =	vld.idx.msk [tilespmem:v0+s17+$0x0 ss:$0x1], $0xffff;
	[tilespmem:s31+$0x30] =	vst v56  }
0x3c: {  	v62 =	vld.idx.msk [tilespmem:v0+s17+$0x10 ss:$0x1], $0xffff;
	s16 =	sadd.s32 $0x1, s16;
	[tilespmem:s31+$0xFFFFFFC0] =	vst v57  }
0x3d: {  	v63 =	vld.idx.msk [tilespmem:v0+s17+$0x20 ss:$0x1], $0xffff;
	p1 =	sne.s32 s16, $0x10;
	[tilespmem:s31+$0xFFFFFFD0] =	vst v58  }
.Ltmp4:
0x3e: {  	[tilespmem:s31+$0xFFFFFFE0] =	vst v59;
	(pc) =	sbr.rel @p1 .LBB1_3-.Ltmp4, $4  }
0x3f: {  	[tilespmem:s31+$0xFFFFFFF0] =	vst v60  }
0x40: {  	[tilespmem:s31+$0x0] =	vst v61  }
0x41: {  	[tilespmem:s31+$0x10] =	vst v62  }
0x42: {  	s13 =	sadd.s32 $0x80, s13;
	s15 =	sadd.s32 $0x400, s15;
	[tilespmem:s31+$0x20] =	vst v63  }
.Ltmp5:
0x43: {  	(pc) =	sbr.rel .LBB1_7-.Ltmp5, $4  }
0x44: {  	s12 =	sshll.u32 s12, $0xD;
	s11 =	sshll.u32 s11, $0x4  }
0x45: {  	s11 =	sand.u32 $0x3F0, s11;
	s12 =	sadd.s32 s3, s12  }
0x46: {  	s11 =	sadd.s32 s11, s12  }
0x47: {  	[hbm4b:s11+s6] =	stream.strided.scatter [tilespmem:s14], [sflag:$0x2], $0x4000, s7, s6, $0x38;
	[tilespmem:$0x10000] =	vst v63  }
.LBB1_8:
0x48: {  	_ =	sfence.sel $0x180000  }
0x49: {  	s2 =	simm.s32 $0x1;
	[bflag:$0x0] =	sbarrier.arrive $0xFFFF  }
0x4a: {  	s31 =	simm.s32 $0x2;
	[sflag:s2] =	ssyncpa.u1 $0x1  }
0x4b: {  	[sflag:s31] =	ssyncpa.u1 $0x1  }
0x4c: {  	p0 =	sne.s32 s1, $0x0;
	_ =	strace $0x9000004A  }
0x4d: {  	s0 =	sadd.s32 @!p0 $0x100000, s0;
	[bflag:$0x2] =	sbarrier.arrive $0xFFFF  }
0x4e: {  	[sflag:s0] =	ssyncadd.tile.s32 @!p0 $0x1;
	_ =	shalt  }
.Lfunc_end1:
_tile_overlayer_lowered:
.L_overlay_start_2:
0x4f: {  	(tag) =	ssettag $0x2  }
0x50: {  	s0 =	rddreg [dreg:$0x0];
	s2 =	stileid.u32  }
0x51: {  	s1 =	rddreg [dreg:$0x1];
	p0 =	sne.s32 s2, $0x0  }
0x52: {  	s3 =	rddreg [dreg:$0x2];
	[bflag:$0x3] =	sbarrier.arrive $0xFFFF;
	s2 =	simm.s32 @!p0 $0x1C01  }
0x53: {  	[timem:s3], [sflag:s2] =	dma.local @!p0 [hbm:s0], s1  }
0x54: {  	s0 =	simm.s32 @!p0 $0x1  }
0x55: {  	_ =	swait.ge @!p0 [sflag:s0], s1  }
0x56: {  	s1 =	ssub.s32 @!p0 $0x0, s1;
	[sflag:s0] =	ssyncset.done @!p0 $0x0  }
0x57: {  	[sflag:s0] =	ssyncadd.s32 @!p0 s1  }
0x58: {  	[bflag:$0x3] =	sbarrier.arrive $0xFFFF  }
0x59: {  	_ =	shalt  }

// kernel: sparse-core-data-format-call.cloned.1.call-start
scs
called_computation_lowered:
.L_overlay_start_0:
0x0: {  	s1 =	sld [smem:$0x3FD9]  }
0x1: {  	s2 =	sld [smem:$0x3FFE];
	_ =	sdelay $0x1  }
0x2: {  	s3 =	srdreg.scid  }
0x3: {  	s0 =	sand.u32 $0x1, s3  }
0x4: {  	s17 =	sshll.u32 s0, $0xA;
	s1 =	sadd.s32 s2, s1  }
0x5: {  	s1 =	sadd.s32 s1, s17  }
0x6: {  	[smem:$0x3FC4] =	sst s1  }
0x7: {  	_ = 	snop  }
0x8: {  	(tm) =	ssettm $0x1  }
0x9: {  	s18 =	sld [smem:$0x3FFB];
	_ =	sdelay $0x3  }
0xa: {  	_ =	strace s18  }
0xb: {  	s1 =	sld [smem:$0x3FFC];
	_ =	sdelay $0x3  }
0xc: {  	_ =	strace s1  }
0xd: {  	s1 =	sld [smem:$0x3FFD];
	_ =	sdelay $0x3  }
0xe: {  	_ =	strace s1  }
0xf: {  	_ =	strace $0x8FFFFFFF  }
0x10: {  	s19 =	sld [smem:$0x3FDB];
	_ =	sdelay $0x1  }
0x11: {  	s20 =	simm.s32 $_scs_section_size  }
0x12: {  	s4 =	simm.s32 $_size__tile_overlayer_lowered;
	s5 =	simm.s32 $_tile_overlayer_lowered  }
0x13: {  	s23 =	simm.s32 $0x1BFF;
	s22 =	sshll.u32 s5, $0x1;
	s1 =	sadd.s32 s20, s19  }
0x14: {  	s6 =	simm.s32 $0x0;
	s21 =	sshll.u32 s4, $0x1;
	s4 =	sadd.s32 s22, s1  }
0x15: {  	[timem:s6], [sflag:s23] =	dma.local [hbm:s4], s21  }
0x16: {  	_ =	swait.ge [sflag:s23], s21  }
0x17: {  	s2 =	ssub.s32 $0x0, s21;
	[sflag:s23] =	ssyncset.done $0x0  }
0x18: {  	[sflag:s23] =	ssyncadd.s32 s2;
	_ =	sdelay $0x1  }
0x19: {  	s24 =	simm.s32 $0x1B8B  }
0x1a: {  	_ =	swait.ge [sflag:s24], $0x1  }
0x1b: {  	[sflag:s24] =	ssyncset.done $0x0  }
0x1c: {  	s26 =	simm.s32 $0x1B8E;
	s25 =	sld [smem:$0x3FFE];
	[sflag:s24] =	ssyncadd.s32 $0xFFFFFFFF  }
0x1d: {  	s27 =	simm.s32 $execute0_lowered;
	[smem:$0x3FD2] =	sst s26  }
0x1e: {  	s4 =	sshll.u32 s27, $0x1;
	_ =	strace $0x80000046;
	[dreg:$0x1] =	wrdreg $0xFFFFFFFF  }
0x1f: {  	s28 =	simm.s32 $_size_execute0_lowered;
	s1 =	sadd.s32 s1, s4;
	[dreg:$0x0] =	wrdreg $0x0  }
0x20: {  	s4 =	sshll.u32 s28, $0x1;
	[dreg:$0x2] =	wrdreg s1  }
0x21: {  	[dreg:$0x3] =	wrdreg s4  }
0x22: {  	[dreg:$0x4] =	wrdreg $0xC0  }
0x23: {  	_ =	task [dreg:s6], $0x5FFFF  }
0x24: {  	[dreg:$0x1] =	wrdreg $0xFFFFFFFF  }
0x25: {  	[dreg:$0x0] =	wrdreg $0x60  }
0x26: {  	[dreg:$0x2] =	wrdreg s25  }
0x27: {  	[dreg:$0x3] =	wrdreg $0xB  }
0x28: {  	_ =	task.clear_ibuf [dreg:s6], $0x4FFFF;
	_ =	strace $0x90000046  }
0x29: {  	s29 =	simm.s32 $0xB;
	_ =	strace $0x80000048  }
0x2a: {  	_ =	swait.ge [sflag:s29], $0x1  }
0x2b: {  	[sflag:s29] =	ssyncadd.s32 $0xFFFFFFFF  }
0x2c: {  	_ =	strace $0x90000048  }
0x2d: {  	_ =	sfence  }
0x2e: {  	s30 =	sld [smem:$0x0];
	_ =	sdelay $0x2  }
0x2f: {  	s31 =	sshll.u32 s3, $0xD;
	s3 =	sshrl.u32 s3, $0x2  }
0x30: {  	s2 =	sand.u32 $0x4000, s31;
	s1 =	sadd.s32 s3, s30  }
0x31: {  	s0 =	sor.u32 s2, s0;
	s1 =	sshll.u32 s1, $0x11  }
0x32: {  	s0 =	sor.u32 s1, s0  }
0x33: {  	s0 =	sadd.s32 $0x8F2B, s0  }
0x34: {  	[sflag:s0] =	ssyncadd.remote.s32 $0x1  }
0x35: {  	_ =	sfence.sel $0xFFFF  }
0x36: {  	[dreg:$0x0] =	wrdreg $0xFFFFFFFF;
	(pc) =	sbr.abs _section_cstart, $3  }
0x37: {  	[dreg:$0x1] =	wrdreg $0xFFFFFFFF  }
0x38: {  	_ =	task.clear_ibuf [dreg:s6], $0x2FFFF;
	_ =	strace $0x9FFFFFFF  }
0x39: {  	(tm) =	ssettm $0x7FFFFFFF  }
tec
execute0_lowered:
.L_overlay_start_1:
0x0: {  	(tag) =	ssettag $0x1  }
0x1: {  	s1 =	rddreg [dreg:$0x0]  }
0x2: {  	s0 =	rddreg [dreg:$0x1]  }
0x3: {  	_ =	strace $0x80000047;
	s4 =	srdreg.scid;
	s6 =	simm.s32 $0x2  }
0x4: {  	s11 =	simm.s32 $0x0;
	p0 =	por $0x0, $0x0;
	s7 =	simm.s32 $0x2000  }
.Ltmp0:
0x5: {  	s12 =	simm.s32 $0x0;
	s9 =	simm.s32 $0x0;
	(pc) =	sbr.rel .LBB1_1-.Ltmp0, $4  }
0x6: {  	s2 =	sadd.s32 $0x1A00, s1;
	s3 =	sadd.s32 $0x101A00, s1;
	s5 =	sshll.u32 s4, $0x4  }
0x7: {  	s1 =	stileid.u32;
	s4 =	simm.s32 $0x1;
	s5 =	sand.u32 $0x10, s5  }
0x8: {  	s8 =	simm.s32 $0x0;
	[sflag:s4] =	ssyncpa.u1 $0x0;
	s5 =	sor.u32 s1, s5  }
0x9: {  	[sflag:s6] =	ssyncpa.u1 $0x0;
	s6 =	simm.s32 $0x800;
	s10 =	smov.u32 s5  }
.LBB1_7:
0xa: {  	s13 =	sadd.s32 $0x10, s9  }
0xb: {  	s11 =	sadd.s32 $0x20, s10;
	s15 =	smov.u32 s10;
	p2 =	sgt.s32 s13, $0x3F  }
0xc: {  	p1 =	slt.u32 s8, $0x2;
	s15 =	smov.u32 @p2 s11  }
0xd: {  	s8 =	sadd.s32 $0x1, s8;
	s13 =	simm.s32 @p2 $0x0;
	p2 =	sgt.s32 s15, $0x7F  }
0xe: {  	s15 =	smov.u32 @p2 s5;
	p2 =	sne.s32 s8, $0x12  }
.Ltmp1:
0xf: {  	_ = 	snop;
	(pc) =	sbr.rel @!p2 .LBB1_8-.Ltmp1, $4  }
0x10: {  	s14 =	simm.s32 @!p1 $0x2  }
0x11: {  	s12 =	smov.u32 s10;
	_ =	swait.ge @!p1 [sflag:s14], $0x4000  }
0x12: {  	p0 =	por !p0, !p0;
	s11 =	smov.u32 s9;
	[sflag:s14] =	ssyncset.done @!p1 $0x0  }
0x13: {  	s9 =	smov.u32 s13;
	[sflag:s14] =	ssyncadd.s32 @!p1 $0xFFFFC000;
	s10 =	smov.u32 s15  }
.LBB1_1:
0x14: {  	p1 =	sgt.u32 s8, $0xF  }
0x15: {  	s13 =	sxor.u32 @!p1 $0xFFFFFFFF, s8;
	s14 =	sshll.u32 @!p1 s10, $0xD  }
0x16: {  	s15 =	sshll.u32 @!p1 s9, $0x7;
	s13 =	sshll.u32 @!p1 s13, $0xE;
	s14 =	sadd.s32 @!p1 s2, s14  }
0x17: {  	s13 =	sand.u32 @!p1 $0x4000, s13;
	s14 =	sadd.s32 @!p1 s15, s14;
	s15 =	simm.s32 @!p1 $0x0  }
0x18: {  	[tilespmem:s13], [sflag:$0x1] =	stream.linear.gather @!p1 [hbm4b:s14+s15], $0x4000, $0x38;
	[tilespmem:$0x10000] =	vst v63  }
0x19: {  	p1 =	seq.s32 s8, $0x0  }
0x1a: {  	p2 =	seq.s32 @!p1 s8, $0x11  }
0x1b: {  	p1 =	por p1, p2  }
.Ltmp2:
0x1c: {  	_ = 	snop;
	(pc) =	sbr.rel @p1 .LBB1_7-.Ltmp2, $1  }
0x1d: {  	_ =	sdelay $0x3  }
0x1e: {  	s13 =	simm.s32 $0x1;
	_ =	swait.ge [sflag:s4], $0x4000;
	s16 =	sshll.u32 s8, $0xE  }
0x1f: {  	s13 =	simm.s32 @!p0 $0x0;
	[sflag:s4] =	ssyncset.done $0x0;
	s31 =	sand.u32 $0x4000, s16  }
0x20: {  	s16 =	simm.s32 $0x0;
	s14 =	sshll.u32 s13, $0xE;
	[sflag:s4] =	ssyncadd.s32 $0xFFFFC000  }
0x21: {  	s13 =	sor.u32 $0x8040, s14;
	s15 =	sor.u32 $0x40, s14;
	s14 =	sor.u32 $0x8000, s31  }
.LBB1_3:
0x22: {  	v0 =	vmov s15;
	_ =	sdelay $0x3  }
0x23: {  	s18 =	simm.s32 $0x0  }
0x24: {  	v6 =	vld.idx.msk [tilespmem:v0+s18+$0x30 ss:$0x1], $0xffff  }
0x25: {  	v7 =	vld.idx.msk [tilespmem:v0+s18+$0xFFFFFFC0 ss:$0x1], $0xffff  }
0x26: {  	v5 =	vld.idx.msk [tilespmem:v0+s18+$0xFFFFFFD0 ss:$0x1], $0xffff  }
0x27: {  	v4 =	vld.idx.msk [tilespmem:v0+s18+$0xFFFFFFE0 ss:$0x1], $0xffff  }
0x28: {  	v3 =	vld.idx.msk [tilespmem:v0+s18+$0xFFFFFFF0 ss:$0x1], $0xffff  }
0x29: {  	v1 =	vld.idx.msk [tilespmem:v0+s18+$0x0 ss:$0x1], $0xffff  }
0x2a: {  	v2 =	vld.idx.msk [tilespmem:v0+s18+$0x10 ss:$0x1], $0xffff;
	[tilespmem:s13+$0x30] =	vst v6  }
0x2b: {  	s17 =	simm.s32 $0x80;
	s19 =	simm.s32 $0x400;
	[tilespmem:s13+$0xFFFFFFC0] =	vst v7;
	v6 =	vld.idx.msk [tilespmem:v0+s18+$0x20 ss:$0x1], $0xffff;
	s18 =	smov.u32 s13  }
.LBB1_4:
0x2c: {  	p1 =	sne.s32 s19, $0xE00;
	v7 =	vld.idx.msk [tilespmem:v0+s17+$0x30 ss:$0x1], $0xffff;
	[tilespmem:s18+$0xFFFFFFD0] =	vst v5  }
0x2d: {  	v8 =	vld.idx.msk [tilespmem:v0+s17+$0xFFFFFFC0 ss:$0x1], $0xffff;
	[tilespmem:s18+$0xFFFFFFE0] =	vst v4  }
0x2e: {  	v5 =	vld.idx.msk [tilespmem:v0+s17+$0xFFFFFFD0 ss:$0x1], $0xffff;
	[tilespmem:s18+$0xFFFFFFF0] =	vst v3  }
.Ltmp3:
0x2f: {  	v4 =	vld.idx.msk [tilespmem:v0+s17+$0xFFFFFFE0 ss:$0x1], $0xffff;
	[tilespmem:s18+$0x0] =	vst v1;
	(pc) =	sbr.rel @p1 .LBB1_4-.Ltmp3, $4  }
0x30: {  	v3 =	vld.idx.msk [tilespmem:v0+s17+$0xFFFFFFF0 ss:$0x1], $0xffff;
	[tilespmem:s18+$0x10] =	vst v2  }
0x31: {  	v1 =	vld.idx.msk [tilespmem:v0+s17+$0x0 ss:$0x1], $0xffff;
	[tilespmem:s18+$0x20] =	vst v6;
	s18 =	sadd.s32 $0x800, s18  }
0x32: {  	v2 =	vld.idx.msk [tilespmem:v0+s17+$0x10 ss:$0x1], $0xffff;
	[tilespmem:s18+$0x30] =	vst v7  }
0x33: {  	[tilespmem:s18+$0xFFFFFFC0] =	vst v8;
	v6 =	vld.idx.msk [tilespmem:v0+s17+$0x20 ss:$0x1], $0xffff;
	s17 =	sshra.s32 s19, $0x2;
	s19 =	sadd.s32 $0x200, s19  }
0x34: {  	_ =	sdelay $0x2  }
0x35: {  	[tilespmem:s18+$0xFFFFFFD0] =	vst v5  }
0x36: {  	v56 =	vld.idx.msk [tilespmem:v0+s17+$0x30 ss:$0x1], $0xffff;
	[tilespmem:s18+$0xFFFFFFE0] =	vst v4  }
0x37: {  	v57 =	vld.idx.msk [tilespmem:v0+s17+$0xFFFFFFC0 ss:$0x1], $0xffff;
	[tilespmem:s18+$0xFFFFFFF0] =	vst v3  }
0x38: {  	v58 =	vld.idx.msk [tilespmem:v0+s17+$0xFFFFFFD0 ss:$0x1], $0xffff;
	[tilespmem:s18+$0x0] =	vst v1  }
0x39: {  	v59 =	vld.idx.msk [tilespmem:v0+s17+$0xFFFFFFE0 ss:$0x1], $0xffff;
	[tilespmem:s18+$0x10] =	vst v2  }
0x3a: {  	v60 =	vld.idx.msk [tilespmem:v0+s17+$0xFFFFFFF0 ss:$0x1], $0xffff;
	s31 =	sadd.s32 $0x800, s18;
	[tilespmem:s18+$0x20] =	vst v6  }
0x3b: {  	v61 =	vld.idx.msk [tilespmem:v0+s17+$0x0 ss:$0x1], $0xffff;
	[tilespmem:s31+$0x30] =	vst v56  }
0x3c: {  	v62 =	vld.idx.msk [tilespmem:v0+s17+$0x10 ss:$0x1], $0xffff;
	s16 =	sadd.s32 $0x1, s16;
	[tilespmem:s31+$0xFFFFFFC0] =	vst v57  }
0x3d: {  	v63 =	vld.idx.msk [tilespmem:v0+s17+$0x20 ss:$0x1], $0xffff;
	p1 =	sne.s32 s16, $0x10;
	[tilespmem:s31+$0xFFFFFFD0] =	vst v58  }
.Ltmp4:
0x3e: {  	[tilespmem:s31+$0xFFFFFFE0] =	vst v59;
	(pc) =	sbr.rel @p1 .LBB1_3-.Ltmp4, $4  }
0x3f: {  	[tilespmem:s31+$0xFFFFFFF0] =	vst v60  }
0x40: {  	[tilespmem:s31+$0x0] =	vst v61  }
0x41: {  	[tilespmem:s31+$0x10] =	vst v62  }
0x42: {  	s13 =	sadd.s32 $0x80, s13;
	s15 =	sadd.s32 $0x400, s15;
	[tilespmem:s31+$0x20] =	vst v63  }
.Ltmp5:
0x43: {  	(pc) =	sbr.rel .LBB1_7-.Ltmp5, $4  }
0x44: {  	s12 =	sshll.u32 s12, $0xD;
	s11 =	sshll.u32 s11, $0x4  }
0x45: {  	s11 =	sand.u32 $0x3F0, s11;
	s12 =	sadd.s32 s3, s12  }
0x46: {  	s11 =	sadd.s32 s11, s12  }
0x47: {  	[hbm4b:s11+s6] =	stream.strided.scatter [tilespmem:s14], [sflag:$0x2], $0x4000, s7, s6, $0x38;
	[tilespmem:$0x10000] =	vst v63  }
.LBB1_8:
0x48: {  	_ =	sfence.sel $0x180000  }
0x49: {  	s2 =	simm.s32 $0x1;
	[bflag:$0x0] =	sbarrier.arrive $0xFFFF  }
0x4a: {  	s31 =	simm.s32 $0x2;
	[sflag:s2] =	ssyncpa.u1 $0x1  }
0x4b: {  	[sflag:s31] =	ssyncpa.u1 $0x1  }
0x4c: {  	p0 =	sne.s32 s1, $0x0;
	_ =	strace $0x90000047  }
0x4d: {  	s0 =	sadd.s32 @!p0 $0x100000, s0;
	[bflag:$0x2] =	sbarrier.arrive $0xFFFF  }
0x4e: {  	[sflag:s0] =	ssyncadd.tile.s32 @!p0 $0x1;
	_ =	shalt  }
.Lfunc_end1:
_tile_overlayer_lowered:
.L_overlay_start_2:
0x4f: {  	(tag) =	ssettag $0x2  }
0x50: {  	s0 =	rddreg [dreg:$0x0];
	s2 =	stileid.u32  }
0x51: {  	s1 =	rddreg [dreg:$0x1];
	p0 =	sne.s32 s2, $0x0  }
0x52: {  	s3 =	rddreg [dreg:$0x2];
	[bflag:$0x3] =	sbarrier.arrive $0xFFFF;
	s2 =	simm.s32 @!p0 $0x1C01  }
0x53: {  	[timem:s3], [sflag:s2] =	dma.local @!p0 [hbm:s0], s1  }
0x54: {  	s0 =	simm.s32 @!p0 $0x1  }
0x55: {  	_ =	swait.ge @!p0 [sflag:s0], s1  }
0x56: {  	s1 =	ssub.s32 @!p0 $0x0, s1;
	[sflag:s0] =	ssyncset.done @!p0 $0x0  }
0x57: {  	[sflag:s0] =	ssyncadd.s32 @!p0 s1  }
0x58: {  	[bflag:$0x3] =	sbarrier.arrive $0xFFFF  }
0x59: {  	_ =	shalt  }

</sc_bundles>
